<compile_context>
chip_gen: v7x
topology: tpu7x:2x2x1
jax: 0.10.2.dev20260603
libtpu: 0.0.44.dev20260713+nightly
codegen_flags: <defaults>
</compile_context>

<pallas_src>
import functools

import jax
import jax.numpy as jnp
from jax import lax
from jax.experimental import pallas as pl
from jax.experimental.pallas import tpu as pltpu
from jax.experimental.pallas import tpu_sc as plsc

_N = 10000
_E = 320000
_D = 128
_F = 512
_NP = 10240
_NC = 2
_NS = 16
_NW = _NC * _NS
_CH = 128
_JC = 80
_EP = _NW * _JC * _CH
_NROW = _EP // _CH
_NBUF = 2
_HC = _JC // 2
_JCV = _EP // (_NS * _CH)
_RPT = _NP // _NS
_RB = 1024
_GR = _NP // _RB
_SB = 1000
_SG = _N // _SB


def _deg_body(dst1, dst2, ones_h, zeros_h, o00, o01, o10, o11,
              idx1_v, idx2_v, ones_v, vbuf, deg1_sh, deg2_sh, sem):
  cid = lax.axis_index("c")
  sid = lax.axis_index("s")
  wid = sid * _NC + cid
  pltpu.sync_copy(zeros_h, vbuf)
  pltpu.sync_copy(vbuf, deg1_sh.at[pl.ds(sid * _RPT, _RPT)])
  pltpu.sync_copy(vbuf, deg2_sh.at[pl.ds(sid * _RPT, _RPT)])
  pltpu.sync_copy(ones_h, ones_v)
  plsc.subcore_barrier()
  row0 = wid * _JC
  pltpu.sync_copy(dst1.at[pl.ds(row0, _JC)], idx1_v)
  pltpu.sync_copy(dst2.at[pl.ds(row0, _JC)], idx2_v)
  for acc, idx_v in ((deg1_sh, idx1_v), (deg2_sh, idx2_v)):

    @pl.loop(0, _JC)
    def _(j):
      pltpu.async_copy(ones_v, acc.at[idx_v.at[j]], sem, add=True)

  @pl.loop(0, 2 * _JC)
  def _(j):
    pltpu.make_async_copy(ones_h, ones_v, sem).wait()

  plsc.subcore_barrier()

  @pl.when(cid == 0)
  def _():
    pltpu.sync_copy(deg1_sh.at[pl.ds(sid * _RPT, _RPT)], vbuf)
    pltpu.sync_copy(vbuf, o00.at[pl.ds(sid * _RPT, _RPT)])
    pltpu.sync_copy(deg2_sh.at[pl.ds(sid * _RPT, _RPT)], vbuf)
    pltpu.sync_copy(vbuf, o10.at[pl.ds(sid * _RPT, _RPT)])

  @pl.when(cid == 1)
  def _():
    pltpu.sync_copy(deg1_sh.at[pl.ds(sid * _RPT, _RPT)], vbuf)
    pltpu.sync_copy(vbuf, o01.at[pl.ds(sid * _RPT, _RPT)])
    pltpu.sync_copy(deg2_sh.at[pl.ds(sid * _RPT, _RPT)], vbuf)
    pltpu.sync_copy(vbuf, o11.at[pl.ds(sid * _RPT, _RPT)])


_deg_call = functools.partial(
    pl.kernel,
    out_type=[jax.ShapeDtypeStruct((_NP,), jnp.float32)] * 4,
    mesh=plsc.VectorSubcoreMesh(core_axis_name="c", subcore_axis_name="s"),
    scratch_types=[
        pltpu.VMEM((_JC, _CH), jnp.int32),
        pltpu.VMEM((_JC, _CH), jnp.int32),
        pltpu.VMEM((_CH,), jnp.float32),
        pltpu.VMEM((_RPT,), jnp.float32),
        pltpu.VMEM_SHARED((_NP,), jnp.float32),
        pltpu.VMEM_SHARED((_NP,), jnp.float32),
        pltpu.SemaphoreType.DMA,
    ],
)(_deg_body)


def _agg_body(y1, y2, s1h, d1h, s2h, d2h, zeros2d, out,
              src_v, dst_v, rb0, rb1, acc_sh, sem0, sem1):
  cid = lax.axis_index("c")
  sid = lax.axis_index("s")
  rbufs = (rb0, rb1)
  sems = (sem0, sem1)
  pltpu.sync_copy(zeros2d, rb0)
  for k in range(_RPT // _CH):
    pltpu.sync_copy(rb0, acc_sh.at[pl.ds(sid * _RPT + k * _CH, _CH)])
  plsc.subcore_barrier()

  def pump(yh, sh, dh):
    for h in range(_JCV // _HC):
      pltpu.sync_copy(sh.at[pl.ds(sid * _JCV + h * _HC, _HC)], src_v)
      pltpu.sync_copy(dh.at[pl.ds(sid * _JCV + h * _HC, _HC)], dst_v)
      for b in range(_NBUF):
        pltpu.async_copy(yh.at[src_v.at[b]], rbufs[b], sems[b])

      @pl.loop(0, _HC - _NBUF, step=_NBUF)
      def _(j):
        for b in range(_NBUF):
          pltpu.make_async_copy(yh.at[pl.ds(0, _CH)], rbufs[b],
                                sems[b]).wait()
          pltpu.sync_copy(rbufs[b], acc_sh.at[dst_v.at[j + b]], add=True)
          pltpu.async_copy(yh.at[src_v.at[j + b + _NBUF]], rbufs[b], sems[b])

      for b in range(_NBUF):
        pltpu.make_async_copy(yh.at[pl.ds(0, _CH)], rbufs[b], sems[b]).wait()
        pltpu.sync_copy(rbufs[b], acc_sh.at[dst_v.at[_HC - _NBUF + b]],
                        add=True)

  @pl.when(cid == 0)
  def _():
    pump(y1, s1h, d1h)

  @pl.when(cid == 1)
  def _():
    pump(y2, s2h, d2h)

  plsc.subcore_barrier()

  def dump(v):
    for k in range(_RPT // _CH):
      pltpu.sync_copy(acc_sh.at[pl.ds(sid * _RPT + k * _CH, _CH)], rb0)
      pltpu.sync_copy(rb0, out.at[v, pl.ds(sid * _RPT + k * _CH, _CH)])

  @pl.when(cid == 0)
  def _():
    dump(0)

  @pl.when(cid == 1)
  def _():
    dump(1)


_agg_call = functools.partial(
    pl.kernel,
    out_type=jax.ShapeDtypeStruct((2, _NP, _D), jnp.float32),
    mesh=plsc.VectorSubcoreMesh(core_axis_name="c", subcore_axis_name="s"),
    scratch_types=[
        pltpu.VMEM((_HC, _CH), jnp.int32),
        pltpu.VMEM((_HC, _CH), jnp.int32),
        pltpu.VMEM((_CH, _D), jnp.float32),
        pltpu.VMEM((_CH, _D), jnp.float32),
        pltpu.VMEM_SHARED((_NP, _D), jnp.float32),
        pltpu.SemaphoreType.DMA,
        pltpu.SemaphoreType.DMA,
    ],
)(_agg_body)


def _prep_body(dp_ref, xs_ref, ys_ref):
  dp = dp_ref[0]
  deg = jnp.sum(dp, axis=1, keepdims=True) + 1.0
  dis = lax.rsqrt(deg)
  bc = jnp.broadcast_to(dis, (_RB, _D))
  ys_ref[0] = xs_ref[0] * bc


def _prep_call(dp_t, xs):
  return pl.pallas_call(
      _prep_body,
      grid=(2, _GR),
      in_specs=[
          pl.BlockSpec((1, _RB, 2), lambda v, r: (v, r, 0)),
          pl.BlockSpec((1, _RB, _D), lambda v, r: (v, r, 0)),
      ],
      out_specs=pl.BlockSpec((1, _RB, _D), lambda v, r: (v, r, 0)),
      out_shape=jax.ShapeDtypeStruct((2, _NP, _D), jnp.float32),
      compiler_params=pltpu.CompilerParams(
          dimension_semantics=("arbitrary", "arbitrary")),
  )(dp_t, xs)


def _stats_out_body(dp_ref, sp_ref, ys_ref, w_ref, z1_ref, z2_ref,
                    agg_s, cs_s, gram_s, inv_s):
  v = pl.program_id(0)
  r = pl.program_id(1)

  @pl.when(r < _SG)
  def _():
    dp = dp_ref[0]
    deg = jnp.sum(dp, axis=1, keepdims=True) + 1.0
    dis = lax.rsqrt(deg)
    bc = jnp.broadcast_to(dis, (_SB, _D))
    a = bc * (sp_ref[0] + ys_ref[0])
    agg_s[pl.ds(r * _SB, _SB), :] = a

    @pl.when(r == 0)
    def _():
      cs_s[...] = jnp.zeros_like(cs_s)
      gram_s[...] = jnp.zeros_like(gram_s)

    cs_s[...] += jnp.sum(a, axis=0, keepdims=True)
    gram_s[...] += lax.dot_general(a, a, (((0,), (0,)), ((), ())),
                                   preferred_element_type=jnp.float32)

  @pl.when(r == _SG - 1)
  def _():
    mu = cs_s[...] * (1.0 / _N)
    outer = lax.dot_general(mu, mu, (((0,), (0,)), ((), ())),
                            precision=lax.Precision.HIGHEST)
    gc = gram_s[...] - _N * outer
    w = w_ref[...]
    gw = lax.dot_general(gc, w, (((1,), (0,)), ((), ())),
                         precision=lax.Precision.HIGHEST)
    var = jnp.sum(w * gw, axis=0, keepdims=True) * (1.0 / (_N - 1))
    inv_s[...] = lax.rsqrt(var)

  @pl.when(r >= _SG)
  def _():
    ro = r - _SG
    mu = cs_s[...] * (1.0 / _N)
    a = agg_s[pl.ds(ro * _SB, _SB), :] - mu
    z = lax.dot_general(a, w_ref[...], (((1,), (0,)), ((), ())),
                        preferred_element_type=jnp.float32) * inv_s[...]

    @pl.when(v == 0)
    def _():
      z1_ref[...] = z

    @pl.when(v == 1)
    def _():
      z2_ref[...] = z


def _stats_out_call(dp_t, s_parts, ys, w):
  return pl.pallas_call(
      _stats_out_body,
      grid=(2, 2 * _SG),
      in_specs=[
          pl.BlockSpec((1, _SB, 2),
                       lambda v, r: (v, jnp.minimum(r, _SG - 1), 0)),
          pl.BlockSpec((1, _SB, _D),
                       lambda v, r: (v, jnp.minimum(r, _SG - 1), 0)),
          pl.BlockSpec((1, _SB, _D),
                       lambda v, r: (v, jnp.minimum(r, _SG - 1), 0)),
          pl.BlockSpec((_D, _F), lambda v, r: (0, 0)),
      ],
      out_specs=[
          pl.BlockSpec(
              (_SB, _F),
              lambda v, r: (jnp.where(v == 0,
                                      jnp.where(r < _SG, 0, r - _SG),
                                      _SG - 1), 0)),
          pl.BlockSpec(
              (_SB, _F),
              lambda v, r: (jnp.where(v == 1,
                                      jnp.where(r < _SG, 0, r - _SG),
                                      0), 0)),
      ],
      out_shape=[
          jax.ShapeDtypeStruct((_N, _F), jnp.float32),
          jax.ShapeDtypeStruct((_N, _F), jnp.float32),
      ],
      scratch_shapes=[
          pltpu.VMEM((_N, _D), jnp.float32),
          pltpu.VMEM((1, _D), jnp.float32),
          pltpu.VMEM((_D, _D), jnp.float32),
          pltpu.VMEM((1, _F), jnp.float32),
      ],
      compiler_params=pltpu.CompilerParams(
          dimension_semantics=("arbitrary", "arbitrary")),
  )(dp_t, s_parts, ys, w)


def _pad_edges(idx):
  fill = _N + (jnp.arange(_EP - _E, dtype=jnp.int32) % (_NP - _N))
  return jnp.concatenate([idx, fill]).reshape(_NROW, _CH)


def kernel(x_1, edge_index_1, x_2, edge_index_2, W, b):
  del b
  src1 = _pad_edges(edge_index_1[0])
  dst1 = _pad_edges(edge_index_1[1])
  src2 = _pad_edges(edge_index_2[0])
  dst2 = _pad_edges(edge_index_2[1])
  pad = ((0, _NP - _N), (0, 0))
  xs = jnp.stack([jnp.pad(x_1, pad), jnp.pad(x_2, pad)])

  ones_c = jnp.ones((_CH,), jnp.float32)
  zeros_r = jnp.zeros((_RPT,), jnp.float32)
  zeros2d = jnp.zeros((_CH, _D), jnp.float32)

  d00, d01, d10, d11 = _deg_call(dst1, dst2, ones_c, zeros_r)
  dp_t = jnp.stack([jnp.stack([d00, d01], axis=-1),
                    jnp.stack([d10, d11], axis=-1)])
  ys = _prep_call(dp_t, xs)
  s_parts = _agg_call(ys[0], ys[1], src1, dst1, src2, dst2, zeros2d)
  z1, z2 = _stats_out_call(dp_t, s_parts, ys, W)
  return z1, z2

# --- scband reference (transcript-rebuilt; emitter-appended) ---
"""Pipeline reference for scband-cca-aa-33801392620007 (READ-ONLY COPY).

The authoritative reference and input builder live on the scoring server;
editing this copy changes nothing except your own understanding.
"""

import jax, jax.numpy as jnp
import numpy as np

N = 10000
E = 320000
IN_DIM = 128
OUT_DIM = 512


def setup_inputs(seed: int = 0) -> dict:
    key = jax.random.key(seed)
    k1, k2, k3, k4, k5, k6 = jax.random.split(key, 6)
    x_1 = jax.random.normal(k1, (N, IN_DIM), dtype=jnp.float32)
    edge_index_1 = jax.random.randint(k2, (2, E), 0, N, dtype=jnp.int32)
    x_2 = jax.random.normal(k3, (N, IN_DIM), dtype=jnp.float32)
    edge_index_2 = jax.random.randint(k4, (2, E), 0, N, dtype=jnp.int32)
    # Learned parameters for the single GCNConv(in_dim=128, out_dim=512)
    W = jax.random.normal(k5, (IN_DIM, OUT_DIM), dtype=jnp.float32) * (1.0 / np.sqrt(IN_DIM))
    b = jnp.zeros((OUT_DIM,), dtype=jnp.float32)
    return {"x_1": x_1, "edge_index_1": edge_index_1, "x_2": x_2, "edge_index_2": edge_index_2, "W": W, "b": b}


def gcn_conv(x, edge_index, W, b):
    # Faithful PyG GCNConv: add self-loops, symmetric normalization, linear, scatter-add aggregation, bias.
    n = x.shape[0]
    src = edge_index[0]
    dst = edge_index[1]
    loop = jnp.arange(n, dtype=src.dtype)
    src = jnp.concatenate([src, loop])
    dst = jnp.concatenate([dst, loop])
    deg = jnp.zeros((n,), dtype=x.dtype).at[dst].add(1.0)
    deg_inv_sqrt = jnp.where(deg > 0, deg ** -0.5, 0.0)
    norm = deg_inv_sqrt[src] * deg_inv_sqrt[dst]
    xw = x @ W
    msg = xw[src] * norm[:, None]
    out = jnp.zeros((n, W.shape[1]), dtype=x.dtype).at[dst].add(msg)
    return out + b


def reference(x_1, edge_index_1, x_2, edge_index_2, W, b):
    # CCA_AA.forward: GCN backbone (n_layers=1 -> single conv, no relu) on both views,
    # then per-feature standardization (torch std uses ddof=1).
    h1 = gcn_conv(x_1, edge_index_1, W, b)
    h2 = gcn_conv(x_2, edge_index_2, W, b)
    z1 = (h1 - h1.mean(axis=0)) / jnp.std(h1, axis=0, ddof=1)
    z2 = (h2 - h2.mean(axis=0)) / jnp.std(h2, axis=0, ddof=1)
    return (z1, z2)

if __name__ == "__main__":
    import jax
    _d = setup_inputs()
    print(jax.jit(kernel)(*tuple(_d.values())))

</pallas_src>

<mosaic_0001>
#map = affine_map<(d0, d1) -> (0, 0)>
#map1 = affine_map<(d0, d1) -> (0)>
module attributes {stable_mosaic.version = 14 : i64} {
  func.func @_deg_body(%arg0: i32, %arg1: i32, %arg2: memref<2560x128xi32, #tpu.memory_space<hbm>>, %arg3: memref<2560x128xi32, #tpu.memory_space<hbm>>, %arg4: memref<128xf32, #tpu.memory_space<hbm>>, %arg5: memref<640xf32, #tpu.memory_space<hbm>>, %arg6: memref<10240xf32, #tpu.memory_space<hbm>>, %arg7: memref<10240xf32, #tpu.memory_space<hbm>>, %arg8: memref<10240xf32, #tpu.memory_space<hbm>>, %arg9: memref<10240xf32, #tpu.memory_space<hbm>>, %arg10: memref<80x128xi32, #tpu.memory_space<vmem>>, %arg11: memref<80x128xi32, #tpu.memory_space<vmem>>, %arg12: memref<128xf32, #tpu.memory_space<vmem>>, %arg13: memref<640xf32, #tpu.memory_space<vmem>>, %arg14: memref<10240xf32, #tpu.memory_space<vmem_shared>>, %arg15: memref<10240xf32, #tpu.memory_space<vmem_shared>>, %arg16: memref<!tpu.dma_semaphore, #tpu.memory_space<semaphore_mem>>) attributes {dimension_semantics = [#tpu.dimension_semantics<core_parallel>, #tpu.dimension_semantics<subcore_parallel>], iteration_bounds = array<i64: 2, 16>, scalar_prefetch = 0 : i64, scratch_operands = 7 : i64, tpu.core_type = #tpu.core_type<sc_vector_subcore>, window_params = [{transform_indices = #map}, {transform_indices = #map}, {transform_indices = #map1}, {transform_indices = #map1}, {transform_indices = #map1}, {transform_indices = #map1}, {transform_indices = #map1}, {transform_indices = #map1}]} {
    %mul3A = arith.constant 2 : i32
    %mul3A_0 = arith.muli %arg1, %mul3A : i32
    %add3A = arith.addi %mul3A_0, %arg0 : i32
    "tpu.region"() ({
      %run_scoped3A = tpu.sem_alloc : memref<!tpu.dma_semaphore, #tpu.memory_space<semaphore_mem>>
      tpu.enqueue_dma source(%arg5 : memref<640xf32, #tpu.memory_space<hbm>>) target(%arg13 : memref<640xf32, #tpu.memory_space<vmem>>) target_semaphore(%run_scoped3A : memref<!tpu.dma_semaphore, #tpu.memory_space<semaphore_mem>>)
      tpu.wait_dma2 semaphore(%run_scoped3A : memref<!tpu.dma_semaphore, #tpu.memory_space<semaphore_mem>>) src(%arg5 : memref<640xf32, #tpu.memory_space<hbm>>) dst(%arg13 : memref<640xf32, #tpu.memory_space<vmem>>)
      tpu.yield
    }) : () -> ()
    %mul3A_1 = arith.constant 640 : i32
    %mul3A_2 = arith.muli %arg1, %mul3A_1 : i32
    "tpu.region"() ({
      %run_scoped3A = tpu.sem_alloc : memref<!tpu.dma_semaphore, #tpu.memory_space<semaphore_mem>>
      %dma_start3A = tpu.memref_slice %arg14[%mul3A_2] : memref<10240xf32, #tpu.memory_space<vmem_shared>> -> memref<640xf32, #tpu.memory_space<vmem_shared>>
      %dma_start3A_29 = tpu.memref_slice %arg14[%mul3A_2] : memref<10240xf32, #tpu.memory_space<vmem_shared>> -> memref<640xf32, #tpu.memory_space<vmem_shared>>
      tpu.enqueue_dma source(%arg13 : memref<640xf32, #tpu.memory_space<vmem>>) target(%dma_start3A_29 : memref<640xf32, #tpu.memory_space<vmem_shared>>) target_semaphore(%run_scoped3A : memref<!tpu.dma_semaphore, #tpu.memory_space<semaphore_mem>>)
      %dma_wait3A = tpu.memref_slice %arg14[%mul3A_2] : memref<10240xf32, #tpu.memory_space<vmem_shared>> -> memref<640xf32, #tpu.memory_space<vmem_shared>>
      %dma_wait3A_30 = tpu.memref_slice %arg14[%mul3A_2] : memref<10240xf32, #tpu.memory_space<vmem_shared>> -> memref<640xf32, #tpu.memory_space<vmem_shared>>
      tpu.wait_dma2 semaphore(%run_scoped3A : memref<!tpu.dma_semaphore, #tpu.memory_space<semaphore_mem>>) src(%arg13 : memref<640xf32, #tpu.memory_space<vmem>>) dst(%dma_wait3A_30 : memref<640xf32, #tpu.memory_space<vmem_shared>>)
      tpu.yield
    }) : () -> ()
    %mul3A_3 = arith.constant 640 : i32
    %mul3A_4 = arith.muli %arg1, %mul3A_3 : i32
    "tpu.region"() ({
      %run_scoped3A = tpu.sem_alloc : memref<!tpu.dma_semaphore, #tpu.memory_space<semaphore_mem>>
      %dma_start3A = tpu.memref_slice %arg15[%mul3A_4] : memref<10240xf32, #tpu.memory_space<vmem_shared>> -> memref<640xf32, #tpu.memory_space<vmem_shared>>
      %dma_start3A_29 = tpu.memref_slice %arg15[%mul3A_4] : memref<10240xf32, #tpu.memory_space<vmem_shared>> -> memref<640xf32, #tpu.memory_space<vmem_shared>>
      tpu.enqueue_dma source(%arg13 : memref<640xf32, #tpu.memory_space<vmem>>) target(%dma_start3A_29 : memref<640xf32, #tpu.memory_space<vmem_shared>>) target_semaphore(%run_scoped3A : memref<!tpu.dma_semaphore, #tpu.memory_space<semaphore_mem>>)
      %dma_wait3A = tpu.memref_slice %arg15[%mul3A_4] : memref<10240xf32, #tpu.memory_space<vmem_shared>> -> memref<640xf32, #tpu.memory_space<vmem_shared>>
      %dma_wait3A_30 = tpu.memref_slice %arg15[%mul3A_4] : memref<10240xf32, #tpu.memory_space<vmem_shared>> -> memref<640xf32, #tpu.memory_space<vmem_shared>>
      tpu.wait_dma2 semaphore(%run_scoped3A : memref<!tpu.dma_semaphore, #tpu.memory_space<semaphore_mem>>) src(%arg13 : memref<640xf32, #tpu.memory_space<vmem>>) dst(%dma_wait3A_30 : memref<640xf32, #tpu.memory_space<vmem_shared>>)
      tpu.yield
    }) : () -> ()
    "tpu.region"() ({
      %run_scoped3A = tpu.sem_alloc : memref<!tpu.dma_semaphore, #tpu.memory_space<semaphore_mem>>
      tpu.enqueue_dma source(%arg4 : memref<128xf32, #tpu.memory_space<hbm>>) target(%arg12 : memref<128xf32, #tpu.memory_space<vmem>>) target_semaphore(%run_scoped3A : memref<!tpu.dma_semaphore, #tpu.memory_space<semaphore_mem>>)
      tpu.wait_dma2 semaphore(%run_scoped3A : memref<!tpu.dma_semaphore, #tpu.memory_space<semaphore_mem>>) src(%arg4 : memref<128xf32, #tpu.memory_space<hbm>>) dst(%arg12 : memref<128xf32, #tpu.memory_space<vmem>>)
      tpu.yield
    }) : () -> ()
    %barrier3A = arith.constant 0 : index
    tpu.barrier barrier_id(%barrier3A)
    %mul3A_5 = arith.constant 80 : i32
    %mul3A_6 = arith.muli %add3A, %mul3A_5 : i32
    "tpu.region"() ({
      %run_scoped3A = tpu.sem_alloc : memref<!tpu.dma_semaphore, #tpu.memory_space<semaphore_mem>>
      %dma_start3A = arith.constant 0 : i32
      %dma_start3A_29 = tpu.memref_slice %arg2[%mul3A_6, %dma_start3A] : memref<2560x128xi32, #tpu.memory_space<hbm>> -> memref<80x128xi32, #tpu.memory_space<hbm>>
      %dma_start3A_30 = arith.constant 0 : i32
      %dma_start3A_31 = tpu.memref_slice %arg2[%mul3A_6, %dma_start3A_30] : memref<2560x128xi32, #tpu.memory_space<hbm>> -> memref<80x128xi32, #tpu.memory_space<hbm>>
      tpu.enqueue_dma source(%dma_start3A_31 : memref<80x128xi32, #tpu.memory_space<hbm>>) target(%arg10 : memref<80x128xi32, #tpu.memory_space<vmem>>) target_semaphore(%run_scoped3A : memref<!tpu.dma_semaphore, #tpu.memory_space<semaphore_mem>>)
      %dma_wait3A = arith.constant 0 : i32
      %dma_wait3A_32 = tpu.memref_slice %arg2[%mul3A_6, %dma_wait3A] : memref<2560x128xi32, #tpu.memory_space<hbm>> -> memref<80x128xi32, #tpu.memory_space<hbm>>
      %dma_wait3A_33 = arith.constant 0 : i32
      %dma_wait3A_34 = tpu.memref_slice %arg2[%mul3A_6, %dma_wait3A_33] : memref<2560x128xi32, #tpu.memory_space<hbm>> -> memref<80x128xi32, #tpu.memory_space<hbm>>
      tpu.wait_dma2 semaphore(%run_scoped3A : memref<!tpu.dma_semaphore, #tpu.memory_space<semaphore_mem>>) src(%dma_wait3A_34 : memref<80x128xi32, #tpu.memory_space<hbm>>) dst(%arg10 : memref<80x128xi32, #tpu.memory_space<vmem>>)
      tpu.yield
    }) : () -> ()
    "tpu.region"() ({
      %run_scoped3A = tpu.sem_alloc : memref<!tpu.dma_semaphore, #tpu.memory_space<semaphore_mem>>
      %dma_start3A = arith.constant 0 : i32
      %dma_start3A_29 = tpu.memref_slice %arg3[%mul3A_6, %dma_start3A] : memref<2560x128xi32, #tpu.memory_space<hbm>> -> memref<80x128xi32, #tpu.memory_space<hbm>>
      %dma_start3A_30 = arith.constant 0 : i32
      %dma_start3A_31 = tpu.memref_slice %arg3[%mul3A_6, %dma_start3A_30] : memref<2560x128xi32, #tpu.memory_space<hbm>> -> memref<80x128xi32, #tpu.memory_space<hbm>>
      tpu.enqueue_dma source(%dma_start3A_31 : memref<80x128xi32, #tpu.memory_space<hbm>>) target(%arg11 : memref<80x128xi32, #tpu.memory_space<vmem>>) target_semaphore(%run_scoped3A : memref<!tpu.dma_semaphore, #tpu.memory_space<semaphore_mem>>)
      %dma_wait3A = arith.constant 0 : i32
      %dma_wait3A_32 = tpu.memref_slice %arg3[%mul3A_6, %dma_wait3A] : memref<2560x128xi32, #tpu.memory_space<hbm>> -> memref<80x128xi32, #tpu.memory_space<hbm>>
      %dma_wait3A_33 = arith.constant 0 : i32
      %dma_wait3A_34 = tpu.memref_slice %arg3[%mul3A_6, %dma_wait3A_33] : memref<2560x128xi32, #tpu.memory_space<hbm>> -> memref<80x128xi32, #tpu.memory_space<hbm>>
      tpu.wait_dma2 semaphore(%run_scoped3A : memref<!tpu.dma_semaphore, #tpu.memory_space<semaphore_mem>>) src(%dma_wait3A_34 : memref<80x128xi32, #tpu.memory_space<hbm>>) dst(%arg11 : memref<80x128xi32, #tpu.memory_space<vmem>>)
      tpu.yield
    }) : () -> ()
    %scan3A = arith.constant 0 : i32
    %scan3A_7 = arith.constant 80 : i32
    %scan3A_8 = arith.addi %scan3A, %scan3A_7 : i32
    %scan3A_9 = arith.constant 1 : i32
    scf.for %scan3A_29 = %scan3A to %scan3A_8 step %scan3A_9  : i32 {
      %mul3A_30 = arith.constant 1 : i32
      %mul3A_31 = arith.muli %scan3A_29, %mul3A_30 : i32
      %add3A_32 = arith.constant 0 : i32
      %add3A_33 = arith.addi %add3A_32, %mul3A_31 : i32
      %dma_start3A = arith.constant 0 : i32
      %dma_start3A_34 = tpu.memref_slice %arg10[%add3A_33, %dma_start3A] : memref<80x128xi32, #tpu.memory_space<vmem>> -> memref<1x128xi32, #tpu.memory_space<vmem>>
      %dma_start3A_35 = tpu.memref_squeeze %dma_start3A_34 : memref<1x128xi32, #tpu.memory_space<vmem>> -> memref<128xi32, #tpu.memory_space<vmem>>
      %dma_start3A_36 = arith.constant 0 : i32
      %dma_start3A_37 = tpu.memref_slice %arg14[%dma_start3A_36] : memref<10240xf32, #tpu.memory_space<vmem_shared>> -> memref<10240xf32, #tpu.memory_space<vmem_shared>>
      tpu.enqueue_indirect_dma source(%arg12 : memref<128xf32, #tpu.memory_space<vmem>>) target(%dma_start3A_37 : memref<10240xf32, #tpu.memory_space<vmem_shared>>) offsets(%dma_start3A_35 : memref<128xi32, #tpu.memory_space<vmem>>) semaphore(%arg16 : memref<!tpu.dma_semaphore, #tpu.memory_space<semaphore_mem>>) {add = true}
    }
    %scan3A_10 = arith.constant 80 : i32
    %scan3A_11 = arith.constant 0 : i32
    %scan3A_12 = arith.constant 80 : i32
    %scan3A_13 = arith.addi %scan3A_11, %scan3A_12 : i32
    %scan3A_14 = arith.constant 1 : i32
    scf.for %scan3A_29 = %scan3A_11 to %scan3A_13 step %scan3A_14  : i32 {
      %mul3A_30 = arith.constant 1 : i32
      %mul3A_31 = arith.muli %scan3A_29, %mul3A_30 : i32
      %add3A_32 = arith.constant 0 : i32
      %add3A_33 = arith.addi %add3A_32, %mul3A_31 : i32
      %dma_start3A = arith.constant 0 : i32
      %dma_start3A_34 = tpu.memref_slice %arg11[%add3A_33, %dma_start3A] : memref<80x128xi32, #tpu.memory_space<vmem>> -> memref<1x128xi32, #tpu.memory_space<vmem>>
      %dma_start3A_35 = tpu.memref_squeeze %dma_start3A_34 : memref<1x128xi32, #tpu.memory_space<vmem>> -> memref<128xi32, #tpu.memory_space<vmem>>
      %dma_start3A_36 = arith.constant 0 : i32
      %dma_start3A_37 = tpu.memref_slice %arg15[%dma_start3A_36] : memref<10240xf32, #tpu.memory_space<vmem_shared>> -> memref<10240xf32, #tpu.memory_space<vmem_shared>>
      tpu.enqueue_indirect_dma source(%arg12 : memref<128xf32, #tpu.memory_space<vmem>>) target(%dma_start3A_37 : memref<10240xf32, #tpu.memory_space<vmem_shared>>) offsets(%dma_start3A_35 : memref<128xi32, #tpu.memory_space<vmem>>) semaphore(%arg16 : memref<!tpu.dma_semaphore, #tpu.memory_space<semaphore_mem>>) {add = true}
    }
    %scan3A_15 = arith.constant 80 : i32
    %scan3A_16 = arith.constant 0 : i32
    %scan3A_17 = arith.constant 160 : i32
    %scan3A_18 = arith.addi %scan3A_16, %scan3A_17 : i32
    %scan3A_19 = arith.constant 1 : i32
    scf.for %scan3A_29 = %scan3A_16 to %scan3A_18 step %scan3A_19  : i32 {
      %mul3A_30 = arith.constant 1 : i32
      %mul3A_31 = arith.muli %scan3A_29, %mul3A_30 : i32
      %add3A_32 = arith.constant 0 : i32
      %add3A_33 = arith.addi %add3A_32, %mul3A_31 : i32
      tpu.wait_dma2 semaphore(%arg16 : memref<!tpu.dma_semaphore, #tpu.memory_space<semaphore_mem>>) src(%arg4 : memref<128xf32, #tpu.memory_space<hbm>>) dst(%arg12 : memref<128xf32, #tpu.memory_space<vmem>>)
    }
    %scan3A_20 = arith.constant 160 : i32
    %barrier3A_21 = arith.constant 0 : index
    tpu.barrier barrier_id(%barrier3A_21)
    %eq3A = arith.constant 0 : i32
    %eq3A_22 = arith.cmpi eq, %arg0, %eq3A : i32
    %convert_element_type3A = arith.extui %eq3A_22 : i1 to i32
    %cond3A = arith.constant 0 : i32
    %cond3A_23 = arith.cmpi ne, %convert_element_type3A, %cond3A : i32
    scf.if %cond3A_23 {
      %mul3A_29 = arith.constant 640 : i32
      %mul3A_30 = arith.muli %arg1, %mul3A_29 : i32
      "tpu.region"() ({
        %run_scoped3A = tpu.sem_alloc : memref<!tpu.dma_semaphore, #tpu.memory_space<semaphore_mem>>
        %dma_start3A = tpu.memref_slice %arg14[%mul3A_30] : memref<10240xf32, #tpu.memory_space<vmem_shared>> -> memref<640xf32, #tpu.memory_space<vmem_shared>>
        %dma_start3A_37 = tpu.memref_slice %arg14[%mul3A_30] : memref<10240xf32, #tpu.memory_space<vmem_shared>> -> memref<640xf32, #tpu.memory_space<vmem_shared>>
        tpu.enqueue_dma source(%dma_start3A_37 : memref<640xf32, #tpu.memory_space<vmem_shared>>) target(%arg13 : memref<640xf32, #tpu.memory_space<vmem>>) target_semaphore(%run_scoped3A : memref<!tpu.dma_semaphore, #tpu.memory_space<semaphore_mem>>)
        %dma_wait3A = tpu.memref_slice %arg14[%mul3A_30] : memref<10240xf32, #tpu.memory_space<vmem_shared>> -> memref<640xf32, #tpu.memory_space<vmem_shared>>
        %dma_wait3A_38 = tpu.memref_slice %arg14[%mul3A_30] : memref<10240xf32, #tpu.memory_space<vmem_shared>> -> memref<640xf32, #tpu.memory_space<vmem_shared>>
        tpu.wait_dma2 semaphore(%run_scoped3A : memref<!tpu.dma_semaphore, #tpu.memory_space<semaphore_mem>>) src(%dma_wait3A_38 : memref<640xf32, #tpu.memory_space<vmem_shared>>) dst(%arg13 : memref<640xf32, #tpu.memory_space<vmem>>)
        tpu.yield
      }) : () -> ()
      %mul3A_31 = arith.constant 640 : i32
      %mul3A_32 = arith.muli %arg1, %mul3A_31 : i32
      "tpu.region"() ({
        %run_scoped3A = tpu.sem_alloc : memref<!tpu.dma_semaphore, #tpu.memory_space<semaphore_mem>>
        %dma_start3A = tpu.memref_slice %arg6[%mul3A_32] : memref<10240xf32, #tpu.memory_space<hbm>> -> memref<640xf32, #tpu.memory_space<hbm>>
        %dma_start3A_37 = tpu.memref_slice %arg6[%mul3A_32] : memref<10240xf32, #tpu.memory_space<hbm>> -> memref<640xf32, #tpu.memory_space<hbm>>
        tpu.enqueue_dma source(%arg13 : memref<640xf32, #tpu.memory_space<vmem>>) target(%dma_start3A_37 : memref<640xf32, #tpu.memory_space<hbm>>) target_semaphore(%run_scoped3A : memref<!tpu.dma_semaphore, #tpu.memory_space<semaphore_mem>>)
        %dma_wait3A = tpu.memref_slice %arg6[%mul3A_32] : memref<10240xf32, #tpu.memory_space<hbm>> -> memref<640xf32, #tpu.memory_space<hbm>>
        %dma_wait3A_38 = tpu.memref_slice %arg6[%mul3A_32] : memref<10240xf32, #tpu.memory_space<hbm>> -> memref<640xf32, #tpu.memory_space<hbm>>
        tpu.wait_dma2 semaphore(%run_scoped3A : memref<!tpu.dma_semaphore, #tpu.memory_space<semaphore_mem>>) src(%arg13 : memref<640xf32, #tpu.memory_space<vmem>>) dst(%dma_wait3A_38 : memref<640xf32, #tpu.memory_space<hbm>>)
        tpu.yield
      }) : () -> ()
      %mul3A_33 = arith.constant 640 : i32
      %mul3A_34 = arith.muli %arg1, %mul3A_33 : i32
      "tpu.region"() ({
        %run_scoped3A = tpu.sem_alloc : memref<!tpu.dma_semaphore, #tpu.memory_space<semaphore_mem>>
        %dma_start3A = tpu.memref_slice %arg15[%mul3A_34] : memref<10240xf32, #tpu.memory_space<vmem_shared>> -> memref<640xf32, #tpu.memory_space<vmem_shared>>
        %dma_start3A_37 = tpu.memref_slice %arg15[%mul3A_34] : memref<10240xf32, #tpu.memory_space<vmem_shared>> -> memref<640xf32, #tpu.memory_space<vmem_shared>>
        tpu.enqueue_dma source(%dma_start3A_37 : memref<640xf32, #tpu.memory_space<vmem_shared>>) target(%arg13 : memref<640xf32, #tpu.memory_space<vmem>>) target_semaphore(%run_scoped3A : memref<!tpu.dma_semaphore, #tpu.memory_space<semaphore_mem>>)
        %dma_wait3A = tpu.memref_slice %arg15[%mul3A_34] : memref<10240xf32, #tpu.memory_space<vmem_shared>> -> memref<640xf32, #tpu.memory_space<vmem_shared>>
        %dma_wait3A_38 = tpu.memref_slice %arg15[%mul3A_34] : memref<10240xf32, #tpu.memory_space<vmem_shared>> -> memref<640xf32, #tpu.memory_space<vmem_shared>>
        tpu.wait_dma2 semaphore(%run_scoped3A : memref<!tpu.dma_semaphore, #tpu.memory_space<semaphore_mem>>) src(%dma_wait3A_38 : memref<640xf32, #tpu.memory_space<vmem_shared>>) dst(%arg13 : memref<640xf32, #tpu.memory_space<vmem>>)
        tpu.yield
      }) : () -> ()
      %mul3A_35 = arith.constant 640 : i32
      %mul3A_36 = arith.muli %arg1, %mul3A_35 : i32
      "tpu.region"() ({
        %run_scoped3A = tpu.sem_alloc : memref<!tpu.dma_semaphore, #tpu.memory_space<semaphore_mem>>
        %dma_start3A = tpu.memref_slice %arg8[%mul3A_36] : memref<10240xf32, #tpu.memory_space<hbm>> -> memref<640xf32, #tpu.memory_space<hbm>>
        %dma_start3A_37 = tpu.memref_slice %arg8[%mul3A_36] : memref<10240xf32, #tpu.memory_space<hbm>> -> memref<640xf32, #tpu.memory_space<hbm>>
        tpu.enqueue_dma source(%arg13 : memref<640xf32, #tpu.memory_space<vmem>>) target(%dma_start3A_37 : memref<640xf32, #tpu.memory_space<hbm>>) target_semaphore(%run_scoped3A : memref<!tpu.dma_semaphore, #tpu.memory_space<semaphore_mem>>)
        %dma_wait3A = tpu.memref_slice %arg8[%mul3A_36] : memref<10240xf32, #tpu.memory_space<hbm>> -> memref<640xf32, #tpu.memory_space<hbm>>
        %dma_wait3A_38 = tpu.memref_slice %arg8[%mul3A_36] : memref<10240xf32, #tpu.memory_space<hbm>> -> memref<640xf32, #tpu.memory_space<hbm>>
        tpu.wait_dma2 semaphore(%run_scoped3A : memref<!tpu.dma_semaphore, #tpu.memory_space<semaphore_mem>>) src(%arg13 : memref<640xf32, #tpu.memory_space<vmem>>) dst(%dma_wait3A_38 : memref<640xf32, #tpu.memory_space<hbm>>)
        tpu.yield
      }) : () -> ()
    } else {
    }
    %eq3A_24 = arith.constant 1 : i32
    %eq3A_25 = arith.cmpi eq, %arg0, %eq3A_24 : i32
    %convert_element_type3A_26 = arith.extui %eq3A_25 : i1 to i32
    %cond3A_27 = arith.constant 0 : i32
    %cond3A_28 = arith.cmpi ne, %convert_element_type3A_26, %cond3A_27 : i32
    scf.if %cond3A_28 {
      %mul3A_29 = arith.constant 640 : i32
      %mul3A_30 = arith.muli %arg1, %mul3A_29 : i32
      "tpu.region"() ({
        %run_scoped3A = tpu.sem_alloc : memref<!tpu.dma_semaphore, #tpu.memory_space<semaphore_mem>>
        %dma_start3A = tpu.memref_slice %arg14[%mul3A_30] : memref<10240xf32, #tpu.memory_space<vmem_shared>> -> memref<640xf32, #tpu.memory_space<vmem_shared>>
        %dma_start3A_37 = tpu.memref_slice %arg14[%mul3A_30] : memref<10240xf32, #tpu.memory_space<vmem_shared>> -> memref<640xf32, #tpu.memory_space<vmem_shared>>
        tpu.enqueue_dma source(%dma_start3A_37 : memref<640xf32, #tpu.memory_space<vmem_shared>>) target(%arg13 : memref<640xf32, #tpu.memory_space<vmem>>) target_semaphore(%run_scoped3A : memref<!tpu.dma_semaphore, #tpu.memory_space<semaphore_mem>>)
        %dma_wait3A = tpu.memref_slice %arg14[%mul3A_30] : memref<10240xf32, #tpu.memory_space<vmem_shared>> -> memref<640xf32, #tpu.memory_space<vmem_shared>>
        %dma_wait3A_38 = tpu.memref_slice %arg14[%mul3A_30] : memref<10240xf32, #tpu.memory_space<vmem_shared>> -> memref<640xf32, #tpu.memory_space<vmem_shared>>
        tpu.wait_dma2 semaphore(%run_scoped3A : memref<!tpu.dma_semaphore, #tpu.memory_space<semaphore_mem>>) src(%dma_wait3A_38 : memref<640xf32, #tpu.memory_space<vmem_shared>>) dst(%arg13 : memref<640xf32, #tpu.memory_space<vmem>>)
        tpu.yield
      }) : () -> ()
      %mul3A_31 = arith.constant 640 : i32
      %mul3A_32 = arith.muli %arg1, %mul3A_31 : i32
      "tpu.region"() ({
        %run_scoped3A = tpu.sem_alloc : memref<!tpu.dma_semaphore, #tpu.memory_space<semaphore_mem>>
        %dma_start3A = tpu.memref_slice %arg7[%mul3A_32] : memref<10240xf32, #tpu.memory_space<hbm>> -> memref<640xf32, #tpu.memory_space<hbm>>
        %dma_start3A_37 = tpu.memref_slice %arg7[%mul3A_32] : memref<10240xf32, #tpu.memory_space<hbm>> -> memref<640xf32, #tpu.memory_space<hbm>>
        tpu.enqueue_dma source(%arg13 : memref<640xf32, #tpu.memory_space<vmem>>) target(%dma_start3A_37 : memref<640xf32, #tpu.memory_space<hbm>>) target_semaphore(%run_scoped3A : memref<!tpu.dma_semaphore, #tpu.memory_space<semaphore_mem>>)
        %dma_wait3A = tpu.memref_slice %arg7[%mul3A_32] : memref<10240xf32, #tpu.memory_space<hbm>> -> memref<640xf32, #tpu.memory_space<hbm>>
        %dma_wait3A_38 = tpu.memref_slice %arg7[%mul3A_32] : memref<10240xf32, #tpu.memory_space<hbm>> -> memref<640xf32, #tpu.memory_space<hbm>>
        tpu.wait_dma2 semaphore(%run_scoped3A : memref<!tpu.dma_semaphore, #tpu.memory_space<semaphore_mem>>) src(%arg13 : memref<640xf32, #tpu.memory_space<vmem>>) dst(%dma_wait3A_38 : memref<640xf32, #tpu.memory_space<hbm>>)
        tpu.yield
      }) : () -> ()
      %mul3A_33 = arith.constant 640 : i32
      %mul3A_34 = arith.muli %arg1, %mul3A_33 : i32
      "tpu.region"() ({
        %run_scoped3A = tpu.sem_alloc : memref<!tpu.dma_semaphore, #tpu.memory_space<semaphore_mem>>
        %dma_start3A = tpu.memref_slice %arg15[%mul3A_34] : memref<10240xf32, #tpu.memory_space<vmem_shared>> -> memref<640xf32, #tpu.memory_space<vmem_shared>>
        %dma_start3A_37 = tpu.memref_slice %arg15[%mul3A_34] : memref<10240xf32, #tpu.memory_space<vmem_shared>> -> memref<640xf32, #tpu.memory_space<vmem_shared>>
        tpu.enqueue_dma source(%dma_start3A_37 : memref<640xf32, #tpu.memory_space<vmem_shared>>) target(%arg13 : memref<640xf32, #tpu.memory_space<vmem>>) target_semaphore(%run_scoped3A : memref<!tpu.dma_semaphore, #tpu.memory_space<semaphore_mem>>)
        %dma_wait3A = tpu.memref_slice %arg15[%mul3A_34] : memref<10240xf32, #tpu.memory_space<vmem_shared>> -> memref<640xf32, #tpu.memory_space<vmem_shared>>
        %dma_wait3A_38 = tpu.memref_slice %arg15[%mul3A_34] : memref<10240xf32, #tpu.memory_space<vmem_shared>> -> memref<640xf32, #tpu.memory_space<vmem_shared>>
        tpu.wait_dma2 semaphore(%run_scoped3A : memref<!tpu.dma_semaphore, #tpu.memory_space<semaphore_mem>>) src(%dma_wait3A_38 : memref<640xf32, #tpu.memory_space<vmem_shared>>) dst(%arg13 : memref<640xf32, #tpu.memory_space<vmem>>)
        tpu.yield
      }) : () -> ()
      %mul3A_35 = arith.constant 640 : i32
      %mul3A_36 = arith.muli %arg1, %mul3A_35 : i32
      "tpu.region"() ({
        %run_scoped3A = tpu.sem_alloc : memref<!tpu.dma_semaphore, #tpu.memory_space<semaphore_mem>>
        %dma_start3A = tpu.memref_slice %arg9[%mul3A_36] : memref<10240xf32, #tpu.memory_space<hbm>> -> memref<640xf32, #tpu.memory_space<hbm>>
        %dma_start3A_37 = tpu.memref_slice %arg9[%mul3A_36] : memref<10240xf32, #tpu.memory_space<hbm>> -> memref<640xf32, #tpu.memory_space<hbm>>
        tpu.enqueue_dma source(%arg13 : memref<640xf32, #tpu.memory_space<vmem>>) target(%dma_start3A_37 : memref<640xf32, #tpu.memory_space<hbm>>) target_semaphore(%run_scoped3A : memref<!tpu.dma_semaphore, #tpu.memory_space<semaphore_mem>>)
        %dma_wait3A = tpu.memref_slice %arg9[%mul3A_36] : memref<10240xf32, #tpu.memory_space<hbm>> -> memref<640xf32, #tpu.memory_space<hbm>>
        %dma_wait3A_38 = tpu.memref_slice %arg9[%mul3A_36] : memref<10240xf32, #tpu.memory_space<hbm>> -> memref<640xf32, #tpu.memory_space<hbm>>
        tpu.wait_dma2 semaphore(%run_scoped3A : memref<!tpu.dma_semaphore, #tpu.memory_space<semaphore_mem>>) src(%arg13 : memref<640xf32, #tpu.memory_space<vmem>>) dst(%dma_wait3A_38 : memref<640xf32, #tpu.memory_space<hbm>>)
        tpu.yield
      }) : () -> ()
    } else {
    }
    return
  }
}

#map = affine_map<(d0, d1) -> (0, 0)>
#map1 = affine_map<(d0, d1) -> (0, 0, 0)>
module attributes {stable_mosaic.version = 14 : i64} {
  func.func @_agg_body(%arg0: i32, %arg1: i32, %arg2: memref<10240x128xf32, #tpu.memory_space<hbm>>, %arg3: memref<10240x128xf32, #tpu.memory_space<hbm>>, %arg4: memref<2560x128xi32, #tpu.memory_space<hbm>>, %arg5: memref<2560x128xi32, #tpu.memory_space<hbm>>, %arg6: memref<2560x128xi32, #tpu.memory_space<hbm>>, %arg7: memref<2560x128xi32, #tpu.memory_space<hbm>>, %arg8: memref<128x128xf32, #tpu.memory_space<hbm>>, %arg9: memref<2x10240x128xf32, #tpu.memory_space<hbm>>, %arg10: memref<40x128xi32, #tpu.memory_space<vmem>>, %arg11: memref<40x128xi32, #tpu.memory_space<vmem>>, %arg12: memref<128x128xf32, #tpu.memory_space<vmem>>, %arg13: memref<128x128xf32, #tpu.memory_space<vmem>>, %arg14: memref<10240x128xf32, #tpu.memory_space<vmem_shared>>, %arg15: memref<!tpu.dma_semaphore, #tpu.memory_space<semaphore_mem>>, %arg16: memref<!tpu.dma_semaphore, #tpu.memory_space<semaphore_mem>>) attributes {dimension_semantics = [#tpu.dimension_semantics<core_parallel>, #tpu.dimension_semantics<subcore_parallel>], iteration_bounds = array<i64: 2, 16>, scalar_prefetch = 0 : i64, scratch_operands = 7 : i64, tpu.core_type = #tpu.core_type<sc_vector_subcore>, window_params = [{transform_indices = #map}, {transform_indices = #map}, {transform_indices = #map}, {transform_indices = #map}, {transform_indices = #map}, {transform_indices = #map}, {transform_indices = #map}, {transform_indices = #map1}]} {
    "tpu.region"() ({
      %run_scoped3A = tpu.sem_alloc : memref<!tpu.dma_semaphore, #tpu.memory_space<semaphore_mem>>
      tpu.enqueue_dma source(%arg8 : memref<128x128xf32, #tpu.memory_space<hbm>>) target(%arg12 : memref<128x128xf32, #tpu.memory_space<vmem>>) target_semaphore(%run_scoped3A : memref<!tpu.dma_semaphore, #tpu.memory_space<semaphore_mem>>)
      tpu.wait_dma2 semaphore(%run_scoped3A : memref<!tpu.dma_semaphore, #tpu.memory_space<semaphore_mem>>) src(%arg8 : memref<128x128xf32, #tpu.memory_space<hbm>>) dst(%arg12 : memref<128x128xf32, #tpu.memory_space<vmem>>)
      tpu.yield
    }) : () -> ()
    %mul3A = arith.constant 640 : i32
    %mul3A_0 = arith.muli %arg1, %mul3A : i32
    %add3A = arith.constant 0 : i32
    %add3A_1 = arith.addi %mul3A_0, %add3A : i32
    "tpu.region"() ({
      %run_scoped3A = tpu.sem_alloc : memref<!tpu.dma_semaphore, #tpu.memory_space<semaphore_mem>>
      %dma_start3A = arith.constant 0 : i32
      %dma_start3A_36 = tpu.memref_slice %arg14[%add3A_1, %dma_start3A] : memref<10240x128xf32, #tpu.memory_space<vmem_shared>> -> memref<128x128xf32, #tpu.memory_space<vmem_shared>>
      %dma_start3A_37 = arith.constant 0 : i32
      %dma_start3A_38 = tpu.memref_slice %arg14[%add3A_1, %dma_start3A_37] : memref<10240x128xf32, #tpu.memory_space<vmem_shared>> -> memref<128x128xf32, #tpu.memory_space<vmem_shared>>
      tpu.enqueue_dma source(%arg12 : memref<128x128xf32, #tpu.memory_space<vmem>>) target(%dma_start3A_38 : memref<128x128xf32, #tpu.memory_space<vmem_shared>>) target_semaphore(%run_scoped3A : memref<!tpu.dma_semaphore, #tpu.memory_space<semaphore_mem>>)
      %dma_wait3A = arith.constant 0 : i32
      %dma_wait3A_39 = tpu.memref_slice %arg14[%add3A_1, %dma_wait3A] : memref<10240x128xf32, #tpu.memory_space<vmem_shared>> -> memref<128x128xf32, #tpu.memory_space<vmem_shared>>
      %dma_wait3A_40 = arith.constant 0 : i32
      %dma_wait3A_41 = tpu.memref_slice %arg14[%add3A_1, %dma_wait3A_40] : memref<10240x128xf32, #tpu.memory_space<vmem_shared>> -> memref<128x128xf32, #tpu.memory_space<vmem_shared>>
      tpu.wait_dma2 semaphore(%run_scoped3A : memref<!tpu.dma_semaphore, #tpu.memory_space<semaphore_mem>>) src(%arg12 : memref<128x128xf32, #tpu.memory_space<vmem>>) dst(%dma_wait3A_41 : memref<128x128xf32, #tpu.memory_space<vmem_shared>>)
      tpu.yield
    }) : () -> ()
    %mul3A_2 = arith.constant 640 : i32
    %mul3A_3 = arith.muli %arg1, %mul3A_2 : i32
    %add3A_4 = arith.constant 128 : i32
    %add3A_5 = arith.addi %mul3A_3, %add3A_4 : i32
    "tpu.region"() ({
      %run_scoped3A = tpu.sem_alloc : memref<!tpu.dma_semaphore, #tpu.memory_space<semaphore_mem>>
      %dma_start3A = arith.constant 0 : i32
      %dma_start3A_36 = tpu.memref_slice %arg14[%add3A_5, %dma_start3A] : memref<10240x128xf32, #tpu.memory_space<vmem_shared>> -> memref<128x128xf32, #tpu.memory_space<vmem_shared>>
      %dma_start3A_37 = arith.constant 0 : i32
      %dma_start3A_38 = tpu.memref_slice %arg14[%add3A_5, %dma_start3A_37] : memref<10240x128xf32, #tpu.memory_space<vmem_shared>> -> memref<128x128xf32, #tpu.memory_space<vmem_shared>>
      tpu.enqueue_dma source(%arg12 : memref<128x128xf32, #tpu.memory_space<vmem>>) target(%dma_start3A_38 : memref<128x128xf32, #tpu.memory_space<vmem_shared>>) target_semaphore(%run_scoped3A : memref<!tpu.dma_semaphore, #tpu.memory_space<semaphore_mem>>)
      %dma_wait3A = arith.constant 0 : i32
      %dma_wait3A_39 = tpu.memref_slice %arg14[%add3A_5, %dma_wait3A] : memref<10240x128xf32, #tpu.memory_space<vmem_shared>> -> memref<128x128xf32, #tpu.memory_space<vmem_shared>>
      %dma_wait3A_40 = arith.constant 0 : i32
      %dma_wait3A_41 = tpu.memref_slice %arg14[%add3A_5, %dma_wait3A_40] : memref<10240x128xf32, #tpu.memory_space<vmem_shared>> -> memref<128x128xf32, #tpu.memory_space<vmem_shared>>
      tpu.wait_dma2 semaphore(%run_scoped3A : memref<!tpu.dma_semaphore, #tpu.memory_space<semaphore_mem>>) src(%arg12 : memref<128x128xf32, #tpu.memory_space<vmem>>) dst(%dma_wait3A_41 : memref<128x128xf32, #tpu.memory_space<vmem_shared>>)
      tpu.yield
    }) : () -> ()
    %mul3A_6 = arith.constant 640 : i32
    %mul3A_7 = arith.muli %arg1, %mul3A_6 : i32
    %add3A_8 = arith.constant 256 : i32
    %add3A_9 = arith.addi %mul3A_7, %add3A_8 : i32
    "tpu.region"() ({
      %run_scoped3A = tpu.sem_alloc : memref<!tpu.dma_semaphore, #tpu.memory_space<semaphore_mem>>
      %dma_start3A = arith.constant 0 : i32
      %dma_start3A_36 = tpu.memref_slice %arg14[%add3A_9, %dma_start3A] : memref<10240x128xf32, #tpu.memory_space<vmem_shared>> -> memref<128x128xf32, #tpu.memory_space<vmem_shared>>
      %dma_start3A_37 = arith.constant 0 : i32
      %dma_start3A_38 = tpu.memref_slice %arg14[%add3A_9, %dma_start3A_37] : memref<10240x128xf32, #tpu.memory_space<vmem_shared>> -> memref<128x128xf32, #tpu.memory_space<vmem_shared>>
      tpu.enqueue_dma source(%arg12 : memref<128x128xf32, #tpu.memory_space<vmem>>) target(%dma_start3A_38 : memref<128x128xf32, #tpu.memory_space<vmem_shared>>) target_semaphore(%run_scoped3A : memref<!tpu.dma_semaphore, #tpu.memory_space<semaphore_mem>>)
      %dma_wait3A = arith.constant 0 : i32
      %dma_wait3A_39 = tpu.memref_slice %arg14[%add3A_9, %dma_wait3A] : memref<10240x128xf32, #tpu.memory_space<vmem_shared>> -> memref<128x128xf32, #tpu.memory_space<vmem_shared>>
      %dma_wait3A_40 = arith.constant 0 : i32
      %dma_wait3A_41 = tpu.memref_slice %arg14[%add3A_9, %dma_wait3A_40] : memref<10240x128xf32, #tpu.memory_space<vmem_shared>> -> memref<128x128xf32, #tpu.memory_space<vmem_shared>>
      tpu.wait_dma2 semaphore(%run_scoped3A : memref<!tpu.dma_semaphore, #tpu.memory_space<semaphore_mem>>) src(%arg12 : memref<128x128xf32, #tpu.memory_space<vmem>>) dst(%dma_wait3A_41 : memref<128x128xf32, #tpu.memory_space<vmem_shared>>)
      tpu.yield
    }) : () -> ()
    %mul3A_10 = arith.constant 640 : i32
    %mul3A_11 = arith.muli %arg1, %mul3A_10 : i32
    %add3A_12 = arith.constant 384 : i32
    %add3A_13 = arith.addi %mul3A_11, %add3A_12 : i32
    "tpu.region"() ({
      %run_scoped3A = tpu.sem_alloc : memref<!tpu.dma_semaphore, #tpu.memory_space<semaphore_mem>>
      %dma_start3A = arith.constant 0 : i32
      %dma_start3A_36 = tpu.memref_slice %arg14[%add3A_13, %dma_start3A] : memref<10240x128xf32, #tpu.memory_space<vmem_shared>> -> memref<128x128xf32, #tpu.memory_space<vmem_shared>>
      %dma_start3A_37 = arith.constant 0 : i32
      %dma_start3A_38 = tpu.memref_slice %arg14[%add3A_13, %dma_start3A_37] : memref<10240x128xf32, #tpu.memory_space<vmem_shared>> -> memref<128x128xf32, #tpu.memory_space<vmem_shared>>
      tpu.enqueue_dma source(%arg12 : memref<128x128xf32, #tpu.memory_space<vmem>>) target(%dma_start3A_38 : memref<128x128xf32, #tpu.memory_space<vmem_shared>>) target_semaphore(%run_scoped3A : memref<!tpu.dma_semaphore, #tpu.memory_space<semaphore_mem>>)
      %dma_wait3A = arith.constant 0 : i32
      %dma_wait3A_39 = tpu.memref_slice %arg14[%add3A_13, %dma_wait3A] : memref<10240x128xf32, #tpu.memory_space<vmem_shared>> -> memref<128x128xf32, #tpu.memory_space<vmem_shared>>
      %dma_wait3A_40 = arith.constant 0 : i32
      %dma_wait3A_41 = tpu.memref_slice %arg14[%add3A_13, %dma_wait3A_40] : memref<10240x128xf32, #tpu.memory_space<vmem_shared>> -> memref<128x128xf32, #tpu.memory_space<vmem_shared>>
      tpu.wait_dma2 semaphore(%run_scoped3A : memref<!tpu.dma_semaphore, #tpu.memory_space<semaphore_mem>>) src(%arg12 : memref<128x128xf32, #tpu.memory_space<vmem>>) dst(%dma_wait3A_41 : memref<128x128xf32, #tpu.memory_space<vmem_shared>>)
      tpu.yield
    }) : () -> ()
    %mul3A_14 = arith.constant 640 : i32
    %mul3A_15 = arith.muli %arg1, %mul3A_14 : i32
    %add3A_16 = arith.constant 512 : i32
    %add3A_17 = arith.addi %mul3A_15, %add3A_16 : i32
    "tpu.region"() ({
      %run_scoped3A = tpu.sem_alloc : memref<!tpu.dma_semaphore, #tpu.memory_space<semaphore_mem>>
      %dma_start3A = arith.constant 0 : i32
      %dma_start3A_36 = tpu.memref_slice %arg14[%add3A_17, %dma_start3A] : memref<10240x128xf32, #tpu.memory_space<vmem_shared>> -> memref<128x128xf32, #tpu.memory_space<vmem_shared>>
      %dma_start3A_37 = arith.constant 0 : i32
      %dma_start3A_38 = tpu.memref_slice %arg14[%add3A_17, %dma_start3A_37] : memref<10240x128xf32, #tpu.memory_space<vmem_shared>> -> memref<128x128xf32, #tpu.memory_space<vmem_shared>>
      tpu.enqueue_dma source(%arg12 : memref<128x128xf32, #tpu.memory_space<vmem>>) target(%dma_start3A_38 : memref<128x128xf32, #tpu.memory_space<vmem_shared>>) target_semaphore(%run_scoped3A : memref<!tpu.dma_semaphore, #tpu.memory_space<semaphore_mem>>)
      %dma_wait3A = arith.constant 0 : i32
      %dma_wait3A_39 = tpu.memref_slice %arg14[%add3A_17, %dma_wait3A] : memref<10240x128xf32, #tpu.memory_space<vmem_shared>> -> memref<128x128xf32, #tpu.memory_space<vmem_shared>>
      %dma_wait3A_40 = arith.constant 0 : i32
      %dma_wait3A_41 = tpu.memref_slice %arg14[%add3A_17, %dma_wait3A_40] : memref<10240x128xf32, #tpu.memory_space<vmem_shared>> -> memref<128x128xf32, #tpu.memory_space<vmem_shared>>
      tpu.wait_dma2 semaphore(%run_scoped3A : memref<!tpu.dma_semaphore, #tpu.memory_space<semaphore_mem>>) src(%arg12 : memref<128x128xf32, #tpu.memory_space<vmem>>) dst(%dma_wait3A_41 : memref<128x128xf32, #tpu.memory_space<vmem_shared>>)
      tpu.yield
    }) : () -> ()
    %barrier3A = arith.constant 0 : index
    tpu.barrier barrier_id(%barrier3A)
    %eq3A = arith.constant 0 : i32
    %eq3A_18 = arith.cmpi eq, %arg0, %eq3A : i32
    %convert_element_type3A = arith.extui %eq3A_18 : i1 to i32
    %cond3A = arith.constant 0 : i32
    %cond3A_19 = arith.cmpi ne, %convert_element_type3A, %cond3A : i32
    scf.if %cond3A_19 {
      %mul3A_36 = arith.constant 160 : i32
      %mul3A_37 = arith.muli %arg1, %mul3A_36 : i32
      %add3A_38 = arith.constant 0 : i32
      %add3A_39 = arith.addi %mul3A_37, %add3A_38 : i32
      "tpu.region"() ({
        %run_scoped3A_196 = tpu.sem_alloc : memref<!tpu.dma_semaphore, #tpu.memory_space<semaphore_mem>>
        %dma_start3A_197 = arith.constant 0 : i32
        %dma_start3A_198 = tpu.memref_slice %arg4[%add3A_39, %dma_start3A_197] : memref<2560x128xi32, #tpu.memory_space<hbm>> -> memref<40x128xi32, #tpu.memory_space<hbm>>
        %dma_start3A_199 = arith.constant 0 : i32
        %dma_start3A_200 = tpu.memref_slice %arg4[%add3A_39, %dma_start3A_199] : memref<2560x128xi32, #tpu.memory_space<hbm>> -> memref<40x128xi32, #tpu.memory_space<hbm>>
        tpu.enqueue_dma source(%dma_start3A_200 : memref<40x128xi32, #tpu.memory_space<hbm>>) target(%arg10 : memref<40x128xi32, #tpu.memory_space<vmem>>) target_semaphore(%run_scoped3A_196 : memref<!tpu.dma_semaphore, #tpu.memory_space<semaphore_mem>>)
        %dma_wait3A_201 = arith.constant 0 : i32
        %dma_wait3A_202 = tpu.memref_slice %arg4[%add3A_39, %dma_wait3A_201] : memref<2560x128xi32, #tpu.memory_space<hbm>> -> memref<40x128xi32, #tpu.memory_space<hbm>>
        %dma_wait3A_203 = arith.constant 0 : i32
        %dma_wait3A_204 = tpu.memref_slice %arg4[%add3A_39, %dma_wait3A_203] : memref<2560x128xi32, #tpu.memory_space<hbm>> -> memref<40x128xi32, #tpu.memory_space<hbm>>
        tpu.wait_dma2 semaphore(%run_scoped3A_196 : memref<!tpu.dma_semaphore, #tpu.memory_space<semaphore_mem>>) src(%dma_wait3A_204 : memref<40x128xi32, #tpu.memory_space<hbm>>) dst(%arg10 : memref<40x128xi32, #tpu.memory_space<vmem>>)
        tpu.yield
      }) : () -> ()
      %mul3A_40 = arith.constant 160 : i32
      %mul3A_41 = arith.muli %arg1, %mul3A_40 : i32
      %add3A_42 = arith.constant 0 : i32
      %add3A_43 = arith.addi %mul3A_41, %add3A_42 : i32
      "tpu.region"() ({
        %run_scoped3A_196 = tpu.sem_alloc : memref<!tpu.dma_semaphore, #tpu.memory_space<semaphore_mem>>
        %dma_start3A_197 = arith.constant 0 : i32
        %dma_start3A_198 = tpu.memref_slice %arg5[%add3A_43, %dma_start3A_197] : memref<2560x128xi32, #tpu.memory_space<hbm>> -> memref<40x128xi32, #tpu.memory_space<hbm>>
        %dma_start3A_199 = arith.constant 0 : i32
        %dma_start3A_200 = tpu.memref_slice %arg5[%add3A_43, %dma_start3A_199] : memref<2560x128xi32, #tpu.memory_space<hbm>> -> memref<40x128xi32, #tpu.memory_space<hbm>>
        tpu.enqueue_dma source(%dma_start3A_200 : memref<40x128xi32, #tpu.memory_space<hbm>>) target(%arg11 : memref<40x128xi32, #tpu.memory_space<vmem>>) target_semaphore(%run_scoped3A_196 : memref<!tpu.dma_semaphore, #tpu.memory_space<semaphore_mem>>)
        %dma_wait3A_201 = arith.constant 0 : i32
        %dma_wait3A_202 = tpu.memref_slice %arg5[%add3A_43, %dma_wait3A_201] : memref<2560x128xi32, #tpu.memory_space<hbm>> -> memref<40x128xi32, #tpu.memory_space<hbm>>
        %dma_wait3A_203 = arith.constant 0 : i32
        %dma_wait3A_204 = tpu.memref_slice %arg5[%add3A_43, %dma_wait3A_203] : memref<2560x128xi32, #tpu.memory_space<hbm>> -> memref<40x128xi32, #tpu.memory_space<hbm>>
        tpu.wait_dma2 semaphore(%run_scoped3A_196 : memref<!tpu.dma_semaphore, #tpu.memory_space<semaphore_mem>>) src(%dma_wait3A_204 : memref<40x128xi32, #tpu.memory_space<hbm>>) dst(%arg11 : memref<40x128xi32, #tpu.memory_space<vmem>>)
        tpu.yield
      }) : () -> ()
      %dma_start3A = arith.constant 0 : i32
      %dma_start3A_44 = arith.constant 0 : i32
      %dma_start3A_45 = tpu.memref_slice %arg10[%dma_start3A, %dma_start3A_44] : memref<40x128xi32, #tpu.memory_space<vmem>> -> memref<1x128xi32, #tpu.memory_space<vmem>>
      %dma_start3A_46 = tpu.memref_squeeze %dma_start3A_45 : memref<1x128xi32, #tpu.memory_space<vmem>> -> memref<128xi32, #tpu.memory_space<vmem>>
      %dma_start3A_47 = arith.constant 0 : i32
      %dma_start3A_48 = arith.constant 0 : i32
      %dma_start3A_49 = tpu.memref_slice %arg2[%dma_start3A_47, %dma_start3A_48] : memref<10240x128xf32, #tpu.memory_space<hbm>> -> memref<10240x128xf32, #tpu.memory_space<hbm>>
      tpu.enqueue_indirect_dma source(%dma_start3A_49 : memref<10240x128xf32, #tpu.memory_space<hbm>>) target(%arg12 : memref<128x128xf32, #tpu.memory_space<vmem>>) offsets(%dma_start3A_46 : memref<128xi32, #tpu.memory_space<vmem>>) semaphore(%arg15 : memref<!tpu.dma_semaphore, #tpu.memory_space<semaphore_mem>>)
      %dma_start3A_50 = arith.constant 1 : i32
      %dma_start3A_51 = arith.constant 0 : i32
      %dma_start3A_52 = tpu.memref_slice %arg10[%dma_start3A_50, %dma_start3A_51] : memref<40x128xi32, #tpu.memory_space<vmem>> -> memref<1x128xi32, #tpu.memory_space<vmem>>
      %dma_start3A_53 = tpu.memref_squeeze %dma_start3A_52 : memref<1x128xi32, #tpu.memory_space<vmem>> -> memref<128xi32, #tpu.memory_space<vmem>>
      %dma_start3A_54 = arith.constant 0 : i32
      %dma_start3A_55 = arith.constant 0 : i32
      %dma_start3A_56 = tpu.memref_slice %arg2[%dma_start3A_54, %dma_start3A_55] : memref<10240x128xf32, #tpu.memory_space<hbm>> -> memref<10240x128xf32, #tpu.memory_space<hbm>>
      tpu.enqueue_indirect_dma source(%dma_start3A_56 : memref<10240x128xf32, #tpu.memory_space<hbm>>) target(%arg13 : memref<128x128xf32, #tpu.memory_space<vmem>>) offsets(%dma_start3A_53 : memref<128xi32, #tpu.memory_space<vmem>>) semaphore(%arg16 : memref<!tpu.dma_semaphore, #tpu.memory_space<semaphore_mem>>)
      %scan3A = arith.constant 0 : i32
      %scan3A_57 = arith.constant 19 : i32
      %scan3A_58 = arith.addi %scan3A, %scan3A_57 : i32
      %scan3A_59 = arith.constant 1 : i32
      scf.for %scan3A_196 = %scan3A to %scan3A_58 step %scan3A_59  : i32 {
        %mul3A_197 = arith.constant 2 : i32
        %mul3A_198 = arith.muli %scan3A_196, %mul3A_197 : i32
        %add3A_199 = arith.constant 0 : i32
        %add3A_200 = arith.addi %add3A_199, %mul3A_198 : i32
        %dma_wait3A_201 = arith.constant 0 : i32
        %dma_wait3A_202 = arith.constant 0 : i32
        %dma_wait3A_203 = tpu.memref_slice %arg2[%dma_wait3A_201, %dma_wait3A_202] : memref<10240x128xf32, #tpu.memory_space<hbm>> -> memref<128x128xf32, #tpu.memory_space<hbm>>
        %dma_wait3A_204 = arith.constant 0 : i32
        %dma_wait3A_205 = arith.constant 0 : i32
        %dma_wait3A_206 = tpu.memref_slice %arg2[%dma_wait3A_204, %dma_wait3A_205] : memref<10240x128xf32, #tpu.memory_space<hbm>> -> memref<128x128xf32, #tpu.memory_space<hbm>>
        tpu.wait_dma2 semaphore(%arg15 : memref<!tpu.dma_semaphore, #tpu.memory_space<semaphore_mem>>) src(%dma_wait3A_206 : memref<128x128xf32, #tpu.memory_space<hbm>>) dst(%arg12 : memref<128x128xf32, #tpu.memory_space<vmem>>)
        %add3A_207 = arith.constant 0 : i32
        %add3A_208 = arith.addi %add3A_200, %add3A_207 : i32
        "tpu.region"() ({
          %run_scoped3A_237 = tpu.sem_alloc : memref<!tpu.dma_semaphore, #tpu.memory_space<semaphore_mem>>
          %dma_start3A_238 = arith.constant 0 : i32
          %dma_start3A_239 = tpu.memref_slice %arg11[%add3A_208, %dma_start3A_238] : memref<40x128xi32, #tpu.memory_space<vmem>> -> memref<1x128xi32, #tpu.memory_space<vmem>>
          %dma_start3A_240 = tpu.memref_squeeze %dma_start3A_239 : memref<1x128xi32, #tpu.memory_space<vmem>> -> memref<128xi32, #tpu.memory_space<vmem>>
          %dma_start3A_241 = arith.constant 0 : i32
          %dma_start3A_242 = arith.constant 0 : i32
          %dma_start3A_243 = tpu.memref_slice %arg14[%dma_start3A_241, %dma_start3A_242] : memref<10240x128xf32, #tpu.memory_space<vmem_shared>> -> memref<10240x128xf32, #tpu.memory_space<vmem_shared>>
          tpu.enqueue_indirect_dma source(%arg12 : memref<128x128xf32, #tpu.memory_space<vmem>>) target(%dma_start3A_243 : memref<10240x128xf32, #tpu.memory_space<vmem_shared>>) offsets(%dma_start3A_240 : memref<128xi32, #tpu.memory_space<vmem>>) semaphore(%run_scoped3A_237 : memref<!tpu.dma_semaphore, #tpu.memory_space<semaphore_mem>>) {add = true}
          %dma_wait3A_244 = arith.constant 0 : i32
          %dma_wait3A_245 = tpu.memref_slice %arg11[%add3A_208, %dma_wait3A_244] : memref<40x128xi32, #tpu.memory_space<vmem>> -> memref<1x128xi32, #tpu.memory_space<vmem>>
          %dma_wait3A_246 = tpu.memref_squeeze %dma_wait3A_245 : memref<1x128xi32, #tpu.memory_space<vmem>> -> memref<128xi32, #tpu.memory_space<vmem>>
          %dma_wait3A_247 = arith.constant 0 : i32
          %dma_wait3A_248 = arith.constant 0 : i32
          %dma_wait3A_249 = tpu.memref_slice %arg14[%dma_wait3A_247, %dma_wait3A_248] : memref<10240x128xf32, #tpu.memory_space<vmem_shared>> -> memref<10240x128xf32, #tpu.memory_space<vmem_shared>>
          tpu.wait_indirect_dma semaphore(%run_scoped3A_237 : memref<!tpu.dma_semaphore, #tpu.memory_space<semaphore_mem>>) src(%arg12 : memref<128x128xf32, #tpu.memory_space<vmem>>) dst(%dma_wait3A_249 : memref<10240x128xf32, #tpu.memory_space<vmem_shared>>)
          tpu.yield
        }) : () -> ()
        %add3A_209 = arith.constant 0 : i32
        %add3A_210 = arith.addi %add3A_200, %add3A_209 : i32
        %add3A_211 = arith.constant 2 : i32
        %add3A_212 = arith.addi %add3A_210, %add3A_211 : i32
        %dma_start3A_213 = arith.constant 0 : i32
        %dma_start3A_214 = tpu.memref_slice %arg10[%add3A_212, %dma_start3A_213] : memref<40x128xi32, #tpu.memory_space<vmem>> -> memref<1x128xi32, #tpu.memory_space<vmem>>
        %dma_start3A_215 = tpu.memref_squeeze %dma_start3A_214 : memref<1x128xi32, #tpu.memory_space<vmem>> -> memref<128xi32, #tpu.memory_space<vmem>>
        %dma_start3A_216 = arith.constant 0 : i32
        %dma_start3A_217 = arith.constant 0 : i32
        %dma_start3A_218 = tpu.memref_slice %arg2[%dma_start3A_216, %dma_start3A_217] : memref<10240x128xf32, #tpu.memory_space<hbm>> -> memref<10240x128xf32, #tpu.memory_space<hbm>>
        tpu.enqueue_indirect_dma source(%dma_start3A_218 : memref<10240x128xf32, #tpu.memory_space<hbm>>) target(%arg12 : memref<128x128xf32, #tpu.memory_space<vmem>>) offsets(%dma_start3A_215 : memref<128xi32, #tpu.memory_space<vmem>>) semaphore(%arg15 : memref<!tpu.dma_semaphore, #tpu.memory_space<semaphore_mem>>)
        %dma_wait3A_219 = arith.constant 0 : i32
        %dma_wait3A_220 = arith.constant 0 : i32
        %dma_wait3A_221 = tpu.memref_slice %arg2[%dma_wait3A_219, %dma_wait3A_220] : memref<10240x128xf32, #tpu.memory_space<hbm>> -> memref<128x128xf32, #tpu.memory_space<hbm>>
        %dma_wait3A_222 = arith.constant 0 : i32
        %dma_wait3A_223 = arith.constant 0 : i32
        %dma_wait3A_224 = tpu.memref_slice %arg2[%dma_wait3A_222, %dma_wait3A_223] : memref<10240x128xf32, #tpu.memory_space<hbm>> -> memref<128x128xf32, #tpu.memory_space<hbm>>
        tpu.wait_dma2 semaphore(%arg16 : memref<!tpu.dma_semaphore, #tpu.memory_space<semaphore_mem>>) src(%dma_wait3A_224 : memref<128x128xf32, #tpu.memory_space<hbm>>) dst(%arg13 : memref<128x128xf32, #tpu.memory_space<vmem>>)
        %add3A_225 = arith.constant 1 : i32
        %add3A_226 = arith.addi %add3A_200, %add3A_225 : i32
        "tpu.region"() ({
          %run_scoped3A_237 = tpu.sem_alloc : memref<!tpu.dma_semaphore, #tpu.memory_space<semaphore_mem>>
          %dma_start3A_238 = arith.constant 0 : i32
          %dma_start3A_239 = tpu.memref_slice %arg11[%add3A_226, %dma_start3A_238] : memref<40x128xi32, #tpu.memory_space<vmem>> -> memref<1x128xi32, #tpu.memory_space<vmem>>
          %dma_start3A_240 = tpu.memref_squeeze %dma_start3A_239 : memref<1x128xi32, #tpu.memory_space<vmem>> -> memref<128xi32, #tpu.memory_space<vmem>>
          %dma_start3A_241 = arith.constant 0 : i32
          %dma_start3A_242 = arith.constant 0 : i32
          %dma_start3A_243 = tpu.memref_slice %arg14[%dma_start3A_241, %dma_start3A_242] : memref<10240x128xf32, #tpu.memory_space<vmem_shared>> -> memref<10240x128xf32, #tpu.memory_space<vmem_shared>>
          tpu.enqueue_indirect_dma source(%arg13 : memref<128x128xf32, #tpu.memory_space<vmem>>) target(%dma_start3A_243 : memref<10240x128xf32, #tpu.memory_space<vmem_shared>>) offsets(%dma_start3A_240 : memref<128xi32, #tpu.memory_space<vmem>>) semaphore(%run_scoped3A_237 : memref<!tpu.dma_semaphore, #tpu.memory_space<semaphore_mem>>) {add = true}
          %dma_wait3A_244 = arith.constant 0 : i32
          %dma_wait3A_245 = tpu.memref_slice %arg11[%add3A_226, %dma_wait3A_244] : memref<40x128xi32, #tpu.memory_space<vmem>> -> memref<1x128xi32, #tpu.memory_space<vmem>>
          %dma_wait3A_246 = tpu.memref_squeeze %dma_wait3A_245 : memref<1x128xi32, #tpu.memory_space<vmem>> -> memref<128xi32, #tpu.memory_space<vmem>>
          %dma_wait3A_247 = arith.constant 0 : i32
          %dma_wait3A_248 = arith.constant 0 : i32
          %dma_wait3A_249 = tpu.memref_slice %arg14[%dma_wait3A_247, %dma_wait3A_248] : memref<10240x128xf32, #tpu.memory_space<vmem_shared>> -> memref<10240x128xf32, #tpu.memory_space<vmem_shared>>
          tpu.wait_indirect_dma semaphore(%run_scoped3A_237 : memref<!tpu.dma_semaphore, #tpu.memory_space<semaphore_mem>>) src(%arg13 : memref<128x128xf32, #tpu.memory_space<vmem>>) dst(%dma_wait3A_249 : memref<10240x128xf32, #tpu.memory_space<vmem_shared>>)
          tpu.yield
        }) : () -> ()
        %add3A_227 = arith.constant 1 : i32
        %add3A_228 = arith.addi %add3A_200, %add3A_227 : i32
        %add3A_229 = arith.constant 2 : i32
        %add3A_230 = arith.addi %add3A_228, %add3A_229 : i32
        %dma_start3A_231 = arith.constant 0 : i32
        %dma_start3A_232 = tpu.memref_slice %arg10[%add3A_230, %dma_start3A_231] : memref<40x128xi32, #tpu.memory_space<vmem>> -> memref<1x128xi32, #tpu.memory_space<vmem>>
        %dma_start3A_233 = tpu.memref_squeeze %dma_start3A_232 : memref<1x128xi32, #tpu.memory_space<vmem>> -> memref<128xi32, #tpu.memory_space<vmem>>
        %dma_start3A_234 = arith.constant 0 : i32
        %dma_start3A_235 = arith.constant 0 : i32
        %dma_start3A_236 = tpu.memref_slice %arg2[%dma_start3A_234, %dma_start3A_235] : memref<10240x128xf32, #tpu.memory_space<hbm>> -> memref<10240x128xf32, #tpu.memory_space<hbm>>
        tpu.enqueue_indirect_dma source(%dma_start3A_236 : memref<10240x128xf32, #tpu.memory_space<hbm>>) target(%arg13 : memref<128x128xf32, #tpu.memory_space<vmem>>) offsets(%dma_start3A_233 : memref<128xi32, #tpu.memory_space<vmem>>) semaphore(%arg16 : memref<!tpu.dma_semaphore, #tpu.memory_space<semaphore_mem>>)
      }
      %scan3A_60 = arith.constant 19 : i32
      %dma_wait3A = arith.constant 0 : i32
      %dma_wait3A_61 = arith.constant 0 : i32
      %dma_wait3A_62 = tpu.memref_slice %arg2[%dma_wait3A, %dma_wait3A_61] : memref<10240x128xf32, #tpu.memory_space<hbm>> -> memref<128x128xf32, #tpu.memory_space<hbm>>
      %dma_wait3A_63 = arith.constant 0 : i32
      %dma_wait3A_64 = arith.constant 0 : i32
      %dma_wait3A_65 = tpu.memref_slice %arg2[%dma_wait3A_63, %dma_wait3A_64] : memref<10240x128xf32, #tpu.memory_space<hbm>> -> memref<128x128xf32, #tpu.memory_space<hbm>>
      tpu.wait_dma2 semaphore(%arg15 : memref<!tpu.dma_semaphore, #tpu.memory_space<semaphore_mem>>) src(%dma_wait3A_65 : memref<128x128xf32, #tpu.memory_space<hbm>>) dst(%arg12 : memref<128x128xf32, #tpu.memory_space<vmem>>)
      %run_scoped3A = arith.constant 38 : i32
      "tpu.region"() ({
        %run_scoped3A_196 = tpu.sem_alloc : memref<!tpu.dma_semaphore, #tpu.memory_space<semaphore_mem>>
        %dma_start3A_197 = arith.constant 0 : i32
        %dma_start3A_198 = tpu.memref_slice %arg11[%run_scoped3A, %dma_start3A_197] : memref<40x128xi32, #tpu.memory_space<vmem>> -> memref<1x128xi32, #tpu.memory_space<vmem>>
        %dma_start3A_199 = tpu.memref_squeeze %dma_start3A_198 : memref<1x128xi32, #tpu.memory_space<vmem>> -> memref<128xi32, #tpu.memory_space<vmem>>
        %dma_start3A_200 = arith.constant 0 : i32
        %dma_start3A_201 = arith.constant 0 : i32
        %dma_start3A_202 = tpu.memref_slice %arg14[%dma_start3A_200, %dma_start3A_201] : memref<10240x128xf32, #tpu.memory_space<vmem_shared>> -> memref<10240x128xf32, #tpu.memory_space<vmem_shared>>
        tpu.enqueue_indirect_dma source(%arg12 : memref<128x128xf32, #tpu.memory_space<vmem>>) target(%dma_start3A_202 : memref<10240x128xf32, #tpu.memory_space<vmem_shared>>) offsets(%dma_start3A_199 : memref<128xi32, #tpu.memory_space<vmem>>) semaphore(%run_scoped3A_196 : memref<!tpu.dma_semaphore, #tpu.memory_space<semaphore_mem>>) {add = true}
        %dma_wait3A_203 = arith.constant 0 : i32
        %dma_wait3A_204 = tpu.memref_slice %arg11[%run_scoped3A, %dma_wait3A_203] : memref<40x128xi32, #tpu.memory_space<vmem>> -> memref<1x128xi32, #tpu.memory_space<vmem>>
        %dma_wait3A_205 = tpu.memref_squeeze %dma_wait3A_204 : memref<1x128xi32, #tpu.memory_space<vmem>> -> memref<128xi32, #tpu.memory_space<vmem>>
        %dma_wait3A_206 = arith.constant 0 : i32
        %dma_wait3A_207 = arith.constant 0 : i32
        %dma_wait3A_208 = tpu.memref_slice %arg14[%dma_wait3A_206, %dma_wait3A_207] : memref<10240x128xf32, #tpu.memory_space<vmem_shared>> -> memref<10240x128xf32, #tpu.memory_space<vmem_shared>>
        tpu.wait_indirect_dma semaphore(%run_scoped3A_196 : memref<!tpu.dma_semaphore, #tpu.memory_space<semaphore_mem>>) src(%arg12 : memref<128x128xf32, #tpu.memory_space<vmem>>) dst(%dma_wait3A_208 : memref<10240x128xf32, #tpu.memory_space<vmem_shared>>)
        tpu.yield
      }) : () -> ()
      %dma_wait3A_66 = arith.constant 0 : i32
      %dma_wait3A_67 = arith.constant 0 : i32
      %dma_wait3A_68 = tpu.memref_slice %arg2[%dma_wait3A_66, %dma_wait3A_67] : memref<10240x128xf32, #tpu.memory_space<hbm>> -> memref<128x128xf32, #tpu.memory_space<hbm>>
      %dma_wait3A_69 = arith.constant 0 : i32
      %dma_wait3A_70 = arith.constant 0 : i32
      %dma_wait3A_71 = tpu.memref_slice %arg2[%dma_wait3A_69, %dma_wait3A_70] : memref<10240x128xf32, #tpu.memory_space<hbm>> -> memref<128x128xf32, #tpu.memory_space<hbm>>
      tpu.wait_dma2 semaphore(%arg16 : memref<!tpu.dma_semaphore, #tpu.memory_space<semaphore_mem>>) src(%dma_wait3A_71 : memref<128x128xf32, #tpu.memory_space<hbm>>) dst(%arg13 : memref<128x128xf32, #tpu.memory_space<vmem>>)
      %run_scoped3A_72 = arith.constant 39 : i32
      "tpu.region"() ({
        %run_scoped3A_196 = tpu.sem_alloc : memref<!tpu.dma_semaphore, #tpu.memory_space<semaphore_mem>>
        %dma_start3A_197 = arith.constant 0 : i32
        %dma_start3A_198 = tpu.memref_slice %arg11[%run_scoped3A_72, %dma_start3A_197] : memref<40x128xi32, #tpu.memory_space<vmem>> -> memref<1x128xi32, #tpu.memory_space<vmem>>
        %dma_start3A_199 = tpu.memref_squeeze %dma_start3A_198 : memref<1x128xi32, #tpu.memory_space<vmem>> -> memref<128xi32, #tpu.memory_space<vmem>>
        %dma_start3A_200 = arith.constant 0 : i32
        %dma_start3A_201 = arith.constant 0 : i32
        %dma_start3A_202 = tpu.memref_slice %arg14[%dma_start3A_200, %dma_start3A_201] : memref<10240x128xf32, #tpu.memory_space<vmem_shared>> -> memref<10240x128xf32, #tpu.memory_space<vmem_shared>>
        tpu.enqueue_indirect_dma source(%arg13 : memref<128x128xf32, #tpu.memory_space<vmem>>) target(%dma_start3A_202 : memref<10240x128xf32, #tpu.memory_space<vmem_shared>>) offsets(%dma_start3A_199 : memref<128xi32, #tpu.memory_space<vmem>>) semaphore(%run_scoped3A_196 : memref<!tpu.dma_semaphore, #tpu.memory_space<semaphore_mem>>) {add = true}
        %dma_wait3A_203 = arith.constant 0 : i32
        %dma_wait3A_204 = tpu.memref_slice %arg11[%run_scoped3A_72, %dma_wait3A_203] : memref<40x128xi32, #tpu.memory_space<vmem>> -> memref<1x128xi32, #tpu.memory_space<vmem>>
        %dma_wait3A_205 = tpu.memref_squeeze %dma_wait3A_204 : memref<1x128xi32, #tpu.memory_space<vmem>> -> memref<128xi32, #tpu.memory_space<vmem>>
        %dma_wait3A_206 = arith.constant 0 : i32
        %dma_wait3A_207 = arith.constant 0 : i32
        %dma_wait3A_208 = tpu.memref_slice %arg14[%dma_wait3A_206, %dma_wait3A_207] : memref<10240x128xf32, #tpu.memory_space<vmem_shared>> -> memref<10240x128xf32, #tpu.memory_space<vmem_shared>>
        tpu.wait_indirect_dma semaphore(%run_scoped3A_196 : memref<!tpu.dma_semaphore, #tpu.memory_space<semaphore_mem>>) src(%arg13 : memref<128x128xf32, #tpu.memory_space<vmem>>) dst(%dma_wait3A_208 : memref<10240x128xf32, #tpu.memory_space<vmem_shared>>)
        tpu.yield
      }) : () -> ()
      %mul3A_73 = arith.constant 160 : i32
      %mul3A_74 = arith.muli %arg1, %mul3A_73 : i32
      %add3A_75 = arith.constant 40 : i32
      %add3A_76 = arith.addi %mul3A_74, %add3A_75 : i32
      "tpu.region"() ({
        %run_scoped3A_196 = tpu.sem_alloc : memref<!tpu.dma_semaphore, #tpu.memory_space<semaphore_mem>>
        %dma_start3A_197 = arith.constant 0 : i32
        %dma_start3A_198 = tpu.memref_slice %arg4[%add3A_76, %dma_start3A_197] : memref<2560x128xi32, #tpu.memory_space<hbm>> -> memref<40x128xi32, #tpu.memory_space<hbm>>
        %dma_start3A_199 = arith.constant 0 : i32
        %dma_start3A_200 = tpu.memref_slice %arg4[%add3A_76, %dma_start3A_199] : memref<2560x128xi32, #tpu.memory_space<hbm>> -> memref<40x128xi32, #tpu.memory_space<hbm>>
        tpu.enqueue_dma source(%dma_start3A_200 : memref<40x128xi32, #tpu.memory_space<hbm>>) target(%arg10 : memref<40x128xi32, #tpu.memory_space<vmem>>) target_semaphore(%run_scoped3A_196 : memref<!tpu.dma_semaphore, #tpu.memory_space<semaphore_mem>>)
        %dma_wait3A_201 = arith.constant 0 : i32
        %dma_wait3A_202 = tpu.memref_slice %arg4[%add3A_76, %dma_wait3A_201] : memref<2560x128xi32, #tpu.memory_space<hbm>> -> memref<40x128xi32, #tpu.memory_space<hbm>>
        %dma_wait3A_203 = arith.constant 0 : i32
        %dma_wait3A_204 = tpu.memref_slice %arg4[%add3A_76, %dma_wait3A_203] : memref<2560x128xi32, #tpu.memory_space<hbm>> -> memref<40x128xi32, #tpu.memory_space<hbm>>
        tpu.wait_dma2 semaphore(%run_scoped3A_196 : memref<!tpu.dma_semaphore, #tpu.memory_space<semaphore_mem>>) src(%dma_wait3A_204 : memref<40x128xi32, #tpu.memory_space<hbm>>) dst(%arg10 : memref<40x128xi32, #tpu.memory_space<vmem>>)
        tpu.yield
      }) : () -> ()
      %mul3A_77 = arith.constant 160 : i32
      %mul3A_78 = arith.muli %arg1, %mul3A_77 : i32
      %add3A_79 = arith.constant 40 : i32
      %add3A_80 = arith.addi %mul3A_78, %add3A_79 : i32
      "tpu.region"() ({
        %run_scoped3A_196 = tpu.sem_alloc : memref<!tpu.dma_semaphore, #tpu.memory_space<semaphore_mem>>
        %dma_start3A_197 = arith.constant 0 : i32
        %dma_start3A_198 = tpu.memref_slice %arg5[%add3A_80, %dma_start3A_197] : memref<2560x128xi32, #tpu.memory_space<hbm>> -> memref<40x128xi32, #tpu.memory_space<hbm>>
        %dma_start3A_199 = arith.constant 0 : i32
        %dma_start3A_200 = tpu.memref_slice %arg5[%add3A_80, %dma_start3A_199] : memref<2560x128xi32, #tpu.memory_space<hbm>> -> memref<40x128xi32, #tpu.memory_space<hbm>>
        tpu.enqueue_dma source(%dma_start3A_200 : memref<40x128xi32, #tpu.memory_space<hbm>>) target(%arg11 : memref<40x128xi32, #tpu.memory_space<vmem>>) target_semaphore(%run_scoped3A_196 : memref<!tpu.dma_semaphore, #tpu.memory_space<semaphore_mem>>)
        %dma_wait3A_201 = arith.constant 0 : i32
        %dma_wait3A_202 = tpu.memref_slice %arg5[%add3A_80, %dma_wait3A_201] : memref<2560x128xi32, #tpu.memory_space<hbm>> -> memref<40x128xi32, #tpu.memory_space<hbm>>
        %dma_wait3A_203 = arith.constant 0 : i32
        %dma_wait3A_204 = tpu.memref_slice %arg5[%add3A_80, %dma_wait3A_203] : memref<2560x128xi32, #tpu.memory_space<hbm>> -> memref<40x128xi32, #tpu.memory_space<hbm>>
        tpu.wait_dma2 semaphore(%run_scoped3A_196 : memref<!tpu.dma_semaphore, #tpu.memory_space<semaphore_mem>>) src(%dma_wait3A_204 : memref<40x128xi32, #tpu.memory_space<hbm>>) dst(%arg11 : memref<40x128xi32, #tpu.memory_space<vmem>>)
        tpu.yield
      }) : () -> ()
      %dma_start3A_81 = arith.constant 0 : i32
      %dma_start3A_82 = arith.constant 0 : i32
      %dma_start3A_83 = tpu.memref_slice %arg10[%dma_start3A_81, %dma_start3A_82] : memref<40x128xi32, #tpu.memory_space<vmem>> -> memref<1x128xi32, #tpu.memory_space<vmem>>
      %dma_start3A_84 = tpu.memref_squeeze %dma_start3A_83 : memref<1x128xi32, #tpu.memory_space<vmem>> -> memref<128xi32, #tpu.memory_space<vmem>>
      %dma_start3A_85 = arith.constant 0 : i32
      %dma_start3A_86 = arith.constant 0 : i32
      %dma_start3A_87 = tpu.memref_slice %arg2[%dma_start3A_85, %dma_start3A_86] : memref<10240x128xf32, #tpu.memory_space<hbm>> -> memref<10240x128xf32, #tpu.memory_space<hbm>>
      tpu.enqueue_indirect_dma source(%dma_start3A_87 : memref<10240x128xf32, #tpu.memory_space<hbm>>) target(%arg12 : memref<128x128xf32, #tpu.memory_space<vmem>>) offsets(%dma_start3A_84 : memref<128xi32, #tpu.memory_space<vmem>>) semaphore(%arg15 : memref<!tpu.dma_semaphore, #tpu.memory_space<semaphore_mem>>)
      %dma_start3A_88 = arith.constant 1 : i32
      %dma_start3A_89 = arith.constant 0 : i32
      %dma_start3A_90 = tpu.memref_slice %arg10[%dma_start3A_88, %dma_start3A_89] : memref<40x128xi32, #tpu.memory_space<vmem>> -> memref<1x128xi32, #tpu.memory_space<vmem>>
      %dma_start3A_91 = tpu.memref_squeeze %dma_start3A_90 : memref<1x128xi32, #tpu.memory_space<vmem>> -> memref<128xi32, #tpu.memory_space<vmem>>
      %dma_start3A_92 = arith.constant 0 : i32
      %dma_start3A_93 = arith.constant 0 : i32
      %dma_start3A_94 = tpu.memref_slice %arg2[%dma_start3A_92, %dma_start3A_93] : memref<10240x128xf32, #tpu.memory_space<hbm>> -> memref<10240x128xf32, #tpu.memory_space<hbm>>
      tpu.enqueue_indirect_dma source(%dma_start3A_94 : memref<10240x128xf32, #tpu.memory_space<hbm>>) target(%arg13 : memref<128x128xf32, #tpu.memory_space<vmem>>) offsets(%dma_start3A_91 : memref<128xi32, #tpu.memory_space<vmem>>) semaphore(%arg16 : memref<!tpu.dma_semaphore, #tpu.memory_space<semaphore_mem>>)
      %scan3A_95 = arith.constant 0 : i32
      %scan3A_96 = arith.constant 19 : i32
      %scan3A_97 = arith.addi %scan3A_95, %scan3A_96 : i32
      %scan3A_98 = arith.constant 1 : i32
      scf.for %scan3A_196 = %scan3A_95 to %scan3A_97 step %scan3A_98  : i32 {
        %mul3A_197 = arith.constant 2 : i32
        %mul3A_198 = arith.muli %scan3A_196, %mul3A_197 : i32
        %add3A_199 = arith.constant 0 : i32
        %add3A_200 = arith.addi %add3A_199, %mul3A_198 : i32
        %dma_wait3A_201 = arith.constant 0 : i32
        %dma_wait3A_202 = arith.constant 0 : i32
        %dma_wait3A_203 = tpu.memref_slice %arg2[%dma_wait3A_201, %dma_wait3A_202] : memref<10240x128xf32, #tpu.memory_space<hbm>> -> memref<128x128xf32, #tpu.memory_space<hbm>>
        %dma_wait3A_204 = arith.constant 0 : i32
        %dma_wait3A_205 = arith.constant 0 : i32
        %dma_wait3A_206 = tpu.memref_slice %arg2[%dma_wait3A_204, %dma_wait3A_205] : memref<10240x128xf32, #tpu.memory_space<hbm>> -> memref<128x128xf32, #tpu.memory_space<hbm>>
        tpu.wait_dma2 semaphore(%arg15 : memref<!tpu.dma_semaphore, #tpu.memory_space<semaphore_mem>>) src(%dma_wait3A_206 : memref<128x128xf32, #tpu.memory_space<hbm>>) dst(%arg12 : memref<128x128xf32, #tpu.memory_space<vmem>>)
        %add3A_207 = arith.constant 0 : i32
        %add3A_208 = arith.addi %add3A_200, %add3A_207 : i32
        "tpu.region"() ({
          %run_scoped3A_237 = tpu.sem_alloc : memref<!tpu.dma_semaphore, #tpu.memory_space<semaphore_mem>>
          %dma_start3A_238 = arith.constant 0 : i32
          %dma_start3A_239 = tpu.memref_slice %arg11[%add3A_208, %dma_start3A_238] : memref<40x128xi32, #tpu.memory_space<vmem>> -> memref<1x128xi32, #tpu.memory_space<vmem>>
          %dma_start3A_240 = tpu.memref_squeeze %dma_start3A_239 : memref<1x128xi32, #tpu.memory_space<vmem>> -> memref<128xi32, #tpu.memory_space<vmem>>
          %dma_start3A_241 = arith.constant 0 : i32
          %dma_start3A_242 = arith.constant 0 : i32
          %dma_start3A_243 = tpu.memref_slice %arg14[%dma_start3A_241, %dma_start3A_242] : memref<10240x128xf32, #tpu.memory_space<vmem_shared>> -> memref<10240x128xf32, #tpu.memory_space<vmem_shared>>
          tpu.enqueue_indirect_dma source(%arg12 : memref<128x128xf32, #tpu.memory_space<vmem>>) target(%dma_start3A_243 : memref<10240x128xf32, #tpu.memory_space<vmem_shared>>) offsets(%dma_start3A_240 : memref<128xi32, #tpu.memory_space<vmem>>) semaphore(%run_scoped3A_237 : memref<!tpu.dma_semaphore, #tpu.memory_space<semaphore_mem>>) {add = true}
          %dma_wait3A_244 = arith.constant 0 : i32
          %dma_wait3A_245 = tpu.memref_slice %arg11[%add3A_208, %dma_wait3A_244] : memref<40x128xi32, #tpu.memory_space<vmem>> -> memref<1x128xi32, #tpu.memory_space<vmem>>
          %dma_wait3A_246 = tpu.memref_squeeze %dma_wait3A_245 : memref<1x128xi32, #tpu.memory_space<vmem>> -> memref<128xi32, #tpu.memory_space<vmem>>
          %dma_wait3A_247 = arith.constant 0 : i32
          %dma_wait3A_248 = arith.constant 0 : i32
          %dma_wait3A_249 = tpu.memref_slice %arg14[%dma_wait3A_247, %dma_wait3A_248] : memref<10240x128xf32, #tpu.memory_space<vmem_shared>> -> memref<10240x128xf32, #tpu.memory_space<vmem_shared>>
          tpu.wait_indirect_dma semaphore(%run_scoped3A_237 : memref<!tpu.dma_semaphore, #tpu.memory_space<semaphore_mem>>) src(%arg12 : memref<128x128xf32, #tpu.memory_space<vmem>>) dst(%dma_wait3A_249 : memref<10240x128xf32, #tpu.memory_space<vmem_shared>>)
          tpu.yield
        }) : () -> ()
        %add3A_209 = arith.constant 0 : i32
        %add3A_210 = arith.addi %add3A_200, %add3A_209 : i32
        %add3A_211 = arith.constant 2 : i32
        %add3A_212 = arith.addi %add3A_210, %add3A_211 : i32
        %dma_start3A_213 = arith.constant 0 : i32
        %dma_start3A_214 = tpu.memref_slice %arg10[%add3A_212, %dma_start3A_213] : memref<40x128xi32, #tpu.memory_space<vmem>> -> memref<1x128xi32, #tpu.memory_space<vmem>>
        %dma_start3A_215 = tpu.memref_squeeze %dma_start3A_214 : memref<1x128xi32, #tpu.memory_space<vmem>> -> memref<128xi32, #tpu.memory_space<vmem>>
        %dma_start3A_216 = arith.constant 0 : i32
        %dma_start3A_217 = arith.constant 0 : i32
        %dma_start3A_218 = tpu.memref_slice %arg2[%dma_start3A_216, %dma_start3A_217] : memref<10240x128xf32, #tpu.memory_space<hbm>> -> memref<10240x128xf32, #tpu.memory_space<hbm>>
        tpu.enqueue_indirect_dma source(%dma_start3A_218 : memref<10240x128xf32, #tpu.memory_space<hbm>>) target(%arg12 : memref<128x128xf32, #tpu.memory_space<vmem>>) offsets(%dma_start3A_215 : memref<128xi32, #tpu.memory_space<vmem>>) semaphore(%arg15 : memref<!tpu.dma_semaphore, #tpu.memory_space<semaphore_mem>>)
        %dma_wait3A_219 = arith.constant 0 : i32
        %dma_wait3A_220 = arith.constant 0 : i32
        %dma_wait3A_221 = tpu.memref_slice %arg2[%dma_wait3A_219, %dma_wait3A_220] : memref<10240x128xf32, #tpu.memory_space<hbm>> -> memref<128x128xf32, #tpu.memory_space<hbm>>
        %dma_wait3A_222 = arith.constant 0 : i32
        %dma_wait3A_223 = arith.constant 0 : i32
        %dma_wait3A_224 = tpu.memref_slice %arg2[%dma_wait3A_222, %dma_wait3A_223] : memref<10240x128xf32, #tpu.memory_space<hbm>> -> memref<128x128xf32, #tpu.memory_space<hbm>>
        tpu.wait_dma2 semaphore(%arg16 : memref<!tpu.dma_semaphore, #tpu.memory_space<semaphore_mem>>) src(%dma_wait3A_224 : memref<128x128xf32, #tpu.memory_space<hbm>>) dst(%arg13 : memref<128x128xf32, #tpu.memory_space<vmem>>)
        %add3A_225 = arith.constant 1 : i32
        %add3A_226 = arith.addi %add3A_200, %add3A_225 : i32
        "tpu.region"() ({
          %run_scoped3A_237 = tpu.sem_alloc : memref<!tpu.dma_semaphore, #tpu.memory_space<semaphore_mem>>
          %dma_start3A_238 = arith.constant 0 : i32
          %dma_start3A_239 = tpu.memref_slice %arg11[%add3A_226, %dma_start3A_238] : memref<40x128xi32, #tpu.memory_space<vmem>> -> memref<1x128xi32, #tpu.memory_space<vmem>>
          %dma_start3A_240 = tpu.memref_squeeze %dma_start3A_239 : memref<1x128xi32, #tpu.memory_space<vmem>> -> memref<128xi32, #tpu.memory_space<vmem>>
          %dma_start3A_241 = arith.constant 0 : i32
          %dma_start3A_242 = arith.constant 0 : i32
          %dma_start3A_243 = tpu.memref_slice %arg14[%dma_start3A_241, %dma_start3A_242] : memref<10240x128xf32, #tpu.memory_space<vmem_shared>> -> memref<10240x128xf32, #tpu.memory_space<vmem_shared>>
          tpu.enqueue_indirect_dma source(%arg13 : memref<128x128xf32, #tpu.memory_space<vmem>>) target(%dma_start3A_243 : memref<10240x128xf32, #tpu.memory_space<vmem_shared>>) offsets(%dma_start3A_240 : memref<128xi32, #tpu.memory_space<vmem>>) semaphore(%run_scoped3A_237 : memref<!tpu.dma_semaphore, #tpu.memory_space<semaphore_mem>>) {add = true}
          %dma_wait3A_244 = arith.constant 0 : i32
          %dma_wait3A_245 = tpu.memref_slice %arg11[%add3A_226, %dma_wait3A_244] : memref<40x128xi32, #tpu.memory_space<vmem>> -> memref<1x128xi32, #tpu.memory_space<vmem>>
          %dma_wait3A_246 = tpu.memref_squeeze %dma_wait3A_245 : memref<1x128xi32, #tpu.memory_space<vmem>> -> memref<128xi32, #tpu.memory_space<vmem>>
          %dma_wait3A_247 = arith.constant 0 : i32
          %dma_wait3A_248 = arith.constant 0 : i32
          %dma_wait3A_249 = tpu.memref_slice %arg14[%dma_wait3A_247, %dma_wait3A_248] : memref<10240x128xf32, #tpu.memory_space<vmem_shared>> -> memref<10240x128xf32, #tpu.memory_space<vmem_shared>>
          tpu.wait_indirect_dma semaphore(%run_scoped3A_237 : memref<!tpu.dma_semaphore, #tpu.memory_space<semaphore_mem>>) src(%arg13 : memref<128x128xf32, #tpu.memory_space<vmem>>) dst(%dma_wait3A_249 : memref<10240x128xf32, #tpu.memory_space<vmem_shared>>)
          tpu.yield
        }) : () -> ()
        %add3A_227 = arith.constant 1 : i32
        %add3A_228 = arith.addi %add3A_200, %add3A_227 : i32
        %add3A_229 = arith.constant 2 : i32
        %add3A_230 = arith.addi %add3A_228, %add3A_229 : i32
        %dma_start3A_231 = arith.constant 0 : i32
        %dma_start3A_232 = tpu.memref_slice %arg10[%add3A_230, %dma_start3A_231] : memref<40x128xi32, #tpu.memory_space<vmem>> -> memref<1x128xi32, #tpu.memory_space<vmem>>
        %dma_start3A_233 = tpu.memref_squeeze %dma_start3A_232 : memref<1x128xi32, #tpu.memory_space<vmem>> -> memref<128xi32, #tpu.memory_space<vmem>>
        %dma_start3A_234 = arith.constant 0 : i32
        %dma_start3A_235 = arith.constant 0 : i32
        %dma_start3A_236 = tpu.memref_slice %arg2[%dma_start3A_234, %dma_start3A_235] : memref<10240x128xf32, #tpu.memory_space<hbm>> -> memref<10240x128xf32, #tpu.memory_space<hbm>>
        tpu.enqueue_indirect_dma source(%dma_start3A_236 : memref<10240x128xf32, #tpu.memory_space<hbm>>) target(%arg13 : memref<128x128xf32, #tpu.memory_space<vmem>>) offsets(%dma_start3A_233 : memref<128xi32, #tpu.memory_space<vmem>>) semaphore(%arg16 : memref<!tpu.dma_semaphore, #tpu.memory_space<semaphore_mem>>)
      }
      %scan3A_99 = arith.constant 19 : i32
      %dma_wait3A_100 = arith.constant 0 : i32
      %dma_wait3A_101 = arith.constant 0 : i32
      %dma_wait3A_102 = tpu.memref_slice %arg2[%dma_wait3A_100, %dma_wait3A_101] : memref<10240x128xf32, #tpu.memory_space<hbm>> -> memref<128x128xf32, #tpu.memory_space<hbm>>
      %dma_wait3A_103 = arith.constant 0 : i32
      %dma_wait3A_104 = arith.constant 0 : i32
      %dma_wait3A_105 = tpu.memref_slice %arg2[%dma_wait3A_103, %dma_wait3A_104] : memref<10240x128xf32, #tpu.memory_space<hbm>> -> memref<128x128xf32, #tpu.memory_space<hbm>>
      tpu.wait_dma2 semaphore(%arg15 : memref<!tpu.dma_semaphore, #tpu.memory_space<semaphore_mem>>) src(%dma_wait3A_105 : memref<128x128xf32, #tpu.memory_space<hbm>>) dst(%arg12 : memref<128x128xf32, #tpu.memory_space<vmem>>)
      %run_scoped3A_106 = arith.constant 38 : i32
      "tpu.region"() ({
        %run_scoped3A_196 = tpu.sem_alloc : memref<!tpu.dma_semaphore, #tpu.memory_space<semaphore_mem>>
        %dma_start3A_197 = arith.constant 0 : i32
        %dma_start3A_198 = tpu.memref_slice %arg11[%run_scoped3A_106, %dma_start3A_197] : memref<40x128xi32, #tpu.memory_space<vmem>> -> memref<1x128xi32, #tpu.memory_space<vmem>>
        %dma_start3A_199 = tpu.memref_squeeze %dma_start3A_198 : memref<1x128xi32, #tpu.memory_space<vmem>> -> memref<128xi32, #tpu.memory_space<vmem>>
        %dma_start3A_200 = arith.constant 0 : i32
        %dma_start3A_201 = arith.constant 0 : i32
        %dma_start3A_202 = tpu.memref_slice %arg14[%dma_start3A_200, %dma_start3A_201] : memref<10240x128xf32, #tpu.memory_space<vmem_shared>> -> memref<10240x128xf32, #tpu.memory_space<vmem_shared>>
        tpu.enqueue_indirect_dma source(%arg12 : memref<128x128xf32, #tpu.memory_space<vmem>>) target(%dma_start3A_202 : memref<10240x128xf32, #tpu.memory_space<vmem_shared>>) offsets(%dma_start3A_199 : memref<128xi32, #tpu.memory_space<vmem>>) semaphore(%run_scoped3A_196 : memref<!tpu.dma_semaphore, #tpu.memory_space<semaphore_mem>>) {add = true}
        %dma_wait3A_203 = arith.constant 0 : i32
        %dma_wait3A_204 = tpu.memref_slice %arg11[%run_scoped3A_106, %dma_wait3A_203] : memref<40x128xi32, #tpu.memory_space<vmem>> -> memref<1x128xi32, #tpu.memory_space<vmem>>
        %dma_wait3A_205 = tpu.memref_squeeze %dma_wait3A_204 : memref<1x128xi32, #tpu.memory_space<vmem>> -> memref<128xi32, #tpu.memory_space<vmem>>
        %dma_wait3A_206 = arith.constant 0 : i32
        %dma_wait3A_207 = arith.constant 0 : i32
        %dma_wait3A_208 = tpu.memref_slice %arg14[%dma_wait3A_206, %dma_wait3A_207] : memref<10240x128xf32, #tpu.memory_space<vmem_shared>> -> memref<10240x128xf32, #tpu.memory_space<vmem_shared>>
        tpu.wait_indirect_dma semaphore(%run_scoped3A_196 : memref<!tpu.dma_semaphore, #tpu.memory_space<semaphore_mem>>) src(%arg12 : memref<128x128xf32, #tpu.memory_space<vmem>>) dst(%dma_wait3A_208 : memref<10240x128xf32, #tpu.memory_space<vmem_shared>>)
        tpu.yield
      }) : () -> ()
      %dma_wait3A_107 = arith.constant 0 : i32
      %dma_wait3A_108 = arith.constant 0 : i32
      %dma_wait3A_109 = tpu.memref_slice %arg2[%dma_wait3A_107, %dma_wait3A_108] : memref<10240x128xf32, #tpu.memory_space<hbm>> -> memref<128x128xf32, #tpu.memory_space<hbm>>
      %dma_wait3A_110 = arith.constant 0 : i32
      %dma_wait3A_111 = arith.constant 0 : i32
      %dma_wait3A_112 = tpu.memref_slice %arg2[%dma_wait3A_110, %dma_wait3A_111] : memref<10240x128xf32, #tpu.memory_space<hbm>> -> memref<128x128xf32, #tpu.memory_space<hbm>>
      tpu.wait_dma2 semaphore(%arg16 : memref<!tpu.dma_semaphore, #tpu.memory_space<semaphore_mem>>) src(%dma_wait3A_112 : memref<128x128xf32, #tpu.memory_space<hbm>>) dst(%arg13 : memref<128x128xf32, #tpu.memory_space<vmem>>)
      %run_scoped3A_113 = arith.constant 39 : i32
      "tpu.region"() ({
        %run_scoped3A_196 = tpu.sem_alloc : memref<!tpu.dma_semaphore, #tpu.memory_space<semaphore_mem>>
        %dma_start3A_197 = arith.constant 0 : i32
        %dma_start3A_198 = tpu.memref_slice %arg11[%run_scoped3A_113, %dma_start3A_197] : memref<40x128xi32, #tpu.memory_space<vmem>> -> memref<1x128xi32, #tpu.memory_space<vmem>>
        %dma_start3A_199 = tpu.memref_squeeze %dma_start3A_198 : memref<1x128xi32, #tpu.memory_space<vmem>> -> memref<128xi32, #tpu.memory_space<vmem>>
        %dma_start3A_200 = arith.constant 0 : i32
        %dma_start3A_201 = arith.constant 0 : i32
        %dma_start3A_202 = tpu.memref_slice %arg14[%dma_start3A_200, %dma_start3A_201] : memref<10240x128xf32, #tpu.memory_space<vmem_shared>> -> memref<10240x128xf32, #tpu.memory_space<vmem_shared>>
        tpu.enqueue_indirect_dma source(%arg13 : memref<128x128xf32, #tpu.memory_space<vmem>>) target(%dma_start3A_202 : memref<10240x128xf32, #tpu.memory_space<vmem_shared>>) offsets(%dma_start3A_199 : memref<128xi32, #tpu.memory_space<vmem>>) semaphore(%run_scoped3A_196 : memref<!tpu.dma_semaphore, #tpu.memory_space<semaphore_mem>>) {add = true}
        %dma_wait3A_203 = arith.constant 0 : i32
        %dma_wait3A_204 = tpu.memref_slice %arg11[%run_scoped3A_113, %dma_wait3A_203] : memref<40x128xi32, #tpu.memory_space<vmem>> -> memref<1x128xi32, #tpu.memory_space<vmem>>
        %dma_wait3A_205 = tpu.memref_squeeze %dma_wait3A_204 : memref<1x128xi32, #tpu.memory_space<vmem>> -> memref<128xi32, #tpu.memory_space<vmem>>
        %dma_wait3A_206 = arith.constant 0 : i32
        %dma_wait3A_207 = arith.constant 0 : i32
        %dma_wait3A_208 = tpu.memref_slice %arg14[%dma_wait3A_206, %dma_wait3A_207] : memref<10240x128xf32, #tpu.memory_space<vmem_shared>> -> memref<10240x128xf32, #tpu.memory_space<vmem_shared>>
        tpu.wait_indirect_dma semaphore(%run_scoped3A_196 : memref<!tpu.dma_semaphore, #tpu.memory_space<semaphore_mem>>) src(%arg13 : memref<128x128xf32, #tpu.memory_space<vmem>>) dst(%dma_wait3A_208 : memref<10240x128xf32, #tpu.memory_space<vmem_shared>>)
        tpu.yield
      }) : () -> ()
      %mul3A_114 = arith.constant 160 : i32
      %mul3A_115 = arith.muli %arg1, %mul3A_114 : i32
      %add3A_116 = arith.constant 80 : i32
      %add3A_117 = arith.addi %mul3A_115, %add3A_116 : i32
      "tpu.region"() ({
        %run_scoped3A_196 = tpu.sem_alloc : memref<!tpu.dma_semaphore, #tpu.memory_space<semaphore_mem>>
        %dma_start3A_197 = arith.constant 0 : i32
        %dma_start3A_198 = tpu.memref_slice %arg4[%add3A_117, %dma_start3A_197] : memref<2560x128xi32, #tpu.memory_space<hbm>> -> memref<40x128xi32, #tpu.memory_space<hbm>>
        %dma_start3A_199 = arith.constant 0 : i32
        %dma_start3A_200 = tpu.memref_slice %arg4[%add3A_117, %dma_start3A_199] : memref<2560x128xi32, #tpu.memory_space<hbm>> -> memref<40x128xi32, #tpu.memory_space<hbm>>
        tpu.enqueue_dma source(%dma_start3A_200 : memref<40x128xi32, #tpu.memory_space<hbm>>) target(%arg10 : memref<40x128xi32, #tpu.memory_space<vmem>>) target_semaphore(%run_scoped3A_196 : memref<!tpu.dma_semaphore, #tpu.memory_space<semaphore_mem>>)
        %dma_wait3A_201 = arith.constant 0 : i32
        %dma_wait3A_202 = tpu.memref_slice %arg4[%add3A_117, %dma_wait3A_201] : memref<2560x128xi32, #tpu.memory_space<hbm>> -> memref<40x128xi32, #tpu.memory_space<hbm>>
        %dma_wait3A_203 = arith.constant 0 : i32
        %dma_wait3A_204 = tpu.memref_slice %arg4[%add3A_117, %dma_wait3A_203] : memref<2560x128xi32, #tpu.memory_space<hbm>> -> memref<40x128xi32, #tpu.memory_space<hbm>>
        tpu.wait_dma2 semaphore(%run_scoped3A_196 : memref<!tpu.dma_semaphore, #tpu.memory_space<semaphore_mem>>) src(%dma_wait3A_204 : memref<40x128xi32, #tpu.memory_space<hbm>>) dst(%arg10 : memref<40x128xi32, #tpu.memory_space<vmem>>)
        tpu.yield
      }) : () -> ()
      %mul3A_118 = arith.constant 160 : i32
      %mul3A_119 = arith.muli %arg1, %mul3A_118 : i32
      %add3A_120 = arith.constant 80 : i32
      %add3A_121 = arith.addi %mul3A_119, %add3A_120 : i32
      "tpu.region"() ({
        %run_scoped3A_196 = tpu.sem_alloc : memref<!tpu.dma_semaphore, #tpu.memory_space<semaphore_mem>>
        %dma_start3A_197 = arith.constant 0 : i32
        %dma_start3A_198 = tpu.memref_slice %arg5[%add3A_121, %dma_start3A_197] : memref<2560x128xi32, #tpu.memory_space<hbm>> -> memref<40x128xi32, #tpu.memory_space<hbm>>
        %dma_start3A_199 = arith.constant 0 : i32
        %dma_start3A_200 = tpu.memref_slice %arg5[%add3A_121, %dma_start3A_199] : memref<2560x128xi32, #tpu.memory_space<hbm>> -> memref<40x128xi32, #tpu.memory_space<hbm>>
        tpu.enqueue_dma source(%dma_start3A_200 : memref<40x128xi32, #tpu.memory_space<hbm>>) target(%arg11 : memref<40x128xi32, #tpu.memory_space<vmem>>) target_semaphore(%run_scoped3A_196 : memref<!tpu.dma_semaphore, #tpu.memory_space<semaphore_mem>>)
        %dma_wait3A_201 = arith.constant 0 : i32
        %dma_wait3A_202 = tpu.memref_slice %arg5[%add3A_121, %dma_wait3A_201] : memref<2560x128xi32, #tpu.memory_space<hbm>> -> memref<40x128xi32, #tpu.memory_space<hbm>>
        %dma_wait3A_203 = arith.constant 0 : i32
        %dma_wait3A_204 = tpu.memref_slice %arg5[%add3A_121, %dma_wait3A_203] : memref<2560x128xi32, #tpu.memory_space<hbm>> -> memref<40x128xi32, #tpu.memory_space<hbm>>
        tpu.wait_dma2 semaphore(%run_scoped3A_196 : memref<!tpu.dma_semaphore, #tpu.memory_space<semaphore_mem>>) src(%dma_wait3A_204 : memref<40x128xi32, #tpu.memory_space<hbm>>) dst(%arg11 : memref<40x128xi32, #tpu.memory_space<vmem>>)
        tpu.yield
      }) : () -> ()
      %dma_start3A_122 = arith.constant 0 : i32
      %dma_start3A_123 = arith.constant 0 : i32
      %dma_start3A_124 = tpu.memref_slice %arg10[%dma_start3A_122, %dma_start3A_123] : memref<40x128xi32, #tpu.memory_space<vmem>> -> memref<1x128xi32, #tpu.memory_space<vmem>>
      %dma_start3A_125 = tpu.memref_squeeze %dma_start3A_124 : memref<1x128xi32, #tpu.memory_space<vmem>> -> memref<128xi32, #tpu.memory_space<vmem>>
      %dma_start3A_126 = arith.constant 0 : i32
      %dma_start3A_127 = arith.constant 0 : i32
      %dma_start3A_128 = tpu.memref_slice %arg2[%dma_start3A_126, %dma_start3A_127] : memref<10240x128xf32, #tpu.memory_space<hbm>> -> memref<10240x128xf32, #tpu.memory_space<hbm>>
      tpu.enqueue_indirect_dma source(%dma_start3A_128 : memref<10240x128xf32, #tpu.memory_space<hbm>>) target(%arg12 : memref<128x128xf32, #tpu.memory_space<vmem>>) offsets(%dma_start3A_125 : memref<128xi32, #tpu.memory_space<vmem>>) semaphore(%arg15 : memref<!tpu.dma_semaphore, #tpu.memory_space<semaphore_mem>>)
      %dma_start3A_129 = arith.constant 1 : i32
      %dma_start3A_130 = arith.constant 0 : i32
      %dma_start3A_131 = tpu.memref_slice %arg10[%dma_start3A_129, %dma_start3A_130] : memref<40x128xi32, #tpu.memory_space<vmem>> -> memref<1x128xi32, #tpu.memory_space<vmem>>
      %dma_start3A_132 = tpu.memref_squeeze %dma_start3A_131 : memref<1x128xi32, #tpu.memory_space<vmem>> -> memref<128xi32, #tpu.memory_space<vmem>>
      %dma_start3A_133 = arith.constant 0 : i32
      %dma_start3A_134 = arith.constant 0 : i32
      %dma_start3A_135 = tpu.memref_slice %arg2[%dma_start3A_133, %dma_start3A_134] : memref<10240x128xf32, #tpu.memory_space<hbm>> -> memref<10240x128xf32, #tpu.memory_space<hbm>>
      tpu.enqueue_indirect_dma source(%dma_start3A_135 : memref<10240x128xf32, #tpu.memory_space<hbm>>) target(%arg13 : memref<128x128xf32, #tpu.memory_space<vmem>>) offsets(%dma_start3A_132 : memref<128xi32, #tpu.memory_space<vmem>>) semaphore(%arg16 : memref<!tpu.dma_semaphore, #tpu.memory_space<semaphore_mem>>)
      %scan3A_136 = arith.constant 0 : i32
      %scan3A_137 = arith.constant 19 : i32
      %scan3A_138 = arith.addi %scan3A_136, %scan3A_137 : i32
      %scan3A_139 = arith.constant 1 : i32
      scf.for %scan3A_196 = %scan3A_136 to %scan3A_138 step %scan3A_139  : i32 {
        %mul3A_197 = arith.constant 2 : i32
        %mul3A_198 = arith.muli %scan3A_196, %mul3A_197 : i32
        %add3A_199 = arith.constant 0 : i32
        %add3A_200 = arith.addi %add3A_199, %mul3A_198 : i32
        %dma_wait3A_201 = arith.constant 0 : i32
        %dma_wait3A_202 = arith.constant 0 : i32
        %dma_wait3A_203 = tpu.memref_slice %arg2[%dma_wait3A_201, %dma_wait3A_202] : memref<10240x128xf32, #tpu.memory_space<hbm>> -> memref<128x128xf32, #tpu.memory_space<hbm>>
        %dma_wait3A_204 = arith.constant 0 : i32
        %dma_wait3A_205 = arith.constant 0 : i32
        %dma_wait3A_206 = tpu.memref_slice %arg2[%dma_wait3A_204, %dma_wait3A_205] : memref<10240x128xf32, #tpu.memory_space<hbm>> -> memref<128x128xf32, #tpu.memory_space<hbm>>
        tpu.wait_dma2 semaphore(%arg15 : memref<!tpu.dma_semaphore, #tpu.memory_space<semaphore_mem>>) src(%dma_wait3A_206 : memref<128x128xf32, #tpu.memory_space<hbm>>) dst(%arg12 : memref<128x128xf32, #tpu.memory_space<vmem>>)
        %add3A_207 = arith.constant 0 : i32
        %add3A_208 = arith.addi %add3A_200, %add3A_207 : i32
        "tpu.region"() ({
          %run_scoped3A_237 = tpu.sem_alloc : memref<!tpu.dma_semaphore, #tpu.memory_space<semaphore_mem>>
          %dma_start3A_238 = arith.constant 0 : i32
          %dma_start3A_239 = tpu.memref_slice %arg11[%add3A_208, %dma_start3A_238] : memref<40x128xi32, #tpu.memory_space<vmem>> -> memref<1x128xi32, #tpu.memory_space<vmem>>
          %dma_start3A_240 = tpu.memref_squeeze %dma_start3A_239 : memref<1x128xi32, #tpu.memory_space<vmem>> -> memref<128xi32, #tpu.memory_space<vmem>>
          %dma_start3A_241 = arith.constant 0 : i32
          %dma_start3A_242 = arith.constant 0 : i32
          %dma_start3A_243 = tpu.memref_slice %arg14[%dma_start3A_241, %dma_start3A_242] : memref<10240x128xf32, #tpu.memory_space<vmem_shared>> -> memref<10240x128xf32, #tpu.memory_space<vmem_shared>>
          tpu.enqueue_indirect_dma source(%arg12 : memref<128x128xf32, #tpu.memory_space<vmem>>) target(%dma_start3A_243 : memref<10240x128xf32, #tpu.memory_space<vmem_shared>>) offsets(%dma_start3A_240 : memref<128xi32, #tpu.memory_space<vmem>>) semaphore(%run_scoped3A_237 : memref<!tpu.dma_semaphore, #tpu.memory_space<semaphore_mem>>) {add = true}
          %dma_wait3A_244 = arith.constant 0 : i32
          %dma_wait3A_245 = tpu.memref_slice %arg11[%add3A_208, %dma_wait3A_244] : memref<40x128xi32, #tpu.memory_space<vmem>> -> memref<1x128xi32, #tpu.memory_space<vmem>>
          %dma_wait3A_246 = tpu.memref_squeeze %dma_wait3A_245 : memref<1x128xi32, #tpu.memory_space<vmem>> -> memref<128xi32, #tpu.memory_space<vmem>>
          %dma_wait3A_247 = arith.constant 0 : i32
          %dma_wait3A_248 = arith.constant 0 : i32
          %dma_wait3A_249 = tpu.memref_slice %arg14[%dma_wait3A_247, %dma_wait3A_248] : memref<10240x128xf32, #tpu.memory_space<vmem_shared>> -> memref<10240x128xf32, #tpu.memory_space<vmem_shared>>
          tpu.wait_indirect_dma semaphore(%run_scoped3A_237 : memref<!tpu.dma_semaphore, #tpu.memory_space<semaphore_mem>>) src(%arg12 : memref<128x128xf32, #tpu.memory_space<vmem>>) dst(%dma_wait3A_249 : memref<10240x128xf32, #tpu.memory_space<vmem_shared>>)
          tpu.yield
        }) : () -> ()
        %add3A_209 = arith.constant 0 : i32
        %add3A_210 = arith.addi %add3A_200, %add3A_209 : i32
        %add3A_211 = arith.constant 2 : i32
        %add3A_212 = arith.addi %add3A_210, %add3A_211 : i32
        %dma_start3A_213 = arith.constant 0 : i32
        %dma_start3A_214 = tpu.memref_slice %arg10[%add3A_212, %dma_start3A_213] : memref<40x128xi32, #tpu.memory_space<vmem>> -> memref<1x128xi32, #tpu.memory_space<vmem>>
        %dma_start3A_215 = tpu.memref_squeeze %dma_start3A_214 : memref<1x128xi32, #tpu.memory_space<vmem>> -> memref<128xi32, #tpu.memory_space<vmem>>
        %dma_start3A_216 = arith.constant 0 : i32
        %dma_start3A_217 = arith.constant 0 : i32
        %dma_start3A_218 = tpu.memref_slice %arg2[%dma_start3A_216, %dma_start3A_217] : memref<10240x128xf32, #tpu.memory_space<hbm>> -> memref<10240x128xf32, #tpu.memory_space<hbm>>
        tpu.enqueue_indirect_dma source(%dma_start3A_218 : memref<10240x128xf32, #tpu.memory_space<hbm>>) target(%arg12 : memref<128x128xf32, #tpu.memory_space<vmem>>) offsets(%dma_start3A_215 : memref<128xi32, #tpu.memory_space<vmem>>) semaphore(%arg15 : memref<!tpu.dma_semaphore, #tpu.memory_space<semaphore_mem>>)
        %dma_wait3A_219 = arith.constant 0 : i32
        %dma_wait3A_220 = arith.constant 0 : i32
        %dma_wait3A_221 = tpu.memref_slice %arg2[%dma_wait3A_219, %dma_wait3A_220] : memref<10240x128xf32, #tpu.memory_space<hbm>> -> memref<128x128xf32, #tpu.memory_space<hbm>>
        %dma_wait3A_222 = arith.constant 0 : i32
        %dma_wait3A_223 = arith.constant 0 : i32
        %dma_wait3A_224 = tpu.memref_slice %arg2[%dma_wait3A_222, %dma_wait3A_223] : memref<10240x128xf32, #tpu.memory_space<hbm>> -> memref<128x128xf32, #tpu.memory_space<hbm>>
        tpu.wait_dma2 semaphore(%arg16 : memref<!tpu.dma_semaphore, #tpu.memory_space<semaphore_mem>>) src(%dma_wait3A_224 : memref<128x128xf32, #tpu.memory_space<hbm>>) dst(%arg13 : memref<128x128xf32, #tpu.memory_space<vmem>>)
        %add3A_225 = arith.constant 1 : i32
        %add3A_226 = arith.addi %add3A_200, %add3A_225 : i32
        "tpu.region"() ({
          %run_scoped3A_237 = tpu.sem_alloc : memref<!tpu.dma_semaphore, #tpu.memory_space<semaphore_mem>>
          %dma_start3A_238 = arith.constant 0 : i32
          %dma_start3A_239 = tpu.memref_slice %arg11[%add3A_226, %dma_start3A_238] : memref<40x128xi32, #tpu.memory_space<vmem>> -> memref<1x128xi32, #tpu.memory_space<vmem>>
          %dma_start3A_240 = tpu.memref_squeeze %dma_start3A_239 : memref<1x128xi32, #tpu.memory_space<vmem>> -> memref<128xi32, #tpu.memory_space<vmem>>
          %dma_start3A_241 = arith.constant 0 : i32
          %dma_start3A_242 = arith.constant 0 : i32
          %dma_start3A_243 = tpu.memref_slice %arg14[%dma_start3A_241, %dma_start3A_242] : memref<10240x128xf32, #tpu.memory_space<vmem_shared>> -> memref<10240x128xf32, #tpu.memory_space<vmem_shared>>
          tpu.enqueue_indirect_dma source(%arg13 : memref<128x128xf32, #tpu.memory_space<vmem>>) target(%dma_start3A_243 : memref<10240x128xf32, #tpu.memory_space<vmem_shared>>) offsets(%dma_start3A_240 : memref<128xi32, #tpu.memory_space<vmem>>) semaphore(%run_scoped3A_237 : memref<!tpu.dma_semaphore, #tpu.memory_space<semaphore_mem>>) {add = true}
          %dma_wait3A_244 = arith.constant 0 : i32
          %dma_wait3A_245 = tpu.memref_slice %arg11[%add3A_226, %dma_wait3A_244] : memref<40x128xi32, #tpu.memory_space<vmem>> -> memref<1x128xi32, #tpu.memory_space<vmem>>
          %dma_wait3A_246 = tpu.memref_squeeze %dma_wait3A_245 : memref<1x128xi32, #tpu.memory_space<vmem>> -> memref<128xi32, #tpu.memory_space<vmem>>
          %dma_wait3A_247 = arith.constant 0 : i32
          %dma_wait3A_248 = arith.constant 0 : i32
          %dma_wait3A_249 = tpu.memref_slice %arg14[%dma_wait3A_247, %dma_wait3A_248] : memref<10240x128xf32, #tpu.memory_space<vmem_shared>> -> memref<10240x128xf32, #tpu.memory_space<vmem_shared>>
          tpu.wait_indirect_dma semaphore(%run_scoped3A_237 : memref<!tpu.dma_semaphore, #tpu.memory_space<semaphore_mem>>) src(%arg13 : memref<128x128xf32, #tpu.memory_space<vmem>>) dst(%dma_wait3A_249 : memref<10240x128xf32, #tpu.memory_space<vmem_shared>>)
          tpu.yield
        }) : () -> ()
        %add3A_227 = arith.constant 1 : i32
        %add3A_228 = arith.addi %add3A_200, %add3A_227 : i32
        %add3A_229 = arith.constant 2 : i32
        %add3A_230 = arith.addi %add3A_228, %add3A_229 : i32
        %dma_start3A_231 = arith.constant 0 : i32
        %dma_start3A_232 = tpu.memref_slice %arg10[%add3A_230, %dma_start3A_231] : memref<40x128xi32, #tpu.memory_space<vmem>> -> memref<1x128xi32, #tpu.memory_space<vmem>>
        %dma_start3A_233 = tpu.memref_squeeze %dma_start3A_232 : memref<1x128xi32, #tpu.memory_space<vmem>> -> memref<128xi32, #tpu.memory_space<vmem>>
        %dma_start3A_234 = arith.constant 0 : i32
        %dma_start3A_235 = arith.constant 0 : i32
        %dma_start3A_236 = tpu.memref_slice %arg2[%dma_start3A_234, %dma_start3A_235] : memref<10240x128xf32, #tpu.memory_space<hbm>> -> memref<10240x128xf32, #tpu.memory_space<hbm>>
        tpu.enqueue_indirect_dma source(%dma_start3A_236 : memref<10240x128xf32, #tpu.memory_space<hbm>>) target(%arg13 : memref<128x128xf32, #tpu.memory_space<vmem>>) offsets(%dma_start3A_233 : memref<128xi32, #tpu.memory_space<vmem>>) semaphore(%arg16 : memref<!tpu.dma_semaphore, #tpu.memory_space<semaphore_mem>>)
      }
      %scan3A_140 = arith.constant 19 : i32
      %dma_wait3A_141 = arith.constant 0 : i32
      %dma_wait3A_142 = arith.constant 0 : i32
      %dma_wait3A_143 = tpu.memref_slice %arg2[%dma_wait3A_141, %dma_wait3A_142] : memref<10240x128xf32, #tpu.memory_space<hbm>> -> memref<128x128xf32, #tpu.memory_space<hbm>>
      %dma_wait3A_144 = arith.constant 0 : i32
      %dma_wait3A_145 = arith.constant 0 : i32
      %dma_wait3A_146 = tpu.memref_slice %arg2[%dma_wait3A_144, %dma_wait3A_145] : memref<10240x128xf32, #tpu.memory_space<hbm>> -> memref<128x128xf32, #tpu.memory_space<hbm>>
      tpu.wait_dma2 semaphore(%arg15 : memref<!tpu.dma_semaphore, #tpu.memory_space<semaphore_mem>>) src(%dma_wait3A_146 : memref<128x128xf32, #tpu.memory_space<hbm>>) dst(%arg12 : memref<128x128xf32, #tpu.memory_space<vmem>>)
      %run_scoped3A_147 = arith.constant 38 : i32
      "tpu.region"() ({
        %run_scoped3A_196 = tpu.sem_alloc : memref<!tpu.dma_semaphore, #tpu.memory_space<semaphore_mem>>
        %dma_start3A_197 = arith.constant 0 : i32
        %dma_start3A_198 = tpu.memref_slice %arg11[%run_scoped3A_147, %dma_start3A_197] : memref<40x128xi32, #tpu.memory_space<vmem>> -> memref<1x128xi32, #tpu.memory_space<vmem>>
        %dma_start3A_199 = tpu.memref_squeeze %dma_start3A_198 : memref<1x128xi32, #tpu.memory_space<vmem>> -> memref<128xi32, #tpu.memory_space<vmem>>
        %dma_start3A_200 = arith.constant 0 : i32
        %dma_start3A_201 = arith.constant 0 : i32
        %dma_start3A_202 = tpu.memref_slice %arg14[%dma_start3A_200, %dma_start3A_201] : memref<10240x128xf32, #tpu.memory_space<vmem_shared>> -> memref<10240x128xf32, #tpu.memory_space<vmem_shared>>
        tpu.enqueue_indirect_dma source(%arg12 : memref<128x128xf32, #tpu.memory_space<vmem>>) target(%dma_start3A_202 : memref<10240x128xf32, #tpu.memory_space<vmem_shared>>) offsets(%dma_start3A_199 : memref<128xi32, #tpu.memory_space<vmem>>) semaphore(%run_scoped3A_196 : memref<!tpu.dma_semaphore, #tpu.memory_space<semaphore_mem>>) {add = true}
        %dma_wait3A_203 = arith.constant 0 : i32
        %dma_wait3A_204 = tpu.memref_slice %arg11[%run_scoped3A_147, %dma_wait3A_203] : memref<40x128xi32, #tpu.memory_space<vmem>> -> memref<1x128xi32, #tpu.memory_space<vmem>>
        %dma_wait3A_205 = tpu.memref_squeeze %dma_wait3A_204 : memref<1x128xi32, #tpu.memory_space<vmem>> -> memref<128xi32, #tpu.memory_space<vmem>>
        %dma_wait3A_206 = arith.constant 0 : i32
        %dma_wait3A_207 = arith.constant 0 : i32
        %dma_wait3A_208 = tpu.memref_slice %arg14[%dma_wait3A_206, %dma_wait3A_207] : memref<10240x128xf32, #tpu.memory_space<vmem_shared>> -> memref<10240x128xf32, #tpu.memory_space<vmem_shared>>
        tpu.wait_indirect_dma semaphore(%run_scoped3A_196 : memref<!tpu.dma_semaphore, #tpu.memory_space<semaphore_mem>>) src(%arg12 : memref<128x128xf32, #tpu.memory_space<vmem>>) dst(%dma_wait3A_208 : memref<10240x128xf32, #tpu.memory_space<vmem_shared>>)
        tpu.yield
      }) : () -> ()
      %dma_wait3A_148 = arith.constant 0 : i32
      %dma_wait3A_149 = arith.constant 0 : i32
      %dma_wait3A_150 = tpu.memref_slice %arg2[%dma_wait3A_148, %dma_wait3A_149] : memref<10240x128xf32, #tpu.memory_space<hbm>> -> memref<128x128xf32, #tpu.memory_space<hbm>>
      %dma_wait3A_151 = arith.constant 0 : i32
      %dma_wait3A_152 = arith.constant 0 : i32
      %dma_wait3A_153 = tpu.memref_slice %arg2[%dma_wait3A_151, %dma_wait3A_152] : memref<10240x128xf32, #tpu.memory_space<hbm>> -> memref<128x128xf32, #tpu.memory_space<hbm>>
      tpu.wait_dma2 semaphore(%arg16 : memref<!tpu.dma_semaphore, #tpu.memory_space<semaphore_mem>>) src(%dma_wait3A_153 : memref<128x128xf32, #tpu.memory_space<hbm>>) dst(%arg13 : memref<128x128xf32, #tpu.memory_space<vmem>>)
      %run_scoped3A_154 = arith.constant 39 : i32
      "tpu.region"() ({
        %run_scoped3A_196 = tpu.sem_alloc : memref<!tpu.dma_semaphore, #tpu.memory_space<semaphore_mem>>
        %dma_start3A_197 = arith.constant 0 : i32
        %dma_start3A_198 = tpu.memref_slice %arg11[%run_scoped3A_154, %dma_start3A_197] : memref<40x128xi32, #tpu.memory_space<vmem>> -> memref<1x128xi32, #tpu.memory_space<vmem>>
        %dma_start3A_199 = tpu.memref_squeeze %dma_start3A_198 : memref<1x128xi32, #tpu.memory_space<vmem>> -> memref<128xi32, #tpu.memory_space<vmem>>
        %dma_start3A_200 = arith.constant 0 : i32
        %dma_start3A_201 = arith.constant 0 : i32
        %dma_start3A_202 = tpu.memref_slice %arg14[%dma_start3A_200, %dma_start3A_201] : memref<10240x128xf32, #tpu.memory_space<vmem_shared>> -> memref<10240x128xf32, #tpu.memory_space<vmem_shared>>
        tpu.enqueue_indirect_dma source(%arg13 : memref<128x128xf32, #tpu.memory_space<vmem>>) target(%dma_start3A_202 : memref<10240x128xf32, #tpu.memory_space<vmem_shared>>) offsets(%dma_start3A_199 : memref<128xi32, #tpu.memory_space<vmem>>) semaphore(%run_scoped3A_196 : memref<!tpu.dma_semaphore, #tpu.memory_space<semaphore_mem>>) {add = true}
        %dma_wait3A_203 = arith.constant 0 : i32
        %dma_wait3A_204 = tpu.memref_slice %arg11[%run_scoped3A_154, %dma_wait3A_203] : memref<40x128xi32, #tpu.memory_space<vmem>> -> memref<1x128xi32, #tpu.memory_space<vmem>>
        %dma_wait3A_205 = tpu.memref_squeeze %dma_wait3A_204 : memref<1x128xi32, #tpu.memory_space<vmem>> -> memref<128xi32, #tpu.memory_space<vmem>>
        %dma_wait3A_206 = arith.constant 0 : i32
        %dma_wait3A_207 = arith.constant 0 : i32
        %dma_wait3A_208 = tpu.memref_slice %arg14[%dma_wait3A_206, %dma_wait3A_207] : memref<10240x128xf32, #tpu.memory_space<vmem_shared>> -> memref<10240x128xf32, #tpu.memory_space<vmem_shared>>
        tpu.wait_indirect_dma semaphore(%run_scoped3A_196 : memref<!tpu.dma_semaphore, #tpu.memory_space<semaphore_mem>>) src(%arg13 : memref<128x128xf32, #tpu.memory_space<vmem>>) dst(%dma_wait3A_208 : memref<10240x128xf32, #tpu.memory_space<vmem_shared>>)
        tpu.yield
      }) : () -> ()
      %mul3A_155 = arith.constant 160 : i32
      %mul3A_156 = arith.muli %arg1, %mul3A_155 : i32
      %add3A_157 = arith.constant 120 : i32
      %add3A_158 = arith.addi %mul3A_156, %add3A_157 : i32
      "tpu.region"() ({
        %run_scoped3A_196 = tpu.sem_alloc : memref<!tpu.dma_semaphore, #tpu.memory_space<semaphore_mem>>
        %dma_start3A_197 = arith.constant 0 : i32
        %dma_start3A_198 = tpu.memref_slice %arg4[%add3A_158, %dma_start3A_197] : memref<2560x128xi32, #tpu.memory_space<hbm>> -> memref<40x128xi32, #tpu.memory_space<hbm>>
        %dma_start3A_199 = arith.constant 0 : i32
        %dma_start3A_200 = tpu.memref_slice %arg4[%add3A_158, %dma_start3A_199] : memref<2560x128xi32, #tpu.memory_space<hbm>> -> memref<40x128xi32, #tpu.memory_space<hbm>>
        tpu.enqueue_dma source(%dma_start3A_200 : memref<40x128xi32, #tpu.memory_space<hbm>>) target(%arg10 : memref<40x128xi32, #tpu.memory_space<vmem>>) target_semaphore(%run_scoped3A_196 : memref<!tpu.dma_semaphore, #tpu.memory_space<semaphore_mem>>)
        %dma_wait3A_201 = arith.constant 0 : i32
        %dma_wait3A_202 = tpu.memref_slice %arg4[%add3A_158, %dma_wait3A_201] : memref<2560x128xi32, #tpu.memory_space<hbm>> -> memref<40x128xi32, #tpu.memory_space<hbm>>
        %dma_wait3A_203 = arith.constant 0 : i32
        %dma_wait3A_204 = tpu.memref_slice %arg4[%add3A_158, %dma_wait3A_203] : memref<2560x128xi32, #tpu.memory_space<hbm>> -> memref<40x128xi32, #tpu.memory_space<hbm>>
        tpu.wait_dma2 semaphore(%run_scoped3A_196 : memref<!tpu.dma_semaphore, #tpu.memory_space<semaphore_mem>>) src(%dma_wait3A_204 : memref<40x128xi32, #tpu.memory_space<hbm>>) dst(%arg10 : memref<40x128xi32, #tpu.memory_space<vmem>>)
        tpu.yield
      }) : () -> ()
      %mul3A_159 = arith.constant 160 : i32
      %mul3A_160 = arith.muli %arg1, %mul3A_159 : i32
      %add3A_161 = arith.constant 120 : i32
      %add3A_162 = arith.addi %mul3A_160, %add3A_161 : i32
      "tpu.region"() ({
        %run_scoped3A_196 = tpu.sem_alloc : memref<!tpu.dma_semaphore, #tpu.memory_space<semaphore_mem>>
        %dma_start3A_197 = arith.constant 0 : i32
        %dma_start3A_198 = tpu.memref_slice %arg5[%add3A_162, %dma_start3A_197] : memref<2560x128xi32, #tpu.memory_space<hbm>> -> memref<40x128xi32, #tpu.memory_space<hbm>>
        %dma_start3A_199 = arith.constant 0 : i32
        %dma_start3A_200 = tpu.memref_slice %arg5[%add3A_162, %dma_start3A_199] : memref<2560x128xi32, #tpu.memory_space<hbm>> -> memref<40x128xi32, #tpu.memory_space<hbm>>
        tpu.enqueue_dma source(%dma_start3A_200 : memref<40x128xi32, #tpu.memory_space<hbm>>) target(%arg11 : memref<40x128xi32, #tpu.memory_space<vmem>>) target_semaphore(%run_scoped3A_196 : memref<!tpu.dma_semaphore, #tpu.memory_space<semaphore_mem>>)
        %dma_wait3A_201 = arith.constant 0 : i32
        %dma_wait3A_202 = tpu.memref_slice %arg5[%add3A_162, %dma_wait3A_201] : memref<2560x128xi32, #tpu.memory_space<hbm>> -> memref<40x128xi32, #tpu.memory_space<hbm>>
        %dma_wait3A_203 = arith.constant 0 : i32
        %dma_wait3A_204 = tpu.memref_slice %arg5[%add3A_162, %dma_wait3A_203] : memref<2560x128xi32, #tpu.memory_space<hbm>> -> memref<40x128xi32, #tpu.memory_space<hbm>>
        tpu.wait_dma2 semaphore(%run_scoped3A_196 : memref<!tpu.dma_semaphore, #tpu.memory_space<semaphore_mem>>) src(%dma_wait3A_204 : memref<40x128xi32, #tpu.memory_space<hbm>>) dst(%arg11 : memref<40x128xi32, #tpu.memory_space<vmem>>)
        tpu.yield
      }) : () -> ()
      %dma_start3A_163 = arith.constant 0 : i32
      %dma_start3A_164 = arith.constant 0 : i32
      %dma_start3A_165 = tpu.memref_slice %arg10[%dma_start3A_163, %dma_start3A_164] : memref<40x128xi32, #tpu.memory_space<vmem>> -> memref<1x128xi32, #tpu.memory_space<vmem>>
      %dma_start3A_166 = tpu.memref_squeeze %dma_start3A_165 : memref<1x128xi32, #tpu.memory_space<vmem>> -> memref<128xi32, #tpu.memory_space<vmem>>
      %dma_start3A_167 = arith.constant 0 : i32
      %dma_start3A_168 = arith.constant 0 : i32
      %dma_start3A_169 = tpu.memref_slice %arg2[%dma_start3A_167, %dma_start3A_168] : memref<10240x128xf32, #tpu.memory_space<hbm>> -> memref<10240x128xf32, #tpu.memory_space<hbm>>
      tpu.enqueue_indirect_dma source(%dma_start3A_169 : memref<10240x128xf32, #tpu.memory_space<hbm>>) target(%arg12 : memref<128x128xf32, #tpu.memory_space<vmem>>) offsets(%dma_start3A_166 : memref<128xi32, #tpu.memory_space<vmem>>) semaphore(%arg15 : memref<!tpu.dma_semaphore, #tpu.memory_space<semaphore_mem>>)
      %dma_start3A_170 = arith.constant 1 : i32
      %dma_start3A_171 = arith.constant 0 : i32
      %dma_start3A_172 = tpu.memref_slice %arg10[%dma_start3A_170, %dma_start3A_171] : memref<40x128xi32, #tpu.memory_space<vmem>> -> memref<1x128xi32, #tpu.memory_space<vmem>>
      %dma_start3A_173 = tpu.memref_squeeze %dma_start3A_172 : memref<1x128xi32, #tpu.memory_space<vmem>> -> memref<128xi32, #tpu.memory_space<vmem>>
      %dma_start3A_174 = arith.constant 0 : i32
      %dma_start3A_175 = arith.constant 0 : i32
      %dma_start3A_176 = tpu.memref_slice %arg2[%dma_start3A_174, %dma_start3A_175] : memref<10240x128xf32, #tpu.memory_space<hbm>> -> memref<10240x128xf32, #tpu.memory_space<hbm>>
      tpu.enqueue_indirect_dma source(%dma_start3A_176 : memref<10240x128xf32, #tpu.memory_space<hbm>>) target(%arg13 : memref<128x128xf32, #tpu.memory_space<vmem>>) offsets(%dma_start3A_173 : memref<128xi32, #tpu.memory_space<vmem>>) semaphore(%arg16 : memref<!tpu.dma_semaphore, #tpu.memory_space<semaphore_mem>>)
      %scan3A_177 = arith.constant 0 : i32
      %scan3A_178 = arith.constant 19 : i32
      %scan3A_179 = arith.addi %scan3A_177, %scan3A_178 : i32
      %scan3A_180 = arith.constant 1 : i32
      scf.for %scan3A_196 = %scan3A_177 to %scan3A_179 step %scan3A_180  : i32 {
        %mul3A_197 = arith.constant 2 : i32
        %mul3A_198 = arith.muli %scan3A_196, %mul3A_197 : i32
        %add3A_199 = arith.constant 0 : i32
        %add3A_200 = arith.addi %add3A_199, %mul3A_198 : i32
        %dma_wait3A_201 = arith.constant 0 : i32
        %dma_wait3A_202 = arith.constant 0 : i32
        %dma_wait3A_203 = tpu.memref_slice %arg2[%dma_wait3A_201, %dma_wait3A_202] : memref<10240x128xf32, #tpu.memory_space<hbm>> -> memref<128x128xf32, #tpu.memory_space<hbm>>
        %dma_wait3A_204 = arith.constant 0 : i32
        %dma_wait3A_205 = arith.constant 0 : i32
        %dma_wait3A_206 = tpu.memref_slice %arg2[%dma_wait3A_204, %dma_wait3A_205] : memref<10240x128xf32, #tpu.memory_space<hbm>> -> memref<128x128xf32, #tpu.memory_space<hbm>>
        tpu.wait_dma2 semaphore(%arg15 : memref<!tpu.dma_semaphore, #tpu.memory_space<semaphore_mem>>) src(%dma_wait3A_206 : memref<128x128xf32, #tpu.memory_space<hbm>>) dst(%arg12 : memref<128x128xf32, #tpu.memory_space<vmem>>)
        %add3A_207 = arith.constant 0 : i32
        %add3A_208 = arith.addi %add3A_200, %add3A_207 : i32
        "tpu.region"() ({
          %run_scoped3A_237 = tpu.sem_alloc : memref<!tpu.dma_semaphore, #tpu.memory_space<semaphore_mem>>
          %dma_start3A_238 = arith.constant 0 : i32
          %dma_start3A_239 = tpu.memref_slice %arg11[%add3A_208, %dma_start3A_238] : memref<40x128xi32, #tpu.memory_space<vmem>> -> memref<1x128xi32, #tpu.memory_space<vmem>>
          %dma_start3A_240 = tpu.memref_squeeze %dma_start3A_239 : memref<1x128xi32, #tpu.memory_space<vmem>> -> memref<128xi32, #tpu.memory_space<vmem>>
          %dma_start3A_241 = arith.constant 0 : i32
          %dma_start3A_242 = arith.constant 0 : i32
          %dma_start3A_243 = tpu.memref_slice %arg14[%dma_start3A_241, %dma_start3A_242] : memref<10240x128xf32, #tpu.memory_space<vmem_shared>> -> memref<10240x128xf32, #tpu.memory_space<vmem_shared>>
          tpu.enqueue_indirect_dma source(%arg12 : memref<128x128xf32, #tpu.memory_space<vmem>>) target(%dma_start3A_243 : memref<10240x128xf32, #tpu.memory_space<vmem_shared>>) offsets(%dma_start3A_240 : memref<128xi32, #tpu.memory_space<vmem>>) semaphore(%run_scoped3A_237 : memref<!tpu.dma_semaphore, #tpu.memory_space<semaphore_mem>>) {add = true}
          %dma_wait3A_244 = arith.constant 0 : i32
          %dma_wait3A_245 = tpu.memref_slice %arg11[%add3A_208, %dma_wait3A_244] : memref<40x128xi32, #tpu.memory_space<vmem>> -> memref<1x128xi32, #tpu.memory_space<vmem>>
          %dma_wait3A_246 = tpu.memref_squeeze %dma_wait3A_245 : memref<1x128xi32, #tpu.memory_space<vmem>> -> memref<128xi32, #tpu.memory_space<vmem>>
          %dma_wait3A_247 = arith.constant 0 : i32
          %dma_wait3A_248 = arith.constant 0 : i32
          %dma_wait3A_249 = tpu.memref_slice %arg14[%dma_wait3A_247, %dma_wait3A_248] : memref<10240x128xf32, #tpu.memory_space<vmem_shared>> -> memref<10240x128xf32, #tpu.memory_space<vmem_shared>>
          tpu.wait_indirect_dma semaphore(%run_scoped3A_237 : memref<!tpu.dma_semaphore, #tpu.memory_space<semaphore_mem>>) src(%arg12 : memref<128x128xf32, #tpu.memory_space<vmem>>) dst(%dma_wait3A_249 : memref<10240x128xf32, #tpu.memory_space<vmem_shared>>)
          tpu.yield
        }) : () -> ()
        %add3A_209 = arith.constant 0 : i32
        %add3A_210 = arith.addi %add3A_200, %add3A_209 : i32
        %add3A_211 = arith.constant 2 : i32
        %add3A_212 = arith.addi %add3A_210, %add3A_211 : i32
        %dma_start3A_213 = arith.constant 0 : i32
        %dma_start3A_214 = tpu.memref_slice %arg10[%add3A_212, %dma_start3A_213] : memref<40x128xi32, #tpu.memory_space<vmem>> -> memref<1x128xi32, #tpu.memory_space<vmem>>
        %dma_start3A_215 = tpu.memref_squeeze %dma_start3A_214 : memref<1x128xi32, #tpu.memory_space<vmem>> -> memref<128xi32, #tpu.memory_space<vmem>>
        %dma_start3A_216 = arith.constant 0 : i32
        %dma_start3A_217 = arith.constant 0 : i32
        %dma_start3A_218 = tpu.memref_slice %arg2[%dma_start3A_216, %dma_start3A_217] : memref<10240x128xf32, #tpu.memory_space<hbm>> -> memref<10240x128xf32, #tpu.memory_space<hbm>>
        tpu.enqueue_indirect_dma source(%dma_start3A_218 : memref<10240x128xf32, #tpu.memory_space<hbm>>) target(%arg12 : memref<128x128xf32, #tpu.memory_space<vmem>>) offsets(%dma_start3A_215 : memref<128xi32, #tpu.memory_space<vmem>>) semaphore(%arg15 : memref<!tpu.dma_semaphore, #tpu.memory_space<semaphore_mem>>)
        %dma_wait3A_219 = arith.constant 0 : i32
        %dma_wait3A_220 = arith.constant 0 : i32
        %dma_wait3A_221 = tpu.memref_slice %arg2[%dma_wait3A_219, %dma_wait3A_220] : memref<10240x128xf32, #tpu.memory_space<hbm>> -> memref<128x128xf32, #tpu.memory_space<hbm>>
        %dma_wait3A_222 = arith.constant 0 : i32
        %dma_wait3A_223 = arith.constant 0 : i32
        %dma_wait3A_224 = tpu.memref_slice %arg2[%dma_wait3A_222, %dma_wait3A_223] : memref<10240x128xf32, #tpu.memory_space<hbm>> -> memref<128x128xf32, #tpu.memory_space<hbm>>
        tpu.wait_dma2 semaphore(%arg16 : memref<!tpu.dma_semaphore, #tpu.memory_space<semaphore_mem>>) src(%dma_wait3A_224 : memref<128x128xf32, #tpu.memory_space<hbm>>) dst(%arg13 : memref<128x128xf32, #tpu.memory_space<vmem>>)
        %add3A_225 = arith.constant 1 : i32
        %add3A_226 = arith.addi %add3A_200, %add3A_225 : i32
        "tpu.region"() ({
          %run_scoped3A_237 = tpu.sem_alloc : memref<!tpu.dma_semaphore, #tpu.memory_space<semaphore_mem>>
          %dma_start3A_238 = arith.constant 0 : i32
          %dma_start3A_239 = tpu.memref_slice %arg11[%add3A_226, %dma_start3A_238] : memref<40x128xi32, #tpu.memory_space<vmem>> -> memref<1x128xi32, #tpu.memory_space<vmem>>
          %dma_start3A_240 = tpu.memref_squeeze %dma_start3A_239 : memref<1x128xi32, #tpu.memory_space<vmem>> -> memref<128xi32, #tpu.memory_space<vmem>>
          %dma_start3A_241 = arith.constant 0 : i32
          %dma_start3A_242 = arith.constant 0 : i32
          %dma_start3A_243 = tpu.memref_slice %arg14[%dma_start3A_241, %dma_start3A_242] : memref<10240x128xf32, #tpu.memory_space<vmem_shared>> -> memref<10240x128xf32, #tpu.memory_space<vmem_shared>>
          tpu.enqueue_indirect_dma source(%arg13 : memref<128x128xf32, #tpu.memory_space<vmem>>) target(%dma_start3A_243 : memref<10240x128xf32, #tpu.memory_space<vmem_shared>>) offsets(%dma_start3A_240 : memref<128xi32, #tpu.memory_space<vmem>>) semaphore(%run_scoped3A_237 : memref<!tpu.dma_semaphore, #tpu.memory_space<semaphore_mem>>) {add = true}
          %dma_wait3A_244 = arith.constant 0 : i32
          %dma_wait3A_245 = tpu.memref_slice %arg11[%add3A_226, %dma_wait3A_244] : memref<40x128xi32, #tpu.memory_space<vmem>> -> memref<1x128xi32, #tpu.memory_space<vmem>>
          %dma_wait3A_246 = tpu.memref_squeeze %dma_wait3A_245 : memref<1x128xi32, #tpu.memory_space<vmem>> -> memref<128xi32, #tpu.memory_space<vmem>>
          %dma_wait3A_247 = arith.constant 0 : i32
          %dma_wait3A_248 = arith.constant 0 : i32
          %dma_wait3A_249 = tpu.memref_slice %arg14[%dma_wait3A_247, %dma_wait3A_248] : memref<10240x128xf32, #tpu.memory_space<vmem_shared>> -> memref<10240x128xf32, #tpu.memory_space<vmem_shared>>
          tpu.wait_indirect_dma semaphore(%run_scoped3A_237 : memref<!tpu.dma_semaphore, #tpu.memory_space<semaphore_mem>>) src(%arg13 : memref<128x128xf32, #tpu.memory_space<vmem>>) dst(%dma_wait3A_249 : memref<10240x128xf32, #tpu.memory_space<vmem_shared>>)
          tpu.yield
        }) : () -> ()
        %add3A_227 = arith.constant 1 : i32
        %add3A_228 = arith.addi %add3A_200, %add3A_227 : i32
        %add3A_229 = arith.constant 2 : i32
        %add3A_230 = arith.addi %add3A_228, %add3A_229 : i32
        %dma_start3A_231 = arith.constant 0 : i32
        %dma_start3A_232 = tpu.memref_slice %arg10[%add3A_230, %dma_start3A_231] : memref<40x128xi32, #tpu.memory_space<vmem>> -> memref<1x128xi32, #tpu.memory_space<vmem>>
        %dma_start3A_233 = tpu.memref_squeeze %dma_start3A_232 : memref<1x128xi32, #tpu.memory_space<vmem>> -> memref<128xi32, #tpu.memory_space<vmem>>
        %dma_start3A_234 = arith.constant 0 : i32
        %dma_start3A_235 = arith.constant 0 : i32
        %dma_start3A_236 = tpu.memref_slice %arg2[%dma_start3A_234, %dma_start3A_235] : memref<10240x128xf32, #tpu.memory_space<hbm>> -> memref<10240x128xf32, #tpu.memory_space<hbm>>
        tpu.enqueue_indirect_dma source(%dma_start3A_236 : memref<10240x128xf32, #tpu.memory_space<hbm>>) target(%arg13 : memref<128x128xf32, #tpu.memory_space<vmem>>) offsets(%dma_start3A_233 : memref<128xi32, #tpu.memory_space<vmem>>) semaphore(%arg16 : memref<!tpu.dma_semaphore, #tpu.memory_space<semaphore_mem>>)
      }
      %scan3A_181 = arith.constant 19 : i32
      %dma_wait3A_182 = arith.constant 0 : i32
      %dma_wait3A_183 = arith.constant 0 : i32
      %dma_wait3A_184 = tpu.memref_slice %arg2[%dma_wait3A_182, %dma_wait3A_183] : memref<10240x128xf32, #tpu.memory_space<hbm>> -> memref<128x128xf32, #tpu.memory_space<hbm>>
      %dma_wait3A_185 = arith.constant 0 : i32
      %dma_wait3A_186 = arith.constant 0 : i32
      %dma_wait3A_187 = tpu.memref_slice %arg2[%dma_wait3A_185, %dma_wait3A_186] : memref<10240x128xf32, #tpu.memory_space<hbm>> -> memref<128x128xf32, #tpu.memory_space<hbm>>
      tpu.wait_dma2 semaphore(%arg15 : memref<!tpu.dma_semaphore, #tpu.memory_space<semaphore_mem>>) src(%dma_wait3A_187 : memref<128x128xf32, #tpu.memory_space<hbm>>) dst(%arg12 : memref<128x128xf32, #tpu.memory_space<vmem>>)
      %run_scoped3A_188 = arith.constant 38 : i32
      "tpu.region"() ({
        %run_scoped3A_196 = tpu.sem_alloc : memref<!tpu.dma_semaphore, #tpu.memory_space<semaphore_mem>>
        %dma_start3A_197 = arith.constant 0 : i32
        %dma_start3A_198 = tpu.memref_slice %arg11[%run_scoped3A_188, %dma_start3A_197] : memref<40x128xi32, #tpu.memory_space<vmem>> -> memref<1x128xi32, #tpu.memory_space<vmem>>
        %dma_start3A_199 = tpu.memref_squeeze %dma_start3A_198 : memref<1x128xi32, #tpu.memory_space<vmem>> -> memref<128xi32, #tpu.memory_space<vmem>>
        %dma_start3A_200 = arith.constant 0 : i32
        %dma_start3A_201 = arith.constant 0 : i32
        %dma_start3A_202 = tpu.memref_slice %arg14[%dma_start3A_200, %dma_start3A_201] : memref<10240x128xf32, #tpu.memory_space<vmem_shared>> -> memref<10240x128xf32, #tpu.memory_space<vmem_shared>>
        tpu.enqueue_indirect_dma source(%arg12 : memref<128x128xf32, #tpu.memory_space<vmem>>) target(%dma_start3A_202 : memref<10240x128xf32, #tpu.memory_space<vmem_shared>>) offsets(%dma_start3A_199 : memref<128xi32, #tpu.memory_space<vmem>>) semaphore(%run_scoped3A_196 : memref<!tpu.dma_semaphore, #tpu.memory_space<semaphore_mem>>) {add = true}
        %dma_wait3A_203 = arith.constant 0 : i32
        %dma_wait3A_204 = tpu.memref_slice %arg11[%run_scoped3A_188, %dma_wait3A_203] : memref<40x128xi32, #tpu.memory_space<vmem>> -> memref<1x128xi32, #tpu.memory_space<vmem>>
        %dma_wait3A_205 = tpu.memref_squeeze %dma_wait3A_204 : memref<1x128xi32, #tpu.memory_space<vmem>> -> memref<128xi32, #tpu.memory_space<vmem>>
        %dma_wait3A_206 = arith.constant 0 : i32
        %dma_wait3A_207 = arith.constant 0 : i32
        %dma_wait3A_208 = tpu.memref_slice %arg14[%dma_wait3A_206, %dma_wait3A_207] : memref<10240x128xf32, #tpu.memory_space<vmem_shared>> -> memref<10240x128xf32, #tpu.memory_space<vmem_shared>>
        tpu.wait_indirect_dma semaphore(%run_scoped3A_196 : memref<!tpu.dma_semaphore, #tpu.memory_space<semaphore_mem>>) src(%arg12 : memref<128x128xf32, #tpu.memory_space<vmem>>) dst(%dma_wait3A_208 : memref<10240x128xf32, #tpu.memory_space<vmem_shared>>)
        tpu.yield
      }) : () -> ()
      %dma_wait3A_189 = arith.constant 0 : i32
      %dma_wait3A_190 = arith.constant 0 : i32
      %dma_wait3A_191 = tpu.memref_slice %arg2[%dma_wait3A_189, %dma_wait3A_190] : memref<10240x128xf32, #tpu.memory_space<hbm>> -> memref<128x128xf32, #tpu.memory_space<hbm>>
      %dma_wait3A_192 = arith.constant 0 : i32
      %dma_wait3A_193 = arith.constant 0 : i32
      %dma_wait3A_194 = tpu.memref_slice %arg2[%dma_wait3A_192, %dma_wait3A_193] : memref<10240x128xf32, #tpu.memory_space<hbm>> -> memref<128x128xf32, #tpu.memory_space<hbm>>
      tpu.wait_dma2 semaphore(%arg16 : memref<!tpu.dma_semaphore, #tpu.memory_space<semaphore_mem>>) src(%dma_wait3A_194 : memref<128x128xf32, #tpu.memory_space<hbm>>) dst(%arg13 : memref<128x128xf32, #tpu.memory_space<vmem>>)
      %run_scoped3A_195 = arith.constant 39 : i32
      "tpu.region"() ({
        %run_scoped3A_196 = tpu.sem_alloc : memref<!tpu.dma_semaphore, #tpu.memory_space<semaphore_mem>>
        %dma_start3A_197 = arith.constant 0 : i32
        %dma_start3A_198 = tpu.memref_slice %arg11[%run_scoped3A_195, %dma_start3A_197] : memref<40x128xi32, #tpu.memory_space<vmem>> -> memref<1x128xi32, #tpu.memory_space<vmem>>
        %dma_start3A_199 = tpu.memref_squeeze %dma_start3A_198 : memref<1x128xi32, #tpu.memory_space<vmem>> -> memref<128xi32, #tpu.memory_space<vmem>>
        %dma_start3A_200 = arith.constant 0 : i32
        %dma_start3A_201 = arith.constant 0 : i32
        %dma_start3A_202 = tpu.memref_slice %arg14[%dma_start3A_200, %dma_start3A_201] : memref<10240x128xf32, #tpu.memory_space<vmem_shared>> -> memref<10240x128xf32, #tpu.memory_space<vmem_shared>>
        tpu.enqueue_indirect_dma source(%arg13 : memref<128x128xf32, #tpu.memory_space<vmem>>) target(%dma_start3A_202 : memref<10240x128xf32, #tpu.memory_space<vmem_shared>>) offsets(%dma_start3A_199 : memref<128xi32, #tpu.memory_space<vmem>>) semaphore(%run_scoped3A_196 : memref<!tpu.dma_semaphore, #tpu.memory_space<semaphore_mem>>) {add = true}
        %dma_wait3A_203 = arith.constant 0 : i32
        %dma_wait3A_204 = tpu.memref_slice %arg11[%run_scoped3A_195, %dma_wait3A_203] : memref<40x128xi32, #tpu.memory_space<vmem>> -> memref<1x128xi32, #tpu.memory_space<vmem>>
        %dma_wait3A_205 = tpu.memref_squeeze %dma_wait3A_204 : memref<1x128xi32, #tpu.memory_space<vmem>> -> memref<128xi32, #tpu.memory_space<vmem>>
        %dma_wait3A_206 = arith.constant 0 : i32
        %dma_wait3A_207 = arith.constant 0 : i32
        %dma_wait3A_208 = tpu.memref_slice %arg14[%dma_wait3A_206, %dma_wait3A_207] : memref<10240x128xf32, #tpu.memory_space<vmem_shared>> -> memref<10240x128xf32, #tpu.memory_space<vmem_shared>>
        tpu.wait_indirect_dma semaphore(%run_scoped3A_196 : memref<!tpu.dma_semaphore, #tpu.memory_space<semaphore_mem>>) src(%arg13 : memref<128x128xf32, #tpu.memory_space<vmem>>) dst(%dma_wait3A_208 : memref<10240x128xf32, #tpu.memory_space<vmem_shared>>)
        tpu.yield
      }) : () -> ()
    } else {
    }
    %eq3A_20 = arith.constant 1 : i32
    %eq3A_21 = arith.cmpi eq, %arg0, %eq3A_20 : i32
    %convert_element_type3A_22 = arith.extui %eq3A_21 : i1 to i32
    %cond3A_23 = arith.constant 0 : i32
    %cond3A_24 = arith.cmpi ne, %convert_element_type3A_22, %cond3A_23 : i32
    scf.if %cond3A_24 {
      %mul3A_36 = arith.constant 160 : i32
      %mul3A_37 = arith.muli %arg1, %mul3A_36 : i32
      %add3A_38 = arith.constant 0 : i32
      %add3A_39 = arith.addi %mul3A_37, %add3A_38 : i32
      "tpu.region"() ({
        %run_scoped3A_196 = tpu.sem_alloc : memref<!tpu.dma_semaphore, #tpu.memory_space<semaphore_mem>>
        %dma_start3A_197 = arith.constant 0 : i32
        %dma_start3A_198 = tpu.memref_slice %arg6[%add3A_39, %dma_start3A_197] : memref<2560x128xi32, #tpu.memory_space<hbm>> -> memref<40x128xi32, #tpu.memory_space<hbm>>
        %dma_start3A_199 = arith.constant 0 : i32
        %dma_start3A_200 = tpu.memref_slice %arg6[%add3A_39, %dma_start3A_199] : memref<2560x128xi32, #tpu.memory_space<hbm>> -> memref<40x128xi32, #tpu.memory_space<hbm>>
        tpu.enqueue_dma source(%dma_start3A_200 : memref<40x128xi32, #tpu.memory_space<hbm>>) target(%arg10 : memref<40x128xi32, #tpu.memory_space<vmem>>) target_semaphore(%run_scoped3A_196 : memref<!tpu.dma_semaphore, #tpu.memory_space<semaphore_mem>>)
        %dma_wait3A_201 = arith.constant 0 : i32
        %dma_wait3A_202 = tpu.memref_slice %arg6[%add3A_39, %dma_wait3A_201] : memref<2560x128xi32, #tpu.memory_space<hbm>> -> memref<40x128xi32, #tpu.memory_space<hbm>>
        %dma_wait3A_203 = arith.constant 0 : i32
        %dma_wait3A_204 = tpu.memref_slice %arg6[%add3A_39, %dma_wait3A_203] : memref<2560x128xi32, #tpu.memory_space<hbm>> -> memref<40x128xi32, #tpu.memory_space<hbm>>
        tpu.wait_dma2 semaphore(%run_scoped3A_196 : memref<!tpu.dma_semaphore, #tpu.memory_space<semaphore_mem>>) src(%dma_wait3A_204 : memref<40x128xi32, #tpu.memory_space<hbm>>) dst(%arg10 : memref<40x128xi32, #tpu.memory_space<vmem>>)
        tpu.yield
      }) : () -> ()
      %mul3A_40 = arith.constant 160 : i32
      %mul3A_41 = arith.muli %arg1, %mul3A_40 : i32
      %add3A_42 = arith.constant 0 : i32
      %add3A_43 = arith.addi %mul3A_41, %add3A_42 : i32
      "tpu.region"() ({
        %run_scoped3A_196 = tpu.sem_alloc : memref<!tpu.dma_semaphore, #tpu.memory_space<semaphore_mem>>
        %dma_start3A_197 = arith.constant 0 : i32
        %dma_start3A_198 = tpu.memref_slice %arg7[%add3A_43, %dma_start3A_197] : memref<2560x128xi32, #tpu.memory_space<hbm>> -> memref<40x128xi32, #tpu.memory_space<hbm>>
        %dma_start3A_199 = arith.constant 0 : i32
        %dma_start3A_200 = tpu.memref_slice %arg7[%add3A_43, %dma_start3A_199] : memref<2560x128xi32, #tpu.memory_space<hbm>> -> memref<40x128xi32, #tpu.memory_space<hbm>>
        tpu.enqueue_dma source(%dma_start3A_200 : memref<40x128xi32, #tpu.memory_space<hbm>>) target(%arg11 : memref<40x128xi32, #tpu.memory_space<vmem>>) target_semaphore(%run_scoped3A_196 : memref<!tpu.dma_semaphore, #tpu.memory_space<semaphore_mem>>)
        %dma_wait3A_201 = arith.constant 0 : i32
        %dma_wait3A_202 = tpu.memref_slice %arg7[%add3A_43, %dma_wait3A_201] : memref<2560x128xi32, #tpu.memory_space<hbm>> -> memref<40x128xi32, #tpu.memory_space<hbm>>
        %dma_wait3A_203 = arith.constant 0 : i32
        %dma_wait3A_204 = tpu.memref_slice %arg7[%add3A_43, %dma_wait3A_203] : memref<2560x128xi32, #tpu.memory_space<hbm>> -> memref<40x128xi32, #tpu.memory_space<hbm>>
        tpu.wait_dma2 semaphore(%run_scoped3A_196 : memref<!tpu.dma_semaphore, #tpu.memory_space<semaphore_mem>>) src(%dma_wait3A_204 : memref<40x128xi32, #tpu.memory_space<hbm>>) dst(%arg11 : memref<40x128xi32, #tpu.memory_space<vmem>>)
        tpu.yield
      }) : () -> ()
      %dma_start3A = arith.constant 0 : i32
      %dma_start3A_44 = arith.constant 0 : i32
      %dma_start3A_45 = tpu.memref_slice %arg10[%dma_start3A, %dma_start3A_44] : memref<40x128xi32, #tpu.memory_space<vmem>> -> memref<1x128xi32, #tpu.memory_space<vmem>>
      %dma_start3A_46 = tpu.memref_squeeze %dma_start3A_45 : memref<1x128xi32, #tpu.memory_space<vmem>> -> memref<128xi32, #tpu.memory_space<vmem>>
      %dma_start3A_47 = arith.constant 0 : i32
      %dma_start3A_48 = arith.constant 0 : i32
      %dma_start3A_49 = tpu.memref_slice %arg3[%dma_start3A_47, %dma_start3A_48] : memref<10240x128xf32, #tpu.memory_space<hbm>> -> memref<10240x128xf32, #tpu.memory_space<hbm>>
      tpu.enqueue_indirect_dma source(%dma_start3A_49 : memref<10240x128xf32, #tpu.memory_space<hbm>>) target(%arg12 : memref<128x128xf32, #tpu.memory_space<vmem>>) offsets(%dma_start3A_46 : memref<128xi32, #tpu.memory_space<vmem>>) semaphore(%arg15 : memref<!tpu.dma_semaphore, #tpu.memory_space<semaphore_mem>>)
      %dma_start3A_50 = arith.constant 1 : i32
      %dma_start3A_51 = arith.constant 0 : i32
      %dma_start3A_52 = tpu.memref_slice %arg10[%dma_start3A_50, %dma_start3A_51] : memref<40x128xi32, #tpu.memory_space<vmem>> -> memref<1x128xi32, #tpu.memory_space<vmem>>
      %dma_start3A_53 = tpu.memref_squeeze %dma_start3A_52 : memref<1x128xi32, #tpu.memory_space<vmem>> -> memref<128xi32, #tpu.memory_space<vmem>>
      %dma_start3A_54 = arith.constant 0 : i32
      %dma_start3A_55 = arith.constant 0 : i32
      %dma_start3A_56 = tpu.memref_slice %arg3[%dma_start3A_54, %dma_start3A_55] : memref<10240x128xf32, #tpu.memory_space<hbm>> -> memref<10240x128xf32, #tpu.memory_space<hbm>>
      tpu.enqueue_indirect_dma source(%dma_start3A_56 : memref<10240x128xf32, #tpu.memory_space<hbm>>) target(%arg13 : memref<128x128xf32, #tpu.memory_space<vmem>>) offsets(%dma_start3A_53 : memref<128xi32, #tpu.memory_space<vmem>>) semaphore(%arg16 : memref<!tpu.dma_semaphore, #tpu.memory_space<semaphore_mem>>)
      %scan3A = arith.constant 0 : i32
      %scan3A_57 = arith.constant 19 : i32
      %scan3A_58 = arith.addi %scan3A, %scan3A_57 : i32
      %scan3A_59 = arith.constant 1 : i32
      scf.for %scan3A_196 = %scan3A to %scan3A_58 step %scan3A_59  : i32 {
        %mul3A_197 = arith.constant 2 : i32
        %mul3A_198 = arith.muli %scan3A_196, %mul3A_197 : i32
        %add3A_199 = arith.constant 0 : i32
        %add3A_200 = arith.addi %add3A_199, %mul3A_198 : i32
        %dma_wait3A_201 = arith.constant 0 : i32
        %dma_wait3A_202 = arith.constant 0 : i32
        %dma_wait3A_203 = tpu.memref_slice %arg3[%dma_wait3A_201, %dma_wait3A_202] : memref<10240x128xf32, #tpu.memory_space<hbm>> -> memref<128x128xf32, #tpu.memory_space<hbm>>
        %dma_wait3A_204 = arith.constant 0 : i32
        %dma_wait3A_205 = arith.constant 0 : i32
        %dma_wait3A_206 = tpu.memref_slice %arg3[%dma_wait3A_204, %dma_wait3A_205] : memref<10240x128xf32, #tpu.memory_space<hbm>> -> memref<128x128xf32, #tpu.memory_space<hbm>>
        tpu.wait_dma2 semaphore(%arg15 : memref<!tpu.dma_semaphore, #tpu.memory_space<semaphore_mem>>) src(%dma_wait3A_206 : memref<128x128xf32, #tpu.memory_space<hbm>>) dst(%arg12 : memref<128x128xf32, #tpu.memory_space<vmem>>)
        %add3A_207 = arith.constant 0 : i32
        %add3A_208 = arith.addi %add3A_200, %add3A_207 : i32
        "tpu.region"() ({
          %run_scoped3A_237 = tpu.sem_alloc : memref<!tpu.dma_semaphore, #tpu.memory_space<semaphore_mem>>
          %dma_start3A_238 = arith.constant 0 : i32
          %dma_start3A_239 = tpu.memref_slice %arg11[%add3A_208, %dma_start3A_238] : memref<40x128xi32, #tpu.memory_space<vmem>> -> memref<1x128xi32, #tpu.memory_space<vmem>>
          %dma_start3A_240 = tpu.memref_squeeze %dma_start3A_239 : memref<1x128xi32, #tpu.memory_space<vmem>> -> memref<128xi32, #tpu.memory_space<vmem>>
          %dma_start3A_241 = arith.constant 0 : i32
          %dma_start3A_242 = arith.constant 0 : i32
          %dma_start3A_243 = tpu.memref_slice %arg14[%dma_start3A_241, %dma_start3A_242] : memref<10240x128xf32, #tpu.memory_space<vmem_shared>> -> memref<10240x128xf32, #tpu.memory_space<vmem_shared>>
          tpu.enqueue_indirect_dma source(%arg12 : memref<128x128xf32, #tpu.memory_space<vmem>>) target(%dma_start3A_243 : memref<10240x128xf32, #tpu.memory_space<vmem_shared>>) offsets(%dma_start3A_240 : memref<128xi32, #tpu.memory_space<vmem>>) semaphore(%run_scoped3A_237 : memref<!tpu.dma_semaphore, #tpu.memory_space<semaphore_mem>>) {add = true}
          %dma_wait3A_244 = arith.constant 0 : i32
          %dma_wait3A_245 = tpu.memref_slice %arg11[%add3A_208, %dma_wait3A_244] : memref<40x128xi32, #tpu.memory_space<vmem>> -> memref<1x128xi32, #tpu.memory_space<vmem>>
          %dma_wait3A_246 = tpu.memref_squeeze %dma_wait3A_245 : memref<1x128xi32, #tpu.memory_space<vmem>> -> memref<128xi32, #tpu.memory_space<vmem>>
          %dma_wait3A_247 = arith.constant 0 : i32
          %dma_wait3A_248 = arith.constant 0 : i32
          %dma_wait3A_249 = tpu.memref_slice %arg14[%dma_wait3A_247, %dma_wait3A_248] : memref<10240x128xf32, #tpu.memory_space<vmem_shared>> -> memref<10240x128xf32, #tpu.memory_space<vmem_shared>>
          tpu.wait_indirect_dma semaphore(%run_scoped3A_237 : memref<!tpu.dma_semaphore, #tpu.memory_space<semaphore_mem>>) src(%arg12 : memref<128x128xf32, #tpu.memory_space<vmem>>) dst(%dma_wait3A_249 : memref<10240x128xf32, #tpu.memory_space<vmem_shared>>)
          tpu.yield
        }) : () -> ()
        %add3A_209 = arith.constant 0 : i32
        %add3A_210 = arith.addi %add3A_200, %add3A_209 : i32
        %add3A_211 = arith.constant 2 : i32
        %add3A_212 = arith.addi %add3A_210, %add3A_211 : i32
        %dma_start3A_213 = arith.constant 0 : i32
        %dma_start3A_214 = tpu.memref_slice %arg10[%add3A_212, %dma_start3A_213] : memref<40x128xi32, #tpu.memory_space<vmem>> -> memref<1x128xi32, #tpu.memory_space<vmem>>
        %dma_start3A_215 = tpu.memref_squeeze %dma_start3A_214 : memref<1x128xi32, #tpu.memory_space<vmem>> -> memref<128xi32, #tpu.memory_space<vmem>>
        %dma_start3A_216 = arith.constant 0 : i32
        %dma_start3A_217 = arith.constant 0 : i32
        %dma_start3A_218 = tpu.memref_slice %arg3[%dma_start3A_216, %dma_start3A_217] : memref<10240x128xf32, #tpu.memory_space<hbm>> -> memref<10240x128xf32, #tpu.memory_space<hbm>>
        tpu.enqueue_indirect_dma source(%dma_start3A_218 : memref<10240x128xf32, #tpu.memory_space<hbm>>) target(%arg12 : memref<128x128xf32, #tpu.memory_space<vmem>>) offsets(%dma_start3A_215 : memref<128xi32, #tpu.memory_space<vmem>>) semaphore(%arg15 : memref<!tpu.dma_semaphore, #tpu.memory_space<semaphore_mem>>)
        %dma_wait3A_219 = arith.constant 0 : i32
        %dma_wait3A_220 = arith.constant 0 : i32
        %dma_wait3A_221 = tpu.memref_slice %arg3[%dma_wait3A_219, %dma_wait3A_220] : memref<10240x128xf32, #tpu.memory_space<hbm>> -> memref<128x128xf32, #tpu.memory_space<hbm>>
        %dma_wait3A_222 = arith.constant 0 : i32
        %dma_wait3A_223 = arith.constant 0 : i32
        %dma_wait3A_224 = tpu.memref_slice %arg3[%dma_wait3A_222, %dma_wait3A_223] : memref<10240x128xf32, #tpu.memory_space<hbm>> -> memref<128x128xf32, #tpu.memory_space<hbm>>
        tpu.wait_dma2 semaphore(%arg16 : memref<!tpu.dma_semaphore, #tpu.memory_space<semaphore_mem>>) src(%dma_wait3A_224 : memref<128x128xf32, #tpu.memory_space<hbm>>) dst(%arg13 : memref<128x128xf32, #tpu.memory_space<vmem>>)
        %add3A_225 = arith.constant 1 : i32
        %add3A_226 = arith.addi %add3A_200, %add3A_225 : i32
        "tpu.region"() ({
          %run_scoped3A_237 = tpu.sem_alloc : memref<!tpu.dma_semaphore, #tpu.memory_space<semaphore_mem>>
          %dma_start3A_238 = arith.constant 0 : i32
          %dma_start3A_239 = tpu.memref_slice %arg11[%add3A_226, %dma_start3A_238] : memref<40x128xi32, #tpu.memory_space<vmem>> -> memref<1x128xi32, #tpu.memory_space<vmem>>
          %dma_start3A_240 = tpu.memref_squeeze %dma_start3A_239 : memref<1x128xi32, #tpu.memory_space<vmem>> -> memref<128xi32, #tpu.memory_space<vmem>>
          %dma_start3A_241 = arith.constant 0 : i32
          %dma_start3A_242 = arith.constant 0 : i32
          %dma_start3A_243 = tpu.memref_slice %arg14[%dma_start3A_241, %dma_start3A_242] : memref<10240x128xf32, #tpu.memory_space<vmem_shared>> -> memref<10240x128xf32, #tpu.memory_space<vmem_shared>>
          tpu.enqueue_indirect_dma source(%arg13 : memref<128x128xf32, #tpu.memory_space<vmem>>) target(%dma_start3A_243 : memref<10240x128xf32, #tpu.memory_space<vmem_shared>>) offsets(%dma_start3A_240 : memref<128xi32, #tpu.memory_space<vmem>>) semaphore(%run_scoped3A_237 : memref<!tpu.dma_semaphore, #tpu.memory_space<semaphore_mem>>) {add = true}
          %dma_wait3A_244 = arith.constant 0 : i32
          %dma_wait3A_245 = tpu.memref_slice %arg11[%add3A_226, %dma_wait3A_244] : memref<40x128xi32, #tpu.memory_space<vmem>> -> memref<1x128xi32, #tpu.memory_space<vmem>>
          %dma_wait3A_246 = tpu.memref_squeeze %dma_wait3A_245 : memref<1x128xi32, #tpu.memory_space<vmem>> -> memref<128xi32, #tpu.memory_space<vmem>>
          %dma_wait3A_247 = arith.constant 0 : i32
          %dma_wait3A_248 = arith.constant 0 : i32
          %dma_wait3A_249 = tpu.memref_slice %arg14[%dma_wait3A_247, %dma_wait3A_248] : memref<10240x128xf32, #tpu.memory_space<vmem_shared>> -> memref<10240x128xf32, #tpu.memory_space<vmem_shared>>
          tpu.wait_indirect_dma semaphore(%run_scoped3A_237 : memref<!tpu.dma_semaphore, #tpu.memory_space<semaphore_mem>>) src(%arg13 : memref<128x128xf32, #tpu.memory_space<vmem>>) dst(%dma_wait3A_249 : memref<10240x128xf32, #tpu.memory_space<vmem_shared>>)
          tpu.yield
        }) : () -> ()
        %add3A_227 = arith.constant 1 : i32
        %add3A_228 = arith.addi %add3A_200, %add3A_227 : i32
        %add3A_229 = arith.constant 2 : i32
        %add3A_230 = arith.addi %add3A_228, %add3A_229 : i32
        %dma_start3A_231 = arith.constant 0 : i32
        %dma_start3A_232 = tpu.memref_slice %arg10[%add3A_230, %dma_start3A_231] : memref<40x128xi32, #tpu.memory_space<vmem>> -> memref<1x128xi32, #tpu.memory_space<vmem>>
        %dma_start3A_233 = tpu.memref_squeeze %dma_start3A_232 : memref<1x128xi32, #tpu.memory_space<vmem>> -> memref<128xi32, #tpu.memory_space<vmem>>
        %dma_start3A_234 = arith.constant 0 : i32
        %dma_start3A_235 = arith.constant 0 : i32
        %dma_start3A_236 = tpu.memref_slice %arg3[%dma_start3A_234, %dma_start3A_235] : memref<10240x128xf32, #tpu.memory_space<hbm>> -> memref<10240x128xf32, #tpu.memory_space<hbm>>
        tpu.enqueue_indirect_dma source(%dma_start3A_236 : memref<10240x128xf32, #tpu.memory_space<hbm>>) target(%arg13 : memref<128x128xf32, #tpu.memory_space<vmem>>) offsets(%dma_start3A_233 : memref<128xi32, #tpu.memory_space<vmem>>) semaphore(%arg16 : memref<!tpu.dma_semaphore, #tpu.memory_space<semaphore_mem>>)
      }
      %scan3A_60 = arith.constant 19 : i32
      %dma_wait3A = arith.constant 0 : i32
      %dma_wait3A_61 = arith.constant 0 : i32
      %dma_wait3A_62 = tpu.memref_slice %arg3[%dma_wait3A, %dma_wait3A_61] : memref<10240x128xf32, #tpu.memory_space<hbm>> -> memref<128x128xf32, #tpu.memory_space<hbm>>
      %dma_wait3A_63 = arith.constant 0 : i32
      %dma_wait3A_64 = arith.constant 0 : i32
      %dma_wait3A_65 = tpu.memref_slice %arg3[%dma_wait3A_63, %dma_wait3A_64] : memref<10240x128xf32, #tpu.memory_space<hbm>> -> memref<128x128xf32, #tpu.memory_space<hbm>>
      tpu.wait_dma2 semaphore(%arg15 : memref<!tpu.dma_semaphore, #tpu.memory_space<semaphore_mem>>) src(%dma_wait3A_65 : memref<128x128xf32, #tpu.memory_space<hbm>>) dst(%arg12 : memref<128x128xf32, #tpu.memory_space<vmem>>)
      %run_scoped3A = arith.constant 38 : i32
      "tpu.region"() ({
        %run_scoped3A_196 = tpu.sem_alloc : memref<!tpu.dma_semaphore, #tpu.memory_space<semaphore_mem>>
        %dma_start3A_197 = arith.constant 0 : i32
        %dma_start3A_198 = tpu.memref_slice %arg11[%run_scoped3A, %dma_start3A_197] : memref<40x128xi32, #tpu.memory_space<vmem>> -> memref<1x128xi32, #tpu.memory_space<vmem>>
        %dma_start3A_199 = tpu.memref_squeeze %dma_start3A_198 : memref<1x128xi32, #tpu.memory_space<vmem>> -> memref<128xi32, #tpu.memory_space<vmem>>
        %dma_start3A_200 = arith.constant 0 : i32
        %dma_start3A_201 = arith.constant 0 : i32
        %dma_start3A_202 = tpu.memref_slice %arg14[%dma_start3A_200, %dma_start3A_201] : memref<10240x128xf32, #tpu.memory_space<vmem_shared>> -> memref<10240x128xf32, #tpu.memory_space<vmem_shared>>
        tpu.enqueue_indirect_dma source(%arg12 : memref<128x128xf32, #tpu.memory_space<vmem>>) target(%dma_start3A_202 : memref<10240x128xf32, #tpu.memory_space<vmem_shared>>) offsets(%dma_start3A_199 : memref<128xi32, #tpu.memory_space<vmem>>) semaphore(%run_scoped3A_196 : memref<!tpu.dma_semaphore, #tpu.memory_space<semaphore_mem>>) {add = true}
        %dma_wait3A_203 = arith.constant 0 : i32
        %dma_wait3A_204 = tpu.memref_slice %arg11[%run_scoped3A, %dma_wait3A_203] : memref<40x128xi32, #tpu.memory_space<vmem>> -> memref<1x128xi32, #tpu.memory_space<vmem>>
        %dma_wait3A_205 = tpu.memref_squeeze %dma_wait3A_204 : memref<1x128xi32, #tpu.memory_space<vmem>> -> memref<128xi32, #tpu.memory_space<vmem>>
        %dma_wait3A_206 = arith.constant 0 : i32
        %dma_wait3A_207 = arith.constant 0 : i32
        %dma_wait3A_208 = tpu.memref_slice %arg14[%dma_wait3A_206, %dma_wait3A_207] : memref<10240x128xf32, #tpu.memory_space<vmem_shared>> -> memref<10240x128xf32, #tpu.memory_space<vmem_shared>>
        tpu.wait_indirect_dma semaphore(%run_scoped3A_196 : memref<!tpu.dma_semaphore, #tpu.memory_space<semaphore_mem>>) src(%arg12 : memref<128x128xf32, #tpu.memory_space<vmem>>) dst(%dma_wait3A_208 : memref<10240x128xf32, #tpu.memory_space<vmem_shared>>)
        tpu.yield
      }) : () -> ()
      %dma_wait3A_66 = arith.constant 0 : i32
      %dma_wait3A_67 = arith.constant 0 : i32
      %dma_wait3A_68 = tpu.memref_slice %arg3[%dma_wait3A_66, %dma_wait3A_67] : memref<10240x128xf32, #tpu.memory_space<hbm>> -> memref<128x128xf32, #tpu.memory_space<hbm>>
      %dma_wait3A_69 = arith.constant 0 : i32
      %dma_wait3A_70 = arith.constant 0 : i32
      %dma_wait3A_71 = tpu.memref_slice %arg3[%dma_wait3A_69, %dma_wait3A_70] : memref<10240x128xf32, #tpu.memory_space<hbm>> -> memref<128x128xf32, #tpu.memory_space<hbm>>
      tpu.wait_dma2 semaphore(%arg16 : memref<!tpu.dma_semaphore, #tpu.memory_space<semaphore_mem>>) src(%dma_wait3A_71 : memref<128x128xf32, #tpu.memory_space<hbm>>) dst(%arg13 : memref<128x128xf32, #tpu.memory_space<vmem>>)
      %run_scoped3A_72 = arith.constant 39 : i32
      "tpu.region"() ({
        %run_scoped3A_196 = tpu.sem_alloc : memref<!tpu.dma_semaphore, #tpu.memory_space<semaphore_mem>>
        %dma_start3A_197 = arith.constant 0 : i32
        %dma_start3A_198 = tpu.memref_slice %arg11[%run_scoped3A_72, %dma_start3A_197] : memref<40x128xi32, #tpu.memory_space<vmem>> -> memref<1x128xi32, #tpu.memory_space<vmem>>
        %dma_start3A_199 = tpu.memref_squeeze %dma_start3A_198 : memref<1x128xi32, #tpu.memory_space<vmem>> -> memref<128xi32, #tpu.memory_space<vmem>>
        %dma_start3A_200 = arith.constant 0 : i32
        %dma_start3A_201 = arith.constant 0 : i32
        %dma_start3A_202 = tpu.memref_slice %arg14[%dma_start3A_200, %dma_start3A_201] : memref<10240x128xf32, #tpu.memory_space<vmem_shared>> -> memref<10240x128xf32, #tpu.memory_space<vmem_shared>>
        tpu.enqueue_indirect_dma source(%arg13 : memref<128x128xf32, #tpu.memory_space<vmem>>) target(%dma_start3A_202 : memref<10240x128xf32, #tpu.memory_space<vmem_shared>>) offsets(%dma_start3A_199 : memref<128xi32, #tpu.memory_space<vmem>>) semaphore(%run_scoped3A_196 : memref<!tpu.dma_semaphore, #tpu.memory_space<semaphore_mem>>) {add = true}
        %dma_wait3A_203 = arith.constant 0 : i32
        %dma_wait3A_204 = tpu.memref_slice %arg11[%run_scoped3A_72, %dma_wait3A_203] : memref<40x128xi32, #tpu.memory_space<vmem>> -> memref<1x128xi32, #tpu.memory_space<vmem>>
        %dma_wait3A_205 = tpu.memref_squeeze %dma_wait3A_204 : memref<1x128xi32, #tpu.memory_space<vmem>> -> memref<128xi32, #tpu.memory_space<vmem>>
        %dma_wait3A_206 = arith.constant 0 : i32
        %dma_wait3A_207 = arith.constant 0 : i32
        %dma_wait3A_208 = tpu.memref_slice %arg14[%dma_wait3A_206, %dma_wait3A_207] : memref<10240x128xf32, #tpu.memory_space<vmem_shared>> -> memref<10240x128xf32, #tpu.memory_space<vmem_shared>>
        tpu.wait_indirect_dma semaphore(%run_scoped3A_196 : memref<!tpu.dma_semaphore, #tpu.memory_space<semaphore_mem>>) src(%arg13 : memref<128x128xf32, #tpu.memory_space<vmem>>) dst(%dma_wait3A_208 : memref<10240x128xf32, #tpu.memory_space<vmem_shared>>)
        tpu.yield
      }) : () -> ()
      %mul3A_73 = arith.constant 160 : i32
      %mul3A_74 = arith.muli %arg1, %mul3A_73 : i32
      %add3A_75 = arith.constant 40 : i32
      %add3A_76 = arith.addi %mul3A_74, %add3A_75 : i32
      "tpu.region"() ({
        %run_scoped3A_196 = tpu.sem_alloc : memref<!tpu.dma_semaphore, #tpu.memory_space<semaphore_mem>>
        %dma_start3A_197 = arith.constant 0 : i32
        %dma_start3A_198 = tpu.memref_slice %arg6[%add3A_76, %dma_start3A_197] : memref<2560x128xi32, #tpu.memory_space<hbm>> -> memref<40x128xi32, #tpu.memory_space<hbm>>
        %dma_start3A_199 = arith.constant 0 : i32
        %dma_start3A_200 = tpu.memref_slice %arg6[%add3A_76, %dma_start3A_199] : memref<2560x128xi32, #tpu.memory_space<hbm>> -> memref<40x128xi32, #tpu.memory_space<hbm>>
        tpu.enqueue_dma source(%dma_start3A_200 : memref<40x128xi32, #tpu.memory_space<hbm>>) target(%arg10 : memref<40x128xi32, #tpu.memory_space<vmem>>) target_semaphore(%run_scoped3A_196 : memref<!tpu.dma_semaphore, #tpu.memory_space<semaphore_mem>>)
        %dma_wait3A_201 = arith.constant 0 : i32
        %dma_wait3A_202 = tpu.memref_slice %arg6[%add3A_76, %dma_wait3A_201] : memref<2560x128xi32, #tpu.memory_space<hbm>> -> memref<40x128xi32, #tpu.memory_space<hbm>>
        %dma_wait3A_203 = arith.constant 0 : i32
        %dma_wait3A_204 = tpu.memref_slice %arg6[%add3A_76, %dma_wait3A_203] : memref<2560x128xi32, #tpu.memory_space<hbm>> -> memref<40x128xi32, #tpu.memory_space<hbm>>
        tpu.wait_dma2 semaphore(%run_scoped3A_196 : memref<!tpu.dma_semaphore, #tpu.memory_space<semaphore_mem>>) src(%dma_wait3A_204 : memref<40x128xi32, #tpu.memory_space<hbm>>) dst(%arg10 : memref<40x128xi32, #tpu.memory_space<vmem>>)
        tpu.yield
      }) : () -> ()
      %mul3A_77 = arith.constant 160 : i32
      %mul3A_78 = arith.muli %arg1, %mul3A_77 : i32
      %add3A_79 = arith.constant 40 : i32
      %add3A_80 = arith.addi %mul3A_78, %add3A_79 : i32
      "tpu.region"() ({
        %run_scoped3A_196 = tpu.sem_alloc : memref<!tpu.dma_semaphore, #tpu.memory_space<semaphore_mem>>
        %dma_start3A_197 = arith.constant 0 : i32
        %dma_start3A_198 = tpu.memref_slice %arg7[%add3A_80, %dma_start3A_197] : memref<2560x128xi32, #tpu.memory_space<hbm>> -> memref<40x128xi32, #tpu.memory_space<hbm>>
        %dma_start3A_199 = arith.constant 0 : i32
        %dma_start3A_200 = tpu.memref_slice %arg7[%add3A_80, %dma_start3A_199] : memref<2560x128xi32, #tpu.memory_space<hbm>> -> memref<40x128xi32, #tpu.memory_space<hbm>>
        tpu.enqueue_dma source(%dma_start3A_200 : memref<40x128xi32, #tpu.memory_space<hbm>>) target(%arg11 : memref<40x128xi32, #tpu.memory_space<vmem>>) target_semaphore(%run_scoped3A_196 : memref<!tpu.dma_semaphore, #tpu.memory_space<semaphore_mem>>)
        %dma_wait3A_201 = arith.constant 0 : i32
        %dma_wait3A_202 = tpu.memref_slice %arg7[%add3A_80, %dma_wait3A_201] : memref<2560x128xi32, #tpu.memory_space<hbm>> -> memref<40x128xi32, #tpu.memory_space<hbm>>
        %dma_wait3A_203 = arith.constant 0 : i32
        %dma_wait3A_204 = tpu.memref_slice %arg7[%add3A_80, %dma_wait3A_203] : memref<2560x128xi32, #tpu.memory_space<hbm>> -> memref<40x128xi32, #tpu.memory_space<hbm>>
        tpu.wait_dma2 semaphore(%run_scoped3A_196 : memref<!tpu.dma_semaphore, #tpu.memory_space<semaphore_mem>>) src(%dma_wait3A_204 : memref<40x128xi32, #tpu.memory_space<hbm>>) dst(%arg11 : memref<40x128xi32, #tpu.memory_space<vmem>>)
        tpu.yield
      }) : () -> ()
      %dma_start3A_81 = arith.constant 0 : i32
      %dma_start3A_82 = arith.constant 0 : i32
      %dma_start3A_83 = tpu.memref_slice %arg10[%dma_start3A_81, %dma_start3A_82] : memref<40x128xi32, #tpu.memory_space<vmem>> -> memref<1x128xi32, #tpu.memory_space<vmem>>
      %dma_start3A_84 = tpu.memref_squeeze %dma_start3A_83 : memref<1x128xi32, #tpu.memory_space<vmem>> -> memref<128xi32, #tpu.memory_space<vmem>>
      %dma_start3A_85 = arith.constant 0 : i32
      %dma_start3A_86 = arith.constant 0 : i32
      %dma_start3A_87 = tpu.memref_slice %arg3[%dma_start3A_85, %dma_start3A_86] : memref<10240x128xf32, #tpu.memory_space<hbm>> -> memref<10240x128xf32, #tpu.memory_space<hbm>>
      tpu.enqueue_indirect_dma source(%dma_start3A_87 : memref<10240x128xf32, #tpu.memory_space<hbm>>) target(%arg12 : memref<128x128xf32, #tpu.memory_space<vmem>>) offsets(%dma_start3A_84 : memref<128xi32, #tpu.memory_space<vmem>>) semaphore(%arg15 : memref<!tpu.dma_semaphore, #tpu.memory_space<semaphore_mem>>)
      %dma_start3A_88 = arith.constant 1 : i32
      %dma_start3A_89 = arith.constant 0 : i32
      %dma_start3A_90 = tpu.memref_slice %arg10[%dma_start3A_88, %dma_start3A_89] : memref<40x128xi32, #tpu.memory_space<vmem>> -> memref<1x128xi32, #tpu.memory_space<vmem>>
      %dma_start3A_91 = tpu.memref_squeeze %dma_start3A_90 : memref<1x128xi32, #tpu.memory_space<vmem>> -> memref<128xi32, #tpu.memory_space<vmem>>
      %dma_start3A_92 = arith.constant 0 : i32
      %dma_start3A_93 = arith.constant 0 : i32
      %dma_start3A_94 = tpu.memref_slice %arg3[%dma_start3A_92, %dma_start3A_93] : memref<10240x128xf32, #tpu.memory_space<hbm>> -> memref<10240x128xf32, #tpu.memory_space<hbm>>
      tpu.enqueue_indirect_dma source(%dma_start3A_94 : memref<10240x128xf32, #tpu.memory_space<hbm>>) target(%arg13 : memref<128x128xf32, #tpu.memory_space<vmem>>) offsets(%dma_start3A_91 : memref<128xi32, #tpu.memory_space<vmem>>) semaphore(%arg16 : memref<!tpu.dma_semaphore, #tpu.memory_space<semaphore_mem>>)
      %scan3A_95 = arith.constant 0 : i32
      %scan3A_96 = arith.constant 19 : i32
      %scan3A_97 = arith.addi %scan3A_95, %scan3A_96 : i32
      %scan3A_98 = arith.constant 1 : i32
      scf.for %scan3A_196 = %scan3A_95 to %scan3A_97 step %scan3A_98  : i32 {
        %mul3A_197 = arith.constant 2 : i32
        %mul3A_198 = arith.muli %scan3A_196, %mul3A_197 : i32
        %add3A_199 = arith.constant 0 : i32
        %add3A_200 = arith.addi %add3A_199, %mul3A_198 : i32
        %dma_wait3A_201 = arith.constant 0 : i32
        %dma_wait3A_202 = arith.constant 0 : i32
        %dma_wait3A_203 = tpu.memref_slice %arg3[%dma_wait3A_201, %dma_wait3A_202] : memref<10240x128xf32, #tpu.memory_space<hbm>> -> memref<128x128xf32, #tpu.memory_space<hbm>>
        %dma_wait3A_204 = arith.constant 0 : i32
        %dma_wait3A_205 = arith.constant 0 : i32
        %dma_wait3A_206 = tpu.memref_slice %arg3[%dma_wait3A_204, %dma_wait3A_205] : memref<10240x128xf32, #tpu.memory_space<hbm>> -> memref<128x128xf32, #tpu.memory_space<hbm>>
        tpu.wait_dma2 semaphore(%arg15 : memref<!tpu.dma_semaphore, #tpu.memory_space<semaphore_mem>>) src(%dma_wait3A_206 : memref<128x128xf32, #tpu.memory_space<hbm>>) dst(%arg12 : memref<128x128xf32, #tpu.memory_space<vmem>>)
        %add3A_207 = arith.constant 0 : i32
        %add3A_208 = arith.addi %add3A_200, %add3A_207 : i32
        "tpu.region"() ({
          %run_scoped3A_237 = tpu.sem_alloc : memref<!tpu.dma_semaphore, #tpu.memory_space<semaphore_mem>>
          %dma_start3A_238 = arith.constant 0 : i32
          %dma_start3A_239 = tpu.memref_slice %arg11[%add3A_208, %dma_start3A_238] : memref<40x128xi32, #tpu.memory_space<vmem>> -> memref<1x128xi32, #tpu.memory_space<vmem>>
          %dma_start3A_240 = tpu.memref_squeeze %dma_start3A_239 : memref<1x128xi32, #tpu.memory_space<vmem>> -> memref<128xi32, #tpu.memory_space<vmem>>
          %dma_start3A_241 = arith.constant 0 : i32
          %dma_start3A_242 = arith.constant 0 : i32
          %dma_start3A_243 = tpu.memref_slice %arg14[%dma_start3A_241, %dma_start3A_242] : memref<10240x128xf32, #tpu.memory_space<vmem_shared>> -> memref<10240x128xf32, #tpu.memory_space<vmem_shared>>
          tpu.enqueue_indirect_dma source(%arg12 : memref<128x128xf32, #tpu.memory_space<vmem>>) target(%dma_start3A_243 : memref<10240x128xf32, #tpu.memory_space<vmem_shared>>) offsets(%dma_start3A_240 : memref<128xi32, #tpu.memory_space<vmem>>) semaphore(%run_scoped3A_237 : memref<!tpu.dma_semaphore, #tpu.memory_space<semaphore_mem>>) {add = true}
          %dma_wait3A_244 = arith.constant 0 : i32
          %dma_wait3A_245 = tpu.memref_slice %arg11[%add3A_208, %dma_wait3A_244] : memref<40x128xi32, #tpu.memory_space<vmem>> -> memref<1x128xi32, #tpu.memory_space<vmem>>
          %dma_wait3A_246 = tpu.memref_squeeze %dma_wait3A_245 : memref<1x128xi32, #tpu.memory_space<vmem>> -> memref<128xi32, #tpu.memory_space<vmem>>
          %dma_wait3A_247 = arith.constant 0 : i32
          %dma_wait3A_248 = arith.constant 0 : i32
          %dma_wait3A_249 = tpu.memref_slice %arg14[%dma_wait3A_247, %dma_wait3A_248] : memref<10240x128xf32, #tpu.memory_space<vmem_shared>> -> memref<10240x128xf32, #tpu.memory_space<vmem_shared>>
          tpu.wait_indirect_dma semaphore(%run_scoped3A_237 : memref<!tpu.dma_semaphore, #tpu.memory_space<semaphore_mem>>) src(%arg12 : memref<128x128xf32, #tpu.memory_space<vmem>>) dst(%dma_wait3A_249 : memref<10240x128xf32, #tpu.memory_space<vmem_shared>>)
          tpu.yield
        }) : () -> ()
        %add3A_209 = arith.constant 0 : i32
        %add3A_210 = arith.addi %add3A_200, %add3A_209 : i32
        %add3A_211 = arith.constant 2 : i32
        %add3A_212 = arith.addi %add3A_210, %add3A_211 : i32
        %dma_start3A_213 = arith.constant 0 : i32
        %dma_start3A_214 = tpu.memref_slice %arg10[%add3A_212, %dma_start3A_213] : memref<40x128xi32, #tpu.memory_space<vmem>> -> memref<1x128xi32, #tpu.memory_space<vmem>>
        %dma_start3A_215 = tpu.memref_squeeze %dma_start3A_214 : memref<1x128xi32, #tpu.memory_space<vmem>> -> memref<128xi32, #tpu.memory_space<vmem>>
        %dma_start3A_216 = arith.constant 0 : i32
        %dma_start3A_217 = arith.constant 0 : i32
        %dma_start3A_218 = tpu.memref_slice %arg3[%dma_start3A_216, %dma_start3A_217] : memref<10240x128xf32, #tpu.memory_space<hbm>> -> memref<10240x128xf32, #tpu.memory_space<hbm>>
        tpu.enqueue_indirect_dma source(%dma_start3A_218 : memref<10240x128xf32, #tpu.memory_space<hbm>>) target(%arg12 : memref<128x128xf32, #tpu.memory_space<vmem>>) offsets(%dma_start3A_215 : memref<128xi32, #tpu.memory_space<vmem>>) semaphore(%arg15 : memref<!tpu.dma_semaphore, #tpu.memory_space<semaphore_mem>>)
        %dma_wait3A_219 = arith.constant 0 : i32
        %dma_wait3A_220 = arith.constant 0 : i32
        %dma_wait3A_221 = tpu.memref_slice %arg3[%dma_wait3A_219, %dma_wait3A_220] : memref<10240x128xf32, #tpu.memory_space<hbm>> -> memref<128x128xf32, #tpu.memory_space<hbm>>
        %dma_wait3A_222 = arith.constant 0 : i32
        %dma_wait3A_223 = arith.constant 0 : i32
        %dma_wait3A_224 = tpu.memref_slice %arg3[%dma_wait3A_222, %dma_wait3A_223] : memref<10240x128xf32, #tpu.memory_space<hbm>> -> memref<128x128xf32, #tpu.memory_space<hbm>>
        tpu.wait_dma2 semaphore(%arg16 : memref<!tpu.dma_semaphore, #tpu.memory_space<semaphore_mem>>) src(%dma_wait3A_224 : memref<128x128xf32, #tpu.memory_space<hbm>>) dst(%arg13 : memref<128x128xf32, #tpu.memory_space<vmem>>)
        %add3A_225 = arith.constant 1 : i32
        %add3A_226 = arith.addi %add3A_200, %add3A_225 : i32
        "tpu.region"() ({
          %run_scoped3A_237 = tpu.sem_alloc : memref<!tpu.dma_semaphore, #tpu.memory_space<semaphore_mem>>
          %dma_start3A_238 = arith.constant 0 : i32
          %dma_start3A_239 = tpu.memref_slice %arg11[%add3A_226, %dma_start3A_238] : memref<40x128xi32, #tpu.memory_space<vmem>> -> memref<1x128xi32, #tpu.memory_space<vmem>>
          %dma_start3A_240 = tpu.memref_squeeze %dma_start3A_239 : memref<1x128xi32, #tpu.memory_space<vmem>> -> memref<128xi32, #tpu.memory_space<vmem>>
          %dma_start3A_241 = arith.constant 0 : i32
          %dma_start3A_242 = arith.constant 0 : i32
          %dma_start3A_243 = tpu.memref_slice %arg14[%dma_start3A_241, %dma_start3A_242] : memref<10240x128xf32, #tpu.memory_space<vmem_shared>> -> memref<10240x128xf32, #tpu.memory_space<vmem_shared>>
          tpu.enqueue_indirect_dma source(%arg13 : memref<128x128xf32, #tpu.memory_space<vmem>>) target(%dma_start3A_243 : memref<10240x128xf32, #tpu.memory_space<vmem_shared>>) offsets(%dma_start3A_240 : memref<128xi32, #tpu.memory_space<vmem>>) semaphore(%run_scoped3A_237 : memref<!tpu.dma_semaphore, #tpu.memory_space<semaphore_mem>>) {add = true}
          %dma_wait3A_244 = arith.constant 0 : i32
          %dma_wait3A_245 = tpu.memref_slice %arg11[%add3A_226, %dma_wait3A_244] : memref<40x128xi32, #tpu.memory_space<vmem>> -> memref<1x128xi32, #tpu.memory_space<vmem>>
          %dma_wait3A_246 = tpu.memref_squeeze %dma_wait3A_245 : memref<1x128xi32, #tpu.memory_space<vmem>> -> memref<128xi32, #tpu.memory_space<vmem>>
          %dma_wait3A_247 = arith.constant 0 : i32
          %dma_wait3A_248 = arith.constant 0 : i32
          %dma_wait3A_249 = tpu.memref_slice %arg14[%dma_wait3A_247, %dma_wait3A_248] : memref<10240x128xf32, #tpu.memory_space<vmem_shared>> -> memref<10240x128xf32, #tpu.memory_space<vmem_shared>>
          tpu.wait_indirect_dma semaphore(%run_scoped3A_237 : memref<!tpu.dma_semaphore, #tpu.memory_space<semaphore_mem>>) src(%arg13 : memref<128x128xf32, #tpu.memory_space<vmem>>) dst(%dma_wait3A_249 : memref<10240x128xf32, #tpu.memory_space<vmem_shared>>)
          tpu.yield
        }) : () -> ()
        %add3A_227 = arith.constant 1 : i32
        %add3A_228 = arith.addi %add3A_200, %add3A_227 : i32
        %add3A_229 = arith.constant 2 : i32
        %add3A_230 = arith.addi %add3A_228, %add3A_229 : i32
        %dma_start3A_231 = arith.constant 0 : i32
        %dma_start3A_232 = tpu.memref_slice %arg10[%add3A_230, %dma_start3A_231] : memref<40x128xi32, #tpu.memory_space<vmem>> -> memref<1x128xi32, #tpu.memory_space<vmem>>
        %dma_start3A_233 = tpu.memref_squeeze %dma_start3A_232 : memref<1x128xi32, #tpu.memory_space<vmem>> -> memref<128xi32, #tpu.memory_space<vmem>>
        %dma_start3A_234 = arith.constant 0 : i32
        %dma_start3A_235 = arith.constant 0 : i32
        %dma_start3A_236 = tpu.memref_slice %arg3[%dma_start3A_234, %dma_start3A_235] : memref<10240x128xf32, #tpu.memory_space<hbm>> -> memref<10240x128xf32, #tpu.memory_space<hbm>>
        tpu.enqueue_indirect_dma source(%dma_start3A_236 : memref<10240x128xf32, #tpu.memory_space<hbm>>) target(%arg13 : memref<128x128xf32, #tpu.memory_space<vmem>>) offsets(%dma_start3A_233 : memref<128xi32, #tpu.memory_space<vmem>>) semaphore(%arg16 : memref<!tpu.dma_semaphore, #tpu.memory_space<semaphore_mem>>)
      }
      %scan3A_99 = arith.constant 19 : i32
      %dma_wait3A_100 = arith.constant 0 : i32
      %dma_wait3A_101 = arith.constant 0 : i32
      %dma_wait3A_102 = tpu.memref_slice %arg3[%dma_wait3A_100, %dma_wait3A_101] : memref<10240x128xf32, #tpu.memory_space<hbm>> -> memref<128x128xf32, #tpu.memory_space<hbm>>
      %dma_wait3A_103 = arith.constant 0 : i32
      %dma_wait3A_104 = arith.constant 0 : i32
      %dma_wait3A_105 = tpu.memref_slice %arg3[%dma_wait3A_103, %dma_wait3A_104] : memref<10240x128xf32, #tpu.memory_space<hbm>> -> memref<128x128xf32, #tpu.memory_space<hbm>>
      tpu.wait_dma2 semaphore(%arg15 : memref<!tpu.dma_semaphore, #tpu.memory_space<semaphore_mem>>) src(%dma_wait3A_105 : memref<128x128xf32, #tpu.memory_space<hbm>>) dst(%arg12 : memref<128x128xf32, #tpu.memory_space<vmem>>)
      %run_scoped3A_106 = arith.constant 38 : i32
      "tpu.region"() ({
        %run_scoped3A_196 = tpu.sem_alloc : memref<!tpu.dma_semaphore, #tpu.memory_space<semaphore_mem>>
        %dma_start3A_197 = arith.constant 0 : i32
        %dma_start3A_198 = tpu.memref_slice %arg11[%run_scoped3A_106, %dma_start3A_197] : memref<40x128xi32, #tpu.memory_space<vmem>> -> memref<1x128xi32, #tpu.memory_space<vmem>>
        %dma_start3A_199 = tpu.memref_squeeze %dma_start3A_198 : memref<1x128xi32, #tpu.memory_space<vmem>> -> memref<128xi32, #tpu.memory_space<vmem>>
        %dma_start3A_200 = arith.constant 0 : i32
        %dma_start3A_201 = arith.constant 0 : i32
        %dma_start3A_202 = tpu.memref_slice %arg14[%dma_start3A_200, %dma_start3A_201] : memref<10240x128xf32, #tpu.memory_space<vmem_shared>> -> memref<10240x128xf32, #tpu.memory_space<vmem_shared>>
        tpu.enqueue_indirect_dma source(%arg12 : memref<128x128xf32, #tpu.memory_space<vmem>>) target(%dma_start3A_202 : memref<10240x128xf32, #tpu.memory_space<vmem_shared>>) offsets(%dma_start3A_199 : memref<128xi32, #tpu.memory_space<vmem>>) semaphore(%run_scoped3A_196 : memref<!tpu.dma_semaphore, #tpu.memory_space<semaphore_mem>>) {add = true}
        %dma_wait3A_203 = arith.constant 0 : i32
        %dma_wait3A_204 = tpu.memref_slice %arg11[%run_scoped3A_106, %dma_wait3A_203] : memref<40x128xi32, #tpu.memory_space<vmem>> -> memref<1x128xi32, #tpu.memory_space<vmem>>
        %dma_wait3A_205 = tpu.memref_squeeze %dma_wait3A_204 : memref<1x128xi32, #tpu.memory_space<vmem>> -> memref<128xi32, #tpu.memory_space<vmem>>
        %dma_wait3A_206 = arith.constant 0 : i32
        %dma_wait3A_207 = arith.constant 0 : i32
        %dma_wait3A_208 = tpu.memref_slice %arg14[%dma_wait3A_206, %dma_wait3A_207] : memref<10240x128xf32, #tpu.memory_space<vmem_shared>> -> memref<10240x128xf32, #tpu.memory_space<vmem_shared>>
        tpu.wait_indirect_dma semaphore(%run_scoped3A_196 : memref<!tpu.dma_semaphore, #tpu.memory_space<semaphore_mem>>) src(%arg12 : memref<128x128xf32, #tpu.memory_space<vmem>>) dst(%dma_wait3A_208 : memref<10240x128xf32, #tpu.memory_space<vmem_shared>>)
        tpu.yield
      }) : () -> ()
      %dma_wait3A_107 = arith.constant 0 : i32
      %dma_wait3A_108 = arith.constant 0 : i32
      %dma_wait3A_109 = tpu.memref_slice %arg3[%dma_wait3A_107, %dma_wait3A_108] : memref<10240x128xf32, #tpu.memory_space<hbm>> -> memref<128x128xf32, #tpu.memory_space<hbm>>
      %dma_wait3A_110 = arith.constant 0 : i32
      %dma_wait3A_111 = arith.constant 0 : i32
      %dma_wait3A_112 = tpu.memref_slice %arg3[%dma_wait3A_110, %dma_wait3A_111] : memref<10240x128xf32, #tpu.memory_space<hbm>> -> memref<128x128xf32, #tpu.memory_space<hbm>>
      tpu.wait_dma2 semaphore(%arg16 : memref<!tpu.dma_semaphore, #tpu.memory_space<semaphore_mem>>) src(%dma_wait3A_112 : memref<128x128xf32, #tpu.memory_space<hbm>>) dst(%arg13 : memref<128x128xf32, #tpu.memory_space<vmem>>)
      %run_scoped3A_113 = arith.constant 39 : i32
      "tpu.region"() ({
        %run_scoped3A_196 = tpu.sem_alloc : memref<!tpu.dma_semaphore, #tpu.memory_space<semaphore_mem>>
        %dma_start3A_197 = arith.constant 0 : i32
        %dma_start3A_198 = tpu.memref_slice %arg11[%run_scoped3A_113, %dma_start3A_197] : memref<40x128xi32, #tpu.memory_space<vmem>> -> memref<1x128xi32, #tpu.memory_space<vmem>>
        %dma_start3A_199 = tpu.memref_squeeze %dma_start3A_198 : memref<1x128xi32, #tpu.memory_space<vmem>> -> memref<128xi32, #tpu.memory_space<vmem>>
        %dma_start3A_200 = arith.constant 0 : i32
        %dma_start3A_201 = arith.constant 0 : i32
        %dma_start3A_202 = tpu.memref_slice %arg14[%dma_start3A_200, %dma_start3A_201] : memref<10240x128xf32, #tpu.memory_space<vmem_shared>> -> memref<10240x128xf32, #tpu.memory_space<vmem_shared>>
        tpu.enqueue_indirect_dma source(%arg13 : memref<128x128xf32, #tpu.memory_space<vmem>>) target(%dma_start3A_202 : memref<10240x128xf32, #tpu.memory_space<vmem_shared>>) offsets(%dma_start3A_199 : memref<128xi32, #tpu.memory_space<vmem>>) semaphore(%run_scoped3A_196 : memref<!tpu.dma_semaphore, #tpu.memory_space<semaphore_mem>>) {add = true}
        %dma_wait3A_203 = arith.constant 0 : i32
        %dma_wait3A_204 = tpu.memref_slice %arg11[%run_scoped3A_113, %dma_wait3A_203] : memref<40x128xi32, #tpu.memory_space<vmem>> -> memref<1x128xi32, #tpu.memory_space<vmem>>
        %dma_wait3A_205 = tpu.memref_squeeze %dma_wait3A_204 : memref<1x128xi32, #tpu.memory_space<vmem>> -> memref<128xi32, #tpu.memory_space<vmem>>
        %dma_wait3A_206 = arith.constant 0 : i32
        %dma_wait3A_207 = arith.constant 0 : i32
        %dma_wait3A_208 = tpu.memref_slice %arg14[%dma_wait3A_206, %dma_wait3A_207] : memref<10240x128xf32, #tpu.memory_space<vmem_shared>> -> memref<10240x128xf32, #tpu.memory_space<vmem_shared>>
        tpu.wait_indirect_dma semaphore(%run_scoped3A_196 : memref<!tpu.dma_semaphore, #tpu.memory_space<semaphore_mem>>) src(%arg13 : memref<128x128xf32, #tpu.memory_space<vmem>>) dst(%dma_wait3A_208 : memref<10240x128xf32, #tpu.memory_space<vmem_shared>>)
        tpu.yield
      }) : () -> ()
      %mul3A_114 = arith.constant 160 : i32
      %mul3A_115 = arith.muli %arg1, %mul3A_114 : i32
      %add3A_116 = arith.constant 80 : i32
      %add3A_117 = arith.addi %mul3A_115, %add3A_116 : i32
      "tpu.region"() ({
        %run_scoped3A_196 = tpu.sem_alloc : memref<!tpu.dma_semaphore, #tpu.memory_space<semaphore_mem>>
        %dma_start3A_197 = arith.constant 0 : i32
        %dma_start3A_198 = tpu.memref_slice %arg6[%add3A_117, %dma_start3A_197] : memref<2560x128xi32, #tpu.memory_space<hbm>> -> memref<40x128xi32, #tpu.memory_space<hbm>>
        %dma_start3A_199 = arith.constant 0 : i32
        %dma_start3A_200 = tpu.memref_slice %arg6[%add3A_117, %dma_start3A_199] : memref<2560x128xi32, #tpu.memory_space<hbm>> -> memref<40x128xi32, #tpu.memory_space<hbm>>
        tpu.enqueue_dma source(%dma_start3A_200 : memref<40x128xi32, #tpu.memory_space<hbm>>) target(%arg10 : memref<40x128xi32, #tpu.memory_space<vmem>>) target_semaphore(%run_scoped3A_196 : memref<!tpu.dma_semaphore, #tpu.memory_space<semaphore_mem>>)
        %dma_wait3A_201 = arith.constant 0 : i32
        %dma_wait3A_202 = tpu.memref_slice %arg6[%add3A_117, %dma_wait3A_201] : memref<2560x128xi32, #tpu.memory_space<hbm>> -> memref<40x128xi32, #tpu.memory_space<hbm>>
        %dma_wait3A_203 = arith.constant 0 : i32
        %dma_wait3A_204 = tpu.memref_slice %arg6[%add3A_117, %dma_wait3A_203] : memref<2560x128xi32, #tpu.memory_space<hbm>> -> memref<40x128xi32, #tpu.memory_space<hbm>>
        tpu.wait_dma2 semaphore(%run_scoped3A_196 : memref<!tpu.dma_semaphore, #tpu.memory_space<semaphore_mem>>) src(%dma_wait3A_204 : memref<40x128xi32, #tpu.memory_space<hbm>>) dst(%arg10 : memref<40x128xi32, #tpu.memory_space<vmem>>)
        tpu.yield
      }) : () -> ()
      %mul3A_118 = arith.constant 160 : i32
      %mul3A_119 = arith.muli %arg1, %mul3A_118 : i32
      %add3A_120 = arith.constant 80 : i32
      %add3A_121 = arith.addi %mul3A_119, %add3A_120 : i32
      "tpu.region"() ({
        %run_scoped3A_196 = tpu.sem_alloc : memref<!tpu.dma_semaphore, #tpu.memory_space<semaphore_mem>>
        %dma_start3A_197 = arith.constant 0 : i32
        %dma_start3A_198 = tpu.memref_slice %arg7[%add3A_121, %dma_start3A_197] : memref<2560x128xi32, #tpu.memory_space<hbm>> -> memref<40x128xi32, #tpu.memory_space<hbm>>
        %dma_start3A_199 = arith.constant 0 : i32
        %dma_start3A_200 = tpu.memref_slice %arg7[%add3A_121, %dma_start3A_199] : memref<2560x128xi32, #tpu.memory_space<hbm>> -> memref<40x128xi32, #tpu.memory_space<hbm>>
        tpu.enqueue_dma source(%dma_start3A_200 : memref<40x128xi32, #tpu.memory_space<hbm>>) target(%arg11 : memref<40x128xi32, #tpu.memory_space<vmem>>) target_semaphore(%run_scoped3A_196 : memref<!tpu.dma_semaphore, #tpu.memory_space<semaphore_mem>>)
        %dma_wait3A_201 = arith.constant 0 : i32
        %dma_wait3A_202 = tpu.memref_slice %arg7[%add3A_121, %dma_wait3A_201] : memref<2560x128xi32, #tpu.memory_space<hbm>> -> memref<40x128xi32, #tpu.memory_space<hbm>>
        %dma_wait3A_203 = arith.constant 0 : i32
        %dma_wait3A_204 = tpu.memref_slice %arg7[%add3A_121, %dma_wait3A_203] : memref<2560x128xi32, #tpu.memory_space<hbm>> -> memref<40x128xi32, #tpu.memory_space<hbm>>
        tpu.wait_dma2 semaphore(%run_scoped3A_196 : memref<!tpu.dma_semaphore, #tpu.memory_space<semaphore_mem>>) src(%dma_wait3A_204 : memref<40x128xi32, #tpu.memory_space<hbm>>) dst(%arg11 : memref<40x128xi32, #tpu.memory_space<vmem>>)
        tpu.yield
      }) : () -> ()
      %dma_start3A_122 = arith.constant 0 : i32
      %dma_start3A_123 = arith.constant 0 : i32
      %dma_start3A_124 = tpu.memref_slice %arg10[%dma_start3A_122, %dma_start3A_123] : memref<40x128xi32, #tpu.memory_space<vmem>> -> memref<1x128xi32, #tpu.memory_space<vmem>>
      %dma_start3A_125 = tpu.memref_squeeze %dma_start3A_124 : memref<1x128xi32, #tpu.memory_space<vmem>> -> memref<128xi32, #tpu.memory_space<vmem>>
      %dma_start3A_126 = arith.constant 0 : i32
      %dma_start3A_127 = arith.constant 0 : i32
      %dma_start3A_128 = tpu.memref_slice %arg3[%dma_start3A_126, %dma_start3A_127] : memref<10240x128xf32, #tpu.memory_space<hbm>> -> memref<10240x128xf32, #tpu.memory_space<hbm>>
      tpu.enqueue_indirect_dma source(%dma_start3A_128 : memref<10240x128xf32, #tpu.memory_space<hbm>>) target(%arg12 : memref<128x128xf32, #tpu.memory_space<vmem>>) offsets(%dma_start3A_125 : memref<128xi32, #tpu.memory_space<vmem>>) semaphore(%arg15 : memref<!tpu.dma_semaphore, #tpu.memory_space<semaphore_mem>>)
      %dma_start3A_129 = arith.constant 1 : i32
      %dma_start3A_130 = arith.constant 0 : i32
      %dma_start3A_131 = tpu.memref_slice %arg10[%dma_start3A_129, %dma_start3A_130] : memref<40x128xi32, #tpu.memory_space<vmem>> -> memref<1x128xi32, #tpu.memory_space<vmem>>
      %dma_start3A_132 = tpu.memref_squeeze %dma_start3A_131 : memref<1x128xi32, #tpu.memory_space<vmem>> -> memref<128xi32, #tpu.memory_space<vmem>>
      %dma_start3A_133 = arith.constant 0 : i32
      %dma_start3A_134 = arith.constant 0 : i32
      %dma_start3A_135 = tpu.memref_slice %arg3[%dma_start3A_133, %dma_start3A_134] : memref<10240x128xf32, #tpu.memory_space<hbm>> -> memref<10240x128xf32, #tpu.memory_space<hbm>>
      tpu.enqueue_indirect_dma source(%dma_start3A_135 : memref<10240x128xf32, #tpu.memory_space<hbm>>) target(%arg13 : memref<128x128xf32, #tpu.memory_space<vmem>>) offsets(%dma_start3A_132 : memref<128xi32, #tpu.memory_space<vmem>>) semaphore(%arg16 : memref<!tpu.dma_semaphore, #tpu.memory_space<semaphore_mem>>)
      %scan3A_136 = arith.constant 0 : i32
      %scan3A_137 = arith.constant 19 : i32
      %scan3A_138 = arith.addi %scan3A_136, %scan3A_137 : i32
      %scan3A_139 = arith.constant 1 : i32
      scf.for %scan3A_196 = %scan3A_136 to %scan3A_138 step %scan3A_139  : i32 {
        %mul3A_197 = arith.constant 2 : i32
        %mul3A_198 = arith.muli %scan3A_196, %mul3A_197 : i32
        %add3A_199 = arith.constant 0 : i32
        %add3A_200 = arith.addi %add3A_199, %mul3A_198 : i32
        %dma_wait3A_201 = arith.constant 0 : i32
        %dma_wait3A_202 = arith.constant 0 : i32
        %dma_wait3A_203 = tpu.memref_slice %arg3[%dma_wait3A_201, %dma_wait3A_202] : memref<10240x128xf32, #tpu.memory_space<hbm>> -> memref<128x128xf32, #tpu.memory_space<hbm>>
        %dma_wait3A_204 = arith.constant 0 : i32
        %dma_wait3A_205 = arith.constant 0 : i32
        %dma_wait3A_206 = tpu.memref_slice %arg3[%dma_wait3A_204, %dma_wait3A_205] : memref<10240x128xf32, #tpu.memory_space<hbm>> -> memref<128x128xf32, #tpu.memory_space<hbm>>
        tpu.wait_dma2 semaphore(%arg15 : memref<!tpu.dma_semaphore, #tpu.memory_space<semaphore_mem>>) src(%dma_wait3A_206 : memref<128x128xf32, #tpu.memory_space<hbm>>) dst(%arg12 : memref<128x128xf32, #tpu.memory_space<vmem>>)
        %add3A_207 = arith.constant 0 : i32
        %add3A_208 = arith.addi %add3A_200, %add3A_207 : i32
        "tpu.region"() ({
          %run_scoped3A_237 = tpu.sem_alloc : memref<!tpu.dma_semaphore, #tpu.memory_space<semaphore_mem>>
          %dma_start3A_238 = arith.constant 0 : i32
          %dma_start3A_239 = tpu.memref_slice %arg11[%add3A_208, %dma_start3A_238] : memref<40x128xi32, #tpu.memory_space<vmem>> -> memref<1x128xi32, #tpu.memory_space<vmem>>
          %dma_start3A_240 = tpu.memref_squeeze %dma_start3A_239 : memref<1x128xi32, #tpu.memory_space<vmem>> -> memref<128xi32, #tpu.memory_space<vmem>>
          %dma_start3A_241 = arith.constant 0 : i32
          %dma_start3A_242 = arith.constant 0 : i32
          %dma_start3A_243 = tpu.memref_slice %arg14[%dma_start3A_241, %dma_start3A_242] : memref<10240x128xf32, #tpu.memory_space<vmem_shared>> -> memref<10240x128xf32, #tpu.memory_space<vmem_shared>>
          tpu.enqueue_indirect_dma source(%arg12 : memref<128x128xf32, #tpu.memory_space<vmem>>) target(%dma_start3A_243 : memref<10240x128xf32, #tpu.memory_space<vmem_shared>>) offsets(%dma_start3A_240 : memref<128xi32, #tpu.memory_space<vmem>>) semaphore(%run_scoped3A_237 : memref<!tpu.dma_semaphore, #tpu.memory_space<semaphore_mem>>) {add = true}
          %dma_wait3A_244 = arith.constant 0 : i32
          %dma_wait3A_245 = tpu.memref_slice %arg11[%add3A_208, %dma_wait3A_244] : memref<40x128xi32, #tpu.memory_space<vmem>> -> memref<1x128xi32, #tpu.memory_space<vmem>>
          %dma_wait3A_246 = tpu.memref_squeeze %dma_wait3A_245 : memref<1x128xi32, #tpu.memory_space<vmem>> -> memref<128xi32, #tpu.memory_space<vmem>>
          %dma_wait3A_247 = arith.constant 0 : i32
          %dma_wait3A_248 = arith.constant 0 : i32
          %dma_wait3A_249 = tpu.memref_slice %arg14[%dma_wait3A_247, %dma_wait3A_248] : memref<10240x128xf32, #tpu.memory_space<vmem_shared>> -> memref<10240x128xf32, #tpu.memory_space<vmem_shared>>
          tpu.wait_indirect_dma semaphore(%run_scoped3A_237 : memref<!tpu.dma_semaphore, #tpu.memory_space<semaphore_mem>>) src(%arg12 : memref<128x128xf32, #tpu.memory_space<vmem>>) dst(%dma_wait3A_249 : memref<10240x128xf32, #tpu.memory_space<vmem_shared>>)
          tpu.yield
        }) : () -> ()
        %add3A_209 = arith.constant 0 : i32
        %add3A_210 = arith.addi %add3A_200, %add3A_209 : i32
        %add3A_211 = arith.constant 2 : i32
        %add3A_212 = arith.addi %add3A_210, %add3A_211 : i32
        %dma_start3A_213 = arith.constant 0 : i32
        %dma_start3A_214 = tpu.memref_slice %arg10[%add3A_212, %dma_start3A_213] : memref<40x128xi32, #tpu.memory_space<vmem>> -> memref<1x128xi32, #tpu.memory_space<vmem>>
        %dma_start3A_215 = tpu.memref_squeeze %dma_start3A_214 : memref<1x128xi32, #tpu.memory_space<vmem>> -> memref<128xi32, #tpu.memory_space<vmem>>
        %dma_start3A_216 = arith.constant 0 : i32
        %dma_start3A_217 = arith.constant 0 : i32
        %dma_start3A_218 = tpu.memref_slice %arg3[%dma_start3A_216, %dma_start3A_217] : memref<10240x128xf32, #tpu.memory_space<hbm>> -> memref<10240x128xf32, #tpu.memory_space<hbm>>
        tpu.enqueue_indirect_dma source(%dma_start3A_218 : memref<10240x128xf32, #tpu.memory_space<hbm>>) target(%arg12 : memref<128x128xf32, #tpu.memory_space<vmem>>) offsets(%dma_start3A_215 : memref<128xi32, #tpu.memory_space<vmem>>) semaphore(%arg15 : memref<!tpu.dma_semaphore, #tpu.memory_space<semaphore_mem>>)
        %dma_wait3A_219 = arith.constant 0 : i32
        %dma_wait3A_220 = arith.constant 0 : i32
        %dma_wait3A_221 = tpu.memref_slice %arg3[%dma_wait3A_219, %dma_wait3A_220] : memref<10240x128xf32, #tpu.memory_space<hbm>> -> memref<128x128xf32, #tpu.memory_space<hbm>>
        %dma_wait3A_222 = arith.constant 0 : i32
        %dma_wait3A_223 = arith.constant 0 : i32
        %dma_wait3A_224 = tpu.memref_slice %arg3[%dma_wait3A_222, %dma_wait3A_223] : memref<10240x128xf32, #tpu.memory_space<hbm>> -> memref<128x128xf32, #tpu.memory_space<hbm>>
        tpu.wait_dma2 semaphore(%arg16 : memref<!tpu.dma_semaphore, #tpu.memory_space<semaphore_mem>>) src(%dma_wait3A_224 : memref<128x128xf32, #tpu.memory_space<hbm>>) dst(%arg13 : memref<128x128xf32, #tpu.memory_space<vmem>>)
        %add3A_225 = arith.constant 1 : i32
        %add3A_226 = arith.addi %add3A_200, %add3A_225 : i32
        "tpu.region"() ({
          %run_scoped3A_237 = tpu.sem_alloc : memref<!tpu.dma_semaphore, #tpu.memory_space<semaphore_mem>>
          %dma_start3A_238 = arith.constant 0 : i32
          %dma_start3A_239 = tpu.memref_slice %arg11[%add3A_226, %dma_start3A_238] : memref<40x128xi32, #tpu.memory_space<vmem>> -> memref<1x128xi32, #tpu.memory_space<vmem>>
          %dma_start3A_240 = tpu.memref_squeeze %dma_start3A_239 : memref<1x128xi32, #tpu.memory_space<vmem>> -> memref<128xi32, #tpu.memory_space<vmem>>
          %dma_start3A_241 = arith.constant 0 : i32
          %dma_start3A_242 = arith.constant 0 : i32
          %dma_start3A_243 = tpu.memref_slice %arg14[%dma_start3A_241, %dma_start3A_242] : memref<10240x128xf32, #tpu.memory_space<vmem_shared>> -> memref<10240x128xf32, #tpu.memory_space<vmem_shared>>
          tpu.enqueue_indirect_dma source(%arg13 : memref<128x128xf32, #tpu.memory_space<vmem>>) target(%dma_start3A_243 : memref<10240x128xf32, #tpu.memory_space<vmem_shared>>) offsets(%dma_start3A_240 : memref<128xi32, #tpu.memory_space<vmem>>) semaphore(%run_scoped3A_237 : memref<!tpu.dma_semaphore, #tpu.memory_space<semaphore_mem>>) {add = true}
          %dma_wait3A_244 = arith.constant 0 : i32
          %dma_wait3A_245 = tpu.memref_slice %arg11[%add3A_226, %dma_wait3A_244] : memref<40x128xi32, #tpu.memory_space<vmem>> -> memref<1x128xi32, #tpu.memory_space<vmem>>
          %dma_wait3A_246 = tpu.memref_squeeze %dma_wait3A_245 : memref<1x128xi32, #tpu.memory_space<vmem>> -> memref<128xi32, #tpu.memory_space<vmem>>
          %dma_wait3A_247 = arith.constant 0 : i32
          %dma_wait3A_248 = arith.constant 0 : i32
          %dma_wait3A_249 = tpu.memref_slice %arg14[%dma_wait3A_247, %dma_wait3A_248] : memref<10240x128xf32, #tpu.memory_space<vmem_shared>> -> memref<10240x128xf32, #tpu.memory_space<vmem_shared>>
          tpu.wait_indirect_dma semaphore(%run_scoped3A_237 : memref<!tpu.dma_semaphore, #tpu.memory_space<semaphore_mem>>) src(%arg13 : memref<128x128xf32, #tpu.memory_space<vmem>>) dst(%dma_wait3A_249 : memref<10240x128xf32, #tpu.memory_space<vmem_shared>>)
          tpu.yield
        }) : () -> ()
        %add3A_227 = arith.constant 1 : i32
        %add3A_228 = arith.addi %add3A_200, %add3A_227 : i32
        %add3A_229 = arith.constant 2 : i32
        %add3A_230 = arith.addi %add3A_228, %add3A_229 : i32
        %dma_start3A_231 = arith.constant 0 : i32
        %dma_start3A_232 = tpu.memref_slice %arg10[%add3A_230, %dma_start3A_231] : memref<40x128xi32, #tpu.memory_space<vmem>> -> memref<1x128xi32, #tpu.memory_space<vmem>>
        %dma_start3A_233 = tpu.memref_squeeze %dma_start3A_232 : memref<1x128xi32, #tpu.memory_space<vmem>> -> memref<128xi32, #tpu.memory_space<vmem>>
        %dma_start3A_234 = arith.constant 0 : i32
        %dma_start3A_235 = arith.constant 0 : i32
        %dma_start3A_236 = tpu.memref_slice %arg3[%dma_start3A_234, %dma_start3A_235] : memref<10240x128xf32, #tpu.memory_space<hbm>> -> memref<10240x128xf32, #tpu.memory_space<hbm>>
        tpu.enqueue_indirect_dma source(%dma_start3A_236 : memref<10240x128xf32, #tpu.memory_space<hbm>>) target(%arg13 : memref<128x128xf32, #tpu.memory_space<vmem>>) offsets(%dma_start3A_233 : memref<128xi32, #tpu.memory_space<vmem>>) semaphore(%arg16 : memref<!tpu.dma_semaphore, #tpu.memory_space<semaphore_mem>>)
      }
      %scan3A_140 = arith.constant 19 : i32
      %dma_wait3A_141 = arith.constant 0 : i32
      %dma_wait3A_142 = arith.constant 0 : i32
      %dma_wait3A_143 = tpu.memref_slice %arg3[%dma_wait3A_141, %dma_wait3A_142] : memref<10240x128xf32, #tpu.memory_space<hbm>> -> memref<128x128xf32, #tpu.memory_space<hbm>>
      %dma_wait3A_144 = arith.constant 0 : i32
      %dma_wait3A_145 = arith.constant 0 : i32
      %dma_wait3A_146 = tpu.memref_slice %arg3[%dma_wait3A_144, %dma_wait3A_145] : memref<10240x128xf32, #tpu.memory_space<hbm>> -> memref<128x128xf32, #tpu.memory_space<hbm>>
      tpu.wait_dma2 semaphore(%arg15 : memref<!tpu.dma_semaphore, #tpu.memory_space<semaphore_mem>>) src(%dma_wait3A_146 : memref<128x128xf32, #tpu.memory_space<hbm>>) dst(%arg12 : memref<128x128xf32, #tpu.memory_space<vmem>>)
      %run_scoped3A_147 = arith.constant 38 : i32
      "tpu.region"() ({
        %run_scoped3A_196 = tpu.sem_alloc : memref<!tpu.dma_semaphore, #tpu.memory_space<semaphore_mem>>
        %dma_start3A_197 = arith.constant 0 : i32
        %dma_start3A_198 = tpu.memref_slice %arg11[%run_scoped3A_147, %dma_start3A_197] : memref<40x128xi32, #tpu.memory_space<vmem>> -> memref<1x128xi32, #tpu.memory_space<vmem>>
        %dma_start3A_199 = tpu.memref_squeeze %dma_start3A_198 : memref<1x128xi32, #tpu.memory_space<vmem>> -> memref<128xi32, #tpu.memory_space<vmem>>
        %dma_start3A_200 = arith.constant 0 : i32
        %dma_start3A_201 = arith.constant 0 : i32
        %dma_start3A_202 = tpu.memref_slice %arg14[%dma_start3A_200, %dma_start3A_201] : memref<10240x128xf32, #tpu.memory_space<vmem_shared>> -> memref<10240x128xf32, #tpu.memory_space<vmem_shared>>
        tpu.enqueue_indirect_dma source(%arg12 : memref<128x128xf32, #tpu.memory_space<vmem>>) target(%dma_start3A_202 : memref<10240x128xf32, #tpu.memory_space<vmem_shared>>) offsets(%dma_start3A_199 : memref<128xi32, #tpu.memory_space<vmem>>) semaphore(%run_scoped3A_196 : memref<!tpu.dma_semaphore, #tpu.memory_space<semaphore_mem>>) {add = true}
        %dma_wait3A_203 = arith.constant 0 : i32
        %dma_wait3A_204 = tpu.memref_slice %arg11[%run_scoped3A_147, %dma_wait3A_203] : memref<40x128xi32, #tpu.memory_space<vmem>> -> memref<1x128xi32, #tpu.memory_space<vmem>>
        %dma_wait3A_205 = tpu.memref_squeeze %dma_wait3A_204 : memref<1x128xi32, #tpu.memory_space<vmem>> -> memref<128xi32, #tpu.memory_space<vmem>>
        %dma_wait3A_206 = arith.constant 0 : i32
        %dma_wait3A_207 = arith.constant 0 : i32
        %dma_wait3A_208 = tpu.memref_slice %arg14[%dma_wait3A_206, %dma_wait3A_207] : memref<10240x128xf32, #tpu.memory_space<vmem_shared>> -> memref<10240x128xf32, #tpu.memory_space<vmem_shared>>
        tpu.wait_indirect_dma semaphore(%run_scoped3A_196 : memref<!tpu.dma_semaphore, #tpu.memory_space<semaphore_mem>>) src(%arg12 : memref<128x128xf32, #tpu.memory_space<vmem>>) dst(%dma_wait3A_208 : memref<10240x128xf32, #tpu.memory_space<vmem_shared>>)
        tpu.yield
      }) : () -> ()
      %dma_wait3A_148 = arith.constant 0 : i32
      %dma_wait3A_149 = arith.constant 0 : i32
      %dma_wait3A_150 = tpu.memref_slice %arg3[%dma_wait3A_148, %dma_wait3A_149] : memref<10240x128xf32, #tpu.memory_space<hbm>> -> memref<128x128xf32, #tpu.memory_space<hbm>>
      %dma_wait3A_151 = arith.constant 0 : i32
      %dma_wait3A_152 = arith.constant 0 : i32
      %dma_wait3A_153 = tpu.memref_slice %arg3[%dma_wait3A_151, %dma_wait3A_152] : memref<10240x128xf32, #tpu.memory_space<hbm>> -> memref<128x128xf32, #tpu.memory_space<hbm>>
      tpu.wait_dma2 semaphore(%arg16 : memref<!tpu.dma_semaphore, #tpu.memory_space<semaphore_mem>>) src(%dma_wait3A_153 : memref<128x128xf32, #tpu.memory_space<hbm>>) dst(%arg13 : memref<128x128xf32, #tpu.memory_space<vmem>>)
      %run_scoped3A_154 = arith.constant 39 : i32
      "tpu.region"() ({
        %run_scoped3A_196 = tpu.sem_alloc : memref<!tpu.dma_semaphore, #tpu.memory_space<semaphore_mem>>
        %dma_start3A_197 = arith.constant 0 : i32
        %dma_start3A_198 = tpu.memref_slice %arg11[%run_scoped3A_154, %dma_start3A_197] : memref<40x128xi32, #tpu.memory_space<vmem>> -> memref<1x128xi32, #tpu.memory_space<vmem>>
        %dma_start3A_199 = tpu.memref_squeeze %dma_start3A_198 : memref<1x128xi32, #tpu.memory_space<vmem>> -> memref<128xi32, #tpu.memory_space<vmem>>
        %dma_start3A_200 = arith.constant 0 : i32
        %dma_start3A_201 = arith.constant 0 : i32
        %dma_start3A_202 = tpu.memref_slice %arg14[%dma_start3A_200, %dma_start3A_201] : memref<10240x128xf32, #tpu.memory_space<vmem_shared>> -> memref<10240x128xf32, #tpu.memory_space<vmem_shared>>
        tpu.enqueue_indirect_dma source(%arg13 : memref<128x128xf32, #tpu.memory_space<vmem>>) target(%dma_start3A_202 : memref<10240x128xf32, #tpu.memory_space<vmem_shared>>) offsets(%dma_start3A_199 : memref<128xi32, #tpu.memory_space<vmem>>) semaphore(%run_scoped3A_196 : memref<!tpu.dma_semaphore, #tpu.memory_space<semaphore_mem>>) {add = true}
        %dma_wait3A_203 = arith.constant 0 : i32
        %dma_wait3A_204 = tpu.memref_slice %arg11[%run_scoped3A_154, %dma_wait3A_203] : memref<40x128xi32, #tpu.memory_space<vmem>> -> memref<1x128xi32, #tpu.memory_space<vmem>>
        %dma_wait3A_205 = tpu.memref_squeeze %dma_wait3A_204 : memref<1x128xi32, #tpu.memory_space<vmem>> -> memref<128xi32, #tpu.memory_space<vmem>>
        %dma_wait3A_206 = arith.constant 0 : i32
        %dma_wait3A_207 = arith.constant 0 : i32
        %dma_wait3A_208 = tpu.memref_slice %arg14[%dma_wait3A_206, %dma_wait3A_207] : memref<10240x128xf32, #tpu.memory_space<vmem_shared>> -> memref<10240x128xf32, #tpu.memory_space<vmem_shared>>
        tpu.wait_indirect_dma semaphore(%run_scoped3A_196 : memref<!tpu.dma_semaphore, #tpu.memory_space<semaphore_mem>>) src(%arg13 : memref<128x128xf32, #tpu.memory_space<vmem>>) dst(%dma_wait3A_208 : memref<10240x128xf32, #tpu.memory_space<vmem_shared>>)
        tpu.yield
      }) : () -> ()
      %mul3A_155 = arith.constant 160 : i32
      %mul3A_156 = arith.muli %arg1, %mul3A_155 : i32
      %add3A_157 = arith.constant 120 : i32
      %add3A_158 = arith.addi %mul3A_156, %add3A_157 : i32
      "tpu.region"() ({
        %run_scoped3A_196 = tpu.sem_alloc : memref<!tpu.dma_semaphore, #tpu.memory_space<semaphore_mem>>
        %dma_start3A_197 = arith.constant 0 : i32
        %dma_start3A_198 = tpu.memref_slice %arg6[%add3A_158, %dma_start3A_197] : memref<2560x128xi32, #tpu.memory_space<hbm>> -> memref<40x128xi32, #tpu.memory_space<hbm>>
        %dma_start3A_199 = arith.constant 0 : i32
        %dma_start3A_200 = tpu.memref_slice %arg6[%add3A_158, %dma_start3A_199] : memref<2560x128xi32, #tpu.memory_space<hbm>> -> memref<40x128xi32, #tpu.memory_space<hbm>>
        tpu.enqueue_dma source(%dma_start3A_200 : memref<40x128xi32, #tpu.memory_space<hbm>>) target(%arg10 : memref<40x128xi32, #tpu.memory_space<vmem>>) target_semaphore(%run_scoped3A_196 : memref<!tpu.dma_semaphore, #tpu.memory_space<semaphore_mem>>)
        %dma_wait3A_201 = arith.constant 0 : i32
        %dma_wait3A_202 = tpu.memref_slice %arg6[%add3A_158, %dma_wait3A_201] : memref<2560x128xi32, #tpu.memory_space<hbm>> -> memref<40x128xi32, #tpu.memory_space<hbm>>
        %dma_wait3A_203 = arith.constant 0 : i32
        %dma_wait3A_204 = tpu.memref_slice %arg6[%add3A_158, %dma_wait3A_203] : memref<2560x128xi32, #tpu.memory_space<hbm>> -> memref<40x128xi32, #tpu.memory_space<hbm>>
        tpu.wait_dma2 semaphore(%run_scoped3A_196 : memref<!tpu.dma_semaphore, #tpu.memory_space<semaphore_mem>>) src(%dma_wait3A_204 : memref<40x128xi32, #tpu.memory_space<hbm>>) dst(%arg10 : memref<40x128xi32, #tpu.memory_space<vmem>>)
        tpu.yield
      }) : () -> ()
      %mul3A_159 = arith.constant 160 : i32
      %mul3A_160 = arith.muli %arg1, %mul3A_159 : i32
      %add3A_161 = arith.constant 120 : i32
      %add3A_162 = arith.addi %mul3A_160, %add3A_161 : i32
      "tpu.region"() ({
        %run_scoped3A_196 = tpu.sem_alloc : memref<!tpu.dma_semaphore, #tpu.memory_space<semaphore_mem>>
        %dma_start3A_197 = arith.constant 0 : i32
        %dma_start3A_198 = tpu.memref_slice %arg7[%add3A_162, %dma_start3A_197] : memref<2560x128xi32, #tpu.memory_space<hbm>> -> memref<40x128xi32, #tpu.memory_space<hbm>>
        %dma_start3A_199 = arith.constant 0 : i32
        %dma_start3A_200 = tpu.memref_slice %arg7[%add3A_162, %dma_start3A_199] : memref<2560x128xi32, #tpu.memory_space<hbm>> -> memref<40x128xi32, #tpu.memory_space<hbm>>
        tpu.enqueue_dma source(%dma_start3A_200 : memref<40x128xi32, #tpu.memory_space<hbm>>) target(%arg11 : memref<40x128xi32, #tpu.memory_space<vmem>>) target_semaphore(%run_scoped3A_196 : memref<!tpu.dma_semaphore, #tpu.memory_space<semaphore_mem>>)
        %dma_wait3A_201 = arith.constant 0 : i32
        %dma_wait3A_202 = tpu.memref_slice %arg7[%add3A_162, %dma_wait3A_201] : memref<2560x128xi32, #tpu.memory_space<hbm>> -> memref<40x128xi32, #tpu.memory_space<hbm>>
        %dma_wait3A_203 = arith.constant 0 : i32
        %dma_wait3A_204 = tpu.memref_slice %arg7[%add3A_162, %dma_wait3A_203] : memref<2560x128xi32, #tpu.memory_space<hbm>> -> memref<40x128xi32, #tpu.memory_space<hbm>>
        tpu.wait_dma2 semaphore(%run_scoped3A_196 : memref<!tpu.dma_semaphore, #tpu.memory_space<semaphore_mem>>) src(%dma_wait3A_204 : memref<40x128xi32, #tpu.memory_space<hbm>>) dst(%arg11 : memref<40x128xi32, #tpu.memory_space<vmem>>)
        tpu.yield
      }) : () -> ()
      %dma_start3A_163 = arith.constant 0 : i32
      %dma_start3A_164 = arith.constant 0 : i32
      %dma_start3A_165 = tpu.memref_slice %arg10[%dma_start3A_163, %dma_start3A_164] : memref<40x128xi32, #tpu.memory_space<vmem>> -> memref<1x128xi32, #tpu.memory_space<vmem>>
      %dma_start3A_166 = tpu.memref_squeeze %dma_start3A_165 : memref<1x128xi32, #tpu.memory_space<vmem>> -> memref<128xi32, #tpu.memory_space<vmem>>
      %dma_start3A_167 = arith.constant 0 : i32
      %dma_start3A_168 = arith.constant 0 : i32
      %dma_start3A_169 = tpu.memref_slice %arg3[%dma_start3A_167, %dma_start3A_168] : memref<10240x128xf32, #tpu.memory_space<hbm>> -> memref<10240x128xf32, #tpu.memory_space<hbm>>
      tpu.enqueue_indirect_dma source(%dma_start3A_169 : memref<10240x128xf32, #tpu.memory_space<hbm>>) target(%arg12 : memref<128x128xf32, #tpu.memory_space<vmem>>) offsets(%dma_start3A_166 : memref<128xi32, #tpu.memory_space<vmem>>) semaphore(%arg15 : memref<!tpu.dma_semaphore, #tpu.memory_space<semaphore_mem>>)
      %dma_start3A_170 = arith.constant 1 : i32
      %dma_start3A_171 = arith.constant 0 : i32
      %dma_start3A_172 = tpu.memref_slice %arg10[%dma_start3A_170, %dma_start3A_171] : memref<40x128xi32, #tpu.memory_space<vmem>> -> memref<1x128xi32, #tpu.memory_space<vmem>>
      %dma_start3A_173 = tpu.memref_squeeze %dma_start3A_172 : memref<1x128xi32, #tpu.memory_space<vmem>> -> memref<128xi32, #tpu.memory_space<vmem>>
      %dma_start3A_174 = arith.constant 0 : i32
      %dma_start3A_175 = arith.constant 0 : i32
      %dma_start3A_176 = tpu.memref_slice %arg3[%dma_start3A_174, %dma_start3A_175] : memref<10240x128xf32, #tpu.memory_space<hbm>> -> memref<10240x128xf32, #tpu.memory_space<hbm>>
      tpu.enqueue_indirect_dma source(%dma_start3A_176 : memref<10240x128xf32, #tpu.memory_space<hbm>>) target(%arg13 : memref<128x128xf32, #tpu.memory_space<vmem>>) offsets(%dma_start3A_173 : memref<128xi32, #tpu.memory_space<vmem>>) semaphore(%arg16 : memref<!tpu.dma_semaphore, #tpu.memory_space<semaphore_mem>>)
      %scan3A_177 = arith.constant 0 : i32
      %scan3A_178 = arith.constant 19 : i32
      %scan3A_179 = arith.addi %scan3A_177, %scan3A_178 : i32
      %scan3A_180 = arith.constant 1 : i32
      scf.for %scan3A_196 = %scan3A_177 to %scan3A_179 step %scan3A_180  : i32 {
        %mul3A_197 = arith.constant 2 : i32
        %mul3A_198 = arith.muli %scan3A_196, %mul3A_197 : i32
        %add3A_199 = arith.constant 0 : i32
        %add3A_200 = arith.addi %add3A_199, %mul3A_198 : i32
        %dma_wait3A_201 = arith.constant 0 : i32
        %dma_wait3A_202 = arith.constant 0 : i32
        %dma_wait3A_203 = tpu.memref_slice %arg3[%dma_wait3A_201, %dma_wait3A_202] : memref<10240x128xf32, #tpu.memory_space<hbm>> -> memref<128x128xf32, #tpu.memory_space<hbm>>
        %dma_wait3A_204 = arith.constant 0 : i32
        %dma_wait3A_205 = arith.constant 0 : i32
        %dma_wait3A_206 = tpu.memref_slice %arg3[%dma_wait3A_204, %dma_wait3A_205] : memref<10240x128xf32, #tpu.memory_space<hbm>> -> memref<128x128xf32, #tpu.memory_space<hbm>>
        tpu.wait_dma2 semaphore(%arg15 : memref<!tpu.dma_semaphore, #tpu.memory_space<semaphore_mem>>) src(%dma_wait3A_206 : memref<128x128xf32, #tpu.memory_space<hbm>>) dst(%arg12 : memref<128x128xf32, #tpu.memory_space<vmem>>)
        %add3A_207 = arith.constant 0 : i32
        %add3A_208 = arith.addi %add3A_200, %add3A_207 : i32
        "tpu.region"() ({
          %run_scoped3A_237 = tpu.sem_alloc : memref<!tpu.dma_semaphore, #tpu.memory_space<semaphore_mem>>
          %dma_start3A_238 = arith.constant 0 : i32
          %dma_start3A_239 = tpu.memref_slice %arg11[%add3A_208, %dma_start3A_238] : memref<40x128xi32, #tpu.memory_space<vmem>> -> memref<1x128xi32, #tpu.memory_space<vmem>>
          %dma_start3A_240 = tpu.memref_squeeze %dma_start3A_239 : memref<1x128xi32, #tpu.memory_space<vmem>> -> memref<128xi32, #tpu.memory_space<vmem>>
          %dma_start3A_241 = arith.constant 0 : i32
          %dma_start3A_242 = arith.constant 0 : i32
          %dma_start3A_243 = tpu.memref_slice %arg14[%dma_start3A_241, %dma_start3A_242] : memref<10240x128xf32, #tpu.memory_space<vmem_shared>> -> memref<10240x128xf32, #tpu.memory_space<vmem_shared>>
          tpu.enqueue_indirect_dma source(%arg12 : memref<128x128xf32, #tpu.memory_space<vmem>>) target(%dma_start3A_243 : memref<10240x128xf32, #tpu.memory_space<vmem_shared>>) offsets(%dma_start3A_240 : memref<128xi32, #tpu.memory_space<vmem>>) semaphore(%run_scoped3A_237 : memref<!tpu.dma_semaphore, #tpu.memory_space<semaphore_mem>>) {add = true}
          %dma_wait3A_244 = arith.constant 0 : i32
          %dma_wait3A_245 = tpu.memref_slice %arg11[%add3A_208, %dma_wait3A_244] : memref<40x128xi32, #tpu.memory_space<vmem>> -> memref<1x128xi32, #tpu.memory_space<vmem>>
          %dma_wait3A_246 = tpu.memref_squeeze %dma_wait3A_245 : memref<1x128xi32, #tpu.memory_space<vmem>> -> memref<128xi32, #tpu.memory_space<vmem>>
          %dma_wait3A_247 = arith.constant 0 : i32
          %dma_wait3A_248 = arith.constant 0 : i32
          %dma_wait3A_249 = tpu.memref_slice %arg14[%dma_wait3A_247, %dma_wait3A_248] : memref<10240x128xf32, #tpu.memory_space<vmem_shared>> -> memref<10240x128xf32, #tpu.memory_space<vmem_shared>>
          tpu.wait_indirect_dma semaphore(%run_scoped3A_237 : memref<!tpu.dma_semaphore, #tpu.memory_space<semaphore_mem>>) src(%arg12 : memref<128x128xf32, #tpu.memory_space<vmem>>) dst(%dma_wait3A_249 : memref<10240x128xf32, #tpu.memory_space<vmem_shared>>)
          tpu.yield
        }) : () -> ()
        %add3A_209 = arith.constant 0 : i32
        %add3A_210 = arith.addi %add3A_200, %add3A_209 : i32
        %add3A_211 = arith.constant 2 : i32
        %add3A_212 = arith.addi %add3A_210, %add3A_211 : i32
        %dma_start3A_213 = arith.constant 0 : i32
        %dma_start3A_214 = tpu.memref_slice %arg10[%add3A_212, %dma_start3A_213] : memref<40x128xi32, #tpu.memory_space<vmem>> -> memref<1x128xi32, #tpu.memory_space<vmem>>
        %dma_start3A_215 = tpu.memref_squeeze %dma_start3A_214 : memref<1x128xi32, #tpu.memory_space<vmem>> -> memref<128xi32, #tpu.memory_space<vmem>>
        %dma_start3A_216 = arith.constant 0 : i32
        %dma_start3A_217 = arith.constant 0 : i32
        %dma_start3A_218 = tpu.memref_slice %arg3[%dma_start3A_216, %dma_start3A_217] : memref<10240x128xf32, #tpu.memory_space<hbm>> -> memref<10240x128xf32, #tpu.memory_space<hbm>>
        tpu.enqueue_indirect_dma source(%dma_start3A_218 : memref<10240x128xf32, #tpu.memory_space<hbm>>) target(%arg12 : memref<128x128xf32, #tpu.memory_space<vmem>>) offsets(%dma_start3A_215 : memref<128xi32, #tpu.memory_space<vmem>>) semaphore(%arg15 : memref<!tpu.dma_semaphore, #tpu.memory_space<semaphore_mem>>)
        %dma_wait3A_219 = arith.constant 0 : i32
        %dma_wait3A_220 = arith.constant 0 : i32
        %dma_wait3A_221 = tpu.memref_slice %arg3[%dma_wait3A_219, %dma_wait3A_220] : memref<10240x128xf32, #tpu.memory_space<hbm>> -> memref<128x128xf32, #tpu.memory_space<hbm>>
        %dma_wait3A_222 = arith.constant 0 : i32
        %dma_wait3A_223 = arith.constant 0 : i32
        %dma_wait3A_224 = tpu.memref_slice %arg3[%dma_wait3A_222, %dma_wait3A_223] : memref<10240x128xf32, #tpu.memory_space<hbm>> -> memref<128x128xf32, #tpu.memory_space<hbm>>
        tpu.wait_dma2 semaphore(%arg16 : memref<!tpu.dma_semaphore, #tpu.memory_space<semaphore_mem>>) src(%dma_wait3A_224 : memref<128x128xf32, #tpu.memory_space<hbm>>) dst(%arg13 : memref<128x128xf32, #tpu.memory_space<vmem>>)
        %add3A_225 = arith.constant 1 : i32
        %add3A_226 = arith.addi %add3A_200, %add3A_225 : i32
        "tpu.region"() ({
          %run_scoped3A_237 = tpu.sem_alloc : memref<!tpu.dma_semaphore, #tpu.memory_space<semaphore_mem>>
          %dma_start3A_238 = arith.constant 0 : i32
          %dma_start3A_239 = tpu.memref_slice %arg11[%add3A_226, %dma_start3A_238] : memref<40x128xi32, #tpu.memory_space<vmem>> -> memref<1x128xi32, #tpu.memory_space<vmem>>
          %dma_start3A_240 = tpu.memref_squeeze %dma_start3A_239 : memref<1x128xi32, #tpu.memory_space<vmem>> -> memref<128xi32, #tpu.memory_space<vmem>>
          %dma_start3A_241 = arith.constant 0 : i32
          %dma_start3A_242 = arith.constant 0 : i32
          %dma_start3A_243 = tpu.memref_slice %arg14[%dma_start3A_241, %dma_start3A_242] : memref<10240x128xf32, #tpu.memory_space<vmem_shared>> -> memref<10240x128xf32, #tpu.memory_space<vmem_shared>>
          tpu.enqueue_indirect_dma source(%arg13 : memref<128x128xf32, #tpu.memory_space<vmem>>) target(%dma_start3A_243 : memref<10240x128xf32, #tpu.memory_space<vmem_shared>>) offsets(%dma_start3A_240 : memref<128xi32, #tpu.memory_space<vmem>>) semaphore(%run_scoped3A_237 : memref<!tpu.dma_semaphore, #tpu.memory_space<semaphore_mem>>) {add = true}
          %dma_wait3A_244 = arith.constant 0 : i32
          %dma_wait3A_245 = tpu.memref_slice %arg11[%add3A_226, %dma_wait3A_244] : memref<40x128xi32, #tpu.memory_space<vmem>> -> memref<1x128xi32, #tpu.memory_space<vmem>>
          %dma_wait3A_246 = tpu.memref_squeeze %dma_wait3A_245 : memref<1x128xi32, #tpu.memory_space<vmem>> -> memref<128xi32, #tpu.memory_space<vmem>>
          %dma_wait3A_247 = arith.constant 0 : i32
          %dma_wait3A_248 = arith.constant 0 : i32
          %dma_wait3A_249 = tpu.memref_slice %arg14[%dma_wait3A_247, %dma_wait3A_248] : memref<10240x128xf32, #tpu.memory_space<vmem_shared>> -> memref<10240x128xf32, #tpu.memory_space<vmem_shared>>
          tpu.wait_indirect_dma semaphore(%run_scoped3A_237 : memref<!tpu.dma_semaphore, #tpu.memory_space<semaphore_mem>>) src(%arg13 : memref<128x128xf32, #tpu.memory_space<vmem>>) dst(%dma_wait3A_249 : memref<10240x128xf32, #tpu.memory_space<vmem_shared>>)
          tpu.yield
        }) : () -> ()
        %add3A_227 = arith.constant 1 : i32
        %add3A_228 = arith.addi %add3A_200, %add3A_227 : i32
        %add3A_229 = arith.constant 2 : i32
        %add3A_230 = arith.addi %add3A_228, %add3A_229 : i32
        %dma_start3A_231 = arith.constant 0 : i32
        %dma_start3A_232 = tpu.memref_slice %arg10[%add3A_230, %dma_start3A_231] : memref<40x128xi32, #tpu.memory_space<vmem>> -> memref<1x128xi32, #tpu.memory_space<vmem>>
        %dma_start3A_233 = tpu.memref_squeeze %dma_start3A_232 : memref<1x128xi32, #tpu.memory_space<vmem>> -> memref<128xi32, #tpu.memory_space<vmem>>
        %dma_start3A_234 = arith.constant 0 : i32
        %dma_start3A_235 = arith.constant 0 : i32
        %dma_start3A_236 = tpu.memref_slice %arg3[%dma_start3A_234, %dma_start3A_235] : memref<10240x128xf32, #tpu.memory_space<hbm>> -> memref<10240x128xf32, #tpu.memory_space<hbm>>
        tpu.enqueue_indirect_dma source(%dma_start3A_236 : memref<10240x128xf32, #tpu.memory_space<hbm>>) target(%arg13 : memref<128x128xf32, #tpu.memory_space<vmem>>) offsets(%dma_start3A_233 : memref<128xi32, #tpu.memory_space<vmem>>) semaphore(%arg16 : memref<!tpu.dma_semaphore, #tpu.memory_space<semaphore_mem>>)
      }
      %scan3A_181 = arith.constant 19 : i32
      %dma_wait3A_182 = arith.constant 0 : i32
      %dma_wait3A_183 = arith.constant 0 : i32
      %dma_wait3A_184 = tpu.memref_slice %arg3[%dma_wait3A_182, %dma_wait3A_183] : memref<10240x128xf32, #tpu.memory_space<hbm>> -> memref<128x128xf32, #tpu.memory_space<hbm>>
      %dma_wait3A_185 = arith.constant 0 : i32
      %dma_wait3A_186 = arith.constant 0 : i32
      %dma_wait3A_187 = tpu.memref_slice %arg3[%dma_wait3A_185, %dma_wait3A_186] : memref<10240x128xf32, #tpu.memory_space<hbm>> -> memref<128x128xf32, #tpu.memory_space<hbm>>
      tpu.wait_dma2 semaphore(%arg15 : memref<!tpu.dma_semaphore, #tpu.memory_space<semaphore_mem>>) src(%dma_wait3A_187 : memref<128x128xf32, #tpu.memory_space<hbm>>) dst(%arg12 : memref<128x128xf32, #tpu.memory_space<vmem>>)
      %run_scoped3A_188 = arith.constant 38 : i32
      "tpu.region"() ({
        %run_scoped3A_196 = tpu.sem_alloc : memref<!tpu.dma_semaphore, #tpu.memory_space<semaphore_mem>>
        %dma_start3A_197 = arith.constant 0 : i32
        %dma_start3A_198 = tpu.memref_slice %arg11[%run_scoped3A_188, %dma_start3A_197] : memref<40x128xi32, #tpu.memory_space<vmem>> -> memref<1x128xi32, #tpu.memory_space<vmem>>
        %dma_start3A_199 = tpu.memref_squeeze %dma_start3A_198 : memref<1x128xi32, #tpu.memory_space<vmem>> -> memref<128xi32, #tpu.memory_space<vmem>>
        %dma_start3A_200 = arith.constant 0 : i32
        %dma_start3A_201 = arith.constant 0 : i32
        %dma_start3A_202 = tpu.memref_slice %arg14[%dma_start3A_200, %dma_start3A_201] : memref<10240x128xf32, #tpu.memory_space<vmem_shared>> -> memref<10240x128xf32, #tpu.memory_space<vmem_shared>>
        tpu.enqueue_indirect_dma source(%arg12 : memref<128x128xf32, #tpu.memory_space<vmem>>) target(%dma_start3A_202 : memref<10240x128xf32, #tpu.memory_space<vmem_shared>>) offsets(%dma_start3A_199 : memref<128xi32, #tpu.memory_space<vmem>>) semaphore(%run_scoped3A_196 : memref<!tpu.dma_semaphore, #tpu.memory_space<semaphore_mem>>) {add = true}
        %dma_wait3A_203 = arith.constant 0 : i32
        %dma_wait3A_204 = tpu.memref_slice %arg11[%run_scoped3A_188, %dma_wait3A_203] : memref<40x128xi32, #tpu.memory_space<vmem>> -> memref<1x128xi32, #tpu.memory_space<vmem>>
        %dma_wait3A_205 = tpu.memref_squeeze %dma_wait3A_204 : memref<1x128xi32, #tpu.memory_space<vmem>> -> memref<128xi32, #tpu.memory_space<vmem>>
        %dma_wait3A_206 = arith.constant 0 : i32
        %dma_wait3A_207 = arith.constant 0 : i32
        %dma_wait3A_208 = tpu.memref_slice %arg14[%dma_wait3A_206, %dma_wait3A_207] : memref<10240x128xf32, #tpu.memory_space<vmem_shared>> -> memref<10240x128xf32, #tpu.memory_space<vmem_shared>>
        tpu.wait_indirect_dma semaphore(%run_scoped3A_196 : memref<!tpu.dma_semaphore, #tpu.memory_space<semaphore_mem>>) src(%arg12 : memref<128x128xf32, #tpu.memory_space<vmem>>) dst(%dma_wait3A_208 : memref<10240x128xf32, #tpu.memory_space<vmem_shared>>)
        tpu.yield
      }) : () -> ()
      %dma_wait3A_189 = arith.constant 0 : i32
      %dma_wait3A_190 = arith.constant 0 : i32
      %dma_wait3A_191 = tpu.memref_slice %arg3[%dma_wait3A_189, %dma_wait3A_190] : memref<10240x128xf32, #tpu.memory_space<hbm>> -> memref<128x128xf32, #tpu.memory_space<hbm>>
      %dma_wait3A_192 = arith.constant 0 : i32
      %dma_wait3A_193 = arith.constant 0 : i32
      %dma_wait3A_194 = tpu.memref_slice %arg3[%dma_wait3A_192, %dma_wait3A_193] : memref<10240x128xf32, #tpu.memory_space<hbm>> -> memref<128x128xf32, #tpu.memory_space<hbm>>
      tpu.wait_dma2 semaphore(%arg16 : memref<!tpu.dma_semaphore, #tpu.memory_space<semaphore_mem>>) src(%dma_wait3A_194 : memref<128x128xf32, #tpu.memory_space<hbm>>) dst(%arg13 : memref<128x128xf32, #tpu.memory_space<vmem>>)
      %run_scoped3A_195 = arith.constant 39 : i32
      "tpu.region"() ({
        %run_scoped3A_196 = tpu.sem_alloc : memref<!tpu.dma_semaphore, #tpu.memory_space<semaphore_mem>>
        %dma_start3A_197 = arith.constant 0 : i32
        %dma_start3A_198 = tpu.memref_slice %arg11[%run_scoped3A_195, %dma_start3A_197] : memref<40x128xi32, #tpu.memory_space<vmem>> -> memref<1x128xi32, #tpu.memory_space<vmem>>
        %dma_start3A_199 = tpu.memref_squeeze %dma_start3A_198 : memref<1x128xi32, #tpu.memory_space<vmem>> -> memref<128xi32, #tpu.memory_space<vmem>>
        %dma_start3A_200 = arith.constant 0 : i32
        %dma_start3A_201 = arith.constant 0 : i32
        %dma_start3A_202 = tpu.memref_slice %arg14[%dma_start3A_200, %dma_start3A_201] : memref<10240x128xf32, #tpu.memory_space<vmem_shared>> -> memref<10240x128xf32, #tpu.memory_space<vmem_shared>>
        tpu.enqueue_indirect_dma source(%arg13 : memref<128x128xf32, #tpu.memory_space<vmem>>) target(%dma_start3A_202 : memref<10240x128xf32, #tpu.memory_space<vmem_shared>>) offsets(%dma_start3A_199 : memref<128xi32, #tpu.memory_space<vmem>>) semaphore(%run_scoped3A_196 : memref<!tpu.dma_semaphore, #tpu.memory_space<semaphore_mem>>) {add = true}
        %dma_wait3A_203 = arith.constant 0 : i32
        %dma_wait3A_204 = tpu.memref_slice %arg11[%run_scoped3A_195, %dma_wait3A_203] : memref<40x128xi32, #tpu.memory_space<vmem>> -> memref<1x128xi32, #tpu.memory_space<vmem>>
        %dma_wait3A_205 = tpu.memref_squeeze %dma_wait3A_204 : memref<1x128xi32, #tpu.memory_space<vmem>> -> memref<128xi32, #tpu.memory_space<vmem>>
        %dma_wait3A_206 = arith.constant 0 : i32
        %dma_wait3A_207 = arith.constant 0 : i32
        %dma_wait3A_208 = tpu.memref_slice %arg14[%dma_wait3A_206, %dma_wait3A_207] : memref<10240x128xf32, #tpu.memory_space<vmem_shared>> -> memref<10240x128xf32, #tpu.memory_space<vmem_shared>>
        tpu.wait_indirect_dma semaphore(%run_scoped3A_196 : memref<!tpu.dma_semaphore, #tpu.memory_space<semaphore_mem>>) src(%arg13 : memref<128x128xf32, #tpu.memory_space<vmem>>) dst(%dma_wait3A_208 : memref<10240x128xf32, #tpu.memory_space<vmem_shared>>)
        tpu.yield
      }) : () -> ()
    } else {
    }
    %barrier3A_25 = arith.constant 0 : index
    tpu.barrier barrier_id(%barrier3A_25)
    %eq3A_26 = arith.constant 0 : i32
    %eq3A_27 = arith.cmpi eq, %arg0, %eq3A_26 : i32
    %convert_element_type3A_28 = arith.extui %eq3A_27 : i1 to i32
    %cond3A_29 = arith.constant 0 : i32
    %cond3A_30 = arith.cmpi ne, %convert_element_type3A_28, %cond3A_29 : i32
    scf.if %cond3A_30 {
      %mul3A_36 = arith.constant 640 : i32
      %mul3A_37 = arith.muli %arg1, %mul3A_36 : i32
      %add3A_38 = arith.constant 0 : i32
      %add3A_39 = arith.addi %mul3A_37, %add3A_38 : i32
      "tpu.region"() ({
        %run_scoped3A_80 = tpu.sem_alloc : memref<!tpu.dma_semaphore, #tpu.memory_space<semaphore_mem>>
        %dma_start3A = arith.constant 0 : i32
        %dma_start3A_81 = tpu.memref_slice %arg14[%add3A_39, %dma_start3A] : memref<10240x128xf32, #tpu.memory_space<vmem_shared>> -> memref<128x128xf32, #tpu.memory_space<vmem_shared>>
        %dma_start3A_82 = arith.constant 0 : i32
        %dma_start3A_83 = tpu.memref_slice %arg14[%add3A_39, %dma_start3A_82] : memref<10240x128xf32, #tpu.memory_space<vmem_shared>> -> memref<128x128xf32, #tpu.memory_space<vmem_shared>>
        tpu.enqueue_dma source(%dma_start3A_83 : memref<128x128xf32, #tpu.memory_space<vmem_shared>>) target(%arg12 : memref<128x128xf32, #tpu.memory_space<vmem>>) target_semaphore(%run_scoped3A_80 : memref<!tpu.dma_semaphore, #tpu.memory_space<semaphore_mem>>)
        %dma_wait3A = arith.constant 0 : i32
        %dma_wait3A_84 = tpu.memref_slice %arg14[%add3A_39, %dma_wait3A] : memref<10240x128xf32, #tpu.memory_space<vmem_shared>> -> memref<128x128xf32, #tpu.memory_space<vmem_shared>>
        %dma_wait3A_85 = arith.constant 0 : i32
        %dma_wait3A_86 = tpu.memref_slice %arg14[%add3A_39, %dma_wait3A_85] : memref<10240x128xf32, #tpu.memory_space<vmem_shared>> -> memref<128x128xf32, #tpu.memory_space<vmem_shared>>
        tpu.wait_dma2 semaphore(%run_scoped3A_80 : memref<!tpu.dma_semaphore, #tpu.memory_space<semaphore_mem>>) src(%dma_wait3A_86 : memref<128x128xf32, #tpu.memory_space<vmem_shared>>) dst(%arg12 : memref<128x128xf32, #tpu.memory_space<vmem>>)
        tpu.yield
      }) : () -> ()
      %mul3A_40 = arith.constant 640 : i32
      %mul3A_41 = arith.muli %arg1, %mul3A_40 : i32
      %add3A_42 = arith.constant 0 : i32
      %add3A_43 = arith.addi %mul3A_41, %add3A_42 : i32
      %run_scoped3A = arith.constant 0 : i32
      "tpu.region"() ({
        %run_scoped3A_80 = tpu.sem_alloc : memref<!tpu.dma_semaphore, #tpu.memory_space<semaphore_mem>>
        %dma_start3A = arith.constant 0 : i32
        %dma_start3A_81 = tpu.memref_slice %arg9[%run_scoped3A, %add3A_43, %dma_start3A] : memref<2x10240x128xf32, #tpu.memory_space<hbm>> -> memref<1x128x128xf32, #tpu.memory_space<hbm>>
        %dma_start3A_82 = tpu.memref_squeeze %dma_start3A_81 : memref<1x128x128xf32, #tpu.memory_space<hbm>> -> memref<128x128xf32, #tpu.memory_space<hbm>>
        %dma_start3A_83 = arith.constant 0 : i32
        %dma_start3A_84 = tpu.memref_slice %arg9[%run_scoped3A, %add3A_43, %dma_start3A_83] : memref<2x10240x128xf32, #tpu.memory_space<hbm>> -> memref<1x128x128xf32, #tpu.memory_space<hbm>>
        %dma_start3A_85 = tpu.memref_squeeze %dma_start3A_84 : memref<1x128x128xf32, #tpu.memory_space<hbm>> -> memref<128x128xf32, #tpu.memory_space<hbm>>
        tpu.enqueue_dma source(%arg12 : memref<128x128xf32, #tpu.memory_space<vmem>>) target(%dma_start3A_85 : memref<128x128xf32, #tpu.memory_space<hbm>>) target_semaphore(%run_scoped3A_80 : memref<!tpu.dma_semaphore, #tpu.memory_space<semaphore_mem>>)
        %dma_wait3A = arith.constant 0 : i32
        %dma_wait3A_86 = tpu.memref_slice %arg9[%run_scoped3A, %add3A_43, %dma_wait3A] : memref<2x10240x128xf32, #tpu.memory_space<hbm>> -> memref<1x128x128xf32, #tpu.memory_space<hbm>>
        %dma_wait3A_87 = tpu.memref_squeeze %dma_wait3A_86 : memref<1x128x128xf32, #tpu.memory_space<hbm>> -> memref<128x128xf32, #tpu.memory_space<hbm>>
        %dma_wait3A_88 = arith.constant 0 : i32
        %dma_wait3A_89 = tpu.memref_slice %arg9[%run_scoped3A, %add3A_43, %dma_wait3A_88] : memref<2x10240x128xf32, #tpu.memory_space<hbm>> -> memref<1x128x128xf32, #tpu.memory_space<hbm>>
        %dma_wait3A_90 = tpu.memref_squeeze %dma_wait3A_89 : memref<1x128x128xf32, #tpu.memory_space<hbm>> -> memref<128x128xf32, #tpu.memory_space<hbm>>
        tpu.wait_dma2 semaphore(%run_scoped3A_80 : memref<!tpu.dma_semaphore, #tpu.memory_space<semaphore_mem>>) src(%arg12 : memref<128x128xf32, #tpu.memory_space<vmem>>) dst(%dma_wait3A_90 : memref<128x128xf32, #tpu.memory_space<hbm>>)
        tpu.yield
      }) : () -> ()
      %mul3A_44 = arith.constant 640 : i32
      %mul3A_45 = arith.muli %arg1, %mul3A_44 : i32
      %add3A_46 = arith.constant 128 : i32
      %add3A_47 = arith.addi %mul3A_45, %add3A_46 : i32
      "tpu.region"() ({
        %run_scoped3A_80 = tpu.sem_alloc : memref<!tpu.dma_semaphore, #tpu.memory_space<semaphore_mem>>
        %dma_start3A = arith.constant 0 : i32
        %dma_start3A_81 = tpu.memref_slice %arg14[%add3A_47, %dma_start3A] : memref<10240x128xf32, #tpu.memory_space<vmem_shared>> -> memref<128x128xf32, #tpu.memory_space<vmem_shared>>
        %dma_start3A_82 = arith.constant 0 : i32
        %dma_start3A_83 = tpu.memref_slice %arg14[%add3A_47, %dma_start3A_82] : memref<10240x128xf32, #tpu.memory_space<vmem_shared>> -> memref<128x128xf32, #tpu.memory_space<vmem_shared>>
        tpu.enqueue_dma source(%dma_start3A_83 : memref<128x128xf32, #tpu.memory_space<vmem_shared>>) target(%arg12 : memref<128x128xf32, #tpu.memory_space<vmem>>) target_semaphore(%run_scoped3A_80 : memref<!tpu.dma_semaphore, #tpu.memory_space<semaphore_mem>>)
        %dma_wait3A = arith.constant 0 : i32
        %dma_wait3A_84 = tpu.memref_slice %arg14[%add3A_47, %dma_wait3A] : memref<10240x128xf32, #tpu.memory_space<vmem_shared>> -> memref<128x128xf32, #tpu.memory_space<vmem_shared>>
        %dma_wait3A_85 = arith.constant 0 : i32
        %dma_wait3A_86 = tpu.memref_slice %arg14[%add3A_47, %dma_wait3A_85] : memref<10240x128xf32, #tpu.memory_space<vmem_shared>> -> memref<128x128xf32, #tpu.memory_space<vmem_shared>>
        tpu.wait_dma2 semaphore(%run_scoped3A_80 : memref<!tpu.dma_semaphore, #tpu.memory_space<semaphore_mem>>) src(%dma_wait3A_86 : memref<128x128xf32, #tpu.memory_space<vmem_shared>>) dst(%arg12 : memref<128x128xf32, #tpu.memory_space<vmem>>)
        tpu.yield
      }) : () -> ()
      %mul3A_48 = arith.constant 640 : i32
      %mul3A_49 = arith.muli %arg1, %mul3A_48 : i32
      %add3A_50 = arith.constant 128 : i32
      %add3A_51 = arith.addi %mul3A_49, %add3A_50 : i32
      %run_scoped3A_52 = arith.constant 0 : i32
      "tpu.region"() ({
        %run_scoped3A_80 = tpu.sem_alloc : memref<!tpu.dma_semaphore, #tpu.memory_space<semaphore_mem>>
        %dma_start3A = arith.constant 0 : i32
        %dma_start3A_81 = tpu.memref_slice %arg9[%run_scoped3A_52, %add3A_51, %dma_start3A] : memref<2x10240x128xf32, #tpu.memory_space<hbm>> -> memref<1x128x128xf32, #tpu.memory_space<hbm>>
        %dma_start3A_82 = tpu.memref_squeeze %dma_start3A_81 : memref<1x128x128xf32, #tpu.memory_space<hbm>> -> memref<128x128xf32, #tpu.memory_space<hbm>>
        %dma_start3A_83 = arith.constant 0 : i32
        %dma_start3A_84 = tpu.memref_slice %arg9[%run_scoped3A_52, %add3A_51, %dma_start3A_83] : memref<2x10240x128xf32, #tpu.memory_space<hbm>> -> memref<1x128x128xf32, #tpu.memory_space<hbm>>
        %dma_start3A_85 = tpu.memref_squeeze %dma_start3A_84 : memref<1x128x128xf32, #tpu.memory_space<hbm>> -> memref<128x128xf32, #tpu.memory_space<hbm>>
        tpu.enqueue_dma source(%arg12 : memref<128x128xf32, #tpu.memory_space<vmem>>) target(%dma_start3A_85 : memref<128x128xf32, #tpu.memory_space<hbm>>) target_semaphore(%run_scoped3A_80 : memref<!tpu.dma_semaphore, #tpu.memory_space<semaphore_mem>>)
        %dma_wait3A = arith.constant 0 : i32
        %dma_wait3A_86 = tpu.memref_slice %arg9[%run_scoped3A_52, %add3A_51, %dma_wait3A] : memref<2x10240x128xf32, #tpu.memory_space<hbm>> -> memref<1x128x128xf32, #tpu.memory_space<hbm>>
        %dma_wait3A_87 = tpu.memref_squeeze %dma_wait3A_86 : memref<1x128x128xf32, #tpu.memory_space<hbm>> -> memref<128x128xf32, #tpu.memory_space<hbm>>
        %dma_wait3A_88 = arith.constant 0 : i32
        %dma_wait3A_89 = tpu.memref_slice %arg9[%run_scoped3A_52, %add3A_51, %dma_wait3A_88] : memref<2x10240x128xf32, #tpu.memory_space<hbm>> -> memref<1x128x128xf32, #tpu.memory_space<hbm>>
        %dma_wait3A_90 = tpu.memref_squeeze %dma_wait3A_89 : memref<1x128x128xf32, #tpu.memory_space<hbm>> -> memref<128x128xf32, #tpu.memory_space<hbm>>
        tpu.wait_dma2 semaphore(%run_scoped3A_80 : memref<!tpu.dma_semaphore, #tpu.memory_space<semaphore_mem>>) src(%arg12 : memref<128x128xf32, #tpu.memory_space<vmem>>) dst(%dma_wait3A_90 : memref<128x128xf32, #tpu.memory_space<hbm>>)
        tpu.yield
      }) : () -> ()
      %mul3A_53 = arith.constant 640 : i32
      %mul3A_54 = arith.muli %arg1, %mul3A_53 : i32
      %add3A_55 = arith.constant 256 : i32
      %add3A_56 = arith.addi %mul3A_54, %add3A_55 : i32
      "tpu.region"() ({
        %run_scoped3A_80 = tpu.sem_alloc : memref<!tpu.dma_semaphore, #tpu.memory_space<semaphore_mem>>
        %dma_start3A = arith.constant 0 : i32
        %dma_start3A_81 = tpu.memref_slice %arg14[%add3A_56, %dma_start3A] : memref<10240x128xf32, #tpu.memory_space<vmem_shared>> -> memref<128x128xf32, #tpu.memory_space<vmem_shared>>
        %dma_start3A_82 = arith.constant 0 : i32
        %dma_start3A_83 = tpu.memref_slice %arg14[%add3A_56, %dma_start3A_82] : memref<10240x128xf32, #tpu.memory_space<vmem_shared>> -> memref<128x128xf32, #tpu.memory_space<vmem_shared>>
        tpu.enqueue_dma source(%dma_start3A_83 : memref<128x128xf32, #tpu.memory_space<vmem_shared>>) target(%arg12 : memref<128x128xf32, #tpu.memory_space<vmem>>) target_semaphore(%run_scoped3A_80 : memref<!tpu.dma_semaphore, #tpu.memory_space<semaphore_mem>>)
        %dma_wait3A = arith.constant 0 : i32
        %dma_wait3A_84 = tpu.memref_slice %arg14[%add3A_56, %dma_wait3A] : memref<10240x128xf32, #tpu.memory_space<vmem_shared>> -> memref<128x128xf32, #tpu.memory_space<vmem_shared>>
        %dma_wait3A_85 = arith.constant 0 : i32
        %dma_wait3A_86 = tpu.memref_slice %arg14[%add3A_56, %dma_wait3A_85] : memref<10240x128xf32, #tpu.memory_space<vmem_shared>> -> memref<128x128xf32, #tpu.memory_space<vmem_shared>>
        tpu.wait_dma2 semaphore(%run_scoped3A_80 : memref<!tpu.dma_semaphore, #tpu.memory_space<semaphore_mem>>) src(%dma_wait3A_86 : memref<128x128xf32, #tpu.memory_space<vmem_shared>>) dst(%arg12 : memref<128x128xf32, #tpu.memory_space<vmem>>)
        tpu.yield
      }) : () -> ()
      %mul3A_57 = arith.constant 640 : i32
      %mul3A_58 = arith.muli %arg1, %mul3A_57 : i32
      %add3A_59 = arith.constant 256 : i32
      %add3A_60 = arith.addi %mul3A_58, %add3A_59 : i32
      %run_scoped3A_61 = arith.constant 0 : i32
      "tpu.region"() ({
        %run_scoped3A_80 = tpu.sem_alloc : memref<!tpu.dma_semaphore, #tpu.memory_space<semaphore_mem>>
        %dma_start3A = arith.constant 0 : i32
        %dma_start3A_81 = tpu.memref_slice %arg9[%run_scoped3A_61, %add3A_60, %dma_start3A] : memref<2x10240x128xf32, #tpu.memory_space<hbm>> -> memref<1x128x128xf32, #tpu.memory_space<hbm>>
        %dma_start3A_82 = tpu.memref_squeeze %dma_start3A_81 : memref<1x128x128xf32, #tpu.memory_space<hbm>> -> memref<128x128xf32, #tpu.memory_space<hbm>>
        %dma_start3A_83 = arith.constant 0 : i32
        %dma_start3A_84 = tpu.memref_slice %arg9[%run_scoped3A_61, %add3A_60, %dma_start3A_83] : memref<2x10240x128xf32, #tpu.memory_space<hbm>> -> memref<1x128x128xf32, #tpu.memory_space<hbm>>
        %dma_start3A_85 = tpu.memref_squeeze %dma_start3A_84 : memref<1x128x128xf32, #tpu.memory_space<hbm>> -> memref<128x128xf32, #tpu.memory_space<hbm>>
        tpu.enqueue_dma source(%arg12 : memref<128x128xf32, #tpu.memory_space<vmem>>) target(%dma_start3A_85 : memref<128x128xf32, #tpu.memory_space<hbm>>) target_semaphore(%run_scoped3A_80 : memref<!tpu.dma_semaphore, #tpu.memory_space<semaphore_mem>>)
        %dma_wait3A = arith.constant 0 : i32
        %dma_wait3A_86 = tpu.memref_slice %arg9[%run_scoped3A_61, %add3A_60, %dma_wait3A] : memref<2x10240x128xf32, #tpu.memory_space<hbm>> -> memref<1x128x128xf32, #tpu.memory_space<hbm>>
        %dma_wait3A_87 = tpu.memref_squeeze %dma_wait3A_86 : memref<1x128x128xf32, #tpu.memory_space<hbm>> -> memref<128x128xf32, #tpu.memory_space<hbm>>
        %dma_wait3A_88 = arith.constant 0 : i32
        %dma_wait3A_89 = tpu.memref_slice %arg9[%run_scoped3A_61, %add3A_60, %dma_wait3A_88] : memref<2x10240x128xf32, #tpu.memory_space<hbm>> -> memref<1x128x128xf32, #tpu.memory_space<hbm>>
        %dma_wait3A_90 = tpu.memref_squeeze %dma_wait3A_89 : memref<1x128x128xf32, #tpu.memory_space<hbm>> -> memref<128x128xf32, #tpu.memory_space<hbm>>
        tpu.wait_dma2 semaphore(%run_scoped3A_80 : memref<!tpu.dma_semaphore, #tpu.memory_space<semaphore_mem>>) src(%arg12 : memref<128x128xf32, #tpu.memory_space<vmem>>) dst(%dma_wait3A_90 : memref<128x128xf32, #tpu.memory_space<hbm>>)
        tpu.yield
      }) : () -> ()
      %mul3A_62 = arith.constant 640 : i32
      %mul3A_63 = arith.muli %arg1, %mul3A_62 : i32
      %add3A_64 = arith.constant 384 : i32
      %add3A_65 = arith.addi %mul3A_63, %add3A_64 : i32
      "tpu.region"() ({
        %run_scoped3A_80 = tpu.sem_alloc : memref<!tpu.dma_semaphore, #tpu.memory_space<semaphore_mem>>
        %dma_start3A = arith.constant 0 : i32
        %dma_start3A_81 = tpu.memref_slice %arg14[%add3A_65, %dma_start3A] : memref<10240x128xf32, #tpu.memory_space<vmem_shared>> -> memref<128x128xf32, #tpu.memory_space<vmem_shared>>
        %dma_start3A_82 = arith.constant 0 : i32
        %dma_start3A_83 = tpu.memref_slice %arg14[%add3A_65, %dma_start3A_82] : memref<10240x128xf32, #tpu.memory_space<vmem_shared>> -> memref<128x128xf32, #tpu.memory_space<vmem_shared>>
        tpu.enqueue_dma source(%dma_start3A_83 : memref<128x128xf32, #tpu.memory_space<vmem_shared>>) target(%arg12 : memref<128x128xf32, #tpu.memory_space<vmem>>) target_semaphore(%run_scoped3A_80 : memref<!tpu.dma_semaphore, #tpu.memory_space<semaphore_mem>>)
        %dma_wait3A = arith.constant 0 : i32
        %dma_wait3A_84 = tpu.memref_slice %arg14[%add3A_65, %dma_wait3A] : memref<10240x128xf32, #tpu.memory_space<vmem_shared>> -> memref<128x128xf32, #tpu.memory_space<vmem_shared>>
        %dma_wait3A_85 = arith.constant 0 : i32
        %dma_wait3A_86 = tpu.memref_slice %arg14[%add3A_65, %dma_wait3A_85] : memref<10240x128xf32, #tpu.memory_space<vmem_shared>> -> memref<128x128xf32, #tpu.memory_space<vmem_shared>>
        tpu.wait_dma2 semaphore(%run_scoped3A_80 : memref<!tpu.dma_semaphore, #tpu.memory_space<semaphore_mem>>) src(%dma_wait3A_86 : memref<128x128xf32, #tpu.memory_space<vmem_shared>>) dst(%arg12 : memref<128x128xf32, #tpu.memory_space<vmem>>)
        tpu.yield
      }) : () -> ()
      %mul3A_66 = arith.constant 640 : i32
      %mul3A_67 = arith.muli %arg1, %mul3A_66 : i32
      %add3A_68 = arith.constant 384 : i32
      %add3A_69 = arith.addi %mul3A_67, %add3A_68 : i32
      %run_scoped3A_70 = arith.constant 0 : i32
      "tpu.region"() ({
        %run_scoped3A_80 = tpu.sem_alloc : memref<!tpu.dma_semaphore, #tpu.memory_space<semaphore_mem>>
        %dma_start3A = arith.constant 0 : i32
        %dma_start3A_81 = tpu.memref_slice %arg9[%run_scoped3A_70, %add3A_69, %dma_start3A] : memref<2x10240x128xf32, #tpu.memory_space<hbm>> -> memref<1x128x128xf32, #tpu.memory_space<hbm>>
        %dma_start3A_82 = tpu.memref_squeeze %dma_start3A_81 : memref<1x128x128xf32, #tpu.memory_space<hbm>> -> memref<128x128xf32, #tpu.memory_space<hbm>>
        %dma_start3A_83 = arith.constant 0 : i32
        %dma_start3A_84 = tpu.memref_slice %arg9[%run_scoped3A_70, %add3A_69, %dma_start3A_83] : memref<2x10240x128xf32, #tpu.memory_space<hbm>> -> memref<1x128x128xf32, #tpu.memory_space<hbm>>
        %dma_start3A_85 = tpu.memref_squeeze %dma_start3A_84 : memref<1x128x128xf32, #tpu.memory_space<hbm>> -> memref<128x128xf32, #tpu.memory_space<hbm>>
        tpu.enqueue_dma source(%arg12 : memref<128x128xf32, #tpu.memory_space<vmem>>) target(%dma_start3A_85 : memref<128x128xf32, #tpu.memory_space<hbm>>) target_semaphore(%run_scoped3A_80 : memref<!tpu.dma_semaphore, #tpu.memory_space<semaphore_mem>>)
        %dma_wait3A = arith.constant 0 : i32
        %dma_wait3A_86 = tpu.memref_slice %arg9[%run_scoped3A_70, %add3A_69, %dma_wait3A] : memref<2x10240x128xf32, #tpu.memory_space<hbm>> -> memref<1x128x128xf32, #tpu.memory_space<hbm>>
        %dma_wait3A_87 = tpu.memref_squeeze %dma_wait3A_86 : memref<1x128x128xf32, #tpu.memory_space<hbm>> -> memref<128x128xf32, #tpu.memory_space<hbm>>
        %dma_wait3A_88 = arith.constant 0 : i32
        %dma_wait3A_89 = tpu.memref_slice %arg9[%run_scoped3A_70, %add3A_69, %dma_wait3A_88] : memref<2x10240x128xf32, #tpu.memory_space<hbm>> -> memref<1x128x128xf32, #tpu.memory_space<hbm>>
        %dma_wait3A_90 = tpu.memref_squeeze %dma_wait3A_89 : memref<1x128x128xf32, #tpu.memory_space<hbm>> -> memref<128x128xf32, #tpu.memory_space<hbm>>
        tpu.wait_dma2 semaphore(%run_scoped3A_80 : memref<!tpu.dma_semaphore, #tpu.memory_space<semaphore_mem>>) src(%arg12 : memref<128x128xf32, #tpu.memory_space<vmem>>) dst(%dma_wait3A_90 : memref<128x128xf32, #tpu.memory_space<hbm>>)
        tpu.yield
      }) : () -> ()
      %mul3A_71 = arith.constant 640 : i32
      %mul3A_72 = arith.muli %arg1, %mul3A_71 : i32
      %add3A_73 = arith.constant 512 : i32
      %add3A_74 = arith.addi %mul3A_72, %add3A_73 : i32
      "tpu.region"() ({
        %run_scoped3A_80 = tpu.sem_alloc : memref<!tpu.dma_semaphore, #tpu.memory_space<semaphore_mem>>
        %dma_start3A = arith.constant 0 : i32
        %dma_start3A_81 = tpu.memref_slice %arg14[%add3A_74, %dma_start3A] : memref<10240x128xf32, #tpu.memory_space<vmem_shared>> -> memref<128x128xf32, #tpu.memory_space<vmem_shared>>
        %dma_start3A_82 = arith.constant 0 : i32
        %dma_start3A_83 = tpu.memref_slice %arg14[%add3A_74, %dma_start3A_82] : memref<10240x128xf32, #tpu.memory_space<vmem_shared>> -> memref<128x128xf32, #tpu.memory_space<vmem_shared>>
        tpu.enqueue_dma source(%dma_start3A_83 : memref<128x128xf32, #tpu.memory_space<vmem_shared>>) target(%arg12 : memref<128x128xf32, #tpu.memory_space<vmem>>) target_semaphore(%run_scoped3A_80 : memref<!tpu.dma_semaphore, #tpu.memory_space<semaphore_mem>>)
        %dma_wait3A = arith.constant 0 : i32
        %dma_wait3A_84 = tpu.memref_slice %arg14[%add3A_74, %dma_wait3A] : memref<10240x128xf32, #tpu.memory_space<vmem_shared>> -> memref<128x128xf32, #tpu.memory_space<vmem_shared>>
        %dma_wait3A_85 = arith.constant 0 : i32
        %dma_wait3A_86 = tpu.memref_slice %arg14[%add3A_74, %dma_wait3A_85] : memref<10240x128xf32, #tpu.memory_space<vmem_shared>> -> memref<128x128xf32, #tpu.memory_space<vmem_shared>>
        tpu.wait_dma2 semaphore(%run_scoped3A_80 : memref<!tpu.dma_semaphore, #tpu.memory_space<semaphore_mem>>) src(%dma_wait3A_86 : memref<128x128xf32, #tpu.memory_space<vmem_shared>>) dst(%arg12 : memref<128x128xf32, #tpu.memory_space<vmem>>)
        tpu.yield
      }) : () -> ()
      %mul3A_75 = arith.constant 640 : i32
      %mul3A_76 = arith.muli %arg1, %mul3A_75 : i32
      %add3A_77 = arith.constant 512 : i32
      %add3A_78 = arith.addi %mul3A_76, %add3A_77 : i32
      %run_scoped3A_79 = arith.constant 0 : i32
      "tpu.region"() ({
        %run_scoped3A_80 = tpu.sem_alloc : memref<!tpu.dma_semaphore, #tpu.memory_space<semaphore_mem>>
        %dma_start3A = arith.constant 0 : i32
        %dma_start3A_81 = tpu.memref_slice %arg9[%run_scoped3A_79, %add3A_78, %dma_start3A] : memref<2x10240x128xf32, #tpu.memory_space<hbm>> -> memref<1x128x128xf32, #tpu.memory_space<hbm>>
        %dma_start3A_82 = tpu.memref_squeeze %dma_start3A_81 : memref<1x128x128xf32, #tpu.memory_space<hbm>> -> memref<128x128xf32, #tpu.memory_space<hbm>>
        %dma_start3A_83 = arith.constant 0 : i32
        %dma_start3A_84 = tpu.memref_slice %arg9[%run_scoped3A_79, %add3A_78, %dma_start3A_83] : memref<2x10240x128xf32, #tpu.memory_space<hbm>> -> memref<1x128x128xf32, #tpu.memory_space<hbm>>
        %dma_start3A_85 = tpu.memref_squeeze %dma_start3A_84 : memref<1x128x128xf32, #tpu.memory_space<hbm>> -> memref<128x128xf32, #tpu.memory_space<hbm>>
        tpu.enqueue_dma source(%arg12 : memref<128x128xf32, #tpu.memory_space<vmem>>) target(%dma_start3A_85 : memref<128x128xf32, #tpu.memory_space<hbm>>) target_semaphore(%run_scoped3A_80 : memref<!tpu.dma_semaphore, #tpu.memory_space<semaphore_mem>>)
        %dma_wait3A = arith.constant 0 : i32
        %dma_wait3A_86 = tpu.memref_slice %arg9[%run_scoped3A_79, %add3A_78, %dma_wait3A] : memref<2x10240x128xf32, #tpu.memory_space<hbm>> -> memref<1x128x128xf32, #tpu.memory_space<hbm>>
        %dma_wait3A_87 = tpu.memref_squeeze %dma_wait3A_86 : memref<1x128x128xf32, #tpu.memory_space<hbm>> -> memref<128x128xf32, #tpu.memory_space<hbm>>
        %dma_wait3A_88 = arith.constant 0 : i32
        %dma_wait3A_89 = tpu.memref_slice %arg9[%run_scoped3A_79, %add3A_78, %dma_wait3A_88] : memref<2x10240x128xf32, #tpu.memory_space<hbm>> -> memref<1x128x128xf32, #tpu.memory_space<hbm>>
        %dma_wait3A_90 = tpu.memref_squeeze %dma_wait3A_89 : memref<1x128x128xf32, #tpu.memory_space<hbm>> -> memref<128x128xf32, #tpu.memory_space<hbm>>
        tpu.wait_dma2 semaphore(%run_scoped3A_80 : memref<!tpu.dma_semaphore, #tpu.memory_space<semaphore_mem>>) src(%arg12 : memref<128x128xf32, #tpu.memory_space<vmem>>) dst(%dma_wait3A_90 : memref<128x128xf32, #tpu.memory_space<hbm>>)
        tpu.yield
      }) : () -> ()
    } else {
    }
    %eq3A_31 = arith.constant 1 : i32
    %eq3A_32 = arith.cmpi eq, %arg0, %eq3A_31 : i32
    %convert_element_type3A_33 = arith.extui %eq3A_32 : i1 to i32
    %cond3A_34 = arith.constant 0 : i32
    %cond3A_35 = arith.cmpi ne, %convert_element_type3A_33, %cond3A_34 : i32
    scf.if %cond3A_35 {
      %mul3A_36 = arith.constant 640 : i32
      %mul3A_37 = arith.muli %arg1, %mul3A_36 : i32
      %add3A_38 = arith.constant 0 : i32
      %add3A_39 = arith.addi %mul3A_37, %add3A_38 : i32
      "tpu.region"() ({
        %run_scoped3A_80 = tpu.sem_alloc : memref<!tpu.dma_semaphore, #tpu.memory_space<semaphore_mem>>
        %dma_start3A = arith.constant 0 : i32
        %dma_start3A_81 = tpu.memref_slice %arg14[%add3A_39, %dma_start3A] : memref<10240x128xf32, #tpu.memory_space<vmem_shared>> -> memref<128x128xf32, #tpu.memory_space<vmem_shared>>
        %dma_start3A_82 = arith.constant 0 : i32
        %dma_start3A_83 = tpu.memref_slice %arg14[%add3A_39, %dma_start3A_82] : memref<10240x128xf32, #tpu.memory_space<vmem_shared>> -> memref<128x128xf32, #tpu.memory_space<vmem_shared>>
        tpu.enqueue_dma source(%dma_start3A_83 : memref<128x128xf32, #tpu.memory_space<vmem_shared>>) target(%arg12 : memref<128x128xf32, #tpu.memory_space<vmem>>) target_semaphore(%run_scoped3A_80 : memref<!tpu.dma_semaphore, #tpu.memory_space<semaphore_mem>>)
        %dma_wait3A = arith.constant 0 : i32
        %dma_wait3A_84 = tpu.memref_slice %arg14[%add3A_39, %dma_wait3A] : memref<10240x128xf32, #tpu.memory_space<vmem_shared>> -> memref<128x128xf32, #tpu.memory_space<vmem_shared>>
        %dma_wait3A_85 = arith.constant 0 : i32
        %dma_wait3A_86 = tpu.memref_slice %arg14[%add3A_39, %dma_wait3A_85] : memref<10240x128xf32, #tpu.memory_space<vmem_shared>> -> memref<128x128xf32, #tpu.memory_space<vmem_shared>>
        tpu.wait_dma2 semaphore(%run_scoped3A_80 : memref<!tpu.dma_semaphore, #tpu.memory_space<semaphore_mem>>) src(%dma_wait3A_86 : memref<128x128xf32, #tpu.memory_space<vmem_shared>>) dst(%arg12 : memref<128x128xf32, #tpu.memory_space<vmem>>)
        tpu.yield
      }) : () -> ()
      %mul3A_40 = arith.constant 640 : i32
      %mul3A_41 = arith.muli %arg1, %mul3A_40 : i32
      %add3A_42 = arith.constant 0 : i32
      %add3A_43 = arith.addi %mul3A_41, %add3A_42 : i32
      %run_scoped3A = arith.constant 1 : i32
      "tpu.region"() ({
        %run_scoped3A_80 = tpu.sem_alloc : memref<!tpu.dma_semaphore, #tpu.memory_space<semaphore_mem>>
        %dma_start3A = arith.constant 0 : i32
        %dma_start3A_81 = tpu.memref_slice %arg9[%run_scoped3A, %add3A_43, %dma_start3A] : memref<2x10240x128xf32, #tpu.memory_space<hbm>> -> memref<1x128x128xf32, #tpu.memory_space<hbm>>
        %dma_start3A_82 = tpu.memref_squeeze %dma_start3A_81 : memref<1x128x128xf32, #tpu.memory_space<hbm>> -> memref<128x128xf32, #tpu.memory_space<hbm>>
        %dma_start3A_83 = arith.constant 0 : i32
        %dma_start3A_84 = tpu.memref_slice %arg9[%run_scoped3A, %add3A_43, %dma_start3A_83] : memref<2x10240x128xf32, #tpu.memory_space<hbm>> -> memref<1x128x128xf32, #tpu.memory_space<hbm>>
        %dma_start3A_85 = tpu.memref_squeeze %dma_start3A_84 : memref<1x128x128xf32, #tpu.memory_space<hbm>> -> memref<128x128xf32, #tpu.memory_space<hbm>>
        tpu.enqueue_dma source(%arg12 : memref<128x128xf32, #tpu.memory_space<vmem>>) target(%dma_start3A_85 : memref<128x128xf32, #tpu.memory_space<hbm>>) target_semaphore(%run_scoped3A_80 : memref<!tpu.dma_semaphore, #tpu.memory_space<semaphore_mem>>)
        %dma_wait3A = arith.constant 0 : i32
        %dma_wait3A_86 = tpu.memref_slice %arg9[%run_scoped3A, %add3A_43, %dma_wait3A] : memref<2x10240x128xf32, #tpu.memory_space<hbm>> -> memref<1x128x128xf32, #tpu.memory_space<hbm>>
        %dma_wait3A_87 = tpu.memref_squeeze %dma_wait3A_86 : memref<1x128x128xf32, #tpu.memory_space<hbm>> -> memref<128x128xf32, #tpu.memory_space<hbm>>
        %dma_wait3A_88 = arith.constant 0 : i32
        %dma_wait3A_89 = tpu.memref_slice %arg9[%run_scoped3A, %add3A_43, %dma_wait3A_88] : memref<2x10240x128xf32, #tpu.memory_space<hbm>> -> memref<1x128x128xf32, #tpu.memory_space<hbm>>
        %dma_wait3A_90 = tpu.memref_squeeze %dma_wait3A_89 : memref<1x128x128xf32, #tpu.memory_space<hbm>> -> memref<128x128xf32, #tpu.memory_space<hbm>>
        tpu.wait_dma2 semaphore(%run_scoped3A_80 : memref<!tpu.dma_semaphore, #tpu.memory_space<semaphore_mem>>) src(%arg12 : memref<128x128xf32, #tpu.memory_space<vmem>>) dst(%dma_wait3A_90 : memref<128x128xf32, #tpu.memory_space<hbm>>)
        tpu.yield
      }) : () -> ()
      %mul3A_44 = arith.constant 640 : i32
      %mul3A_45 = arith.muli %arg1, %mul3A_44 : i32
      %add3A_46 = arith.constant 128 : i32
      %add3A_47 = arith.addi %mul3A_45, %add3A_46 : i32
      "tpu.region"() ({
        %run_scoped3A_80 = tpu.sem_alloc : memref<!tpu.dma_semaphore, #tpu.memory_space<semaphore_mem>>
        %dma_start3A = arith.constant 0 : i32
        %dma_start3A_81 = tpu.memref_slice %arg14[%add3A_47, %dma_start3A] : memref<10240x128xf32, #tpu.memory_space<vmem_shared>> -> memref<128x128xf32, #tpu.memory_space<vmem_shared>>
        %dma_start3A_82 = arith.constant 0 : i32
        %dma_start3A_83 = tpu.memref_slice %arg14[%add3A_47, %dma_start3A_82] : memref<10240x128xf32, #tpu.memory_space<vmem_shared>> -> memref<128x128xf32, #tpu.memory_space<vmem_shared>>
        tpu.enqueue_dma source(%dma_start3A_83 : memref<128x128xf32, #tpu.memory_space<vmem_shared>>) target(%arg12 : memref<128x128xf32, #tpu.memory_space<vmem>>) target_semaphore(%run_scoped3A_80 : memref<!tpu.dma_semaphore, #tpu.memory_space<semaphore_mem>>)
        %dma_wait3A = arith.constant 0 : i32
        %dma_wait3A_84 = tpu.memref_slice %arg14[%add3A_47, %dma_wait3A] : memref<10240x128xf32, #tpu.memory_space<vmem_shared>> -> memref<128x128xf32, #tpu.memory_space<vmem_shared>>
        %dma_wait3A_85 = arith.constant 0 : i32
        %dma_wait3A_86 = tpu.memref_slice %arg14[%add3A_47, %dma_wait3A_85] : memref<10240x128xf32, #tpu.memory_space<vmem_shared>> -> memref<128x128xf32, #tpu.memory_space<vmem_shared>>
        tpu.wait_dma2 semaphore(%run_scoped3A_80 : memref<!tpu.dma_semaphore, #tpu.memory_space<semaphore_mem>>) src(%dma_wait3A_86 : memref<128x128xf32, #tpu.memory_space<vmem_shared>>) dst(%arg12 : memref<128x128xf32, #tpu.memory_space<vmem>>)
        tpu.yield
      }) : () -> ()
      %mul3A_48 = arith.constant 640 : i32
      %mul3A_49 = arith.muli %arg1, %mul3A_48 : i32
      %add3A_50 = arith.constant 128 : i32
      %add3A_51 = arith.addi %mul3A_49, %add3A_50 : i32
      %run_scoped3A_52 = arith.constant 1 : i32
      "tpu.region"() ({
        %run_scoped3A_80 = tpu.sem_alloc : memref<!tpu.dma_semaphore, #tpu.memory_space<semaphore_mem>>
        %dma_start3A = arith.constant 0 : i32
        %dma_start3A_81 = tpu.memref_slice %arg9[%run_scoped3A_52, %add3A_51, %dma_start3A] : memref<2x10240x128xf32, #tpu.memory_space<hbm>> -> memref<1x128x128xf32, #tpu.memory_space<hbm>>
        %dma_start3A_82 = tpu.memref_squeeze %dma_start3A_81 : memref<1x128x128xf32, #tpu.memory_space<hbm>> -> memref<128x128xf32, #tpu.memory_space<hbm>>
        %dma_start3A_83 = arith.constant 0 : i32
        %dma_start3A_84 = tpu.memref_slice %arg9[%run_scoped3A_52, %add3A_51, %dma_start3A_83] : memref<2x10240x128xf32, #tpu.memory_space<hbm>> -> memref<1x128x128xf32, #tpu.memory_space<hbm>>
        %dma_start3A_85 = tpu.memref_squeeze %dma_start3A_84 : memref<1x128x128xf32, #tpu.memory_space<hbm>> -> memref<128x128xf32, #tpu.memory_space<hbm>>
        tpu.enqueue_dma source(%arg12 : memref<128x128xf32, #tpu.memory_space<vmem>>) target(%dma_start3A_85 : memref<128x128xf32, #tpu.memory_space<hbm>>) target_semaphore(%run_scoped3A_80 : memref<!tpu.dma_semaphore, #tpu.memory_space<semaphore_mem>>)
        %dma_wait3A = arith.constant 0 : i32
        %dma_wait3A_86 = tpu.memref_slice %arg9[%run_scoped3A_52, %add3A_51, %dma_wait3A] : memref<2x10240x128xf32, #tpu.memory_space<hbm>> -> memref<1x128x128xf32, #tpu.memory_space<hbm>>
        %dma_wait3A_87 = tpu.memref_squeeze %dma_wait3A_86 : memref<1x128x128xf32, #tpu.memory_space<hbm>> -> memref<128x128xf32, #tpu.memory_space<hbm>>
        %dma_wait3A_88 = arith.constant 0 : i32
        %dma_wait3A_89 = tpu.memref_slice %arg9[%run_scoped3A_52, %add3A_51, %dma_wait3A_88] : memref<2x10240x128xf32, #tpu.memory_space<hbm>> -> memref<1x128x128xf32, #tpu.memory_space<hbm>>
        %dma_wait3A_90 = tpu.memref_squeeze %dma_wait3A_89 : memref<1x128x128xf32, #tpu.memory_space<hbm>> -> memref<128x128xf32, #tpu.memory_space<hbm>>
        tpu.wait_dma2 semaphore(%run_scoped3A_80 : memref<!tpu.dma_semaphore, #tpu.memory_space<semaphore_mem>>) src(%arg12 : memref<128x128xf32, #tpu.memory_space<vmem>>) dst(%dma_wait3A_90 : memref<128x128xf32, #tpu.memory_space<hbm>>)
        tpu.yield
      }) : () -> ()
      %mul3A_53 = arith.constant 640 : i32
      %mul3A_54 = arith.muli %arg1, %mul3A_53 : i32
      %add3A_55 = arith.constant 256 : i32
      %add3A_56 = arith.addi %mul3A_54, %add3A_55 : i32
      "tpu.region"() ({
        %run_scoped3A_80 = tpu.sem_alloc : memref<!tpu.dma_semaphore, #tpu.memory_space<semaphore_mem>>
        %dma_start3A = arith.constant 0 : i32
        %dma_start3A_81 = tpu.memref_slice %arg14[%add3A_56, %dma_start3A] : memref<10240x128xf32, #tpu.memory_space<vmem_shared>> -> memref<128x128xf32, #tpu.memory_space<vmem_shared>>
        %dma_start3A_82 = arith.constant 0 : i32
        %dma_start3A_83 = tpu.memref_slice %arg14[%add3A_56, %dma_start3A_82] : memref<10240x128xf32, #tpu.memory_space<vmem_shared>> -> memref<128x128xf32, #tpu.memory_space<vmem_shared>>
        tpu.enqueue_dma source(%dma_start3A_83 : memref<128x128xf32, #tpu.memory_space<vmem_shared>>) target(%arg12 : memref<128x128xf32, #tpu.memory_space<vmem>>) target_semaphore(%run_scoped3A_80 : memref<!tpu.dma_semaphore, #tpu.memory_space<semaphore_mem>>)
        %dma_wait3A = arith.constant 0 : i32
        %dma_wait3A_84 = tpu.memref_slice %arg14[%add3A_56, %dma_wait3A] : memref<10240x128xf32, #tpu.memory_space<vmem_shared>> -> memref<128x128xf32, #tpu.memory_space<vmem_shared>>
        %dma_wait3A_85 = arith.constant 0 : i32
        %dma_wait3A_86 = tpu.memref_slice %arg14[%add3A_56, %dma_wait3A_85] : memref<10240x128xf32, #tpu.memory_space<vmem_shared>> -> memref<128x128xf32, #tpu.memory_space<vmem_shared>>
        tpu.wait_dma2 semaphore(%run_scoped3A_80 : memref<!tpu.dma_semaphore, #tpu.memory_space<semaphore_mem>>) src(%dma_wait3A_86 : memref<128x128xf32, #tpu.memory_space<vmem_shared>>) dst(%arg12 : memref<128x128xf32, #tpu.memory_space<vmem>>)
        tpu.yield
      }) : () -> ()
      %mul3A_57 = arith.constant 640 : i32
      %mul3A_58 = arith.muli %arg1, %mul3A_57 : i32
      %add3A_59 = arith.constant 256 : i32
      %add3A_60 = arith.addi %mul3A_58, %add3A_59 : i32
      %run_scoped3A_61 = arith.constant 1 : i32
      "tpu.region"() ({
        %run_scoped3A_80 = tpu.sem_alloc : memref<!tpu.dma_semaphore, #tpu.memory_space<semaphore_mem>>
        %dma_start3A = arith.constant 0 : i32
        %dma_start3A_81 = tpu.memref_slice %arg9[%run_scoped3A_61, %add3A_60, %dma_start3A] : memref<2x10240x128xf32, #tpu.memory_space<hbm>> -> memref<1x128x128xf32, #tpu.memory_space<hbm>>
        %dma_start3A_82 = tpu.memref_squeeze %dma_start3A_81 : memref<1x128x128xf32, #tpu.memory_space<hbm>> -> memref<128x128xf32, #tpu.memory_space<hbm>>
        %dma_start3A_83 = arith.constant 0 : i32
        %dma_start3A_84 = tpu.memref_slice %arg9[%run_scoped3A_61, %add3A_60, %dma_start3A_83] : memref<2x10240x128xf32, #tpu.memory_space<hbm>> -> memref<1x128x128xf32, #tpu.memory_space<hbm>>
        %dma_start3A_85 = tpu.memref_squeeze %dma_start3A_84 : memref<1x128x128xf32, #tpu.memory_space<hbm>> -> memref<128x128xf32, #tpu.memory_space<hbm>>
        tpu.enqueue_dma source(%arg12 : memref<128x128xf32, #tpu.memory_space<vmem>>) target(%dma_start3A_85 : memref<128x128xf32, #tpu.memory_space<hbm>>) target_semaphore(%run_scoped3A_80 : memref<!tpu.dma_semaphore, #tpu.memory_space<semaphore_mem>>)
        %dma_wait3A = arith.constant 0 : i32
        %dma_wait3A_86 = tpu.memref_slice %arg9[%run_scoped3A_61, %add3A_60, %dma_wait3A] : memref<2x10240x128xf32, #tpu.memory_space<hbm>> -> memref<1x128x128xf32, #tpu.memory_space<hbm>>
        %dma_wait3A_87 = tpu.memref_squeeze %dma_wait3A_86 : memref<1x128x128xf32, #tpu.memory_space<hbm>> -> memref<128x128xf32, #tpu.memory_space<hbm>>
        %dma_wait3A_88 = arith.constant 0 : i32
        %dma_wait3A_89 = tpu.memref_slice %arg9[%run_scoped3A_61, %add3A_60, %dma_wait3A_88] : memref<2x10240x128xf32, #tpu.memory_space<hbm>> -> memref<1x128x128xf32, #tpu.memory_space<hbm>>
        %dma_wait3A_90 = tpu.memref_squeeze %dma_wait3A_89 : memref<1x128x128xf32, #tpu.memory_space<hbm>> -> memref<128x128xf32, #tpu.memory_space<hbm>>
        tpu.wait_dma2 semaphore(%run_scoped3A_80 : memref<!tpu.dma_semaphore, #tpu.memory_space<semaphore_mem>>) src(%arg12 : memref<128x128xf32, #tpu.memory_space<vmem>>) dst(%dma_wait3A_90 : memref<128x128xf32, #tpu.memory_space<hbm>>)
        tpu.yield
      }) : () -> ()
      %mul3A_62 = arith.constant 640 : i32
      %mul3A_63 = arith.muli %arg1, %mul3A_62 : i32
      %add3A_64 = arith.constant 384 : i32
      %add3A_65 = arith.addi %mul3A_63, %add3A_64 : i32
      "tpu.region"() ({
        %run_scoped3A_80 = tpu.sem_alloc : memref<!tpu.dma_semaphore, #tpu.memory_space<semaphore_mem>>
        %dma_start3A = arith.constant 0 : i32
        %dma_start3A_81 = tpu.memref_slice %arg14[%add3A_65, %dma_start3A] : memref<10240x128xf32, #tpu.memory_space<vmem_shared>> -> memref<128x128xf32, #tpu.memory_space<vmem_shared>>
        %dma_start3A_82 = arith.constant 0 : i32
        %dma_start3A_83 = tpu.memref_slice %arg14[%add3A_65, %dma_start3A_82] : memref<10240x128xf32, #tpu.memory_space<vmem_shared>> -> memref<128x128xf32, #tpu.memory_space<vmem_shared>>
        tpu.enqueue_dma source(%dma_start3A_83 : memref<128x128xf32, #tpu.memory_space<vmem_shared>>) target(%arg12 : memref<128x128xf32, #tpu.memory_space<vmem>>) target_semaphore(%run_scoped3A_80 : memref<!tpu.dma_semaphore, #tpu.memory_space<semaphore_mem>>)
        %dma_wait3A = arith.constant 0 : i32
        %dma_wait3A_84 = tpu.memref_slice %arg14[%add3A_65, %dma_wait3A] : memref<10240x128xf32, #tpu.memory_space<vmem_shared>> -> memref<128x128xf32, #tpu.memory_space<vmem_shared>>
        %dma_wait3A_85 = arith.constant 0 : i32
        %dma_wait3A_86 = tpu.memref_slice %arg14[%add3A_65, %dma_wait3A_85] : memref<10240x128xf32, #tpu.memory_space<vmem_shared>> -> memref<128x128xf32, #tpu.memory_space<vmem_shared>>
        tpu.wait_dma2 semaphore(%run_scoped3A_80 : memref<!tpu.dma_semaphore, #tpu.memory_space<semaphore_mem>>) src(%dma_wait3A_86 : memref<128x128xf32, #tpu.memory_space<vmem_shared>>) dst(%arg12 : memref<128x128xf32, #tpu.memory_space<vmem>>)
        tpu.yield
      }) : () -> ()
      %mul3A_66 = arith.constant 640 : i32
      %mul3A_67 = arith.muli %arg1, %mul3A_66 : i32
      %add3A_68 = arith.constant 384 : i32
      %add3A_69 = arith.addi %mul3A_67, %add3A_68 : i32
      %run_scoped3A_70 = arith.constant 1 : i32
      "tpu.region"() ({
        %run_scoped3A_80 = tpu.sem_alloc : memref<!tpu.dma_semaphore, #tpu.memory_space<semaphore_mem>>
        %dma_start3A = arith.constant 0 : i32
        %dma_start3A_81 = tpu.memref_slice %arg9[%run_scoped3A_70, %add3A_69, %dma_start3A] : memref<2x10240x128xf32, #tpu.memory_space<hbm>> -> memref<1x128x128xf32, #tpu.memory_space<hbm>>
        %dma_start3A_82 = tpu.memref_squeeze %dma_start3A_81 : memref<1x128x128xf32, #tpu.memory_space<hbm>> -> memref<128x128xf32, #tpu.memory_space<hbm>>
        %dma_start3A_83 = arith.constant 0 : i32
        %dma_start3A_84 = tpu.memref_slice %arg9[%run_scoped3A_70, %add3A_69, %dma_start3A_83] : memref<2x10240x128xf32, #tpu.memory_space<hbm>> -> memref<1x128x128xf32, #tpu.memory_space<hbm>>
        %dma_start3A_85 = tpu.memref_squeeze %dma_start3A_84 : memref<1x128x128xf32, #tpu.memory_space<hbm>> -> memref<128x128xf32, #tpu.memory_space<hbm>>
        tpu.enqueue_dma source(%arg12 : memref<128x128xf32, #tpu.memory_space<vmem>>) target(%dma_start3A_85 : memref<128x128xf32, #tpu.memory_space<hbm>>) target_semaphore(%run_scoped3A_80 : memref<!tpu.dma_semaphore, #tpu.memory_space<semaphore_mem>>)
        %dma_wait3A = arith.constant 0 : i32
        %dma_wait3A_86 = tpu.memref_slice %arg9[%run_scoped3A_70, %add3A_69, %dma_wait3A] : memref<2x10240x128xf32, #tpu.memory_space<hbm>> -> memref<1x128x128xf32, #tpu.memory_space<hbm>>
        %dma_wait3A_87 = tpu.memref_squeeze %dma_wait3A_86 : memref<1x128x128xf32, #tpu.memory_space<hbm>> -> memref<128x128xf32, #tpu.memory_space<hbm>>
        %dma_wait3A_88 = arith.constant 0 : i32
        %dma_wait3A_89 = tpu.memref_slice %arg9[%run_scoped3A_70, %add3A_69, %dma_wait3A_88] : memref<2x10240x128xf32, #tpu.memory_space<hbm>> -> memref<1x128x128xf32, #tpu.memory_space<hbm>>
        %dma_wait3A_90 = tpu.memref_squeeze %dma_wait3A_89 : memref<1x128x128xf32, #tpu.memory_space<hbm>> -> memref<128x128xf32, #tpu.memory_space<hbm>>
        tpu.wait_dma2 semaphore(%run_scoped3A_80 : memref<!tpu.dma_semaphore, #tpu.memory_space<semaphore_mem>>) src(%arg12 : memref<128x128xf32, #tpu.memory_space<vmem>>) dst(%dma_wait3A_90 : memref<128x128xf32, #tpu.memory_space<hbm>>)
        tpu.yield
      }) : () -> ()
      %mul3A_71 = arith.constant 640 : i32
      %mul3A_72 = arith.muli %arg1, %mul3A_71 : i32
      %add3A_73 = arith.constant 512 : i32
      %add3A_74 = arith.addi %mul3A_72, %add3A_73 : i32
      "tpu.region"() ({
        %run_scoped3A_80 = tpu.sem_alloc : memref<!tpu.dma_semaphore, #tpu.memory_space<semaphore_mem>>
        %dma_start3A = arith.constant 0 : i32
        %dma_start3A_81 = tpu.memref_slice %arg14[%add3A_74, %dma_start3A] : memref<10240x128xf32, #tpu.memory_space<vmem_shared>> -> memref<128x128xf32, #tpu.memory_space<vmem_shared>>
        %dma_start3A_82 = arith.constant 0 : i32
        %dma_start3A_83 = tpu.memref_slice %arg14[%add3A_74, %dma_start3A_82] : memref<10240x128xf32, #tpu.memory_space<vmem_shared>> -> memref<128x128xf32, #tpu.memory_space<vmem_shared>>
        tpu.enqueue_dma source(%dma_start3A_83 : memref<128x128xf32, #tpu.memory_space<vmem_shared>>) target(%arg12 : memref<128x128xf32, #tpu.memory_space<vmem>>) target_semaphore(%run_scoped3A_80 : memref<!tpu.dma_semaphore, #tpu.memory_space<semaphore_mem>>)
        %dma_wait3A = arith.constant 0 : i32
        %dma_wait3A_84 = tpu.memref_slice %arg14[%add3A_74, %dma_wait3A] : memref<10240x128xf32, #tpu.memory_space<vmem_shared>> -> memref<128x128xf32, #tpu.memory_space<vmem_shared>>
        %dma_wait3A_85 = arith.constant 0 : i32
        %dma_wait3A_86 = tpu.memref_slice %arg14[%add3A_74, %dma_wait3A_85] : memref<10240x128xf32, #tpu.memory_space<vmem_shared>> -> memref<128x128xf32, #tpu.memory_space<vmem_shared>>
        tpu.wait_dma2 semaphore(%run_scoped3A_80 : memref<!tpu.dma_semaphore, #tpu.memory_space<semaphore_mem>>) src(%dma_wait3A_86 : memref<128x128xf32, #tpu.memory_space<vmem_shared>>) dst(%arg12 : memref<128x128xf32, #tpu.memory_space<vmem>>)
        tpu.yield
      }) : () -> ()
      %mul3A_75 = arith.constant 640 : i32
      %mul3A_76 = arith.muli %arg1, %mul3A_75 : i32
      %add3A_77 = arith.constant 512 : i32
      %add3A_78 = arith.addi %mul3A_76, %add3A_77 : i32
      %run_scoped3A_79 = arith.constant 1 : i32
      "tpu.region"() ({
        %run_scoped3A_80 = tpu.sem_alloc : memref<!tpu.dma_semaphore, #tpu.memory_space<semaphore_mem>>
        %dma_start3A = arith.constant 0 : i32
        %dma_start3A_81 = tpu.memref_slice %arg9[%run_scoped3A_79, %add3A_78, %dma_start3A] : memref<2x10240x128xf32, #tpu.memory_space<hbm>> -> memref<1x128x128xf32, #tpu.memory_space<hbm>>
        %dma_start3A_82 = tpu.memref_squeeze %dma_start3A_81 : memref<1x128x128xf32, #tpu.memory_space<hbm>> -> memref<128x128xf32, #tpu.memory_space<hbm>>
        %dma_start3A_83 = arith.constant 0 : i32
        %dma_start3A_84 = tpu.memref_slice %arg9[%run_scoped3A_79, %add3A_78, %dma_start3A_83] : memref<2x10240x128xf32, #tpu.memory_space<hbm>> -> memref<1x128x128xf32, #tpu.memory_space<hbm>>
        %dma_start3A_85 = tpu.memref_squeeze %dma_start3A_84 : memref<1x128x128xf32, #tpu.memory_space<hbm>> -> memref<128x128xf32, #tpu.memory_space<hbm>>
        tpu.enqueue_dma source(%arg12 : memref<128x128xf32, #tpu.memory_space<vmem>>) target(%dma_start3A_85 : memref<128x128xf32, #tpu.memory_space<hbm>>) target_semaphore(%run_scoped3A_80 : memref<!tpu.dma_semaphore, #tpu.memory_space<semaphore_mem>>)
        %dma_wait3A = arith.constant 0 : i32
        %dma_wait3A_86 = tpu.memref_slice %arg9[%run_scoped3A_79, %add3A_78, %dma_wait3A] : memref<2x10240x128xf32, #tpu.memory_space<hbm>> -> memref<1x128x128xf32, #tpu.memory_space<hbm>>
        %dma_wait3A_87 = tpu.memref_squeeze %dma_wait3A_86 : memref<1x128x128xf32, #tpu.memory_space<hbm>> -> memref<128x128xf32, #tpu.memory_space<hbm>>
        %dma_wait3A_88 = arith.constant 0 : i32
        %dma_wait3A_89 = tpu.memref_slice %arg9[%run_scoped3A_79, %add3A_78, %dma_wait3A_88] : memref<2x10240x128xf32, #tpu.memory_space<hbm>> -> memref<1x128x128xf32, #tpu.memory_space<hbm>>
        %dma_wait3A_90 = tpu.memref_squeeze %dma_wait3A_89 : memref<1x128x128xf32, #tpu.memory_space<hbm>> -> memref<128x128xf32, #tpu.memory_space<hbm>>
        tpu.wait_dma2 semaphore(%run_scoped3A_80 : memref<!tpu.dma_semaphore, #tpu.memory_space<semaphore_mem>>) src(%arg12 : memref<128x128xf32, #tpu.memory_space<vmem>>) dst(%dma_wait3A_90 : memref<128x128xf32, #tpu.memory_space<hbm>>)
        tpu.yield
      }) : () -> ()
    } else {
    }
    return
  }
}

module attributes {stable_mosaic.version = 14 : i64} {
  func.func @_prep_body(%arg0: i32, %arg1: i32, %arg2: memref<1x1024x2xf32, #tpu.memory_space<vmem>>, %arg3: memref<1x1024x128xf32, #tpu.memory_space<vmem>>, %arg4: memref<1x1024x128xf32, #tpu.memory_space<vmem>>) attributes {dimension_semantics = [#tpu.dimension_semantics<arbitrary>, #tpu.dimension_semantics<arbitrary>], iteration_bounds = array<i64: 2, 10>, scalar_prefetch = 0 : i64, scratch_operands = 0 : i64, tpu.core_type = #tpu.core_type<tc>, window_params = [{transform_indices = @transform_0, window_bounds = array<i64: 1, 1024, 2>}, {transform_indices = @transform_1, window_bounds = array<i64: 1, 1024, 128>}, {transform_indices = @transform_2, window_bounds = array<i64: 1, 1024, 128>}]} {
    %get3A = arith.constant 0 : index
    %get3A_0 = arith.constant 0 : index
    %get3A_1 = arith.constant 0 : index
    %get3A_2 = vector.load %arg2[%get3A, %get3A_0, %get3A_1] : memref<1x1024x2xf32, #tpu.memory_space<vmem>>, vector<1x1024x2xf32>
    %get3A_3 = vector.shape_cast %get3A_2 : vector<1x1024x2xf32> to vector<1024x2xf32>
    %reduce_sum3A = arith.constant dense<0.000000e+00> : vector<1024xf32>
    %reduce_sum3A_4 = vector.multi_reduction <add>, %get3A_3, %reduce_sum3A [1] : vector<1024x2xf32> to vector<1024xf32>
    %broadcast_in_dim3A = vector.shape_cast %reduce_sum3A_4 : vector<1024xf32> to vector<1024x1xf32>
    %add3A = arith.constant 1.000000e+00 : f32
    %add3A_5 = vector.broadcast %add3A : f32 to vector<1024x1xf32>
    %add3A_6 = arith.addf %broadcast_in_dim3A, %add3A_5 : vector<1024x1xf32>
    %rsqrt3A = math.rsqrt %add3A_6 : vector<1024x1xf32>
    %broadcast_in_dim3A_7 = vector.shape_cast %rsqrt3A : vector<1024x1xf32> to vector<1024x1xf32>
    %broadcast_in_dim3A_8 = vector.broadcast %broadcast_in_dim3A_7 : vector<1024x1xf32> to vector<1024x128xf32>
    %get3A_9 = arith.constant 0 : index
    %get3A_10 = arith.constant 0 : index
    %get3A_11 = arith.constant 0 : index
    %get3A_12 = vector.load %arg3[%get3A_9, %get3A_10, %get3A_11] : memref<1x1024x128xf32, #tpu.memory_space<vmem>>, vector<1x1024x128xf32>
    %get3A_13 = vector.shape_cast %get3A_12 : vector<1x1024x128xf32> to vector<1024x128xf32>
    %mul3A = arith.mulf %get3A_13, %broadcast_in_dim3A_8 : vector<1024x128xf32>
    %swap3A = arith.constant 0 : index
    %swap3A_14 = arith.constant 0 : index
    %swap3A_15 = arith.constant 0 : index
    %swap3A_16 = vector.load %arg4[%swap3A, %swap3A_14, %swap3A_15] : memref<1x1024x128xf32, #tpu.memory_space<vmem>>, vector<1x1024x128xf32>
    %swap3A_17 = vector.shape_cast %swap3A_16 : vector<1x1024x128xf32> to vector<1024x128xf32>
    %swap3A_18 = vector.shape_cast %mul3A : vector<1024x128xf32> to vector<1x1024x128xf32>
    tpu.vector_store %arg4[%swap3A, %swap3A_14, %swap3A_15], %swap3A_18 {strides = array<i32>} : memref<1x1024x128xf32, #tpu.memory_space<vmem>>, vector<1x1024x128xf32>,
    return
  }
  func.func @transform_0(%arg0: i32, %arg1: i32) -> (i32, i32, i32) {
    %c0_i32 = arith.constant 0 : i32
    %c0_i32_0 = arith.constant 0 : i32
    return %arg0, %arg1, %c0_i32 : i32, i32, i32
  }
  func.func @transform_1(%arg0: i32, %arg1: i32) -> (i32, i32, i32) {
    %c0_i32 = arith.constant 0 : i32
    %c0_i32_0 = arith.constant 0 : i32
    return %arg0, %arg1, %c0_i32 : i32, i32, i32
  }
  func.func @transform_2(%arg0: i32, %arg1: i32) -> (i32, i32, i32) {
    %c0_i32 = arith.constant 0 : i32
    %c0_i32_0 = arith.constant 0 : i32
    return %arg0, %arg1, %c0_i32 : i32, i32, i32
  }
}

module attributes {stable_mosaic.version = 14 : i64} {
  func.func @_stats_out_body(%arg0: i32, %arg1: i32, %arg2: memref<1x1000x2xf32, #tpu.memory_space<vmem>>, %arg3: memref<1x1000x128xf32, #tpu.memory_space<vmem>>, %arg4: memref<1x1000x128xf32, #tpu.memory_space<vmem>>, %arg5: memref<128x512xf32, #tpu.memory_space<vmem>>, %arg6: memref<1000x512xf32, #tpu.memory_space<vmem>>, %arg7: memref<1000x512xf32, #tpu.memory_space<vmem>>, %arg8: memref<10000x128xf32, #tpu.memory_space<vmem>>, %arg9: memref<1x128xf32, #tpu.memory_space<vmem>>, %arg10: memref<128x128xf32, #tpu.memory_space<vmem>>, %arg11: memref<1x512xf32, #tpu.memory_space<vmem>>) attributes {dimension_semantics = [#tpu.dimension_semantics<arbitrary>, #tpu.dimension_semantics<arbitrary>], iteration_bounds = array<i64: 2, 20>, scalar_prefetch = 0 : i64, scratch_operands = 4 : i64, tpu.core_type = #tpu.core_type<tc>, window_params = [{transform_indices = @transform_0, window_bounds = array<i64: 1, 1000, 2>}, {transform_indices = @transform_1, window_bounds = array<i64: 1, 1000, 128>}, {transform_indices = @transform_2, window_bounds = array<i64: 1, 1000, 128>}, {pipeline_mode = #tpu.pipeline_mode<synchronous>, transform_indices = @transform_3, window_bounds = array<i64: 128, 512>}, {transform_indices = @transform_4, window_bounds = array<i64: 1000, 512>}, {transform_indices = @transform_5, window_bounds = array<i64: 1000, 512>}]} {
    %lt3A = arith.constant 10 : i32
    %lt3A_0 = arith.cmpi slt, %arg1, %lt3A : i32
    %convert_element_type3A = arith.extui %lt3A_0 : i1 to i32
    %cond3A = arith.constant 0 : i32
    %cond3A_1 = arith.cmpi ne, %convert_element_type3A, %cond3A : i32
    scf.if %cond3A_1 {
      %get3A = arith.constant 0 : index
      %get3A_10 = arith.constant 0 : index
      %get3A_11 = arith.constant 0 : index
      %get3A_12 = vector.load %arg2[%get3A, %get3A_10, %get3A_11] : memref<1x1000x2xf32, #tpu.memory_space<vmem>>, vector<1x1000x2xf32>
      %get3A_13 = vector.shape_cast %get3A_12 : vector<1x1000x2xf32> to vector<1000x2xf32>
      %reduce_sum3A = arith.constant dense<0.000000e+00> : vector<1000xf32>
      %reduce_sum3A_14 = vector.multi_reduction <add>, %get3A_13, %reduce_sum3A [1] : vector<1000x2xf32> to vector<1000xf32>
      %broadcast_in_dim3A = vector.shape_cast %reduce_sum3A_14 : vector<1000xf32> to vector<1000x1xf32>
      %add3A = arith.constant 1.000000e+00 : f32
      %add3A_15 = vector.broadcast %add3A : f32 to vector<1000x1xf32>
      %add3A_16 = arith.addf %broadcast_in_dim3A, %add3A_15 : vector<1000x1xf32>
      %rsqrt3A = math.rsqrt %add3A_16 : vector<1000x1xf32>
      %broadcast_in_dim3A_17 = vector.shape_cast %rsqrt3A : vector<1000x1xf32> to vector<1000x1xf32>
      %broadcast_in_dim3A_18 = vector.broadcast %broadcast_in_dim3A_17 : vector<1000x1xf32> to vector<1000x128xf32>
      %get3A_19 = arith.constant 0 : index
      %get3A_20 = arith.constant 0 : index
      %get3A_21 = arith.constant 0 : index
      %get3A_22 = vector.load %arg3[%get3A_19, %get3A_20, %get3A_21] : memref<1x1000x128xf32, #tpu.memory_space<vmem>>, vector<1x1000x128xf32>
      %get3A_23 = vector.shape_cast %get3A_22 : vector<1x1000x128xf32> to vector<1000x128xf32>
      %get3A_24 = arith.constant 0 : index
      %get3A_25 = arith.constant 0 : index
      %get3A_26 = arith.constant 0 : index
      %get3A_27 = vector.load %arg4[%get3A_24, %get3A_25, %get3A_26] : memref<1x1000x128xf32, #tpu.memory_space<vmem>>, vector<1x1000x128xf32>
      %get3A_28 = vector.shape_cast %get3A_27 : vector<1x1000x128xf32> to vector<1000x128xf32>
      %add3A_29 = arith.addf %get3A_23, %get3A_28 : vector<1000x128xf32>
      %mul3A = arith.mulf %broadcast_in_dim3A_18, %add3A_29 : vector<1000x128xf32>
      %mul3A_30 = arith.constant 1000 : i32
      %mul3A_31 = arith.muli %arg1, %mul3A_30 : i32
      %swap3A = arith.index_cast %mul3A_31 : i32 to index
      %swap3A_32 = arith.constant 0 : index
      %swap3A_33 = vector.load %arg8[%swap3A, %swap3A_32] : memref<10000x128xf32, #tpu.memory_space<vmem>>, vector<1000x128xf32>
      tpu.vector_store %arg8[%swap3A, %swap3A_32], %mul3A {strides = array<i32>} : memref<10000x128xf32, #tpu.memory_space<vmem>>, vector<1000x128xf32>,
      %eq3A_34 = arith.constant 0 : i32
      %eq3A_35 = arith.cmpi eq, %arg1, %eq3A_34 : i32
      %convert_element_type3A_36 = arith.extui %eq3A_35 : i1 to i32
      %cond3A_37 = arith.constant 0 : i32
      %cond3A_38 = arith.cmpi ne, %convert_element_type3A_36, %cond3A_37 : i32
      scf.if %cond3A_38 {
        %broadcast_in_dim3A_57 = arith.constant 0.000000e+00 : f32
        %broadcast_in_dim3A_58 = vector.broadcast %broadcast_in_dim3A_57 : f32 to vector<1x128xf32>
        %swap3A_59 = arith.constant 0 : index
        %swap3A_60 = arith.constant 0 : index
        %swap3A_61 = vector.load %arg9[%swap3A_59, %swap3A_60] : memref<1x128xf32, #tpu.memory_space<vmem>>, vector<1x128xf32>
        tpu.vector_store %arg9[%swap3A_59, %swap3A_60], %broadcast_in_dim3A_58 {strides = array<i32>} : memref<1x128xf32, #tpu.memory_space<vmem>>, vector<1x128xf32>,
        %broadcast_in_dim3A_62 = arith.constant 0.000000e+00 : f32
        %broadcast_in_dim3A_63 = vector.broadcast %broadcast_in_dim3A_62 : f32 to vector<128x128xf32>
        %swap3A_64 = arith.constant 0 : index
        %swap3A_65 = arith.constant 0 : index
        %swap3A_66 = vector.load %arg10[%swap3A_64, %swap3A_65] : memref<128x128xf32, #tpu.memory_space<vmem>>, vector<128x128xf32>
        tpu.vector_store %arg10[%swap3A_64, %swap3A_65], %broadcast_in_dim3A_63 {strides = array<i32>} : memref<128x128xf32, #tpu.memory_space<vmem>>, vector<128x128xf32>,
      } else {
      }
      %get3A_39 = arith.constant 0 : index
      %get3A_40 = arith.constant 0 : index
      %get3A_41 = vector.load %arg9[%get3A_39, %get3A_40] : memref<1x128xf32, #tpu.memory_space<vmem>>, vector<1x128xf32>
      %reduce_sum3A_42 = arith.constant dense<0.000000e+00> : vector<128xf32>
      %reduce_sum3A_43 = vector.multi_reduction <add>, %mul3A, %reduce_sum3A_42 [0] : vector<1000x128xf32> to vector<128xf32>
      %broadcast_in_dim3A_44 = vector.shape_cast %reduce_sum3A_43 : vector<128xf32> to vector<1x128xf32>
      %add3A_45 = arith.addf %get3A_41, %broadcast_in_dim3A_44 : vector<1x128xf32>
      %swap3A_46 = arith.constant 0 : index
      %swap3A_47 = arith.constant 0 : index
      %swap3A_48 = vector.load %arg9[%swap3A_46, %swap3A_47] : memref<1x128xf32, #tpu.memory_space<vmem>>, vector<1x128xf32>
      tpu.vector_store %arg9[%swap3A_46, %swap3A_47], %add3A_45 {strides = array<i32>} : memref<1x128xf32, #tpu.memory_space<vmem>>, vector<1x128xf32>,
      %get3A_49 = arith.constant 0 : index
      %get3A_50 = arith.constant 0 : index
      %get3A_51 = vector.load %arg10[%get3A_49, %get3A_50] : memref<128x128xf32, #tpu.memory_space<vmem>>, vector<128x128xf32>
      %dot_general3A = arith.constant dense<0.000000e+00> : vector<128x128xf32>
      %dot_general3A_52 = tpu.matmul %mul3A, %mul3A, %dot_general3A {dimension_numbers = #tpu.dot_dimension_numbers<[0], [0], [1], [1], [0, 1, 1, 1], [], []>, transpose_lhs_hint = false} : vector<1000x128xf32>, vector<1000x128xf32>, vector<128x128xf32> -> vector<128x128xf32>
      %add3A_53 = arith.addf %get3A_51, %dot_general3A_52 : vector<128x128xf32>
      %swap3A_54 = arith.constant 0 : index
      %swap3A_55 = arith.constant 0 : index
      %swap3A_56 = vector.load %arg10[%swap3A_54, %swap3A_55] : memref<128x128xf32, #tpu.memory_space<vmem>>, vector<128x128xf32>
      tpu.vector_store %arg10[%swap3A_54, %swap3A_55], %add3A_53 {strides = array<i32>} : memref<128x128xf32, #tpu.memory_space<vmem>>, vector<128x128xf32>,
    } else {
    }
    %eq3A = arith.constant 9 : i32
    %eq3A_2 = arith.cmpi eq, %arg1, %eq3A : i32
    %convert_element_type3A_3 = arith.extui %eq3A_2 : i1 to i32
    %cond3A_4 = arith.constant 0 : i32
    %cond3A_5 = arith.cmpi ne, %convert_element_type3A_3, %cond3A_4 : i32
    scf.if %cond3A_5 {
      %get3A = arith.constant 0 : index
      %get3A_10 = arith.constant 0 : index
      %get3A_11 = vector.load %arg9[%get3A, %get3A_10] : memref<1x128xf32, #tpu.memory_space<vmem>>, vector<1x128xf32>
      %mul3A = arith.constant 9.99999974E-5 : f32
      %mul3A_12 = vector.broadcast %mul3A : f32 to vector<1x128xf32>
      %mul3A_13 = arith.mulf %get3A_11, %mul3A_12 : vector<1x128xf32>
      %dot_general3A = arith.constant dense<0.000000e+00> : vector<128x128xf32>
      %dot_general3A_14 = tpu.matmul %mul3A_13, %mul3A_13, %dot_general3A {dimension_numbers = #tpu.dot_dimension_numbers<[0], [0], [1], [1], [0, 1, 1, 1], [], []>, precision = #tpu.contract_precision<fp32>, transpose_lhs_hint = false} : vector<1x128xf32>, vector<1x128xf32>, vector<128x128xf32> -> vector<128x128xf32>
      %get3A_15 = arith.constant 0 : index
      %get3A_16 = arith.constant 0 : index
      %get3A_17 = vector.load %arg10[%get3A_15, %get3A_16] : memref<128x128xf32, #tpu.memory_space<vmem>>, vector<128x128xf32>
      %mul3A_18 = arith.constant 1.000000e+04 : f32
      %mul3A_19 = vector.broadcast %mul3A_18 : f32 to vector<128x128xf32>
      %mul3A_20 = arith.mulf %mul3A_19, %dot_general3A_14 : vector<128x128xf32>
      %sub3A = arith.subf %get3A_17, %mul3A_20 : vector<128x128xf32>
      %get3A_21 = arith.constant 0 : index
      %get3A_22 = arith.constant 0 : index
      %get3A_23 = vector.load %arg5[%get3A_21, %get3A_22] : memref<128x512xf32, #tpu.memory_space<vmem>>, vector<128x512xf32>
      %dot_general3A_24 = arith.constant dense<0.000000e+00> : vector<128x512xf32>
      %dot_general3A_25 = tpu.matmul %sub3A, %get3A_23, %dot_general3A_24 {dimension_numbers = #tpu.dot_dimension_numbers<[1], [0], [0], [1], [0, 0, 1, 1], [], []>, precision = #tpu.contract_precision<fp32>, transpose_lhs_hint = false} : vector<128x128xf32>, vector<128x512xf32>, vector<128x512xf32> -> vector<128x512xf32>
      %mul3A_26 = arith.mulf %get3A_23, %dot_general3A_25 : vector<128x512xf32>
      %reduce_sum3A = arith.constant dense<0.000000e+00> : vector<512xf32>
      %reduce_sum3A_27 = vector.multi_reduction <add>, %mul3A_26, %reduce_sum3A [0] : vector<128x512xf32> to vector<512xf32>
      %broadcast_in_dim3A = vector.shape_cast %reduce_sum3A_27 : vector<512xf32> to vector<1x512xf32>
      %mul3A_28 = arith.constant 1.000100e-04 : f32
      %mul3A_29 = vector.broadcast %mul3A_28 : f32 to vector<1x512xf32>
      %mul3A_30 = arith.mulf %broadcast_in_dim3A, %mul3A_29 : vector<1x512xf32>
      %rsqrt3A = math.rsqrt %mul3A_30 : vector<1x512xf32>
      %swap3A = arith.constant 0 : index
      %swap3A_31 = arith.constant 0 : index
      %swap3A_32 = vector.load %arg11[%swap3A, %swap3A_31] : memref<1x512xf32, #tpu.memory_space<vmem>>, vector<1x512xf32>
      tpu.vector_store %arg11[%swap3A, %swap3A_31], %rsqrt3A {strides = array<i32>} : memref<1x512xf32, #tpu.memory_space<vmem>>, vector<1x512xf32>,
    } else {
    }
    %ge3A = arith.constant 10 : i32
    %ge3A_6 = arith.cmpi sge, %arg1, %ge3A : i32
    %convert_element_type3A_7 = arith.extui %ge3A_6 : i1 to i32
    %cond3A_8 = arith.constant 0 : i32
    %cond3A_9 = arith.cmpi ne, %convert_element_type3A_7, %cond3A_8 : i32
    scf.if %cond3A_9 {
      %sub3A = arith.constant 10 : i32
      %sub3A_10 = arith.subi %arg1, %sub3A : i32
      %get3A = arith.constant 0 : index
      %get3A_11 = arith.constant 0 : index
      %get3A_12 = vector.load %arg9[%get3A, %get3A_11] : memref<1x128xf32, #tpu.memory_space<vmem>>, vector<1x128xf32>
      %mul3A = arith.constant 9.99999974E-5 : f32
      %mul3A_13 = vector.broadcast %mul3A : f32 to vector<1x128xf32>
      %mul3A_14 = arith.mulf %get3A_12, %mul3A_13 : vector<1x128xf32>
      %mul3A_15 = arith.constant 1000 : i32
      %mul3A_16 = arith.muli %sub3A_10, %mul3A_15 : i32
      %get3A_17 = arith.index_cast %mul3A_16 : i32 to index
      %get3A_18 = arith.constant 0 : index
      %get3A_19 = vector.load %arg8[%get3A_17, %get3A_18] : memref<10000x128xf32, #tpu.memory_space<vmem>>, vector<1000x128xf32>
      %sub3A_20 = vector.broadcast %mul3A_14 : vector<1x128xf32> to vector<1000x128xf32>
      %sub3A_21 = arith.subf %get3A_19, %sub3A_20 : vector<1000x128xf32>
      %get3A_22 = arith.constant 0 : index
      %get3A_23 = arith.constant 0 : index
      %get3A_24 = vector.load %arg5[%get3A_22, %get3A_23] : memref<128x512xf32, #tpu.memory_space<vmem>>, vector<128x512xf32>
      %dot_general3A = arith.constant dense<0.000000e+00> : vector<1000x512xf32>
      %dot_general3A_25 = tpu.matmul %sub3A_21, %get3A_24, %dot_general3A {dimension_numbers = #tpu.dot_dimension_numbers<[1], [0], [0], [1], [0, 0, 1, 1], [], []>, transpose_lhs_hint = false} : vector<1000x128xf32>, vector<128x512xf32>, vector<1000x512xf32> -> vector<1000x512xf32>
      %get3A_26 = arith.constant 0 : index
      %get3A_27 = arith.constant 0 : index
      %get3A_28 = vector.load %arg11[%get3A_26, %get3A_27] : memref<1x512xf32, #tpu.memory_space<vmem>>, vector<1x512xf32>
      %mul3A_29 = vector.broadcast %get3A_28 : vector<1x512xf32> to vector<1000x512xf32>
      %mul3A_30 = arith.mulf %dot_general3A_25, %mul3A_29 : vector<1000x512xf32>
      %eq3A_31 = arith.constant 0 : i32
      %eq3A_32 = arith.cmpi eq, %arg0, %eq3A_31 : i32
      %convert_element_type3A_33 = arith.extui %eq3A_32 : i1 to i32
      %cond3A_34 = arith.constant 0 : i32
      %cond3A_35 = arith.cmpi ne, %convert_element_type3A_33, %cond3A_34 : i32
      scf.if %cond3A_35 {
        %swap3A = arith.constant 0 : index
        %swap3A_41 = arith.constant 0 : index
        %swap3A_42 = vector.load %arg6[%swap3A, %swap3A_41] : memref<1000x512xf32, #tpu.memory_space<vmem>>, vector<1000x512xf32>
        tpu.vector_store %arg6[%swap3A, %swap3A_41], %mul3A_30 {strides = array<i32>} : memref<1000x512xf32, #tpu.memory_space<vmem>>, vector<1000x512xf32>,
      } else {
      }
      %eq3A_36 = arith.constant 1 : i32
      %eq3A_37 = arith.cmpi eq, %arg0, %eq3A_36 : i32
      %convert_element_type3A_38 = arith.extui %eq3A_37 : i1 to i32
      %cond3A_39 = arith.constant 0 : i32
      %cond3A_40 = arith.cmpi ne, %convert_element_type3A_38, %cond3A_39 : i32
      scf.if %cond3A_40 {
        %swap3A = arith.constant 0 : index
        %swap3A_41 = arith.constant 0 : index
        %swap3A_42 = vector.load %arg7[%swap3A, %swap3A_41] : memref<1000x512xf32, #tpu.memory_space<vmem>>, vector<1000x512xf32>
        tpu.vector_store %arg7[%swap3A, %swap3A_41], %mul3A_30 {strides = array<i32>} : memref<1000x512xf32, #tpu.memory_space<vmem>>, vector<1000x512xf32>,
      } else {
      }
    } else {
    }
    return
  }
  func.func @transform_0(%arg0: i32, %arg1: i32) -> (i32, i32, i32) {
    %min3A = arith.constant 9 : i32
    %min3A_0 = arith.minsi %arg1, %min3A : i32
    %c0_i32 = arith.constant 0 : i32
    %c0_i32_1 = arith.constant 0 : i32
    return %arg0, %min3A_0, %c0_i32 : i32, i32, i32
  }
  func.func @transform_1(%arg0: i32, %arg1: i32) -> (i32, i32, i32) {
    %min3A = arith.constant 9 : i32
    %min3A_0 = arith.minsi %arg1, %min3A : i32
    %c0_i32 = arith.constant 0 : i32
    %c0_i32_1 = arith.constant 0 : i32
    return %arg0, %min3A_0, %c0_i32 : i32, i32, i32
  }
  func.func @transform_2(%arg0: i32, %arg1: i32) -> (i32, i32, i32) {
    %min3A = arith.constant 9 : i32
    %min3A_0 = arith.minsi %arg1, %min3A : i32
    %c0_i32 = arith.constant 0 : i32
    %c0_i32_1 = arith.constant 0 : i32
    return %arg0, %min3A_0, %c0_i32 : i32, i32, i32
  }
  func.func @transform_3(%arg0: i32, %arg1: i32) -> (i32, i32) {
    %c0_i32 = arith.constant 0 : i32
    %c0_i32_0 = arith.constant 0 : i32
    %c0_i32_1 = arith.constant 0 : i32
    return %c0_i32, %c0_i32_0 : i32, i32
  }
  func.func @transform_4(%arg0: i32, %arg1: i32) -> (i32, i32) {
    %eq3A = arith.constant 0 : i32
    %eq3A_0 = arith.cmpi eq, %arg0, %eq3A : i32
    %lt3A = arith.constant 10 : i32
    %lt3A_1 = arith.cmpi slt, %arg1, %lt3A : i32
    %sub3A = arith.constant 10 : i32
    %sub3A_2 = arith.subi %arg1, %sub3A : i32
    %jit3A = arith.constant 0 : i32
    %select_n3A = arith.select %lt3A_1, %jit3A, %sub3A_2 : i32
    %jit3A_3 = arith.constant 9 : i32
    %select_n3A_4 = arith.select %eq3A_0, %select_n3A, %jit3A_3 : i32
    %c0_i32 = arith.constant 0 : i32
    %c0_i32_5 = arith.constant 0 : i32
    return %select_n3A_4, %c0_i32 : i32, i32
  }
  func.func @transform_5(%arg0: i32, %arg1: i32) -> (i32, i32) {
    %eq3A = arith.constant 1 : i32
    %eq3A_0 = arith.cmpi eq, %arg0, %eq3A : i32
    %lt3A = arith.constant 10 : i32
    %lt3A_1 = arith.cmpi slt, %arg1, %lt3A : i32
    %sub3A = arith.constant 10 : i32
    %sub3A_2 = arith.subi %arg1, %sub3A : i32
    %jit3A = arith.constant 0 : i32
    %select_n3A = arith.select %lt3A_1, %jit3A, %sub3A_2 : i32
    %jit3A_3 = arith.constant 0 : i32
    %select_n3A_4 = arith.select %eq3A_0, %select_n3A, %jit3A_3 : i32
    %c0_i32 = arith.constant 0 : i32
    %c0_i32_5 = arith.constant 0 : i32
    return %select_n3A_4, %c0_i32 : i32, i32
  }
}

</mosaic_0001>

<sc_bundles>
// kernel: kernel.6.cloned.1.call-start
scs
__scs_entry_jumppad:
0x0: {  	(pc) =	sbr.rel $0x88, $3  }
0x1: {  	(tag) =	ssettag $0x0;
	lr =	simm.s32 $0x1  }
0x2: {  	[smem:$0x3F9C] =	sst lr;
	_ =	strace $0xD0000000  }
0x3: {  	_ = 	snop  }
0x4: {  	_ = 	snop  }
0x5: {  	_ = 	snop  }
0x6: {  	_ = 	snop  }
0x7: {  	_ = 	snop  }
__scs_overlays_trampoline_lowered:
0x8: {  	[smem:$0x3FAB] =	sst s0  }
0x9: {  	[smem:$0x3FAC] =	sst s1  }
0xa: {  	[smem:$0x3FAD] =	sst s2  }
0xb: {  	[smem:$0x3FAE] =	sst s3  }
0xc: {  	[smem:$0x3FAF] =	sst s4  }
0xd: {  	[smem:$0x3FB0] =	sst s5  }
0xe: {  	[smem:$0x3FB1] =	sst s6  }
0xf: {  	[smem:$0x3FB2] =	sst s7  }
0x10: {  	[smem:$0x3FB3] =	sst s8  }
0x11: {  	[smem:$0x3FB4] =	sst s9;
	s0 =	simm.s32 @!p0 $0x0  }
0x12: {  	s1 =	sld [smem:$0x3F9A];
	s0 =	simm.s32 @p0 $0x1  }
0x13: {  	[smem:$0x3FB5] =	sst s0;
	s0 =	simm.s32 @!p1 $0x0  }
0x14: {  	s2 =	sld [smem:$0x3F99];
	s0 =	simm.s32 @p1 $0x1  }
0x15: {  	[smem:$0x3FB6] =	sst s0;
	s0 =	simm.s32 @!p2 $0x0  }
0x16: {  	s3 =	sld [smem:$0x3FDB];
	s0 =	simm.s32 @p2 $0x1  }
0x17: {  	s4 =	simm.s32 $0x1BF5;
	[smem:$0x3FB8] =	sst s0  }
0x18: {  	s0 =	sld [smem:$0x3F9B];
	_ =	swait.ge [sflag:s4], $0x0  }
0x19: {  	s7 =	sld [smem:$0x3F9C]  }
0x1a: {  	s8 =	sadd.s32 $0xFFFFE003, lr  }
0x1b: {  	s9 =	sadd.s32 $0xFFFFFEF7, lr;
	s5 =	simm.s32 $0xFFFFFFFF;
	p2 =	slt.u32 s8, $0xFFFFF086  }
0x1c: {  	p1 =	slt.u32 s9, $0xF7A;
	s5 =	simm.s32 @!p2 $0x0  }
0x1d: {  	s5 =	simm.s32 @p1 $0x1;
	p0 =	seq.s32 s7, s2  }
0x1e: {  	s7 =	smul.u32 @!p0 $0xF7A, s2;
	p2 =	seq.s32 @!p0 s5, $0x0  }
0x1f: {  	s9 =	smul.u32 $0xF7A, s1;
	s8 =	simm.s32 @!p0 $0x1BF5;
	p2 =	por !p2, p0  }
0x20: {  	[sflag:s8] =	ssyncset.s32 @!p0 $0xFFFFF086;
	s6 =	sadd.s32 @!p0 s3, s7;
	s7 =	simm.s32 @!p0 $0x108  }
0x21: {  	s3 =	sadd.s32 s3, s9;
	s6 =	sadd.s32 @!p0 $0x88, s6;
	s7 =	simm.s32 @p2 $0x1082  }
0x22: {  	[simem:s7], [sflag:s8] =	dma.local @!p0 [hbm:s6], $0xF7A  }
0x23: {  	s9 =	sor.u32 $0xD0000000, s2;
	s6 =	simm.s32 $0x108;
	_ =	swait.ge @!p0 [sflag:s8], $0x0  }
0x24: {  	s3 =	sadd.s32 $0x88, s3;
	s6 =	simm.s32 @!p1 $0x1082;
	[sflag:s4] =	ssyncset.s32 $0xFFFFF086  }
0x25: {  	[simem:s6], [sflag:s4] =	dma.local [hbm:s3], $0xF7A  }
0x26: {  	[smem:$0x3F9C] =	sst s1;
	(tag) =	ssettag s2;
	_ =	strace s9  }
0x27: {  	s1 =	sld [smem:$0x3FAC]  }
0x28: {  	s2 =	sld [smem:$0x3FAD]  }
0x29: {  	s4 =	sld [smem:$0x3FAF]  }
0x2a: {  	p0 =	seq.s32 s5, $0x0;
	s5 =	sld [smem:$0x3FB0]  }
0x2b: {  	s6 =	sld [smem:$0x3FB1]  }
0x2c: {  	s7 =	sld [smem:$0x3FB2]  }
0x2d: {  	s3 =	simm.s32 $0x108;
	s8 =	sld [smem:$0x3FB3]  }
0x2e: {  	s3 =	simm.s32 @!p0 $0x1082;
	s9 =	sld [smem:$0x3FB4]  }
0x2f: {  	lr =	sadd.s32 s0, s3;
	s0 =	sld [smem:$0x3FAB]  }
0x30: {  	s3 =	sld [smem:$0x3FAE]  }
0x31: {  	[smem:$0x3FB7] =	sst s10  }
0x32: {  	s10 =	sld [smem:$0x3FB5];
	_ =	sdelay $0x3  }
0x33: {  	p0 =	seq.s32 s10, $0x1;
	s10 =	sld [smem:$0x3FB7];
	_ =	sdelay $0x3  }
0x34: {  	[smem:$0x3FB7] =	sst s10  }
0x35: {  	s10 =	sld [smem:$0x3FB6];
	_ =	sdelay $0x3  }
0x36: {  	p1 =	seq.s32 s10, $0x1;
	s10 =	sld [smem:$0x3FB7];
	_ =	sdelay $0x3  }
0x37: {  	[smem:$0x3FB7] =	sst s10  }
0x38: {  	s10 =	sld [smem:$0x3FB8]  }
0x39: {  	_ = 	snop;
	(pc) =	sbr.ind lr, $3  }
0x3a: {  	_ = 	snop  }
0x3b: {  	_ = 	snop  }
0x3c: {  	p2 =	seq.s32 s10, $0x1;
	s10 =	sld [smem:$0x3FB7]  }
0x3d: {  	_ =	shalt  }
0x3e: {  	_ =	shalt  }
0x3f: {  	_ =	shalt  }
0x40: {  	_ =	shalt  }
0x41: {  	_ =	shalt  }
0x42: {  	_ =	shalt  }
0x43: {  	_ =	shalt  }
0x44: {  	_ =	shalt  }
0x45: {  	_ =	shalt  }
0x46: {  	_ =	shalt  }
0x47: {  	_ =	shalt  }
0x48: {  	_ =	shalt  }
0x49: {  	_ =	shalt  }
0x4a: {  	_ =	shalt  }
0x4b: {  	_ =	shalt  }
0x4c: {  	_ =	shalt  }
0x4d: {  	_ =	shalt  }
0x4e: {  	_ =	shalt  }
0x4f: {  	_ =	shalt  }
0x50: {  	_ =	shalt  }
0x51: {  	_ =	shalt  }
0x52: {  	_ =	shalt  }
0x53: {  	_ =	shalt  }
0x54: {  	_ =	shalt  }
0x55: {  	_ =	shalt  }
0x56: {  	_ =	shalt  }
0x57: {  	_ =	shalt  }
0x58: {  	_ =	shalt  }
0x59: {  	_ =	shalt  }
0x5a: {  	_ =	shalt  }
0x5b: {  	_ =	shalt  }
0x5c: {  	_ =	shalt  }
0x5d: {  	_ =	shalt  }
0x5e: {  	_ =	shalt  }
0x5f: {  	_ =	shalt  }
0x60: {  	_ =	shalt  }
0x61: {  	_ =	shalt  }
0x62: {  	_ =	shalt  }
0x63: {  	_ =	shalt  }
0x64: {  	_ =	shalt  }
0x65: {  	_ =	shalt  }
0x66: {  	_ =	shalt  }
0x67: {  	_ =	shalt  }
0x68: {  	_ =	shalt  }
0x69: {  	_ =	shalt  }
0x6a: {  	_ =	shalt  }
0x6b: {  	_ =	shalt  }
0x6c: {  	_ =	shalt  }
0x6d: {  	_ =	shalt  }
0x6e: {  	_ =	shalt  }
0x6f: {  	_ =	shalt  }
0x70: {  	_ =	shalt  }
0x71: {  	_ =	shalt  }
0x72: {  	_ =	shalt  }
0x73: {  	_ =	shalt  }
0x74: {  	_ =	shalt  }
0x75: {  	_ =	shalt  }
0x76: {  	_ =	shalt  }
0x77: {  	_ =	shalt  }
0x78: {  	_ =	shalt  }
0x79: {  	_ =	shalt  }
0x7a: {  	_ =	shalt  }
0x7b: {  	_ =	shalt  }
0x7c: {  	_ =	shalt  }
0x7d: {  	_ =	shalt  }
0x7e: {  	_ =	shalt  }
0x7f: {  	_ =	shalt  }
0x80: {  	_ =	shalt  }
0x81: {  	_ =	shalt  }
0x82: {  	_ =	shalt  }
0x83: {  	_ =	shalt  }
0x84: {  	_ =	shalt  }
0x85: {  	_ =	shalt  }
0x86: {  	_ =	shalt  }
0x87: {  	_ =	shalt  }
.Lfunc_end0:
.L_simem_size_0:
called_computation_lowered:
.L_overlay_start_0:
0x88: {  	s2 =	sld [smem:$0x3FD9]  }
0x89: {  	s3 =	sld [smem:$0x3FFE];
	_ =	sdelay $0x1  }
0x8a: {  	s1 =	srdreg.scid  }
0x8b: {  	s0 =	sand.u32 $0x1, s1  }
0x8c: {  	s14 =	sshll.u32 s0, $0xA;
	s2 =	sadd.s32 s3, s2  }
0x8d: {  	s2 =	sadd.s32 s2, s14  }
0x8e: {  	[smem:$0x3FC3] =	sst s2  }
0x8f: {  	_ = 	snop  }
0x90: {  	s2 =	sld [smem:$0x3FD0];
	_ =	sdelay $0x2  }
0x91: {  	s15 =	simm.s32 $0xA;
	s4 =	simm.s32 $0x10  }
0x92: {  	[smem:s4], [sflag:s15] =	dma.local [hbm:s2], $0x1  }
0x93: {  	_ =	swait.eq [sflag:s15], $0x1  }
0x94: {  	[sflag:s15] =	ssyncset.done $0x0  }
0x95: {  	[sflag:s15] =	ssyncadd.s32 $0xFFFFFFFF  }
0x96: {  	s16 =	sld [smem:$0x10];
	(tm) =	ssettm $0x1  }
0x97: {  	s17 =	sld [smem:$0x3FFB];
	_ =	sdelay $0x3  }
0x98: {  	_ =	strace s17  }
0x99: {  	s3 =	sld [smem:$0x3FFC];
	_ =	sdelay $0x3  }
0x9a: {  	_ =	strace s3  }
0x9b: {  	s3 =	sld [smem:$0x3FFD];
	_ =	sdelay $0x3  }
0x9c: {  	_ =	strace s3  }
0x9d: {  	_ =	strace $0x8FFFFFFF  }
0x9e: {  	s18 =	sld [smem:$0x3FDB];
	_ =	sdelay $0x1  }
0x9f: {  	s19 =	simm.s32 $_scs_section_size  }
0xa0: {  	s5 =	simm.s32 $_size__tile_overlayer_lowered;
	s6 =	simm.s32 $_tile_overlayer_lowered  }
0xa1: {  	s22 =	simm.s32 $0x1BFF;
	s21 =	sshll.u32 s6, $0x1;
	s3 =	sadd.s32 s19, s18  }
0xa2: {  	s7 =	simm.s32 $0x0;
	s20 =	sshll.u32 s5, $0x1;
	s5 =	sadd.s32 s21, s3  }
0xa3: {  	[timem:s7], [sflag:s22] =	dma.local [hbm:s5], s20  }
0xa4: {  	_ =	swait.ge [sflag:s22], s20  }
0xa5: {  	s4 =	ssub.s32 $0x0, s20;
	[sflag:s22] =	ssyncset.done $0x0  }
0xa6: {  	[sflag:s22] =	ssyncadd.s32 s4;
	_ =	sdelay $0x1  }
0xa7: {  	s23 =	simm.s32 $0x1B8B  }
0xa8: {  	_ =	swait.ge [sflag:s23], $0x1  }
0xa9: {  	[sflag:s23] =	ssyncset.done $0x0  }
0xaa: {  	s25 =	simm.s32 $0x1B8E;
	s24 =	sld [smem:$0x3FFE];
	[sflag:s23] =	ssyncadd.s32 $0xFFFFFFFF  }
0xab: {  	s26 =	simm.s32 $execute0_lowered;
	[smem:$0x3FD2] =	sst s25  }
0xac: {  	s5 =	sshll.u32 s26, $0x1;
	_ =	strace $0x80000046;
	[dreg:$0x1] =	wrdreg $0xFFFFFFFF  }
0xad: {  	s28 =	simm.s32 $_size_execute0_lowered;
	s3 =	sadd.s32 s3, s5;
	[dreg:$0x0] =	wrdreg $0x0  }
0xae: {  	s5 =	sshll.u32 s28, $0x1;
	[dreg:$0x2] =	wrdreg s3  }
0xaf: {  	[dreg:$0x3] =	wrdreg s5  }
0xb0: {  	[dreg:$0x4] =	wrdreg $0xC0  }
0xb1: {  	_ =	task [dreg:s7], $0x5FFFF  }
0xb2: {  	[dreg:$0x1] =	wrdreg $0xFFFFFFFF  }
0xb3: {  	[dreg:$0x0] =	wrdreg $0x60  }
0xb4: {  	[dreg:$0x2] =	wrdreg s24  }
0xb5: {  	[dreg:$0x3] =	wrdreg s16  }
0xb6: {  	[dreg:$0x4] =	wrdreg $0x53000  }
0xb7: {  	[dreg:$0x5] =	wrdreg $0x55800  }
0xb8: {  	[dreg:$0x6] =	wrdreg $0x9  }
0xb9: {  	_ =	task.clear_ibuf [dreg:s7], $0x7FFFF;
	_ =	strace $0x90000046  }
0xba: {  	s29 =	simm.s32 $0x9;
	_ =	strace $0x80000048  }
0xbb: {  	_ =	swait.ge [sflag:s29], $0x1  }
0xbc: {  	[sflag:s29] =	ssyncadd.s32 $0xFFFFFFFF  }
0xbd: {  	_ =	strace $0x90000048  }
0xbe: {  	_ =	sfence  }
0xbf: {  	s30 =	sld [smem:$0x0];
	_ =	sdelay $0x2  }
0xc0: {  	s31 =	sshll.u32 s1, $0xD;
	s1 =	sshrl.u32 s1, $0x2  }
0xc1: {  	s3 =	sand.u32 $0x4000, s31;
	s1 =	sadd.s32 s1, s30  }
0xc2: {  	s0 =	sor.u32 s3, s0;
	s1 =	sshll.u32 s1, $0x11  }
0xc3: {  	s0 =	sor.u32 s1, s0  }
0xc4: {  	s0 =	sadd.s32 $0x8F2B, s0  }
0xc5: {  	[sflag:s0] =	ssyncadd.remote.s32 $0x1  }
0xc6: {  	_ =	sfence.sel $0xFFFF  }
0xc7: {  	[dreg:$0x0] =	wrdreg $0xFFFFFFFF;
	(pc) =	sbr.abs _section_cstart, $3  }
0xc8: {  	[dreg:$0x1] =	wrdreg $0xFFFFFFFF  }
0xc9: {  	_ =	task.clear_ibuf [dreg:s7], $0x2FFFF;
	_ =	strace $0x9FFFFFFF  }
0xca: {  	(tm) =	ssettm $0x7FFFFFFF  }
0xcb: {  	_ =	shalt  }
tec
execute0_lowered:
.L_overlay_start_1:
0x0: {  	(tag) =	ssettag $0x1  }
0x1: {  	s7 =	rddreg [dreg:$0x0]  }
0x2: {  	s12 =	rddreg [dreg:$0x1]  }
0x3: {  	s1 =	srdreg.scid;
	s2 =	rddreg [dreg:$0x2]  }
0x4: {  	s0 =	stileid.u32;
	s3 =	rddreg [dreg:$0x3]  }
0x5: {  	s4 =	simm.s32 $0x0;
	s18 =	simm.s32 $0x80;
	s19 =	simm.s32 $0x1  }
0x6: {  	s20 =	simm.s32 $0x0;
	s11 =	sand.u32 $0x1, s1;
	s1 =	rddreg [dreg:$0x4]  }
0x7: {  	s31 =	sshll.u32 s0, $0x1;
	[smem:$0x7FF] =	sst s4;
	s6 =	sadd.s32 $0x29600, s7  }
0x8: {  	s13 =	sadd.s32 $0x29800, s7;
	s14 =	smul.u32 $0x280, s0;
	s15 =	sadd.s32 $0x29E00, s7  }
0x9: {  	s16 =	sadd.s32 $0x2A400, s7;
	s5 =	sor.u32 s11, s31;
	_ =	strace $0x80000047  }
0xa: {  	s8 =	ssub.s32 $0x2, s11;
	p0 =	seq.s32 s11, $0x1;
	s5 =	smul.u32 $0x500, s5  }
0xb: {  	s9 =	sshrl.u32 s8, $0x1;
	s12 =	smov.u32 @p0 s13;
	s15 =	smov.u32 @p0 s16  }
0xc: {  	s16 =	simm.s32 $0x5000;
	s17 =	ssub.s32 s8, s9;
	s8 =	sadd.s32 s14, s3  }
0xd: {  	s10 =	sadd.s32 s5, s7;
	s5 =	sadd.s32 $0x29400, s7;
	s7 =	sadd.s32 s14, s2  }
0xe: {  	s14 =	sshrl.u32 s14, $0x3;
	s11 =	smax.u32 s17, $0x1;
	s17 =	simm.s32 $0x2800  }
0xf: {  	s9 =	sadd.s32 $0x1F400, s10;
	s10 =	sadd.s32 $0xB400, s10;
	s12 =	sadd.s32 s12, s14  }
0x10: {  	s13 =	sadd.s32 s15, s14;
	s14 =	simm.s32 $0x5080;
	s15 =	simm.s32 $0x2  }
.LBB2_1:
0x11: {  	[tilespmem:s14], [sflag:$0x2] =	stream.linear.gather [hbm4b:s6+s4], $0x280, $0x38;
	[tilespmem:$0x5800] =	vst v63  }
0x12: {  	_ =	swait.ge [sflag:s15], $0x280  }
0x13: {  	[sflag:s15] =	ssyncset.done $0x0  }
0x14: {  	[sflag:s15] =	ssyncadd.s32 $0xFFFFFD80  }
0x15: {  	[spmem:s7] =	stream.linear.scatter [tilespmem:s14], [sflag:$0x2], $0x280, $0x38;
	[tilespmem:$0x5800] =	vst v63  }
0x16: {  	_ =	swait.ge [sflag:s15], $0x280  }
0x17: {  	[sflag:s15] =	ssyncset.done $0x0  }
0x18: {  	[sflag:s15] =	ssyncadd.s32 $0xFFFFFD80  }
0x19: {  	[spmem:s8] =	stream.linear.scatter [tilespmem:s14], [sflag:$0x2], $0x280, $0x38;
	[tilespmem:$0x5800] =	vst v63  }
0x1a: {  	_ =	swait.ge [sflag:s15], $0x280  }
0x1b: {  	[sflag:s15] =	ssyncset.done $0x0  }
0x1c: {  	[sflag:s15] =	ssyncadd.s32 $0xFFFFFD80  }
0x1d: {  	[tilespmem:s16], [sflag:$0x2] =	stream.linear.gather [hbm4b:s5+s4], $0x80, $0x38;
	[tilespmem:$0x5800] =	vst v63  }
0x1e: {  	_ =	swait.ge [sflag:s15], $0x80  }
0x1f: {  	[sflag:s15] =	ssyncset.done $0x0  }
0x20: {  	[sflag:s15] =	ssyncadd.s32 $0xFFFFFF80  }
0x21: {  	[bflag:$0x0] =	sbarrier.arrive $0xFFFF  }
0x22: {  	[tilespmem:s4], [sflag:$0x2] =	stream.linear.gather [hbm4b:s9+s4], $0x2800, $0x38;
	[tilespmem:$0x5800] =	vst v63  }
0x23: {  	_ =	swait.ge [sflag:s15], $0x2800  }
0x24: {  	[sflag:s15] =	ssyncset.done $0x0  }
0x25: {  	[sflag:s15] =	ssyncadd.s32 $0xFFFFD800  }
0x26: {  	[tilespmem:s17], [sflag:$0x2] =	stream.linear.gather [hbm4b:s10+s4], $0x2800, $0x38;
	[tilespmem:$0x5800] =	vst v63  }
0x27: {  	_ =	swait.ge [sflag:s15], $0x2800  }
0x28: {  	[sflag:s15] =	ssyncset.done $0x0  }
0x29: {  	s21 =	simm.s32 $0x0;
	[sflag:s15] =	ssyncadd.s32 $0xFFFFD800  }
.LBB2_2:
0x2a: {  	p0 =	sne.s32 s21, $0x9E00  }
.Ltmp0:
0x2b: {  	_ = 	snop;
	(pc) =	sbr.rel @p0 .LBB2_2-.Ltmp0, $3  }
0x2c: {  	_ =	sdelay $0x1  }
0x2d: {  	s22 =	sshra.s32 s21, $0x2;
	s21 =	sadd.s32 $0x200, s21  }
0x2e: {  	[spmem:s2] =	stream.indirect.scatter.add.f32 [tilespmem:s16], [sflag:$0x1], $0x1, s22, s18, $0xb8;
	[tilespmem:$0x5800] =	vst v63  }
0x2f: {  	s21 =	simm.s32 $0x0  }
.LBB2_4:
0x30: {  	p0 =	sne.s32 s21, $0x9E00  }
.Ltmp1:
0x31: {  	_ = 	snop;
	(pc) =	sbr.rel @p0 .LBB2_4-.Ltmp1, $4  }
0x32: {  	_ = 	snop  }
0x33: {  	s22 =	sshra.s32 s21, $0x2  }
0x34: {  	s21 =	sadd.s32 $0x200, s21;
	s22 =	sadd.s32 $0x2800, s22  }
0x35: {  	[spmem:s3] =	stream.indirect.scatter.add.f32 [tilespmem:s16], [sflag:$0x1], $0x1, s22, s18, $0xb8;
	[tilespmem:$0x5800] =	vst v63  }
0x36: {  	_ =	swait.ge [sflag:s19], $0x80  }
0x37: {  	s21 =	simm.s32 $0x9F;
	[sflag:s19] =	ssyncset.done $0x0  }
.LBB2_6:
0x38: {  	p0 =	sne.s32 s21, $0x1;
	s21 =	sadd.s32 $0xFFFFFFFF, s21;
	[sflag:s19] =	ssyncadd.s32 $0xFFFFFF80  }
.Ltmp2:
0x39: {  	(pc) =	sbr.rel @p0 .LBB2_6-.Ltmp2, $3  }
0x3a: {  	_ =	sdelay $0x1  }
0x3b: {  	_ =	swait.ge [sflag:s19], $0x80  }
0x3c: {  	[sflag:s19] =	ssyncset.done $0x0  }
0x3d: {  	[sflag:s19] =	ssyncadd.s32 $0xFFFFFF80  }
0x3e: {  	[bflag:$0x0] =	sbarrier.arrive $0xFFFF  }
0x3f: {  	[tilespmem:s14], [sflag:$0x2] =	stream.linear.gather [spmem:s7], $0x280, $0x38;
	[tilespmem:$0x5800] =	vst v63  }
0x40: {  	_ =	swait.ge [sflag:s15], $0x280  }
0x41: {  	[sflag:s15] =	ssyncset.done $0x0  }
0x42: {  	[sflag:s15] =	ssyncadd.s32 $0xFFFFFD80  }
0x43: {  	[hbm4b:s12+s4] =	stream.linear.scatter [tilespmem:s14], [sflag:$0x2], $0x280, $0x38;
	[tilespmem:$0x5800] =	vst v63  }
0x44: {  	_ =	swait.ge [sflag:s15], $0x280  }
0x45: {  	[sflag:s15] =	ssyncset.done $0x0  }
0x46: {  	[sflag:s15] =	ssyncadd.s32 $0xFFFFFD80  }
0x47: {  	[tilespmem:s14], [sflag:$0x2] =	stream.linear.gather [spmem:s8], $0x280, $0x38;
	[tilespmem:$0x5800] =	vst v63  }
0x48: {  	s20 =	sadd.s32 $0x1, s20;
	_ =	swait.ge [sflag:s15], $0x280  }
0x49: {  	p0 =	sne.s32 s20, s11;
	[sflag:s15] =	ssyncset.done $0x0  }
.Ltmp3:
0x4a: {  	[sflag:s15] =	ssyncadd.s32 $0xFFFFFD80;
	(pc) =	sbr.rel @p0 .LBB2_1-.Ltmp3, $4  }
0x4b: {  	[hbm4b:s13+s4] =	stream.linear.scatter [tilespmem:s14], [sflag:$0x2], $0x280, $0x38;
	[tilespmem:$0x5800] =	vst v63  }
0x4c: {  	_ =	swait.ge [sflag:s15], $0x280  }
0x4d: {  	[sflag:s15] =	ssyncset.done $0x0  }
0x4e: {  	[sflag:s15] =	ssyncadd.s32 $0xFFFFFD80  }
0x4f: {  	_ =	sfence.sel $0x180000  }
0x50: {  	[bflag:$0x0] =	sbarrier.arrive $0xFFFF  }
0x51: {  	p0 =	sne.s32 s0, $0x0;
	_ =	strace $0x90000047  }
0x52: {  	s0 =	sadd.s32 @!p0 $0x100000, s1;
	[bflag:$0x2] =	sbarrier.arrive $0xFFFF  }
0x53: {  	[sflag:s0] =	ssyncadd.tile.s32 @!p0 $0x1;
	_ =	shalt  }
.Lfunc_end2:
_tile_overlayer_lowered:
.L_overlay_start_2:
0x54: {  	(tag) =	ssettag $0x2  }
0x55: {  	s0 =	rddreg [dreg:$0x0];
	s2 =	stileid.u32  }
0x56: {  	s1 =	rddreg [dreg:$0x1];
	p0 =	sne.s32 s2, $0x0  }
0x57: {  	s3 =	rddreg [dreg:$0x2];
	[bflag:$0x3] =	sbarrier.arrive $0xFFFF;
	s2 =	simm.s32 @!p0 $0x1C02  }
0x58: {  	[timem:s3], [sflag:s2] =	dma.local @!p0 [hbm:s0], s1  }
0x59: {  	s0 =	simm.s32 @!p0 $0x2  }
0x5a: {  	_ =	swait.ge @!p0 [sflag:s0], s1  }
0x5b: {  	s1 =	ssub.s32 @!p0 $0x0, s1;
	[sflag:s0] =	ssyncset.done @!p0 $0x0  }
0x5c: {  	[sflag:s0] =	ssyncadd.s32 @!p0 s1  }
0x5d: {  	[bflag:$0x3] =	sbarrier.arrive $0xFFFF  }
0x5e: {  	_ =	shalt  }

// kernel: kernel.9.cloned.1.call-start
scs
__scs_entry_jumppad:
0x0: {  	(pc) =	sbr.rel $0x88, $3  }
0x1: {  	(tag) =	ssettag $0x0;
	lr =	simm.s32 $0x1  }
0x2: {  	[smem:$0x3F9C] =	sst lr;
	_ =	strace $0xD0000000  }
0x3: {  	_ = 	snop  }
0x4: {  	_ = 	snop  }
0x5: {  	_ = 	snop  }
0x6: {  	_ = 	snop  }
0x7: {  	_ = 	snop  }
__scs_overlays_trampoline_lowered:
0x8: {  	[smem:$0x3FAB] =	sst s0  }
0x9: {  	[smem:$0x3FAC] =	sst s1  }
0xa: {  	[smem:$0x3FAD] =	sst s2  }
0xb: {  	[smem:$0x3FAE] =	sst s3  }
0xc: {  	[smem:$0x3FAF] =	sst s4  }
0xd: {  	[smem:$0x3FB0] =	sst s5  }
0xe: {  	[smem:$0x3FB1] =	sst s6  }
0xf: {  	[smem:$0x3FB2] =	sst s7  }
0x10: {  	[smem:$0x3FB3] =	sst s8  }
0x11: {  	[smem:$0x3FB4] =	sst s9;
	s0 =	simm.s32 @!p0 $0x0  }
0x12: {  	s1 =	sld [smem:$0x3F9A];
	s0 =	simm.s32 @p0 $0x1  }
0x13: {  	[smem:$0x3FB5] =	sst s0;
	s0 =	simm.s32 @!p1 $0x0  }
0x14: {  	s2 =	sld [smem:$0x3F99];
	s0 =	simm.s32 @p1 $0x1  }
0x15: {  	[smem:$0x3FB6] =	sst s0;
	s0 =	simm.s32 @!p2 $0x0  }
0x16: {  	s3 =	sld [smem:$0x3FDB];
	s0 =	simm.s32 @p2 $0x1  }
0x17: {  	s4 =	simm.s32 $0x1BF5;
	[smem:$0x3FB8] =	sst s0  }
0x18: {  	s0 =	sld [smem:$0x3F9B];
	_ =	swait.ge [sflag:s4], $0x0  }
0x19: {  	s7 =	sld [smem:$0x3F9C]  }
0x1a: {  	s8 =	sadd.s32 $0xFFFFE003, lr  }
0x1b: {  	s9 =	sadd.s32 $0xFFFFFEF7, lr;
	s5 =	simm.s32 $0xFFFFFFFF;
	p2 =	slt.u32 s8, $0xFFFFF086  }
0x1c: {  	p1 =	slt.u32 s9, $0xF7A;
	s5 =	simm.s32 @!p2 $0x0  }
0x1d: {  	s5 =	simm.s32 @p1 $0x1;
	p0 =	seq.s32 s7, s2  }
0x1e: {  	s7 =	smul.u32 @!p0 $0xF7A, s2;
	p2 =	seq.s32 @!p0 s5, $0x0  }
0x1f: {  	s9 =	smul.u32 $0xF7A, s1;
	s8 =	simm.s32 @!p0 $0x1BF5;
	p2 =	por !p2, p0  }
0x20: {  	[sflag:s8] =	ssyncset.s32 @!p0 $0xFFFFF086;
	s6 =	sadd.s32 @!p0 s3, s7;
	s7 =	simm.s32 @!p0 $0x108  }
0x21: {  	s3 =	sadd.s32 s3, s9;
	s6 =	sadd.s32 @!p0 $0x88, s6;
	s7 =	simm.s32 @p2 $0x1082  }
0x22: {  	[simem:s7], [sflag:s8] =	dma.local @!p0 [hbm:s6], $0xF7A  }
0x23: {  	s9 =	sor.u32 $0xD0000000, s2;
	s6 =	simm.s32 $0x108;
	_ =	swait.ge @!p0 [sflag:s8], $0x0  }
0x24: {  	s3 =	sadd.s32 $0x88, s3;
	s6 =	simm.s32 @!p1 $0x1082;
	[sflag:s4] =	ssyncset.s32 $0xFFFFF086  }
0x25: {  	[simem:s6], [sflag:s4] =	dma.local [hbm:s3], $0xF7A  }
0x26: {  	[smem:$0x3F9C] =	sst s1;
	(tag) =	ssettag s2;
	_ =	strace s9  }
0x27: {  	s1 =	sld [smem:$0x3FAC]  }
0x28: {  	s2 =	sld [smem:$0x3FAD]  }
0x29: {  	s4 =	sld [smem:$0x3FAF]  }
0x2a: {  	p0 =	seq.s32 s5, $0x0;
	s5 =	sld [smem:$0x3FB0]  }
0x2b: {  	s6 =	sld [smem:$0x3FB1]  }
0x2c: {  	s7 =	sld [smem:$0x3FB2]  }
0x2d: {  	s3 =	simm.s32 $0x108;
	s8 =	sld [smem:$0x3FB3]  }
0x2e: {  	s3 =	simm.s32 @!p0 $0x1082;
	s9 =	sld [smem:$0x3FB4]  }
0x2f: {  	lr =	sadd.s32 s0, s3;
	s0 =	sld [smem:$0x3FAB]  }
0x30: {  	s3 =	sld [smem:$0x3FAE]  }
0x31: {  	[smem:$0x3FB7] =	sst s10  }
0x32: {  	s10 =	sld [smem:$0x3FB5];
	_ =	sdelay $0x3  }
0x33: {  	p0 =	seq.s32 s10, $0x1;
	s10 =	sld [smem:$0x3FB7];
	_ =	sdelay $0x3  }
0x34: {  	[smem:$0x3FB7] =	sst s10  }
0x35: {  	s10 =	sld [smem:$0x3FB6];
	_ =	sdelay $0x3  }
0x36: {  	p1 =	seq.s32 s10, $0x1;
	s10 =	sld [smem:$0x3FB7];
	_ =	sdelay $0x3  }
0x37: {  	[smem:$0x3FB7] =	sst s10  }
0x38: {  	s10 =	sld [smem:$0x3FB8]  }
0x39: {  	_ = 	snop;
	(pc) =	sbr.ind lr, $3  }
0x3a: {  	_ = 	snop  }
0x3b: {  	_ = 	snop  }
0x3c: {  	p2 =	seq.s32 s10, $0x1;
	s10 =	sld [smem:$0x3FB7]  }
0x3d: {  	_ =	shalt  }
0x3e: {  	_ =	shalt  }
0x3f: {  	_ =	shalt  }
0x40: {  	_ =	shalt  }
0x41: {  	_ =	shalt  }
0x42: {  	_ =	shalt  }
0x43: {  	_ =	shalt  }
0x44: {  	_ =	shalt  }
0x45: {  	_ =	shalt  }
0x46: {  	_ =	shalt  }
0x47: {  	_ =	shalt  }
0x48: {  	_ =	shalt  }
0x49: {  	_ =	shalt  }
0x4a: {  	_ =	shalt  }
0x4b: {  	_ =	shalt  }
0x4c: {  	_ =	shalt  }
0x4d: {  	_ =	shalt  }
0x4e: {  	_ =	shalt  }
0x4f: {  	_ =	shalt  }
0x50: {  	_ =	shalt  }
0x51: {  	_ =	shalt  }
0x52: {  	_ =	shalt  }
0x53: {  	_ =	shalt  }
0x54: {  	_ =	shalt  }
0x55: {  	_ =	shalt  }
0x56: {  	_ =	shalt  }
0x57: {  	_ =	shalt  }
0x58: {  	_ =	shalt  }
0x59: {  	_ =	shalt  }
0x5a: {  	_ =	shalt  }
0x5b: {  	_ =	shalt  }
0x5c: {  	_ =	shalt  }
0x5d: {  	_ =	shalt  }
0x5e: {  	_ =	shalt  }
0x5f: {  	_ =	shalt  }
0x60: {  	_ =	shalt  }
0x61: {  	_ =	shalt  }
0x62: {  	_ =	shalt  }
0x63: {  	_ =	shalt  }
0x64: {  	_ =	shalt  }
0x65: {  	_ =	shalt  }
0x66: {  	_ =	shalt  }
0x67: {  	_ =	shalt  }
0x68: {  	_ =	shalt  }
0x69: {  	_ =	shalt  }
0x6a: {  	_ =	shalt  }
0x6b: {  	_ =	shalt  }
0x6c: {  	_ =	shalt  }
0x6d: {  	_ =	shalt  }
0x6e: {  	_ =	shalt  }
0x6f: {  	_ =	shalt  }
0x70: {  	_ =	shalt  }
0x71: {  	_ =	shalt  }
0x72: {  	_ =	shalt  }
0x73: {  	_ =	shalt  }
0x74: {  	_ =	shalt  }
0x75: {  	_ =	shalt  }
0x76: {  	_ =	shalt  }
0x77: {  	_ =	shalt  }
0x78: {  	_ =	shalt  }
0x79: {  	_ =	shalt  }
0x7a: {  	_ =	shalt  }
0x7b: {  	_ =	shalt  }
0x7c: {  	_ =	shalt  }
0x7d: {  	_ =	shalt  }
0x7e: {  	_ =	shalt  }
0x7f: {  	_ =	shalt  }
0x80: {  	_ =	shalt  }
0x81: {  	_ =	shalt  }
0x82: {  	_ =	shalt  }
0x83: {  	_ =	shalt  }
0x84: {  	_ =	shalt  }
0x85: {  	_ =	shalt  }
0x86: {  	_ =	shalt  }
0x87: {  	_ =	shalt  }
.Lfunc_end0:
.L_simem_size_0:
called_computation.1_lowered:
.L_overlay_start_0:
0x88: {  	s2 =	sld [smem:$0x3FD9]  }
0x89: {  	s3 =	sld [smem:$0x3FFE];
	_ =	sdelay $0x1  }
0x8a: {  	s1 =	srdreg.scid  }
0x8b: {  	s0 =	sand.u32 $0x1, s1  }
0x8c: {  	s14 =	sshll.u32 s0, $0xA;
	s2 =	sadd.s32 s3, s2  }
0x8d: {  	s2 =	sadd.s32 s2, s14  }
0x8e: {  	[smem:$0x3FC3] =	sst s2  }
0x8f: {  	_ = 	snop  }
0x90: {  	s2 =	sld [smem:$0x3FD0];
	_ =	sdelay $0x2  }
0x91: {  	s15 =	simm.s32 $0xA;
	s4 =	simm.s32 $0x10  }
0x92: {  	[smem:s4], [sflag:s15] =	dma.local [hbm:s2], $0x1  }
0x93: {  	_ =	swait.eq [sflag:s15], $0x1  }
0x94: {  	[sflag:s15] =	ssyncset.done $0x0  }
0x95: {  	s16 =	sld [smem:$0x10];
	[sflag:s15] =	ssyncadd.s32 $0xFFFFFFFF  }
0x96: {  	s17 =	sld [smem:$0x11];
	(tm) =	ssettm $0x1  }
0x97: {  	s18 =	sld [smem:$0x3FFB];
	_ =	sdelay $0x3  }
0x98: {  	_ =	strace s18  }
0x99: {  	s4 =	sld [smem:$0x3FFC];
	_ =	sdelay $0x3  }
0x9a: {  	_ =	strace s4  }
0x9b: {  	s4 =	sld [smem:$0x3FFD];
	_ =	sdelay $0x3  }
0x9c: {  	_ =	strace s4  }
0x9d: {  	_ =	strace $0x8FFFFFFF  }
0x9e: {  	s19 =	sld [smem:$0x3FDB];
	_ =	sdelay $0x1  }
0x9f: {  	s5 =	simm.s32 $_scs_section_size  }
0xa0: {  	s6 =	simm.s32 $_size__tile_overlayer_lowered;
	s7 =	simm.s32 $_tile_overlayer_lowered  }
0xa1: {  	s22 =	simm.s32 $0x1BFF;
	s21 =	sshll.u32 s7, $0x1;
	s4 =	sadd.s32 s5, s19  }
0xa2: {  	s8 =	simm.s32 $0x0;
	s20 =	sshll.u32 s6, $0x1;
	s6 =	sadd.s32 s21, s4  }
0xa3: {  	[timem:s8], [sflag:s22] =	dma.local [hbm:s6], s20  }
0xa4: {  	_ =	swait.ge [sflag:s22], s20  }
0xa5: {  	s5 =	ssub.s32 $0x0, s20;
	[sflag:s22] =	ssyncset.done $0x0  }
0xa6: {  	[sflag:s22] =	ssyncadd.s32 s5;
	_ =	sdelay $0x1  }
0xa7: {  	s23 =	simm.s32 $0x1B8B  }
0xa8: {  	_ =	swait.ge [sflag:s23], $0x1  }
0xa9: {  	[sflag:s23] =	ssyncset.done $0x0  }
0xaa: {  	s25 =	simm.s32 $0x1B8E;
	s24 =	sld [smem:$0x3FFE];
	[sflag:s23] =	ssyncadd.s32 $0xFFFFFFFF  }
0xab: {  	s26 =	simm.s32 $execute0_lowered;
	[smem:$0x3FD2] =	sst s25  }
0xac: {  	s6 =	sshll.u32 s26, $0x1;
	_ =	strace $0x80000049;
	[dreg:$0x1] =	wrdreg $0xFFFFFFFF  }
0xad: {  	s28 =	simm.s32 $_size_execute0_lowered;
	s4 =	sadd.s32 s4, s6;
	[dreg:$0x0] =	wrdreg $0x0  }
0xae: {  	s6 =	sshll.u32 s28, $0x1;
	[dreg:$0x2] =	wrdreg s4  }
0xaf: {  	[dreg:$0x3] =	wrdreg s6  }
0xb0: {  	[dreg:$0x4] =	wrdreg $0xC0  }
0xb1: {  	_ =	task [dreg:s8], $0x5FFFF  }
0xb2: {  	[dreg:$0x1] =	wrdreg $0xFFFFFFFF  }
0xb3: {  	[dreg:$0x0] =	wrdreg $0x60  }
0xb4: {  	[dreg:$0x2] =	wrdreg s24  }
0xb5: {  	[dreg:$0x3] =	wrdreg s16  }
0xb6: {  	[dreg:$0x4] =	wrdreg s17  }
0xb7: {  	[dreg:$0x5] =	wrdreg $0xA8000  }
0xb8: {  	[dreg:$0x6] =	wrdreg $0x9  }
0xb9: {  	_ =	task.clear_ibuf [dreg:s8], $0x7FFFF;
	_ =	strace $0x90000049  }
0xba: {  	s29 =	simm.s32 $0x9;
	_ =	strace $0x8000004B  }
0xbb: {  	_ =	swait.ge [sflag:s29], $0x1  }
0xbc: {  	[sflag:s29] =	ssyncadd.s32 $0xFFFFFFFF  }
0xbd: {  	_ =	strace $0x9000004B  }
0xbe: {  	_ =	sfence  }
0xbf: {  	s30 =	sld [smem:$0x0];
	_ =	sdelay $0x2  }
0xc0: {  	s31 =	sshll.u32 s1, $0xD;
	s1 =	sshrl.u32 s1, $0x2  }
0xc1: {  	s3 =	sand.u32 $0x4000, s31;
	s1 =	sadd.s32 s1, s30  }
0xc2: {  	s0 =	sor.u32 s3, s0;
	s1 =	sshll.u32 s1, $0x11  }
0xc3: {  	s0 =	sor.u32 s1, s0  }
0xc4: {  	s0 =	sadd.s32 $0x8F2B, s0  }
0xc5: {  	[sflag:s0] =	ssyncadd.remote.s32 $0x1  }
0xc6: {  	_ =	sfence.sel $0xFFFF  }
0xc7: {  	[dreg:$0x0] =	wrdreg $0xFFFFFFFF;
	(pc) =	sbr.abs _section_cstart, $3  }
0xc8: {  	[dreg:$0x1] =	wrdreg $0xFFFFFFFF  }
0xc9: {  	_ =	task.clear_ibuf [dreg:s8], $0x2FFFF;
	_ =	strace $0x9FFFFFFF  }
0xca: {  	(tm) =	ssettm $0x7FFFFFFF  }
0xcb: {  	_ =	shalt  }
tec
execute0_lowered:
.L_overlay_start_1:
0x0: {  	(tag) =	ssettag $0x1  }
0x1: {  	s0 =	rddreg [dreg:$0x0]  }
0x2: {  	s1 =	rddreg [dreg:$0x1]  }
0x3: {  	s2 =	rddreg [dreg:$0x2];
	s15 =	stileid.u32  }
0x4: {  	s3 =	rddreg [dreg:$0x3];
	s5 =	simm.s32 $0x0;
	s11 =	smul.u32 $0xA00, s15  }
0x5: {  	s4 =	sadd.s32 $0x15400, s0;
	s8 =	smul.u32 $0x5000, s15;
	s9 =	sadd.s32 $0x1400, s0  }
0x6: {  	s12 =	sadd.s32 $0xB400, s0;
	[smem:$0x7FF] =	sst s5;
	s25 =	sadd.s32 s9, s11  }
0x7: {  	s7 =	sadd.s32 $0x1F400, s0;
	s14 =	sadd.s32 s12, s11;
	[dreg:$0x5] =	wrdreg s25  }
0x8: {  	s8 =	sshrl.u32 s8, $0x3;
	s22 =	sadd.s32 s4, s11;
	[dreg:$0x6] =	wrdreg s14  }
0x9: {  	s23 =	sadd.s32 s7, s11;
	s26 =	sadd.s32 $0x280, s8;
	[dreg:$0xd] =	wrdreg s22  }
0xa: {  	s6 =	srdreg.scid;
	[dreg:$0xe] =	wrdreg s23;
	s17 =	sadd.s32 s9, s26  }
0xb: {  	s18 =	sadd.s32 $0x500, s8;
	s16 =	sadd.s32 s12, s26;
	[dreg:$0x7] =	wrdreg s17  }
0xc: {  	s30 =	simm.s32 $0x0;
	s19 =	sadd.s32 s9, s18;
	[dreg:$0x8] =	wrdreg s16  }
0xd: {  	s8 =	sadd.s32 $0x780, s8;
	s20 =	sadd.s32 s12, s18;
	[dreg:$0x9] =	wrdreg s19  }
0xe: {  	s6 =	sand.u32 $0x1, s6;
	s9 =	sadd.s32 s9, s8;
	[dreg:$0xa] =	wrdreg s20  }
0xf: {  	s31 =	smul.u32 $0x2800, s15;
	s21 =	sadd.s32 s12, s8;
	[dreg:$0xb] =	wrdreg s9  }
0x10: {  	s10 =	ssub.s32 $0x2, s6;
	s24 =	sadd.s32 s4, s26;
	[dreg:$0xc] =	wrdreg s21  }
0x11: {  	p0 =	sne.s32 s6, $0x0;
	s25 =	sadd.s32 s7, s26;
	[dreg:$0xf] =	wrdreg s24  }
0x12: {  	s13 =	sshrl.u32 s10, $0x1;
	s26 =	sadd.s32 s4, s18;
	[dreg:$0x10] =	wrdreg s25  }
0x13: {  	s13 =	ssub.s32 s10, s13;
	s10 =	sadd.s32 s7, s18;
	[dreg:$0x11] =	wrdreg s26  }
0x14: {  	s14 =	smul.u32 $0x50000, s15;
	s4 =	sadd.s32 s4, s8;
	[dreg:$0x12] =	wrdreg s10  }
0x15: {  	s22 =	sadd.s32 $0x79400, s0;
	s11 =	sadd.s32 s7, s8;
	[dreg:$0x13] =	wrdreg s4  }
0x16: {  	s23 =	sadd.s32 $0xA1400, s0;
	s12 =	smul.u32 $0x280, s15;
	[dreg:$0x14] =	wrdreg s11  }
0x17: {  	s17 =	sshrl.u32 s14, $0x2;
	s10 =	smul.u32 $0x14000, s15;
	s15 =	simm.s32 $0x1400  }
0x18: {  	_ =	strace $0x8000004A;
	s16 =	sadd.s32 $0x80, s12;
	s24 =	sadd.s32 s17, s3  }
0x19: {  	s19 =	sadd.s32 $0x100, s12;
	s21 =	sadd.s32 $0x180, s12;
	s4 =	sadd.s32 $0x200, s12  }
0x1a: {  	s18 =	sshll.u32 s16, $0x7;
	s20 =	sshll.u32 s19, $0x7;
	s11 =	sshll.u32 s21, $0x7  }
0x1b: {  	s12 =	sshrl.u32 s10, $0x3;
	s14 =	sshll.u32 s4, $0x7;
	s16 =	sshll.u32 s16, $0x4  }
0x1c: {  	s0 =	sshll.u32 s19, $0x4;
	s17 =	sshll.u32 s21, $0x4;
	s4 =	sshll.u32 s4, $0x4  }
0x1d: {  	s25 =	sadd.s32 s18, s3;
	s26 =	sadd.s32 s20, s3;
	s28 =	sadd.s32 s11, s3  }
0x1e: {  	s29 =	sadd.s32 s14, s3;
	s6 =	sadd.s32 $0x28000, s12;
	s18 =	sadd.s32 $0x28000, s2  }
0x1f: {  	s9 =	sadd.s32 s2, s17;
	s10 =	sadd.s32 s2, s4;
	s11 =	smax.u32 s13, $0x1  }
0x20: {  	s13 =	simm.s32 $0x2800;
	[dreg:$0x15] =	wrdreg s6;
	s19 =	sadd.s32 s16, s18  }
0x21: {  	s14 =	simm.s32 $0x3;
	s20 =	sadd.s32 s0, s18;
	[dreg:$0x16] =	wrdreg s19  }
.Ltmp0:
0x22: {  	s21 =	sadd.s32 s17, s18;
	[dreg:$0x17] =	wrdreg s20;
	(pc) =	sbr.rel .LBB2_1-.Ltmp0, $4  }
0x23: {  	s8 =	sadd.s32 s4, s18;
	s6 =	sadd.s32 s2, s16;
	[dreg:$0x18] =	wrdreg s21  }
0x24: {  	s0 =	sadd.s32 s2, s0;
	s16 =	simm.s32 $0x80;
	[dreg:$0x19] =	wrdreg s8  }
0x25: {  	s17 =	simm.s32 $0x6800;
	s18 =	simm.s32 $0x1;
	[dreg:$0x1a] =	wrdreg s6  }
0x26: {  	s19 =	simm.s32 $0x2;
	s20 =	simm.s32 $0x2700;
	s21 =	simm.s32 $0x2780  }
.LBB2_19:
0x27: {  	[tilespmem:s17], [sflag:$0x2] =	stream.indirect.gather [hbm4b:s1+s16], $0x80, s6, s16, $0xb8;
	[tilespmem:$0x1E800] =	vst v63  }
0x28: {  	s12 =	rddreg [dreg:$0x15]  }
0x29: {  	s7 =	rddreg [dreg:$0x16]  }
0x2a: {  	s8 =	rddreg [dreg:$0x17]  }
0x2b: {  	s4 =	rddreg [dreg:$0x18]  }
0x2c: {  	s6 =	rddreg [dreg:$0x19]  }
.LBB2_20:
0x2d: {  	_ =	swait.ge [sflag:s18], $0x4000  }
0x2e: {  	[sflag:s18] =	ssyncset.done $0x0  }
0x2f: {  	[sflag:s18] =	ssyncadd.s32 $0xFFFFC000  }
0x30: {  	[spmem:s3] =	stream.indirect.scatter.add.f32 [tilespmem:s13], [sflag:$0x3], $0x80, s20, s16, $0xb8;
	[tilespmem:$0x1E800] =	vst v63  }
0x31: {  	_ =	swait.ge [sflag:s14], $0x4000  }
0x32: {  	[sflag:s14] =	ssyncset.done $0x0  }
0x33: {  	[sflag:s14] =	ssyncadd.s32 $0xFFFFC000  }
0x34: {  	_ =	swait.ge [sflag:s19], $0x4000  }
0x35: {  	[sflag:s19] =	ssyncset.done $0x0  }
0x36: {  	[sflag:s19] =	ssyncadd.s32 $0xFFFFC000  }
0x37: {  	[spmem:s3] =	stream.indirect.scatter.add.f32 [tilespmem:s17], [sflag:$0x3], $0x80, s21, s16, $0xb8;
	[tilespmem:$0x1E800] =	vst v63  }
0x38: {  	_ =	swait.ge [sflag:s14], $0x4000  }
0x39: {  	[sflag:s14] =	ssyncset.done $0x0  }
0x3a: {  	[sflag:s14] =	ssyncadd.s32 $0xFFFFC000  }
0x3b: {  	[bflag:$0x0] =	sbarrier.arrive $0xFFFF  }
0x3c: {  	[tilespmem:s13], [sflag:$0x3] =	stream.linear.gather [spmem:s24], $0x4000, $0x38;
	[tilespmem:$0x1E800] =	vst v63  }
0x3d: {  	_ =	swait.ge [sflag:s14], $0x4000  }
0x3e: {  	[sflag:s14] =	ssyncset.done $0x0  }
0x3f: {  	s12 =	sadd.s32 s2, s12;
	[sflag:s14] =	ssyncadd.s32 $0xFFFFC000  }
0x40: {  	[hbm4b:s12+s5] =	stream.linear.scatter [tilespmem:s13], [sflag:$0x3], $0x4000, $0x38;
	[tilespmem:$0x1E800] =	vst v63  }
0x41: {  	_ =	swait.ge [sflag:s14], $0x4000  }
0x42: {  	[sflag:s14] =	ssyncset.done $0x0  }
0x43: {  	[sflag:s14] =	ssyncadd.s32 $0xFFFFC000  }
0x44: {  	[tilespmem:s13], [sflag:$0x3] =	stream.linear.gather [spmem:s25], $0x4000, $0x38;
	[tilespmem:$0x1E800] =	vst v63  }
0x45: {  	_ =	swait.ge [sflag:s14], $0x4000  }
0x46: {  	[sflag:s14] =	ssyncset.done $0x0  }
0x47: {  	[sflag:s14] =	ssyncadd.s32 $0xFFFFC000  }
0x48: {  	[hbm4b:s7+s5] =	stream.linear.scatter [tilespmem:s13], [sflag:$0x3], $0x4000, $0x38;
	[tilespmem:$0x1E800] =	vst v63  }
0x49: {  	_ =	swait.ge [sflag:s14], $0x4000  }
0x4a: {  	[sflag:s14] =	ssyncset.done $0x0  }
0x4b: {  	[sflag:s14] =	ssyncadd.s32 $0xFFFFC000  }
0x4c: {  	[tilespmem:s13], [sflag:$0x3] =	stream.linear.gather [spmem:s26], $0x4000, $0x38;
	[tilespmem:$0x1E800] =	vst v63  }
0x4d: {  	_ =	swait.ge [sflag:s14], $0x4000  }
0x4e: {  	[sflag:s14] =	ssyncset.done $0x0  }
0x4f: {  	[sflag:s14] =	ssyncadd.s32 $0xFFFFC000  }
0x50: {  	[hbm4b:s8+s5] =	stream.linear.scatter [tilespmem:s13], [sflag:$0x3], $0x4000, $0x38;
	[tilespmem:$0x1E800] =	vst v63  }
0x51: {  	_ =	swait.ge [sflag:s14], $0x4000  }
0x52: {  	[sflag:s14] =	ssyncset.done $0x0  }
0x53: {  	[sflag:s14] =	ssyncadd.s32 $0xFFFFC000  }
0x54: {  	[tilespmem:s13], [sflag:$0x3] =	stream.linear.gather [spmem:s28], $0x4000, $0x38;
	[tilespmem:$0x1E800] =	vst v63  }
0x55: {  	_ =	swait.ge [sflag:s14], $0x4000  }
0x56: {  	[sflag:s14] =	ssyncset.done $0x0  }
0x57: {  	[sflag:s14] =	ssyncadd.s32 $0xFFFFC000  }
0x58: {  	[hbm4b:s4+s5] =	stream.linear.scatter [tilespmem:s13], [sflag:$0x3], $0x4000, $0x38;
	[tilespmem:$0x1E800] =	vst v63  }
0x59: {  	_ =	swait.ge [sflag:s14], $0x4000  }
0x5a: {  	[sflag:s14] =	ssyncset.done $0x0  }
0x5b: {  	[sflag:s14] =	ssyncadd.s32 $0xFFFFC000  }
0x5c: {  	[tilespmem:s13], [sflag:$0x3] =	stream.linear.gather [spmem:s29], $0x4000, $0x38;
	[tilespmem:$0x1E800] =	vst v63  }
0x5d: {  	s30 =	sadd.s32 $0x1, s30;
	_ =	swait.ge [sflag:s14], $0x4000  }
0x5e: {  	p1 =	sne.s32 s30, s11;
	[sflag:s14] =	ssyncset.done $0x0  }
.Ltmp1:
0x5f: {  	[sflag:s14] =	ssyncadd.s32 $0xFFFFC000;
	(pc) =	sbr.rel @!p1 .LBB2_21-.Ltmp1, $4  }
0x60: {  	[hbm4b:s6+s5] =	stream.linear.scatter [tilespmem:s13], [sflag:$0x3], $0x4000, $0x38;
	[tilespmem:$0x1E800] =	vst v63  }
0x61: {  	_ =	swait.ge [sflag:s14], $0x4000  }
0x62: {  	[sflag:s14] =	ssyncset.done $0x0  }
0x63: {  	[sflag:s14] =	ssyncadd.s32 $0xFFFFC000  }
.LBB2_1:
0x64: {  	[tilespmem:s13], [sflag:$0x3] =	stream.linear.gather [hbm4b:s23+s5], $0x4000, $0x38;
	[tilespmem:$0x1E800] =	vst v63  }
0x65: {  	_ =	swait.ge [sflag:s14], $0x4000  }
0x66: {  	[sflag:s14] =	ssyncset.done $0x0  }
0x67: {  	[sflag:s14] =	ssyncadd.s32 $0xFFFFC000  }
0x68: {  	[spmem:s24] =	stream.linear.scatter [tilespmem:s13], [sflag:$0x3], $0x4000, $0x38;
	[tilespmem:$0x1E800] =	vst v63  }
0x69: {  	_ =	swait.ge [sflag:s14], $0x4000  }
0x6a: {  	[sflag:s14] =	ssyncset.done $0x0  }
0x6b: {  	[sflag:s14] =	ssyncadd.s32 $0xFFFFC000  }
0x6c: {  	[spmem:s25] =	stream.linear.scatter [tilespmem:s13], [sflag:$0x3], $0x4000, $0x38;
	[tilespmem:$0x1E800] =	vst v63  }
0x6d: {  	_ =	swait.ge [sflag:s14], $0x4000  }
0x6e: {  	[sflag:s14] =	ssyncset.done $0x0  }
0x6f: {  	[sflag:s14] =	ssyncadd.s32 $0xFFFFC000  }
0x70: {  	[spmem:s26] =	stream.linear.scatter [tilespmem:s13], [sflag:$0x3], $0x4000, $0x38;
	[tilespmem:$0x1E800] =	vst v63  }
0x71: {  	_ =	swait.ge [sflag:s14], $0x4000  }
0x72: {  	[sflag:s14] =	ssyncset.done $0x0  }
0x73: {  	[sflag:s14] =	ssyncadd.s32 $0xFFFFC000  }
0x74: {  	[spmem:s28] =	stream.linear.scatter [tilespmem:s13], [sflag:$0x3], $0x4000, $0x38;
	[tilespmem:$0x1E800] =	vst v63  }
0x75: {  	_ =	swait.ge [sflag:s14], $0x4000  }
0x76: {  	[sflag:s14] =	ssyncset.done $0x0  }
0x77: {  	[sflag:s14] =	ssyncadd.s32 $0xFFFFC000  }
0x78: {  	[spmem:s29] =	stream.linear.scatter [tilespmem:s13], [sflag:$0x3], $0x4000, $0x38;
	[tilespmem:$0x1E800] =	vst v63  }
.Ltmp2:
0x79: {  	_ =	swait.ge [sflag:s14], $0x4000;
	(pc) =	sbr.rel @p0 .LBB2_11-.Ltmp2, $4  }
0x7a: {  	[sflag:s14] =	ssyncset.done $0x0  }
0x7b: {  	[sflag:s14] =	ssyncadd.s32 $0xFFFFC000  }
0x7c: {  	[bflag:$0x0] =	sbarrier.arrive $0xFFFF  }
0x7d: {  	s4 =	simm.s32 $0x0  }
0x7e: {  	s6 =	rddreg [dreg:$0xd]  }
0x7f: {  	[tilespmem:s4], [sflag:$0x3] =	stream.linear.gather [hbm4b:s6+s4], $0x1400, $0x38;
	[tilespmem:$0x1E800] =	vst v63  }
0x80: {  	_ =	swait.ge [sflag:s14], $0x1400  }
0x81: {  	[sflag:s14] =	ssyncset.done $0x0  }
0x82: {  	s12 =	rddreg [dreg:$0xe];
	[sflag:s14] =	ssyncadd.s32 $0xFFFFEC00  }
0x83: {  	[tilespmem:s15], [sflag:$0x3] =	stream.linear.gather [hbm4b:s12+s4], $0x1400, $0x38;
	[tilespmem:$0x1E800] =	vst v63  }
0x84: {  	_ =	swait.ge [sflag:s14], $0x1400  }
0x85: {  	[sflag:s14] =	ssyncset.done $0x0  }
0x86: {  	[sflag:s14] =	ssyncadd.s32 $0xFFFFEC00  }
0x87: {  	[tilespmem:s13], [sflag:$0x1] =	stream.indirect.gather [hbm4b:s22+s16], $0x80, s4, s16, $0xb8;
	[tilespmem:$0x1E800] =	vst v63  }
0x88: {  	_ = 	snop  }
0x89: {  	[tilespmem:s17], [sflag:$0x2] =	stream.indirect.gather [hbm4b:s22+s16], $0x80, s16, s16, $0xb8;
	[tilespmem:$0x1E800] =	vst v63  }
0x8a: {  	_ =	swait.ge [sflag:s18], $0x4000  }
0x8b: {  	[sflag:s18] =	ssyncset.done $0x0  }
0x8c: {  	s7 =	simm.s32 $0x1400;
	[sflag:s18] =	ssyncadd.s32 $0xFFFFC000  }
0x8d: {  	[spmem:s3] =	stream.indirect.scatter.add.f32 [tilespmem:s13], [sflag:$0x3], $0x80, s7, s16, $0xb8;
	[tilespmem:$0x1E800] =	vst v63  }
0x8e: {  	_ =	swait.ge [sflag:s14], $0x4000  }
0x8f: {  	[sflag:s14] =	ssyncset.done $0x0  }
0x90: {  	s8 =	simm.s32 $0x100;
	[sflag:s14] =	ssyncadd.s32 $0xFFFFC000  }
0x91: {  	[tilespmem:s13], [sflag:$0x1] =	stream.indirect.gather [hbm4b:s22+s16], $0x80, s8, s16, $0xb8;
	[tilespmem:$0x1E800] =	vst v63  }
0x92: {  	_ =	swait.ge [sflag:s19], $0x4000  }
0x93: {  	[sflag:s19] =	ssyncset.done $0x0  }
0x94: {  	s12 =	simm.s32 $0x1480;
	[sflag:s19] =	ssyncadd.s32 $0xFFFFC000  }
0x95: {  	[spmem:s3] =	stream.indirect.scatter.add.f32 [tilespmem:s17], [sflag:$0x3], $0x80, s12, s16, $0xb8;
	[tilespmem:$0x1E800] =	vst v63  }
0x96: {  	_ =	swait.ge [sflag:s14], $0x4000  }
0x97: {  	[sflag:s14] =	ssyncset.done $0x0  }
0x98: {  	s6 =	simm.s32 $0x180;
	s4 =	simm.s32 $0x400;
	[sflag:s14] =	ssyncadd.s32 $0xFFFFC000  }
.LBB2_3:
0x99: {  	[tilespmem:s17], [sflag:$0x2] =	stream.indirect.gather [hbm4b:s22+s16], $0x80, s6, s16, $0xb8;
	[tilespmem:$0x1E800] =	vst v63  }
0x9a: {  	s6 =	smov.u32 s4  }
0x9b: {  	p1 =	sne.s32 s4, $0x4800;
	s4 =	sadd.s32 $0x400, s4;
	_ =	swait.ge [sflag:s18], $0x4000  }
0x9c: {  	s6 =	sshra.s32 s6, $0x2;
	[sflag:s18] =	ssyncset.done $0x0  }
0x9d: {  	s7 =	sadd.s32 $0x1400, s6;
	[sflag:s18] =	ssyncadd.s32 $0xFFFFC000  }
0x9e: {  	[spmem:s3] =	stream.indirect.scatter.add.f32 [tilespmem:s13], [sflag:$0x3], $0x80, s7, s16, $0xb8;
	[tilespmem:$0x1E800] =	vst v63  }
0x9f: {  	_ =	swait.ge [sflag:s14], $0x4000  }
0xa0: {  	[sflag:s14] =	ssyncset.done $0x0  }
0xa1: {  	s7 =	sadd.s32 $0x100, s6;
	[sflag:s14] =	ssyncadd.s32 $0xFFFFC000  }
0xa2: {  	[tilespmem:s13], [sflag:$0x1] =	stream.indirect.gather [hbm4b:s22+s16], $0x80, s7, s16, $0xb8;
	[tilespmem:$0x1E800] =	vst v63  }
0xa3: {  	_ =	swait.ge [sflag:s19], $0x4000  }
0xa4: {  	[sflag:s19] =	ssyncset.done $0x0  }
.Ltmp3:
0xa5: {  	s7 =	sadd.s32 $0x1480, s6;
	[sflag:s19] =	ssyncadd.s32 $0xFFFFC000;
	(pc) =	sbr.rel @p1 .LBB2_3-.Ltmp3, $4  }
0xa6: {  	[spmem:s3] =	stream.indirect.scatter.add.f32 [tilespmem:s17], [sflag:$0x3], $0x80, s7, s16, $0xb8;
	[tilespmem:$0x1E800] =	vst v63  }
0xa7: {  	_ =	swait.ge [sflag:s14], $0x4000  }
0xa8: {  	[sflag:s14] =	ssyncset.done $0x0  }
0xa9: {  	s6 =	sadd.s32 $0x180, s6;
	[sflag:s14] =	ssyncadd.s32 $0xFFFFC000  }
0xaa: {  	[tilespmem:s17], [sflag:$0x2] =	stream.indirect.gather [hbm4b:s22+s16], $0x80, s6, s16, $0xb8;
	[tilespmem:$0x1E800] =	vst v63  }
0xab: {  	_ =	swait.ge [sflag:s18], $0x4000  }
0xac: {  	[sflag:s18] =	ssyncset.done $0x0  }
0xad: {  	[sflag:s18] =	ssyncadd.s32 $0xFFFFC000  }
0xae: {  	[spmem:s3] =	stream.indirect.scatter.add.f32 [tilespmem:s13], [sflag:$0x3], $0x80, s20, s16, $0xb8;
	[tilespmem:$0x1E800] =	vst v63  }
0xaf: {  	_ =	swait.ge [sflag:s14], $0x4000  }
0xb0: {  	[sflag:s14] =	ssyncset.done $0x0  }
0xb1: {  	[sflag:s14] =	ssyncadd.s32 $0xFFFFC000  }
0xb2: {  	_ =	swait.ge [sflag:s19], $0x4000  }
0xb3: {  	[sflag:s19] =	ssyncset.done $0x0  }
0xb4: {  	[sflag:s19] =	ssyncadd.s32 $0xFFFFC000  }
0xb5: {  	[spmem:s3] =	stream.indirect.scatter.add.f32 [tilespmem:s17], [sflag:$0x3], $0x80, s21, s16, $0xb8;
	[tilespmem:$0x1E800] =	vst v63  }
0xb6: {  	_ =	swait.ge [sflag:s14], $0x4000  }
0xb7: {  	[sflag:s14] =	ssyncset.done $0x0  }
0xb8: {  	s4 =	simm.s32 $0x0;
	s8 =	rddreg [dreg:$0xf];
	[sflag:s14] =	ssyncadd.s32 $0xFFFFC000  }
0xb9: {  	[tilespmem:s4], [sflag:$0x3] =	stream.linear.gather [hbm4b:s8+s4], $0x1400, $0x38;
	[tilespmem:$0x1E800] =	vst v63  }
0xba: {  	_ =	swait.ge [sflag:s14], $0x1400  }
0xbb: {  	[sflag:s14] =	ssyncset.done $0x0  }
0xbc: {  	s12 =	rddreg [dreg:$0x10];
	[sflag:s14] =	ssyncadd.s32 $0xFFFFEC00  }
0xbd: {  	[tilespmem:s15], [sflag:$0x3] =	stream.linear.gather [hbm4b:s12+s4], $0x1400, $0x38;
	[tilespmem:$0x1E800] =	vst v63  }
0xbe: {  	_ =	swait.ge [sflag:s14], $0x1400  }
0xbf: {  	[sflag:s14] =	ssyncset.done $0x0  }
0xc0: {  	[sflag:s14] =	ssyncadd.s32 $0xFFFFEC00  }
0xc1: {  	[tilespmem:s13], [sflag:$0x1] =	stream.indirect.gather [hbm4b:s22+s16], $0x80, s4, s16, $0xb8;
	[tilespmem:$0x1E800] =	vst v63  }
0xc2: {  	_ = 	snop  }
0xc3: {  	[tilespmem:s17], [sflag:$0x2] =	stream.indirect.gather [hbm4b:s22+s16], $0x80, s16, s16, $0xb8;
	[tilespmem:$0x1E800] =	vst v63  }
0xc4: {  	_ =	swait.ge [sflag:s18], $0x4000  }
0xc5: {  	[sflag:s18] =	ssyncset.done $0x0  }
0xc6: {  	s7 =	simm.s32 $0x1400;
	[sflag:s18] =	ssyncadd.s32 $0xFFFFC000  }
0xc7: {  	[spmem:s3] =	stream.indirect.scatter.add.f32 [tilespmem:s13], [sflag:$0x3], $0x80, s7, s16, $0xb8;
	[tilespmem:$0x1E800] =	vst v63  }
0xc8: {  	_ =	swait.ge [sflag:s14], $0x4000  }
0xc9: {  	[sflag:s14] =	ssyncset.done $0x0  }
0xca: {  	s8 =	simm.s32 $0x100;
	[sflag:s14] =	ssyncadd.s32 $0xFFFFC000  }
0xcb: {  	[tilespmem:s13], [sflag:$0x1] =	stream.indirect.gather [hbm4b:s22+s16], $0x80, s8, s16, $0xb8;
	[tilespmem:$0x1E800] =	vst v63  }
0xcc: {  	_ =	swait.ge [sflag:s19], $0x4000  }
0xcd: {  	[sflag:s19] =	ssyncset.done $0x0  }
0xce: {  	s12 =	simm.s32 $0x1480;
	[sflag:s19] =	ssyncadd.s32 $0xFFFFC000  }
0xcf: {  	[spmem:s3] =	stream.indirect.scatter.add.f32 [tilespmem:s17], [sflag:$0x3], $0x80, s12, s16, $0xb8;
	[tilespmem:$0x1E800] =	vst v63  }
0xd0: {  	_ =	swait.ge [sflag:s14], $0x4000  }
0xd1: {  	[sflag:s14] =	ssyncset.done $0x0  }
0xd2: {  	s6 =	simm.s32 $0x180;
	s4 =	simm.s32 $0x400;
	[sflag:s14] =	ssyncadd.s32 $0xFFFFC000  }
.LBB2_5:
0xd3: {  	[tilespmem:s17], [sflag:$0x2] =	stream.indirect.gather [hbm4b:s22+s16], $0x80, s6, s16, $0xb8;
	[tilespmem:$0x1E800] =	vst v63  }
0xd4: {  	s6 =	smov.u32 s4  }
0xd5: {  	p1 =	sne.s32 s4, $0x4800;
	s4 =	sadd.s32 $0x400, s4;
	_ =	swait.ge [sflag:s18], $0x4000  }
0xd6: {  	s6 =	sshra.s32 s6, $0x2;
	[sflag:s18] =	ssyncset.done $0x0  }
0xd7: {  	s7 =	sadd.s32 $0x1400, s6;
	[sflag:s18] =	ssyncadd.s32 $0xFFFFC000  }
0xd8: {  	[spmem:s3] =	stream.indirect.scatter.add.f32 [tilespmem:s13], [sflag:$0x3], $0x80, s7, s16, $0xb8;
	[tilespmem:$0x1E800] =	vst v63  }
0xd9: {  	_ =	swait.ge [sflag:s14], $0x4000  }
0xda: {  	[sflag:s14] =	ssyncset.done $0x0  }
0xdb: {  	s7 =	sadd.s32 $0x100, s6;
	[sflag:s14] =	ssyncadd.s32 $0xFFFFC000  }
0xdc: {  	[tilespmem:s13], [sflag:$0x1] =	stream.indirect.gather [hbm4b:s22+s16], $0x80, s7, s16, $0xb8;
	[tilespmem:$0x1E800] =	vst v63  }
0xdd: {  	_ =	swait.ge [sflag:s19], $0x4000  }
0xde: {  	[sflag:s19] =	ssyncset.done $0x0  }
.Ltmp4:
0xdf: {  	s7 =	sadd.s32 $0x1480, s6;
	[sflag:s19] =	ssyncadd.s32 $0xFFFFC000;
	(pc) =	sbr.rel @p1 .LBB2_5-.Ltmp4, $4  }
0xe0: {  	[spmem:s3] =	stream.indirect.scatter.add.f32 [tilespmem:s17], [sflag:$0x3], $0x80, s7, s16, $0xb8;
	[tilespmem:$0x1E800] =	vst v63  }
0xe1: {  	_ =	swait.ge [sflag:s14], $0x4000  }
0xe2: {  	[sflag:s14] =	ssyncset.done $0x0  }
0xe3: {  	s6 =	sadd.s32 $0x180, s6;
	[sflag:s14] =	ssyncadd.s32 $0xFFFFC000  }
0xe4: {  	[tilespmem:s17], [sflag:$0x2] =	stream.indirect.gather [hbm4b:s22+s16], $0x80, s6, s16, $0xb8;
	[tilespmem:$0x1E800] =	vst v63  }
0xe5: {  	_ =	swait.ge [sflag:s18], $0x4000  }
0xe6: {  	[sflag:s18] =	ssyncset.done $0x0  }
0xe7: {  	[sflag:s18] =	ssyncadd.s32 $0xFFFFC000  }
0xe8: {  	[spmem:s3] =	stream.indirect.scatter.add.f32 [tilespmem:s13], [sflag:$0x3], $0x80, s20, s16, $0xb8;
	[tilespmem:$0x1E800] =	vst v63  }
0xe9: {  	_ =	swait.ge [sflag:s14], $0x4000  }
0xea: {  	[sflag:s14] =	ssyncset.done $0x0  }
0xeb: {  	[sflag:s14] =	ssyncadd.s32 $0xFFFFC000  }
0xec: {  	_ =	swait.ge [sflag:s19], $0x4000  }
0xed: {  	[sflag:s19] =	ssyncset.done $0x0  }
0xee: {  	[sflag:s19] =	ssyncadd.s32 $0xFFFFC000  }
0xef: {  	[spmem:s3] =	stream.indirect.scatter.add.f32 [tilespmem:s17], [sflag:$0x3], $0x80, s21, s16, $0xb8;
	[tilespmem:$0x1E800] =	vst v63  }
0xf0: {  	_ =	swait.ge [sflag:s14], $0x4000  }
0xf1: {  	[sflag:s14] =	ssyncset.done $0x0  }
0xf2: {  	s4 =	simm.s32 $0x0;
	s8 =	rddreg [dreg:$0x11];
	[sflag:s14] =	ssyncadd.s32 $0xFFFFC000  }
0xf3: {  	[tilespmem:s4], [sflag:$0x3] =	stream.linear.gather [hbm4b:s8+s4], $0x1400, $0x38;
	[tilespmem:$0x1E800] =	vst v63  }
0xf4: {  	_ =	swait.ge [sflag:s14], $0x1400  }
0xf5: {  	[sflag:s14] =	ssyncset.done $0x0  }
0xf6: {  	s12 =	rddreg [dreg:$0x12];
	[sflag:s14] =	ssyncadd.s32 $0xFFFFEC00  }
0xf7: {  	[tilespmem:s15], [sflag:$0x3] =	stream.linear.gather [hbm4b:s12+s4], $0x1400, $0x38;
	[tilespmem:$0x1E800] =	vst v63  }
0xf8: {  	_ =	swait.ge [sflag:s14], $0x1400  }
0xf9: {  	[sflag:s14] =	ssyncset.done $0x0  }
0xfa: {  	[sflag:s14] =	ssyncadd.s32 $0xFFFFEC00  }
0xfb: {  	[tilespmem:s13], [sflag:$0x1] =	stream.indirect.gather [hbm4b:s22+s16], $0x80, s4, s16, $0xb8;
	[tilespmem:$0x1E800] =	vst v63  }
0xfc: {  	_ = 	snop  }
0xfd: {  	[tilespmem:s17], [sflag:$0x2] =	stream.indirect.gather [hbm4b:s22+s16], $0x80, s16, s16, $0xb8;
	[tilespmem:$0x1E800] =	vst v63  }
0xfe: {  	_ =	swait.ge [sflag:s18], $0x4000  }
0xff: {  	[sflag:s18] =	ssyncset.done $0x0  }
0x100: {  	s7 =	simm.s32 $0x1400;
	[sflag:s18] =	ssyncadd.s32 $0xFFFFC000  }
0x101: {  	[spmem:s3] =	stream.indirect.scatter.add.f32 [tilespmem:s13], [sflag:$0x3], $0x80, s7, s16, $0xb8;
	[tilespmem:$0x1E800] =	vst v63  }
0x102: {  	_ =	swait.ge [sflag:s14], $0x4000  }
0x103: {  	[sflag:s14] =	ssyncset.done $0x0  }
0x104: {  	s8 =	simm.s32 $0x100;
	[sflag:s14] =	ssyncadd.s32 $0xFFFFC000  }
0x105: {  	[tilespmem:s13], [sflag:$0x1] =	stream.indirect.gather [hbm4b:s22+s16], $0x80, s8, s16, $0xb8;
	[tilespmem:$0x1E800] =	vst v63  }
0x106: {  	_ =	swait.ge [sflag:s19], $0x4000  }
0x107: {  	[sflag:s19] =	ssyncset.done $0x0  }
0x108: {  	s12 =	simm.s32 $0x1480;
	[sflag:s19] =	ssyncadd.s32 $0xFFFFC000  }
0x109: {  	[spmem:s3] =	stream.indirect.scatter.add.f32 [tilespmem:s17], [sflag:$0x3], $0x80, s12, s16, $0xb8;
	[tilespmem:$0x1E800] =	vst v63  }
0x10a: {  	_ =	swait.ge [sflag:s14], $0x4000  }
0x10b: {  	[sflag:s14] =	ssyncset.done $0x0  }
0x10c: {  	s6 =	simm.s32 $0x180;
	s4 =	simm.s32 $0x400;
	[sflag:s14] =	ssyncadd.s32 $0xFFFFC000  }
.LBB2_7:
0x10d: {  	[tilespmem:s17], [sflag:$0x2] =	stream.indirect.gather [hbm4b:s22+s16], $0x80, s6, s16, $0xb8;
	[tilespmem:$0x1E800] =	vst v63  }
0x10e: {  	s6 =	smov.u32 s4  }
0x10f: {  	p1 =	sne.s32 s4, $0x4800;
	s4 =	sadd.s32 $0x400, s4;
	_ =	swait.ge [sflag:s18], $0x4000  }
0x110: {  	s6 =	sshra.s32 s6, $0x2;
	[sflag:s18] =	ssyncset.done $0x0  }
0x111: {  	s7 =	sadd.s32 $0x1400, s6;
	[sflag:s18] =	ssyncadd.s32 $0xFFFFC000  }
0x112: {  	[spmem:s3] =	stream.indirect.scatter.add.f32 [tilespmem:s13], [sflag:$0x3], $0x80, s7, s16, $0xb8;
	[tilespmem:$0x1E800] =	vst v63  }
0x113: {  	_ =	swait.ge [sflag:s14], $0x4000  }
0x114: {  	[sflag:s14] =	ssyncset.done $0x0  }
0x115: {  	s7 =	sadd.s32 $0x100, s6;
	[sflag:s14] =	ssyncadd.s32 $0xFFFFC000  }
0x116: {  	[tilespmem:s13], [sflag:$0x1] =	stream.indirect.gather [hbm4b:s22+s16], $0x80, s7, s16, $0xb8;
	[tilespmem:$0x1E800] =	vst v63  }
0x117: {  	_ =	swait.ge [sflag:s19], $0x4000  }
0x118: {  	[sflag:s19] =	ssyncset.done $0x0  }
.Ltmp5:
0x119: {  	s7 =	sadd.s32 $0x1480, s6;
	[sflag:s19] =	ssyncadd.s32 $0xFFFFC000;
	(pc) =	sbr.rel @p1 .LBB2_7-.Ltmp5, $4  }
0x11a: {  	[spmem:s3] =	stream.indirect.scatter.add.f32 [tilespmem:s17], [sflag:$0x3], $0x80, s7, s16, $0xb8;
	[tilespmem:$0x1E800] =	vst v63  }
0x11b: {  	_ =	swait.ge [sflag:s14], $0x4000  }
0x11c: {  	[sflag:s14] =	ssyncset.done $0x0  }
0x11d: {  	s6 =	sadd.s32 $0x180, s6;
	[sflag:s14] =	ssyncadd.s32 $0xFFFFC000  }
0x11e: {  	[tilespmem:s17], [sflag:$0x2] =	stream.indirect.gather [hbm4b:s22+s16], $0x80, s6, s16, $0xb8;
	[tilespmem:$0x1E800] =	vst v63  }
0x11f: {  	_ =	swait.ge [sflag:s18], $0x4000  }
0x120: {  	[sflag:s18] =	ssyncset.done $0x0  }
0x121: {  	[sflag:s18] =	ssyncadd.s32 $0xFFFFC000  }
0x122: {  	[spmem:s3] =	stream.indirect.scatter.add.f32 [tilespmem:s13], [sflag:$0x3], $0x80, s20, s16, $0xb8;
	[tilespmem:$0x1E800] =	vst v63  }
0x123: {  	_ =	swait.ge [sflag:s14], $0x4000  }
0x124: {  	[sflag:s14] =	ssyncset.done $0x0  }
0x125: {  	[sflag:s14] =	ssyncadd.s32 $0xFFFFC000  }
0x126: {  	_ =	swait.ge [sflag:s19], $0x4000  }
0x127: {  	[sflag:s19] =	ssyncset.done $0x0  }
0x128: {  	[sflag:s19] =	ssyncadd.s32 $0xFFFFC000  }
0x129: {  	[spmem:s3] =	stream.indirect.scatter.add.f32 [tilespmem:s17], [sflag:$0x3], $0x80, s21, s16, $0xb8;
	[tilespmem:$0x1E800] =	vst v63  }
0x12a: {  	_ =	swait.ge [sflag:s14], $0x4000  }
0x12b: {  	[sflag:s14] =	ssyncset.done $0x0  }
0x12c: {  	s4 =	simm.s32 $0x0;
	s8 =	rddreg [dreg:$0x13];
	[sflag:s14] =	ssyncadd.s32 $0xFFFFC000  }
0x12d: {  	[tilespmem:s4], [sflag:$0x3] =	stream.linear.gather [hbm4b:s8+s4], $0x1400, $0x38;
	[tilespmem:$0x1E800] =	vst v63  }
0x12e: {  	_ =	swait.ge [sflag:s14], $0x1400  }
0x12f: {  	[sflag:s14] =	ssyncset.done $0x0  }
0x130: {  	s12 =	rddreg [dreg:$0x14];
	[sflag:s14] =	ssyncadd.s32 $0xFFFFEC00  }
0x131: {  	[tilespmem:s15], [sflag:$0x3] =	stream.linear.gather [hbm4b:s12+s4], $0x1400, $0x38;
	[tilespmem:$0x1E800] =	vst v63  }
0x132: {  	_ =	swait.ge [sflag:s14], $0x1400  }
0x133: {  	[sflag:s14] =	ssyncset.done $0x0  }
0x134: {  	[sflag:s14] =	ssyncadd.s32 $0xFFFFEC00  }
0x135: {  	[tilespmem:s13], [sflag:$0x1] =	stream.indirect.gather [hbm4b:s22+s16], $0x80, s4, s16, $0xb8;
	[tilespmem:$0x1E800] =	vst v63  }
0x136: {  	_ = 	snop  }
0x137: {  	[tilespmem:s17], [sflag:$0x2] =	stream.indirect.gather [hbm4b:s22+s16], $0x80, s16, s16, $0xb8;
	[tilespmem:$0x1E800] =	vst v63  }
0x138: {  	_ =	swait.ge [sflag:s18], $0x4000  }
0x139: {  	[sflag:s18] =	ssyncset.done $0x0  }
0x13a: {  	s7 =	simm.s32 $0x1400;
	[sflag:s18] =	ssyncadd.s32 $0xFFFFC000  }
0x13b: {  	[spmem:s3] =	stream.indirect.scatter.add.f32 [tilespmem:s13], [sflag:$0x3], $0x80, s7, s16, $0xb8;
	[tilespmem:$0x1E800] =	vst v63  }
0x13c: {  	_ =	swait.ge [sflag:s14], $0x4000  }
0x13d: {  	[sflag:s14] =	ssyncset.done $0x0  }
0x13e: {  	s8 =	simm.s32 $0x100;
	[sflag:s14] =	ssyncadd.s32 $0xFFFFC000  }
0x13f: {  	[tilespmem:s13], [sflag:$0x1] =	stream.indirect.gather [hbm4b:s22+s16], $0x80, s8, s16, $0xb8;
	[tilespmem:$0x1E800] =	vst v63  }
0x140: {  	_ =	swait.ge [sflag:s19], $0x4000  }
0x141: {  	[sflag:s19] =	ssyncset.done $0x0  }
0x142: {  	s12 =	simm.s32 $0x1480;
	[sflag:s19] =	ssyncadd.s32 $0xFFFFC000  }
0x143: {  	[spmem:s3] =	stream.indirect.scatter.add.f32 [tilespmem:s17], [sflag:$0x3], $0x80, s12, s16, $0xb8;
	[tilespmem:$0x1E800] =	vst v63  }
0x144: {  	_ =	swait.ge [sflag:s14], $0x4000  }
0x145: {  	[sflag:s14] =	ssyncset.done $0x0  }
0x146: {  	s6 =	simm.s32 $0x180;
	s4 =	simm.s32 $0x400;
	[sflag:s14] =	ssyncadd.s32 $0xFFFFC000  }
.LBB2_9:
0x147: {  	[tilespmem:s17], [sflag:$0x2] =	stream.indirect.gather [hbm4b:s22+s16], $0x80, s6, s16, $0xb8;
	[tilespmem:$0x1E800] =	vst v63  }
0x148: {  	s6 =	smov.u32 s4  }
0x149: {  	p1 =	seq.s32 s4, $0x4800;
	s4 =	sadd.s32 $0x400, s4;
	_ =	swait.ge [sflag:s18], $0x4000  }
0x14a: {  	s6 =	sshra.s32 s6, $0x2;
	[sflag:s18] =	ssyncset.done $0x0  }
0x14b: {  	s7 =	sadd.s32 $0x1400, s6;
	[sflag:s18] =	ssyncadd.s32 $0xFFFFC000  }
0x14c: {  	[spmem:s3] =	stream.indirect.scatter.add.f32 [tilespmem:s13], [sflag:$0x3], $0x80, s7, s16, $0xb8;
	[tilespmem:$0x1E800] =	vst v63  }
0x14d: {  	_ =	swait.ge [sflag:s14], $0x4000  }
0x14e: {  	[sflag:s14] =	ssyncset.done $0x0  }
0x14f: {  	s7 =	sadd.s32 $0x100, s6;
	[sflag:s14] =	ssyncadd.s32 $0xFFFFC000  }
0x150: {  	[tilespmem:s13], [sflag:$0x1] =	stream.indirect.gather [hbm4b:s22+s16], $0x80, s7, s16, $0xb8;
	[tilespmem:$0x1E800] =	vst v63  }
0x151: {  	_ =	swait.ge [sflag:s19], $0x4000  }
0x152: {  	[sflag:s19] =	ssyncset.done $0x0  }
.Ltmp6:
0x153: {  	s7 =	sadd.s32 $0x1480, s6;
	[sflag:s19] =	ssyncadd.s32 $0xFFFFC000;
	(pc) =	sbr.rel @!p1 .LBB2_9-.Ltmp6, $4  }
0x154: {  	[spmem:s3] =	stream.indirect.scatter.add.f32 [tilespmem:s17], [sflag:$0x3], $0x80, s7, s16, $0xb8;
	[tilespmem:$0x1E800] =	vst v63  }
0x155: {  	_ =	swait.ge [sflag:s14], $0x4000  }
0x156: {  	[sflag:s14] =	ssyncset.done $0x0  }
0x157: {  	s6 =	sadd.s32 $0x180, s6;
	[sflag:s14] =	ssyncadd.s32 $0xFFFFC000  }
.Ltmp7:
0x158: {  	(pc) =	sbr.rel .LBB2_20-.Ltmp7, $4  }
0x159: {  	_ = 	snop  }
0x15a: {  	[tilespmem:s17], [sflag:$0x2] =	stream.indirect.gather [hbm4b:s22+s16], $0x80, s6, s16, $0xb8;
	[tilespmem:$0x1E800] =	vst v63  }
0x15b: {  	s12 =	smov.u32 s31;
	s7 =	rddreg [dreg:$0x1a]  }
0x15c: {  	s8 =	smov.u32 s0;
	s4 =	smov.u32 s9;
	s6 =	smov.u32 s10  }
.LBB2_11:
0x15d: {  	s6 =	rddreg [dreg:$0x5]  }
0x15e: {  	[tilespmem:s4], [sflag:$0x3] =	stream.linear.gather [hbm4b:s6+s4], $0x1400, $0x38;
	[tilespmem:$0x1E800] =	vst v63  }
0x15f: {  	_ =	swait.ge [sflag:s14], $0x1400  }
0x160: {  	[sflag:s14] =	ssyncset.done $0x0  }
0x161: {  	s12 =	rddreg [dreg:$0x6];
	[sflag:s14] =	ssyncadd.s32 $0xFFFFEC00  }
0x162: {  	[tilespmem:s15], [sflag:$0x3] =	stream.linear.gather [hbm4b:s12+s4], $0x1400, $0x38;
	[tilespmem:$0x1E800] =	vst v63  }
0x163: {  	_ =	swait.ge [sflag:s14], $0x1400  }
0x164: {  	[sflag:s14] =	ssyncset.done $0x0  }
0x165: {  	[sflag:s14] =	ssyncadd.s32 $0xFFFFEC00  }
0x166: {  	[tilespmem:s13], [sflag:$0x1] =	stream.indirect.gather [hbm4b:s1+s16], $0x80, s4, s16, $0xb8;
	[tilespmem:$0x1E800] =	vst v63  }
0x167: {  	_ = 	snop  }
0x168: {  	[tilespmem:s17], [sflag:$0x2] =	stream.indirect.gather [hbm4b:s1+s16], $0x80, s16, s16, $0xb8;
	[tilespmem:$0x1E800] =	vst v63  }
0x169: {  	_ =	swait.ge [sflag:s18], $0x4000  }
0x16a: {  	[sflag:s18] =	ssyncset.done $0x0  }
0x16b: {  	s7 =	simm.s32 $0x1400;
	[sflag:s18] =	ssyncadd.s32 $0xFFFFC000  }
0x16c: {  	[spmem:s3] =	stream.indirect.scatter.add.f32 [tilespmem:s13], [sflag:$0x3], $0x80, s7, s16, $0xb8;
	[tilespmem:$0x1E800] =	vst v63  }
0x16d: {  	_ =	swait.ge [sflag:s14], $0x4000  }
0x16e: {  	[sflag:s14] =	ssyncset.done $0x0  }
0x16f: {  	s8 =	simm.s32 $0x100;
	[sflag:s14] =	ssyncadd.s32 $0xFFFFC000  }
0x170: {  	[tilespmem:s13], [sflag:$0x1] =	stream.indirect.gather [hbm4b:s1+s16], $0x80, s8, s16, $0xb8;
	[tilespmem:$0x1E800] =	vst v63  }
0x171: {  	_ =	swait.ge [sflag:s19], $0x4000  }
0x172: {  	[sflag:s19] =	ssyncset.done $0x0  }
0x173: {  	s12 =	simm.s32 $0x1480;
	[sflag:s19] =	ssyncadd.s32 $0xFFFFC000  }
0x174: {  	[spmem:s3] =	stream.indirect.scatter.add.f32 [tilespmem:s17], [sflag:$0x3], $0x80, s12, s16, $0xb8;
	[tilespmem:$0x1E800] =	vst v63  }
0x175: {  	_ =	swait.ge [sflag:s14], $0x4000  }
0x176: {  	[sflag:s14] =	ssyncset.done $0x0  }
0x177: {  	s6 =	simm.s32 $0x180;
	s4 =	simm.s32 $0x400;
	[sflag:s14] =	ssyncadd.s32 $0xFFFFC000  }
.LBB2_12:
0x178: {  	[tilespmem:s17], [sflag:$0x2] =	stream.indirect.gather [hbm4b:s1+s16], $0x80, s6, s16, $0xb8;
	[tilespmem:$0x1E800] =	vst v63  }
0x179: {  	s6 =	smov.u32 s4  }
0x17a: {  	p1 =	sne.s32 s4, $0x4800;
	s4 =	sadd.s32 $0x400, s4;
	_ =	swait.ge [sflag:s18], $0x4000  }
0x17b: {  	s6 =	sshra.s32 s6, $0x2;
	[sflag:s18] =	ssyncset.done $0x0  }
0x17c: {  	s7 =	sadd.s32 $0x1400, s6;
	[sflag:s18] =	ssyncadd.s32 $0xFFFFC000  }
0x17d: {  	[spmem:s3] =	stream.indirect.scatter.add.f32 [tilespmem:s13], [sflag:$0x3], $0x80, s7, s16, $0xb8;
	[tilespmem:$0x1E800] =	vst v63  }
0x17e: {  	_ =	swait.ge [sflag:s14], $0x4000  }
0x17f: {  	[sflag:s14] =	ssyncset.done $0x0  }
0x180: {  	s7 =	sadd.s32 $0x100, s6;
	[sflag:s14] =	ssyncadd.s32 $0xFFFFC000  }
0x181: {  	[tilespmem:s13], [sflag:$0x1] =	stream.indirect.gather [hbm4b:s1+s16], $0x80, s7, s16, $0xb8;
	[tilespmem:$0x1E800] =	vst v63  }
0x182: {  	_ =	swait.ge [sflag:s19], $0x4000  }
0x183: {  	[sflag:s19] =	ssyncset.done $0x0  }
.Ltmp8:
0x184: {  	s7 =	sadd.s32 $0x1480, s6;
	[sflag:s19] =	ssyncadd.s32 $0xFFFFC000;
	(pc) =	sbr.rel @p1 .LBB2_12-.Ltmp8, $4  }
0x185: {  	[spmem:s3] =	stream.indirect.scatter.add.f32 [tilespmem:s17], [sflag:$0x3], $0x80, s7, s16, $0xb8;
	[tilespmem:$0x1E800] =	vst v63  }
0x186: {  	_ =	swait.ge [sflag:s14], $0x4000  }
0x187: {  	[sflag:s14] =	ssyncset.done $0x0  }
0x188: {  	s6 =	sadd.s32 $0x180, s6;
	[sflag:s14] =	ssyncadd.s32 $0xFFFFC000  }
0x189: {  	[tilespmem:s17], [sflag:$0x2] =	stream.indirect.gather [hbm4b:s1+s16], $0x80, s6, s16, $0xb8;
	[tilespmem:$0x1E800] =	vst v63  }
0x18a: {  	_ =	swait.ge [sflag:s18], $0x4000  }
0x18b: {  	[sflag:s18] =	ssyncset.done $0x0  }
0x18c: {  	[sflag:s18] =	ssyncadd.s32 $0xFFFFC000  }
0x18d: {  	[spmem:s3] =	stream.indirect.scatter.add.f32 [tilespmem:s13], [sflag:$0x3], $0x80, s20, s16, $0xb8;
	[tilespmem:$0x1E800] =	vst v63  }
0x18e: {  	_ =	swait.ge [sflag:s14], $0x4000  }
0x18f: {  	[sflag:s14] =	ssyncset.done $0x0  }
0x190: {  	[sflag:s14] =	ssyncadd.s32 $0xFFFFC000  }
0x191: {  	_ =	swait.ge [sflag:s19], $0x4000  }
0x192: {  	[sflag:s19] =	ssyncset.done $0x0  }
0x193: {  	[sflag:s19] =	ssyncadd.s32 $0xFFFFC000  }
0x194: {  	[spmem:s3] =	stream.indirect.scatter.add.f32 [tilespmem:s17], [sflag:$0x3], $0x80, s21, s16, $0xb8;
	[tilespmem:$0x1E800] =	vst v63  }
0x195: {  	_ =	swait.ge [sflag:s14], $0x4000  }
0x196: {  	[sflag:s14] =	ssyncset.done $0x0  }
0x197: {  	s4 =	simm.s32 $0x0;
	s8 =	rddreg [dreg:$0x7];
	[sflag:s14] =	ssyncadd.s32 $0xFFFFC000  }
0x198: {  	[tilespmem:s4], [sflag:$0x3] =	stream.linear.gather [hbm4b:s8+s4], $0x1400, $0x38;
	[tilespmem:$0x1E800] =	vst v63  }
0x199: {  	_ =	swait.ge [sflag:s14], $0x1400  }
0x19a: {  	[sflag:s14] =	ssyncset.done $0x0  }
0x19b: {  	s12 =	rddreg [dreg:$0x8];
	[sflag:s14] =	ssyncadd.s32 $0xFFFFEC00  }
0x19c: {  	[tilespmem:s15], [sflag:$0x3] =	stream.linear.gather [hbm4b:s12+s4], $0x1400, $0x38;
	[tilespmem:$0x1E800] =	vst v63  }
0x19d: {  	_ =	swait.ge [sflag:s14], $0x1400  }
0x19e: {  	[sflag:s14] =	ssyncset.done $0x0  }
0x19f: {  	[sflag:s14] =	ssyncadd.s32 $0xFFFFEC00  }
0x1a0: {  	[tilespmem:s13], [sflag:$0x1] =	stream.indirect.gather [hbm4b:s1+s16], $0x80, s4, s16, $0xb8;
	[tilespmem:$0x1E800] =	vst v63  }
0x1a1: {  	_ = 	snop  }
0x1a2: {  	[tilespmem:s17], [sflag:$0x2] =	stream.indirect.gather [hbm4b:s1+s16], $0x80, s16, s16, $0xb8;
	[tilespmem:$0x1E800] =	vst v63  }
0x1a3: {  	_ =	swait.ge [sflag:s18], $0x4000  }
0x1a4: {  	[sflag:s18] =	ssyncset.done $0x0  }
0x1a5: {  	s7 =	simm.s32 $0x1400;
	[sflag:s18] =	ssyncadd.s32 $0xFFFFC000  }
0x1a6: {  	[spmem:s3] =	stream.indirect.scatter.add.f32 [tilespmem:s13], [sflag:$0x3], $0x80, s7, s16, $0xb8;
	[tilespmem:$0x1E800] =	vst v63  }
0x1a7: {  	_ =	swait.ge [sflag:s14], $0x4000  }
0x1a8: {  	[sflag:s14] =	ssyncset.done $0x0  }
0x1a9: {  	s8 =	simm.s32 $0x100;
	[sflag:s14] =	ssyncadd.s32 $0xFFFFC000  }
0x1aa: {  	[tilespmem:s13], [sflag:$0x1] =	stream.indirect.gather [hbm4b:s1+s16], $0x80, s8, s16, $0xb8;
	[tilespmem:$0x1E800] =	vst v63  }
0x1ab: {  	_ =	swait.ge [sflag:s19], $0x4000  }
0x1ac: {  	[sflag:s19] =	ssyncset.done $0x0  }
0x1ad: {  	s12 =	simm.s32 $0x1480;
	[sflag:s19] =	ssyncadd.s32 $0xFFFFC000  }
0x1ae: {  	[spmem:s3] =	stream.indirect.scatter.add.f32 [tilespmem:s17], [sflag:$0x3], $0x80, s12, s16, $0xb8;
	[tilespmem:$0x1E800] =	vst v63  }
0x1af: {  	_ =	swait.ge [sflag:s14], $0x4000  }
0x1b0: {  	[sflag:s14] =	ssyncset.done $0x0  }
0x1b1: {  	s6 =	simm.s32 $0x180;
	s4 =	simm.s32 $0x400;
	[sflag:s14] =	ssyncadd.s32 $0xFFFFC000  }
.LBB2_14:
0x1b2: {  	[tilespmem:s17], [sflag:$0x2] =	stream.indirect.gather [hbm4b:s1+s16], $0x80, s6, s16, $0xb8;
	[tilespmem:$0x1E800] =	vst v63  }
0x1b3: {  	s6 =	smov.u32 s4  }
0x1b4: {  	p1 =	sne.s32 s4, $0x4800;
	s4 =	sadd.s32 $0x400, s4;
	_ =	swait.ge [sflag:s18], $0x4000  }
0x1b5: {  	s6 =	sshra.s32 s6, $0x2;
	[sflag:s18] =	ssyncset.done $0x0  }
0x1b6: {  	s7 =	sadd.s32 $0x1400, s6;
	[sflag:s18] =	ssyncadd.s32 $0xFFFFC000  }
0x1b7: {  	[spmem:s3] =	stream.indirect.scatter.add.f32 [tilespmem:s13], [sflag:$0x3], $0x80, s7, s16, $0xb8;
	[tilespmem:$0x1E800] =	vst v63  }
0x1b8: {  	_ =	swait.ge [sflag:s14], $0x4000  }
0x1b9: {  	[sflag:s14] =	ssyncset.done $0x0  }
0x1ba: {  	s7 =	sadd.s32 $0x100, s6;
	[sflag:s14] =	ssyncadd.s32 $0xFFFFC000  }
0x1bb: {  	[tilespmem:s13], [sflag:$0x1] =	stream.indirect.gather [hbm4b:s1+s16], $0x80, s7, s16, $0xb8;
	[tilespmem:$0x1E800] =	vst v63  }
0x1bc: {  	_ =	swait.ge [sflag:s19], $0x4000  }
0x1bd: {  	[sflag:s19] =	ssyncset.done $0x0  }
.Ltmp9:
0x1be: {  	s7 =	sadd.s32 $0x1480, s6;
	[sflag:s19] =	ssyncadd.s32 $0xFFFFC000;
	(pc) =	sbr.rel @p1 .LBB2_14-.Ltmp9, $4  }
0x1bf: {  	[spmem:s3] =	stream.indirect.scatter.add.f32 [tilespmem:s17], [sflag:$0x3], $0x80, s7, s16, $0xb8;
	[tilespmem:$0x1E800] =	vst v63  }
0x1c0: {  	_ =	swait.ge [sflag:s14], $0x4000  }
0x1c1: {  	[sflag:s14] =	ssyncset.done $0x0  }
0x1c2: {  	s6 =	sadd.s32 $0x180, s6;
	[sflag:s14] =	ssyncadd.s32 $0xFFFFC000  }
0x1c3: {  	[tilespmem:s17], [sflag:$0x2] =	stream.indirect.gather [hbm4b:s1+s16], $0x80, s6, s16, $0xb8;
	[tilespmem:$0x1E800] =	vst v63  }
0x1c4: {  	_ =	swait.ge [sflag:s18], $0x4000  }
0x1c5: {  	[sflag:s18] =	ssyncset.done $0x0  }
0x1c6: {  	[sflag:s18] =	ssyncadd.s32 $0xFFFFC000  }
0x1c7: {  	[spmem:s3] =	stream.indirect.scatter.add.f32 [tilespmem:s13], [sflag:$0x3], $0x80, s20, s16, $0xb8;
	[tilespmem:$0x1E800] =	vst v63  }
0x1c8: {  	_ =	swait.ge [sflag:s14], $0x4000  }
0x1c9: {  	[sflag:s14] =	ssyncset.done $0x0  }
0x1ca: {  	[sflag:s14] =	ssyncadd.s32 $0xFFFFC000  }
0x1cb: {  	_ =	swait.ge [sflag:s19], $0x4000  }
0x1cc: {  	[sflag:s19] =	ssyncset.done $0x0  }
0x1cd: {  	[sflag:s19] =	ssyncadd.s32 $0xFFFFC000  }
0x1ce: {  	[spmem:s3] =	stream.indirect.scatter.add.f32 [tilespmem:s17], [sflag:$0x3], $0x80, s21, s16, $0xb8;
	[tilespmem:$0x1E800] =	vst v63  }
0x1cf: {  	_ =	swait.ge [sflag:s14], $0x4000  }
0x1d0: {  	[sflag:s14] =	ssyncset.done $0x0  }
0x1d1: {  	s4 =	simm.s32 $0x0;
	s8 =	rddreg [dreg:$0x9];
	[sflag:s14] =	ssyncadd.s32 $0xFFFFC000  }
0x1d2: {  	[tilespmem:s4], [sflag:$0x3] =	stream.linear.gather [hbm4b:s8+s4], $0x1400, $0x38;
	[tilespmem:$0x1E800] =	vst v63  }
0x1d3: {  	_ =	swait.ge [sflag:s14], $0x1400  }
0x1d4: {  	[sflag:s14] =	ssyncset.done $0x0  }
0x1d5: {  	s12 =	rddreg [dreg:$0xa];
	[sflag:s14] =	ssyncadd.s32 $0xFFFFEC00  }
0x1d6: {  	[tilespmem:s15], [sflag:$0x3] =	stream.linear.gather [hbm4b:s12+s4], $0x1400, $0x38;
	[tilespmem:$0x1E800] =	vst v63  }
0x1d7: {  	_ =	swait.ge [sflag:s14], $0x1400  }
0x1d8: {  	[sflag:s14] =	ssyncset.done $0x0  }
0x1d9: {  	[sflag:s14] =	ssyncadd.s32 $0xFFFFEC00  }
0x1da: {  	[tilespmem:s13], [sflag:$0x1] =	stream.indirect.gather [hbm4b:s1+s16], $0x80, s4, s16, $0xb8;
	[tilespmem:$0x1E800] =	vst v63  }
0x1db: {  	_ = 	snop  }
0x1dc: {  	[tilespmem:s17], [sflag:$0x2] =	stream.indirect.gather [hbm4b:s1+s16], $0x80, s16, s16, $0xb8;
	[tilespmem:$0x1E800] =	vst v63  }
0x1dd: {  	_ =	swait.ge [sflag:s18], $0x4000  }
0x1de: {  	[sflag:s18] =	ssyncset.done $0x0  }
0x1df: {  	s7 =	simm.s32 $0x1400;
	[sflag:s18] =	ssyncadd.s32 $0xFFFFC000  }
0x1e0: {  	[spmem:s3] =	stream.indirect.scatter.add.f32 [tilespmem:s13], [sflag:$0x3], $0x80, s7, s16, $0xb8;
	[tilespmem:$0x1E800] =	vst v63  }
0x1e1: {  	_ =	swait.ge [sflag:s14], $0x4000  }
0x1e2: {  	[sflag:s14] =	ssyncset.done $0x0  }
0x1e3: {  	s8 =	simm.s32 $0x100;
	[sflag:s14] =	ssyncadd.s32 $0xFFFFC000  }
0x1e4: {  	[tilespmem:s13], [sflag:$0x1] =	stream.indirect.gather [hbm4b:s1+s16], $0x80, s8, s16, $0xb8;
	[tilespmem:$0x1E800] =	vst v63  }
0x1e5: {  	_ =	swait.ge [sflag:s19], $0x4000  }
0x1e6: {  	[sflag:s19] =	ssyncset.done $0x0  }
0x1e7: {  	s12 =	simm.s32 $0x1480;
	[sflag:s19] =	ssyncadd.s32 $0xFFFFC000  }
0x1e8: {  	[spmem:s3] =	stream.indirect.scatter.add.f32 [tilespmem:s17], [sflag:$0x3], $0x80, s12, s16, $0xb8;
	[tilespmem:$0x1E800] =	vst v63  }
0x1e9: {  	_ =	swait.ge [sflag:s14], $0x4000  }
0x1ea: {  	[sflag:s14] =	ssyncset.done $0x0  }
0x1eb: {  	s6 =	simm.s32 $0x180;
	s4 =	simm.s32 $0x400;
	[sflag:s14] =	ssyncadd.s32 $0xFFFFC000  }
.LBB2_16:
0x1ec: {  	[tilespmem:s17], [sflag:$0x2] =	stream.indirect.gather [hbm4b:s1+s16], $0x80, s6, s16, $0xb8;
	[tilespmem:$0x1E800] =	vst v63  }
0x1ed: {  	s6 =	smov.u32 s4  }
0x1ee: {  	p1 =	sne.s32 s4, $0x4800;
	s4 =	sadd.s32 $0x400, s4;
	_ =	swait.ge [sflag:s18], $0x4000  }
0x1ef: {  	s6 =	sshra.s32 s6, $0x2;
	[sflag:s18] =	ssyncset.done $0x0  }
0x1f0: {  	s7 =	sadd.s32 $0x1400, s6;
	[sflag:s18] =	ssyncadd.s32 $0xFFFFC000  }
0x1f1: {  	[spmem:s3] =	stream.indirect.scatter.add.f32 [tilespmem:s13], [sflag:$0x3], $0x80, s7, s16, $0xb8;
	[tilespmem:$0x1E800] =	vst v63  }
0x1f2: {  	_ =	swait.ge [sflag:s14], $0x4000  }
0x1f3: {  	[sflag:s14] =	ssyncset.done $0x0  }
0x1f4: {  	s7 =	sadd.s32 $0x100, s6;
	[sflag:s14] =	ssyncadd.s32 $0xFFFFC000  }
0x1f5: {  	[tilespmem:s13], [sflag:$0x1] =	stream.indirect.gather [hbm4b:s1+s16], $0x80, s7, s16, $0xb8;
	[tilespmem:$0x1E800] =	vst v63  }
0x1f6: {  	_ =	swait.ge [sflag:s19], $0x4000  }
0x1f7: {  	[sflag:s19] =	ssyncset.done $0x0  }
.Ltmp10:
0x1f8: {  	s7 =	sadd.s32 $0x1480, s6;
	[sflag:s19] =	ssyncadd.s32 $0xFFFFC000;
	(pc) =	sbr.rel @p1 .LBB2_16-.Ltmp10, $4  }
0x1f9: {  	[spmem:s3] =	stream.indirect.scatter.add.f32 [tilespmem:s17], [sflag:$0x3], $0x80, s7, s16, $0xb8;
	[tilespmem:$0x1E800] =	vst v63  }
0x1fa: {  	_ =	swait.ge [sflag:s14], $0x4000  }
0x1fb: {  	[sflag:s14] =	ssyncset.done $0x0  }
0x1fc: {  	s6 =	sadd.s32 $0x180, s6;
	[sflag:s14] =	ssyncadd.s32 $0xFFFFC000  }
0x1fd: {  	[tilespmem:s17], [sflag:$0x2] =	stream.indirect.gather [hbm4b:s1+s16], $0x80, s6, s16, $0xb8;
	[tilespmem:$0x1E800] =	vst v63  }
0x1fe: {  	_ =	swait.ge [sflag:s18], $0x4000  }
0x1ff: {  	[sflag:s18] =	ssyncset.done $0x0  }
0x200: {  	[sflag:s18] =	ssyncadd.s32 $0xFFFFC000  }
0x201: {  	[spmem:s3] =	stream.indirect.scatter.add.f32 [tilespmem:s13], [sflag:$0x3], $0x80, s20, s16, $0xb8;
	[tilespmem:$0x1E800] =	vst v63  }
0x202: {  	_ =	swait.ge [sflag:s14], $0x4000  }
0x203: {  	[sflag:s14] =	ssyncset.done $0x0  }
0x204: {  	[sflag:s14] =	ssyncadd.s32 $0xFFFFC000  }
0x205: {  	_ =	swait.ge [sflag:s19], $0x4000  }
0x206: {  	[sflag:s19] =	ssyncset.done $0x0  }
0x207: {  	[sflag:s19] =	ssyncadd.s32 $0xFFFFC000  }
0x208: {  	[spmem:s3] =	stream.indirect.scatter.add.f32 [tilespmem:s17], [sflag:$0x3], $0x80, s21, s16, $0xb8;
	[tilespmem:$0x1E800] =	vst v63  }
0x209: {  	_ =	swait.ge [sflag:s14], $0x4000  }
0x20a: {  	[sflag:s14] =	ssyncset.done $0x0  }
0x20b: {  	s4 =	simm.s32 $0x0;
	s8 =	rddreg [dreg:$0xb];
	[sflag:s14] =	ssyncadd.s32 $0xFFFFC000  }
0x20c: {  	[tilespmem:s4], [sflag:$0x3] =	stream.linear.gather [hbm4b:s8+s4], $0x1400, $0x38;
	[tilespmem:$0x1E800] =	vst v63  }
0x20d: {  	_ =	swait.ge [sflag:s14], $0x1400  }
0x20e: {  	[sflag:s14] =	ssyncset.done $0x0  }
0x20f: {  	s12 =	rddreg [dreg:$0xc];
	[sflag:s14] =	ssyncadd.s32 $0xFFFFEC00  }
0x210: {  	[tilespmem:s15], [sflag:$0x3] =	stream.linear.gather [hbm4b:s12+s4], $0x1400, $0x38;
	[tilespmem:$0x1E800] =	vst v63  }
0x211: {  	_ =	swait.ge [sflag:s14], $0x1400  }
0x212: {  	[sflag:s14] =	ssyncset.done $0x0  }
0x213: {  	[sflag:s14] =	ssyncadd.s32 $0xFFFFEC00  }
0x214: {  	[tilespmem:s13], [sflag:$0x1] =	stream.indirect.gather [hbm4b:s1+s16], $0x80, s4, s16, $0xb8;
	[tilespmem:$0x1E800] =	vst v63  }
0x215: {  	_ = 	snop  }
0x216: {  	[tilespmem:s17], [sflag:$0x2] =	stream.indirect.gather [hbm4b:s1+s16], $0x80, s16, s16, $0xb8;
	[tilespmem:$0x1E800] =	vst v63  }
0x217: {  	_ =	swait.ge [sflag:s18], $0x4000  }
0x218: {  	[sflag:s18] =	ssyncset.done $0x0  }
0x219: {  	s7 =	simm.s32 $0x1400;
	[sflag:s18] =	ssyncadd.s32 $0xFFFFC000  }
0x21a: {  	[spmem:s3] =	stream.indirect.scatter.add.f32 [tilespmem:s13], [sflag:$0x3], $0x80, s7, s16, $0xb8;
	[tilespmem:$0x1E800] =	vst v63  }
0x21b: {  	_ =	swait.ge [sflag:s14], $0x4000  }
0x21c: {  	[sflag:s14] =	ssyncset.done $0x0  }
0x21d: {  	s8 =	simm.s32 $0x100;
	[sflag:s14] =	ssyncadd.s32 $0xFFFFC000  }
0x21e: {  	[tilespmem:s13], [sflag:$0x1] =	stream.indirect.gather [hbm4b:s1+s16], $0x80, s8, s16, $0xb8;
	[tilespmem:$0x1E800] =	vst v63  }
0x21f: {  	_ =	swait.ge [sflag:s19], $0x4000  }
0x220: {  	[sflag:s19] =	ssyncset.done $0x0  }
0x221: {  	s12 =	simm.s32 $0x1480;
	[sflag:s19] =	ssyncadd.s32 $0xFFFFC000  }
0x222: {  	[spmem:s3] =	stream.indirect.scatter.add.f32 [tilespmem:s17], [sflag:$0x3], $0x80, s12, s16, $0xb8;
	[tilespmem:$0x1E800] =	vst v63  }
0x223: {  	_ =	swait.ge [sflag:s14], $0x4000  }
0x224: {  	[sflag:s14] =	ssyncset.done $0x0  }
0x225: {  	s6 =	simm.s32 $0x180;
	s4 =	simm.s32 $0x400;
	[sflag:s14] =	ssyncadd.s32 $0xFFFFC000  }
.LBB2_18:
0x226: {  	[tilespmem:s17], [sflag:$0x2] =	stream.indirect.gather [hbm4b:s1+s16], $0x80, s6, s16, $0xb8;
	[tilespmem:$0x1E800] =	vst v63  }
0x227: {  	s6 =	smov.u32 s4  }
0x228: {  	p1 =	sne.s32 s4, $0x4800;
	s4 =	sadd.s32 $0x400, s4;
	_ =	swait.ge [sflag:s18], $0x4000  }
0x229: {  	s6 =	sshra.s32 s6, $0x2;
	[sflag:s18] =	ssyncset.done $0x0  }
0x22a: {  	s7 =	sadd.s32 $0x1400, s6;
	[sflag:s18] =	ssyncadd.s32 $0xFFFFC000  }
0x22b: {  	[spmem:s3] =	stream.indirect.scatter.add.f32 [tilespmem:s13], [sflag:$0x3], $0x80, s7, s16, $0xb8;
	[tilespmem:$0x1E800] =	vst v63  }
0x22c: {  	_ =	swait.ge [sflag:s14], $0x4000  }
0x22d: {  	[sflag:s14] =	ssyncset.done $0x0  }
0x22e: {  	s7 =	sadd.s32 $0x100, s6;
	[sflag:s14] =	ssyncadd.s32 $0xFFFFC000  }
0x22f: {  	[tilespmem:s13], [sflag:$0x1] =	stream.indirect.gather [hbm4b:s1+s16], $0x80, s7, s16, $0xb8;
	[tilespmem:$0x1E800] =	vst v63  }
0x230: {  	_ =	swait.ge [sflag:s19], $0x4000  }
0x231: {  	[sflag:s19] =	ssyncset.done $0x0  }
.Ltmp11:
0x232: {  	s7 =	sadd.s32 $0x1480, s6;
	[sflag:s19] =	ssyncadd.s32 $0xFFFFC000;
	(pc) =	sbr.rel @p1 .LBB2_18-.Ltmp11, $4  }
0x233: {  	[spmem:s3] =	stream.indirect.scatter.add.f32 [tilespmem:s17], [sflag:$0x3], $0x80, s7, s16, $0xb8;
	[tilespmem:$0x1E800] =	vst v63  }
0x234: {  	_ =	swait.ge [sflag:s14], $0x4000  }
0x235: {  	[sflag:s14] =	ssyncset.done $0x0  }
0x236: {  	s6 =	sadd.s32 $0x180, s6;
	[sflag:s14] =	ssyncadd.s32 $0xFFFFC000  }
.Ltmp12:
0x237: {  	_ = 	snop;
	(pc) =	sbr.rel .LBB2_19-.Ltmp12, $1  }
0x238: {  	_ =	sdelay $0x3  }
.LBB2_21:
0x239: {  	_ =	sfence.sel $0x180000  }
0x23a: {  	[bflag:$0x0] =	sbarrier.arrive $0xFFFF  }
0x23b: {  	_ =	strace $0x9000004A  }
0x23c: {  	s0 =	stileid.u32;
	[bflag:$0x2] =	sbarrier.arrive $0xFFFF  }
0x23d: {  	p0 =	sne.s32 s0, $0x0;
	s0 =	rddreg [dreg:$0x4]  }
0x23e: {  	s0 =	sadd.s32 @!p0 $0x100000, s0  }
0x23f: {  	[sflag:s0] =	ssyncadd.tile.s32 @!p0 $0x1;
	_ =	shalt  }
.Lfunc_end2:
_tile_overlayer_lowered:
.L_overlay_start_2:
0x240: {  	(tag) =	ssettag $0x2  }
0x241: {  	s0 =	rddreg [dreg:$0x0];
	s2 =	stileid.u32  }
0x242: {  	s1 =	rddreg [dreg:$0x1];
	p0 =	sne.s32 s2, $0x0  }
0x243: {  	s3 =	rddreg [dreg:$0x2];
	[bflag:$0x3] =	sbarrier.arrive $0xFFFF;
	s2 =	simm.s32 @!p0 $0x1C03  }
0x244: {  	[timem:s3], [sflag:s2] =	dma.local @!p0 [hbm:s0], s1  }
0x245: {  	s0 =	simm.s32 @!p0 $0x3  }
0x246: {  	_ =	swait.ge @!p0 [sflag:s0], s1  }
0x247: {  	s1 =	ssub.s32 @!p0 $0x0, s1;
	[sflag:s0] =	ssyncset.done @!p0 $0x0  }
0x248: {  	[sflag:s0] =	ssyncadd.s32 @!p0 s1  }
0x249: {  	[bflag:$0x3] =	sbarrier.arrive $0xFFFF  }
0x24a: {  	_ =	shalt  }

</sc_bundles>
